<compile_context>
chip_gen: v7x
topology: tpu7x:2x2x1
jax: 0.10.2.dev20260603
libtpu: 0.0.44.dev20260713+nightly
codegen_flags: <defaults>
</compile_context>

<pallas_src>
import jax
import jax.numpy as jnp
from jax import lax
from jax.experimental import pallas as pl
from jax.experimental.pallas import tpu as pltpu
from jax.experimental.pallas import tpu_sc as plsc

NA = 4_000_000
NT = 119
NP = 32
NS = 8192
NW = 32
L = 16
SPR = NS // NW
TP = 128
BB = 8192
RING = 4
UNR = 16
NSEARCH = 6

_MESH = plsc.VectorSubcoreMesh(core_axis_name="c", subcore_axis_name="s")
_SC_PARAMS = pltpu.CompilerParams(needs_layout_passes=False)


def _hist_body(typ_hbm, seg_hbm, h_hbm,
               s0, s1, s2, s3, t0, t1, t2, t3, h_v, p0, p1,
               sem0, sem1, sem2, sem3, psem0, psem1):
    w = lax.axis_index("s") * 2 + lax.axis_index("c")
    lane = lax.iota(jnp.int32, L)
    onef = jnp.ones((L,), jnp.float32)
    zf = jnp.zeros((L,), jnp.float32)
    sbufs = (s0, s1, s2, s3)
    tbufs = (t0, t1, t2, t3)
    sems = (sem0, sem1, sem2, sem3)

    v_lo = w * SPR
    v_hi = v_lo + SPR

    est_al = (w * (NA // NW)) & ~7

    def spec_off(i):
        return pl.multiple_of(jnp.minimum(est_al + i * BB, NA - BB), 8)

    def sstep(i, carry):
        lo1, hi1, lo2, hi2 = carry
        pv1 = jnp.minimum(lo1 + (lane + 1) * (hi1 - lo1) // 17, NA - 1)
        pv2 = jnp.minimum(lo2 + (lane + 1) * (hi2 - lo2) // 17, NA - 1)
        c1 = pltpu.async_copy(seg_hbm.at[pv1], p0, psem0)
        c2 = pltpu.async_copy(seg_hbm.at[pv2], p1, psem1)
        c1.wait()
        c2.wait()
        lt1 = p0[...] < v_lo
        lt2 = p1[...] < v_hi
        go1 = lo1 < hi1
        go2 = lo2 < hi2
        nlo1 = jnp.max(jnp.where(lt1, pv1 + 1, lo1))
        nhi1 = jnp.min(jnp.where(lt1, hi1, pv1))
        nlo2 = jnp.max(jnp.where(lt2, pv2 + 1, lo2))
        nhi2 = jnp.min(jnp.where(lt2, hi2, pv2))
        lo1 = jnp.where(go1, nlo1, lo1)
        hi1 = jnp.where(go1, nhi1, hi1)
        lo2 = jnp.where(go2, nlo2, lo2)
        hi2 = jnp.where(go2, nhi2, hi2)
        return lo1, hi1, lo2, hi2

    _primed = []

    def wait_set(r):
        pltpu.make_async_copy(seg_hbm.at[pl.ds(0, BB)], sbufs[r], sems[r]).wait()
        pltpu.make_async_copy(typ_hbm.at[pl.ds(0, BB)], tbufs[r], sems[r]).wait()

    for r in range(RING):
        off = spec_off(r)
        pltpu.async_copy(seg_hbm.at[pl.ds(off, BB)], sbufs[r], sems[r])
        pltpu.async_copy(typ_hbm.at[pl.ds(off, BB)], tbufs[r], sems[r])

    b_lo, _, b_hi, _ = lax.fori_loop(
        0, NSEARCH, sstep, (jnp.int32(0), jnp.int32(NA),
                            jnp.int32(0), jnp.int32(NA)))

    start_al = b_lo & ~7
    nb = (b_hi - start_al + BB - 1) // BB

    def dma_off(i):
        return pl.multiple_of(jnp.minimum(start_al + i * BB, NA - BB), 8)

    def start_set(i, r):
        off = dma_off(i)
        pltpu.async_copy(seg_hbm.at[pl.ds(off, BB)], sbufs[r], sems[r])
        pltpu.async_copy(typ_hbm.at[pl.ds(off, BB)], tbufs[r], sems[r])

    def respin():
        for r in range(RING):
            wait_set(r)
            start_set(r, r)

    lax.cond(start_al != est_al, respin, lambda: None)

    def zblk(i, carry):
        for k in range(8):
            h_v[pl.ds(i * 8 * L + k * L, L)] = zf
        return carry

    lax.fori_loop(0, SPR * TP // (8 * L), zblk, 0)

    def process(i, r):
        off = dma_off(i)
        lo_p = jnp.maximum(b_lo, start_al + i * BB)
        sbuf, tbuf = sbufs[r], tbufs[r]

        def interior():
            @plsc.parallel_loop(0, BB // L, 1, unroll=UNR)
            def _(j):
                d = pl.ds(j * L, L)
                key = ((sbuf[d] & (SPR - 1)) << 7) | tbuf[d]
                plsc.addupdate_scatter(h_v, [key], onef)

        def edge():
            def body(jj, carry):
                for u in range(UNR):
                    d = pl.ds(jj * UNR * L + u * L, L)
                    key = ((sbuf[d] & (SPR - 1)) << 7) | tbuf[d]
                    p = (off + jj * UNR * L + u * L) + lane
                    m = (p >= lo_p) & (p < b_hi)
                    plsc.addupdate_scatter(h_v, [key], onef, mask=m)
                return carry
            lax.fori_loop(0, BB // L // UNR, body, 0)

        lax.cond(jnp.logical_or(i == 0, i >= nb - 1), edge, interior)

    def quad(k, carry):
        for r in range(RING):
            i = RING * k + r
            wait_set(r)
            process(i, r)
            start_set(i + RING, r)
        return carry

    lax.fori_loop(0, (nb + RING - 1) // RING, quad, 0)
    for r in range(RING):
        wait_set(r)

    pltpu.sync_copy(h_v, h_hbm.at[pl.ds(w * SPR * TP, SPR * TP)])


_hist = pl.kernel(
    _hist_body,
    out_type=jax.ShapeDtypeStruct((NS * TP,), jnp.float32),
    mesh=_MESH,
    compiler_params=_SC_PARAMS,
    scratch_types=(
        [pltpu.VMEM((BB,), jnp.int32) for _ in range(2 * RING)]
        + [pltpu.VMEM((SPR * TP,), jnp.float32)]
        + [pltpu.VMEM((L,), jnp.int32) for _ in range(2)]
        + [pltpu.SemaphoreType.DMA for _ in range(RING + 2)]
    ),
)


def _mm_body(h_ref, w_ref, o_ref):
    o_ref[...] = jnp.dot(h_ref[...][:, :NT], w_ref[...],
                         preferred_element_type=jnp.float32,
                         precision=lax.Precision.HIGHEST)


def _matmul(h, wt):
    blk = NS
    return pl.pallas_call(
        _mm_body,
        grid=(NS // blk,),
        in_specs=[
            pl.BlockSpec((blk, TP), lambda i: (i, 0)),
            pl.BlockSpec((NT, NP), lambda i: (0, 0)),
        ],
        out_specs=pl.BlockSpec((blk, NP), lambda i: (i, 0)),
        out_shape=jax.ShapeDtypeStruct((NS, NP), jnp.float32),
    )(h, wt)


def kernel(type_idx, segment_ids, W):
    hflat = _hist(type_idx, segment_ids)
    h = hflat.reshape(NS, TP)
    return _matmul(h, W)

# --- scband reference (transcript-rebuilt; emitter-appended) ---
"""Pipeline reference for scband-base-composition-model-19267223290067 (READ-ONLY COPY).

The authoritative reference and input builder live on the scoring server;
editing this copy changes nothing except your own understanding.
"""

import jax, jax.numpy as jnp
import numpy as np

N_ATOMS = 4000000
N_TYPES = 119
N_PROPS = 32
N_SYSTEMS = 8192


def setup_inputs(seed: int = 0) -> dict:
    key = jax.random.key(seed)
    k1, k2, k3 = jax.random.split(key, 3)
    type_idx = jax.random.randint(k1, (N_ATOMS,), 0, N_TYPES, dtype=jnp.int64 if jax.config.jax_enable_x64 else jnp.int32).astype(jnp.int32)
    segment_ids = jnp.sort(jax.random.randint(k2, (N_ATOMS,), 0, N_SYSTEMS).astype(jnp.int32))
    W = jax.random.normal(k3, (N_TYPES, N_PROPS), dtype=jnp.float32)
    return {"type_idx": type_idx, "segment_ids": segment_ids, "W": W}


def reference(type_idx, segment_ids, W):
    # BaseCompositionModel.forward (per_structure invariant target):
    # each atom contributes the fitted composition weight row for its atomic
    # type (an embedding lookup into the per-type weights table), and
    # contributions are summed over atoms within each system.
    per_atom = jnp.take(W, type_idx, axis=0)              # gather: [N_ATOMS, N_PROPS]
    out = jax.ops.segment_sum(per_atom, segment_ids, num_segments=N_SYSTEMS)
    return out                                             # [N_SYSTEMS, N_PROPS]

if __name__ == "__main__":
    import jax
    _d = setup_inputs()
    print(jax.jit(kernel)(*tuple(_d.values())))

</pallas_src>

<mosaic_0001>
#map = affine_map<(d0, d1) -> (0)>
module attributes {stable_mosaic.version = 14 : i64} {
  func.func @_hist_body(%arg0: i32, %arg1: i32, %arg2: memref<4000000xi32, #tpu.memory_space<hbm>>, %arg3: memref<4000000xi32, #tpu.memory_space<hbm>>, %arg4: memref<1048576xf32, #tpu.memory_space<hbm>>, %arg5: memref<8192xi32, #tpu.memory_space<vmem>>, %arg6: memref<8192xi32, #tpu.memory_space<vmem>>, %arg7: memref<8192xi32, #tpu.memory_space<vmem>>, %arg8: memref<8192xi32, #tpu.memory_space<vmem>>, %arg9: memref<8192xi32, #tpu.memory_space<vmem>>, %arg10: memref<8192xi32, #tpu.memory_space<vmem>>, %arg11: memref<8192xi32, #tpu.memory_space<vmem>>, %arg12: memref<8192xi32, #tpu.memory_space<vmem>>, %arg13: memref<32768xf32, #tpu.memory_space<vmem>>, %arg14: memref<16xi32, #tpu.memory_space<vmem>>, %arg15: memref<16xi32, #tpu.memory_space<vmem>>, %arg16: memref<!tpu.dma_semaphore, #tpu.memory_space<semaphore_mem>>, %arg17: memref<!tpu.dma_semaphore, #tpu.memory_space<semaphore_mem>>, %arg18: memref<!tpu.dma_semaphore, #tpu.memory_space<semaphore_mem>>, %arg19: memref<!tpu.dma_semaphore, #tpu.memory_space<semaphore_mem>>, %arg20: memref<!tpu.dma_semaphore, #tpu.memory_space<semaphore_mem>>, %arg21: memref<!tpu.dma_semaphore, #tpu.memory_space<semaphore_mem>>) attributes {dimension_semantics = [#tpu.dimension_semantics<core_parallel>, #tpu.dimension_semantics<subcore_parallel>], iteration_bounds = array<i64: 2, 16>, scalar_prefetch = 0 : i64, scratch_operands = 17 : i64, tpu.core_type = #tpu.core_type<sc_vector_subcore>, window_params = [{transform_indices = #map}, {transform_indices = #map}, {transform_indices = #map}]} {
    %mul3A = arith.constant 2 : i32
    %mul3A_0 = arith.muli %arg1, %mul3A : i32
    %add3A = arith.addi %mul3A_0, %arg0 : i32
    %iota3A = tpu.iota {dimensions = array<i32: 0>} : vector<16xi32>
    %broadcast_in_dim3A = arith.constant 1.000000e+00 : f32
    %broadcast_in_dim3A_1 = vector.broadcast %broadcast_in_dim3A : f32 to vector<16xf32>
    %broadcast_in_dim3A_2 = arith.constant 0.000000e+00 : f32
    %broadcast_in_dim3A_3 = vector.broadcast %broadcast_in_dim3A_2 : f32 to vector<16xf32>
    %mul3A_4 = arith.constant 256 : i32
    %mul3A_5 = arith.muli %add3A, %mul3A_4 : i32
    %add3A_6 = arith.constant 256 : i32
    %add3A_7 = arith.addi %mul3A_5, %add3A_6 : i32
    %mul3A_8 = arith.constant 125000 : i32
    %mul3A_9 = arith.muli %add3A, %mul3A_8 : i32
    %and3A = arith.constant -8 : i32
    %and3A_10 = arith.andi %mul3A_9, %and3A : i32
    %add3A_11 = arith.constant 0 : i32
    %add3A_12 = arith.addi %and3A_10, %add3A_11 : i32
    %min3A = arith.constant 3991808 : i32
    %min3A_13 = arith.minsi %add3A_12, %min3A : i32
    %multiple_of3A = tpu.assume_multiple %min3A_13, 8 : i32
    %dma_start3A = tpu.memref_slice %arg3[%multiple_of3A] : memref<4000000xi32, #tpu.memory_space<hbm>> -> memref<8192xi32, #tpu.memory_space<hbm>>
    %dma_start3A_14 = tpu.memref_slice %arg3[%multiple_of3A] : memref<4000000xi32, #tpu.memory_space<hbm>> -> memref<8192xi32, #tpu.memory_space<hbm>>
    tpu.enqueue_dma source(%dma_start3A_14 : memref<8192xi32, #tpu.memory_space<hbm>>) target(%arg5 : memref<8192xi32, #tpu.memory_space<vmem>>) target_semaphore(%arg16 : memref<!tpu.dma_semaphore, #tpu.memory_space<semaphore_mem>>)
    %dma_start3A_15 = tpu.memref_slice %arg2[%multiple_of3A] : memref<4000000xi32, #tpu.memory_space<hbm>> -> memref<8192xi32, #tpu.memory_space<hbm>>
    %dma_start3A_16 = tpu.memref_slice %arg2[%multiple_of3A] : memref<4000000xi32, #tpu.memory_space<hbm>> -> memref<8192xi32, #tpu.memory_space<hbm>>
    tpu.enqueue_dma source(%dma_start3A_16 : memref<8192xi32, #tpu.memory_space<hbm>>) target(%arg9 : memref<8192xi32, #tpu.memory_space<vmem>>) target_semaphore(%arg16 : memref<!tpu.dma_semaphore, #tpu.memory_space<semaphore_mem>>)
    %add3A_17 = arith.constant 8192 : i32
    %add3A_18 = arith.addi %and3A_10, %add3A_17 : i32
    %min3A_19 = arith.constant 3991808 : i32
    %min3A_20 = arith.minsi %add3A_18, %min3A_19 : i32
    %multiple_of3A_21 = tpu.assume_multiple %min3A_20, 8 : i32
    %dma_start3A_22 = tpu.memref_slice %arg3[%multiple_of3A_21] : memref<4000000xi32, #tpu.memory_space<hbm>> -> memref<8192xi32, #tpu.memory_space<hbm>>
    %dma_start3A_23 = tpu.memref_slice %arg3[%multiple_of3A_21] : memref<4000000xi32, #tpu.memory_space<hbm>> -> memref<8192xi32, #tpu.memory_space<hbm>>
    tpu.enqueue_dma source(%dma_start3A_23 : memref<8192xi32, #tpu.memory_space<hbm>>) target(%arg6 : memref<8192xi32, #tpu.memory_space<vmem>>) target_semaphore(%arg17 : memref<!tpu.dma_semaphore, #tpu.memory_space<semaphore_mem>>)
    %dma_start3A_24 = tpu.memref_slice %arg2[%multiple_of3A_21] : memref<4000000xi32, #tpu.memory_space<hbm>> -> memref<8192xi32, #tpu.memory_space<hbm>>
    %dma_start3A_25 = tpu.memref_slice %arg2[%multiple_of3A_21] : memref<4000000xi32, #tpu.memory_space<hbm>> -> memref<8192xi32, #tpu.memory_space<hbm>>
    tpu.enqueue_dma source(%dma_start3A_25 : memref<8192xi32, #tpu.memory_space<hbm>>) target(%arg10 : memref<8192xi32, #tpu.memory_space<vmem>>) target_semaphore(%arg17 : memref<!tpu.dma_semaphore, #tpu.memory_space<semaphore_mem>>)
    %add3A_26 = arith.constant 16384 : i32
    %add3A_27 = arith.addi %and3A_10, %add3A_26 : i32
    %min3A_28 = arith.constant 3991808 : i32
    %min3A_29 = arith.minsi %add3A_27, %min3A_28 : i32
    %multiple_of3A_30 = tpu.assume_multiple %min3A_29, 8 : i32
    %dma_start3A_31 = tpu.memref_slice %arg3[%multiple_of3A_30] : memref<4000000xi32, #tpu.memory_space<hbm>> -> memref<8192xi32, #tpu.memory_space<hbm>>
    %dma_start3A_32 = tpu.memref_slice %arg3[%multiple_of3A_30] : memref<4000000xi32, #tpu.memory_space<hbm>> -> memref<8192xi32, #tpu.memory_space<hbm>>
    tpu.enqueue_dma source(%dma_start3A_32 : memref<8192xi32, #tpu.memory_space<hbm>>) target(%arg7 : memref<8192xi32, #tpu.memory_space<vmem>>) target_semaphore(%arg18 : memref<!tpu.dma_semaphore, #tpu.memory_space<semaphore_mem>>)
    %dma_start3A_33 = tpu.memref_slice %arg2[%multiple_of3A_30] : memref<4000000xi32, #tpu.memory_space<hbm>> -> memref<8192xi32, #tpu.memory_space<hbm>>
    %dma_start3A_34 = tpu.memref_slice %arg2[%multiple_of3A_30] : memref<4000000xi32, #tpu.memory_space<hbm>> -> memref<8192xi32, #tpu.memory_space<hbm>>
    tpu.enqueue_dma source(%dma_start3A_34 : memref<8192xi32, #tpu.memory_space<hbm>>) target(%arg11 : memref<8192xi32, #tpu.memory_space<vmem>>) target_semaphore(%arg18 : memref<!tpu.dma_semaphore, #tpu.memory_space<semaphore_mem>>)
    %add3A_35 = arith.constant 24576 : i32
    %add3A_36 = arith.addi %and3A_10, %add3A_35 : i32
    %min3A_37 = arith.constant 3991808 : i32
    %min3A_38 = arith.minsi %add3A_36, %min3A_37 : i32
    %multiple_of3A_39 = tpu.assume_multiple %min3A_38, 8 : i32
    %dma_start3A_40 = tpu.memref_slice %arg3[%multiple_of3A_39] : memref<4000000xi32, #tpu.memory_space<hbm>> -> memref<8192xi32, #tpu.memory_space<hbm>>
    %dma_start3A_41 = tpu.memref_slice %arg3[%multiple_of3A_39] : memref<4000000xi32, #tpu.memory_space<hbm>> -> memref<8192xi32, #tpu.memory_space<hbm>>
    tpu.enqueue_dma source(%dma_start3A_41 : memref<8192xi32, #tpu.memory_space<hbm>>) target(%arg8 : memref<8192xi32, #tpu.memory_space<vmem>>) target_semaphore(%arg19 : memref<!tpu.dma_semaphore, #tpu.memory_space<semaphore_mem>>)
    %dma_start3A_42 = tpu.memref_slice %arg2[%multiple_of3A_39] : memref<4000000xi32, #tpu.memory_space<hbm>> -> memref<8192xi32, #tpu.memory_space<hbm>>
    %dma_start3A_43 = tpu.memref_slice %arg2[%multiple_of3A_39] : memref<4000000xi32, #tpu.memory_space<hbm>> -> memref<8192xi32, #tpu.memory_space<hbm>>
    tpu.enqueue_dma source(%dma_start3A_43 : memref<8192xi32, #tpu.memory_space<hbm>>) target(%arg12 : memref<8192xi32, #tpu.memory_space<vmem>>) target_semaphore(%arg19 : memref<!tpu.dma_semaphore, #tpu.memory_space<semaphore_mem>>)
    %scan3A = arith.constant 0 : i32
    %scan3A_44 = arith.constant 4000000 : i32
    %scan3A_45 = arith.constant 0 : i32
    %scan3A_46 = arith.constant 4000000 : i32
    %scan3A_47 = arith.constant 0 : i32
    %scan3A_48 = arith.constant 6 : i32
    %scan3A_49 = arith.addi %scan3A_47, %scan3A_48 : i32
    %scan3A_50 = arith.constant 1 : i32
    %scan3A_51:4 = scf.for %scan3A_157 = %scan3A_47 to %scan3A_49 step %scan3A_50 iter_args(%scan3A_158 = %scan3A, %scan3A_159 = %scan3A_44, %scan3A_160 = %scan3A_45, %scan3A_161 = %scan3A_46) -> (i32, i32, i32, i32)  : i32 {
      %add3A_162 = arith.constant 1 : i32
      %add3A_163 = vector.broadcast %add3A_162 : i32 to vector<16xi32>
      %add3A_164 = arith.addi %iota3A, %add3A_163 : vector<16xi32>
      %sub3A_165 = arith.subi %scan3A_159, %scan3A_158 : i32
      %mul3A_166 = vector.broadcast %sub3A_165 : i32 to vector<16xi32>
      %mul3A_167 = arith.muli %add3A_164, %mul3A_166 : vector<16xi32>
      %jit3A_168 = arith.constant 17 : i32
      %div3A_169 = vector.broadcast %jit3A_168 : i32 to vector<16xi32>
      %div3A_170 = arith.divsi %mul3A_167, %div3A_169 : vector<16xi32>
      %sign3A_171 = arith.constant 0 : i32
      %sign3A_172 = vector.broadcast %sign3A_171 : i32 to vector<16xi32>
      %sign3A_173 = arith.cmpi sgt, %mul3A_167, %sign3A_172 : vector<16xi32>
      %sign3A_174 = arith.extui %sign3A_173 : vector<16xi1> to vector<16xi32>
      %sign3A_175 = arith.constant 0 : i32
      %sign3A_176 = vector.broadcast %sign3A_175 : i32 to vector<16xi32>
      %sign3A_177 = arith.cmpi slt, %mul3A_167, %sign3A_176 : vector<16xi32>
      %sign3A_178 = arith.extui %sign3A_177 : vector<16xi1> to vector<16xi32>
      %sign3A_179 = arith.subi %sign3A_174, %sign3A_178 : vector<16xi32>
      %sign3A_180 = arith.constant 0 : i32
      %sign3A_181 = arith.cmpi sgt, %jit3A_168, %sign3A_180 : i32
      %sign3A_182 = arith.extui %sign3A_181 : i1 to i32
      %sign3A_183 = arith.constant 0 : i32
      %sign3A_184 = arith.cmpi slt, %jit3A_168, %sign3A_183 : i32
      %sign3A_185 = arith.extui %sign3A_184 : i1 to i32
      %sign3A_186 = arith.subi %sign3A_182, %sign3A_185 : i32
      %ne3A_187 = vector.broadcast %sign3A_186 : i32 to vector<16xi32>
      %ne3A_188 = arith.cmpi ne, %sign3A_179, %ne3A_187 : vector<16xi32>
      %rem3A_189 = vector.broadcast %jit3A_168 : i32 to vector<16xi32>
      %rem3A_190 = arith.remsi %mul3A_167, %rem3A_189 : vector<16xi32>
      %ne3A_191 = arith.constant 0 : i32
      %ne3A_192 = vector.broadcast %ne3A_191 : i32 to vector<16xi32>
      %ne3A_193 = arith.cmpi ne, %rem3A_190, %ne3A_192 : vector<16xi32>
      %and3A_194 = arith.andi %ne3A_188, %ne3A_193 : vector<16xi1>
      %sub3A_195 = arith.constant 1 : i32
      %sub3A_196 = vector.broadcast %sub3A_195 : i32 to vector<16xi32>
      %sub3A_197 = arith.subi %div3A_170, %sub3A_196 : vector<16xi32>
      %select_n3A_198 = arith.select %and3A_194, %sub3A_197, %div3A_170 : vector<16xi1>, vector<16xi32>
      %add3A_199 = vector.broadcast %scan3A_158 : i32 to vector<16xi32>
      %add3A_200 = arith.addi %add3A_199, %select_n3A_198 : vector<16xi32>
      %min3A_201 = arith.constant 3999999 : i32
      %min3A_202 = vector.broadcast %min3A_201 : i32 to vector<16xi32>
      %min3A_203 = arith.minsi %add3A_200, %min3A_202 : vector<16xi32>
      %add3A_204 = arith.constant 1 : i32
      %add3A_205 = vector.broadcast %add3A_204 : i32 to vector<16xi32>
      %add3A_206 = arith.addi %iota3A, %add3A_205 : vector<16xi32>
      %sub3A_207 = arith.subi %scan3A_161, %scan3A_160 : i32
      %mul3A_208 = vector.broadcast %sub3A_207 : i32 to vector<16xi32>
      %mul3A_209 = arith.muli %add3A_206, %mul3A_208 : vector<16xi32>
      %jit3A_210 = arith.constant 17 : i32
      %div3A_211 = vector.broadcast %jit3A_210 : i32 to vector<16xi32>
      %div3A_212 = arith.divsi %mul3A_209, %div3A_211 : vector<16xi32>
      %sign3A_213 = arith.constant 0 : i32
      %sign3A_214 = vector.broadcast %sign3A_213 : i32 to vector<16xi32>
      %sign3A_215 = arith.cmpi sgt, %mul3A_209, %sign3A_214 : vector<16xi32>
      %sign3A_216 = arith.extui %sign3A_215 : vector<16xi1> to vector<16xi32>
      %sign3A_217 = arith.constant 0 : i32
      %sign3A_218 = vector.broadcast %sign3A_217 : i32 to vector<16xi32>
      %sign3A_219 = arith.cmpi slt, %mul3A_209, %sign3A_218 : vector<16xi32>
      %sign3A_220 = arith.extui %sign3A_219 : vector<16xi1> to vector<16xi32>
      %sign3A_221 = arith.subi %sign3A_216, %sign3A_220 : vector<16xi32>
      %sign3A_222 = arith.constant 0 : i32
      %sign3A_223 = arith.cmpi sgt, %jit3A_210, %sign3A_222 : i32
      %sign3A_224 = arith.extui %sign3A_223 : i1 to i32
      %sign3A_225 = arith.constant 0 : i32
      %sign3A_226 = arith.cmpi slt, %jit3A_210, %sign3A_225 : i32
      %sign3A_227 = arith.extui %sign3A_226 : i1 to i32
      %sign3A_228 = arith.subi %sign3A_224, %sign3A_227 : i32
      %ne3A_229 = vector.broadcast %sign3A_228 : i32 to vector<16xi32>
      %ne3A_230 = arith.cmpi ne, %sign3A_221, %ne3A_229 : vector<16xi32>
      %rem3A_231 = vector.broadcast %jit3A_210 : i32 to vector<16xi32>
      %rem3A_232 = arith.remsi %mul3A_209, %rem3A_231 : vector<16xi32>
      %ne3A_233 = arith.constant 0 : i32
      %ne3A_234 = vector.broadcast %ne3A_233 : i32 to vector<16xi32>
      %ne3A_235 = arith.cmpi ne, %rem3A_232, %ne3A_234 : vector<16xi32>
      %and3A_236 = arith.andi %ne3A_230, %ne3A_235 : vector<16xi1>
      %sub3A_237 = arith.constant 1 : i32
      %sub3A_238 = vector.broadcast %sub3A_237 : i32 to vector<16xi32>
      %sub3A_239 = arith.subi %div3A_212, %sub3A_238 : vector<16xi32>
      %select_n3A_240 = arith.select %and3A_236, %sub3A_239, %div3A_212 : vector<16xi1>, vector<16xi32>
      %add3A_241 = vector.broadcast %scan3A_160 : i32 to vector<16xi32>
      %add3A_242 = arith.addi %add3A_241, %select_n3A_240 : vector<16xi32>
      %min3A_243 = arith.constant 3999999 : i32
      %min3A_244 = vector.broadcast %min3A_243 : i32 to vector<16xi32>
      %min3A_245 = arith.minsi %add3A_242, %min3A_244 : vector<16xi32>
      %dma_start3A_246 = arith.constant 0 : i32
      %dma_start3A_247 = tpu.memref_slice %arg3[%dma_start3A_246] : memref<4000000xi32, #tpu.memory_space<hbm>> -> memref<4000000xi32, #tpu.memory_space<hbm>>
      tpu.enqueue_indirect_dma source(%dma_start3A_247 : memref<4000000xi32, #tpu.memory_space<hbm>>) target(%arg14 : memref<16xi32, #tpu.memory_space<vmem>>) offsets(%min3A_203 : vector<16xi32>) semaphore(%arg20 : memref<!tpu.dma_semaphore, #tpu.memory_space<semaphore_mem>>)
      %dma_start3A_248 = arith.constant 0 : i32
      %dma_start3A_249 = tpu.memref_slice %arg3[%dma_start3A_248] : memref<4000000xi32, #tpu.memory_space<hbm>> -> memref<4000000xi32, #tpu.memory_space<hbm>>
      tpu.enqueue_indirect_dma source(%dma_start3A_249 : memref<4000000xi32, #tpu.memory_space<hbm>>) target(%arg15 : memref<16xi32, #tpu.memory_space<vmem>>) offsets(%min3A_245 : vector<16xi32>) semaphore(%arg21 : memref<!tpu.dma_semaphore, #tpu.memory_space<semaphore_mem>>)
      %dma_wait3A_250 = arith.constant 0 : i32
      %dma_wait3A_251 = tpu.memref_slice %arg3[%dma_wait3A_250] : memref<4000000xi32, #tpu.memory_space<hbm>> -> memref<4000000xi32, #tpu.memory_space<hbm>>
      tpu.wait_indirect_dma semaphore(%arg20 : memref<!tpu.dma_semaphore, #tpu.memory_space<semaphore_mem>>) src(%dma_wait3A_251 : memref<4000000xi32, #tpu.memory_space<hbm>>) dst(%arg14 : memref<16xi32, #tpu.memory_space<vmem>>)
      %dma_wait3A_252 = arith.constant 0 : i32
      %dma_wait3A_253 = tpu.memref_slice %arg3[%dma_wait3A_252] : memref<4000000xi32, #tpu.memory_space<hbm>> -> memref<4000000xi32, #tpu.memory_space<hbm>>
      tpu.wait_indirect_dma semaphore(%arg21 : memref<!tpu.dma_semaphore, #tpu.memory_space<semaphore_mem>>) src(%dma_wait3A_253 : memref<4000000xi32, #tpu.memory_space<hbm>>) dst(%arg15 : memref<16xi32, #tpu.memory_space<vmem>>)
      %get3A = arith.constant 0 : index
      %get3A_254 = tpu.vector_load %arg14[%get3A] {strides = array<i32>} : memref<16xi32, #tpu.memory_space<vmem>>, vector<16xi32>,
      %lt3A = vector.broadcast %mul3A_5 : i32 to vector<16xi32>
      %lt3A_255 = arith.cmpi slt, %get3A_254, %lt3A : vector<16xi32>
      %get3A_256 = arith.constant 0 : index
      %get3A_257 = tpu.vector_load %arg15[%get3A_256] {strides = array<i32>} : memref<16xi32, #tpu.memory_space<vmem>>, vector<16xi32>,
      %lt3A_258 = vector.broadcast %add3A_7 : i32 to vector<16xi32>
      %lt3A_259 = arith.cmpi slt, %get3A_257, %lt3A_258 : vector<16xi32>
      %lt3A_260 = arith.cmpi slt, %scan3A_158, %scan3A_159 : i32
      %lt3A_261 = arith.cmpi slt, %scan3A_160, %scan3A_161 : i32
      %add3A_262 = arith.constant 1 : i32
      %add3A_263 = vector.broadcast %add3A_262 : i32 to vector<16xi32>
      %add3A_264 = arith.addi %min3A_203, %add3A_263 : vector<16xi32>
      %broadcast_in_dim3A_265 = vector.broadcast %scan3A_158 : i32 to vector<16xi32>
      %select_n3A_266 = arith.select %lt3A_255, %add3A_264, %broadcast_in_dim3A_265 : vector<16xi1>, vector<16xi32>
      %reduce_max3A = arith.constant true
      %reduce_max3A_267 = vector.broadcast %reduce_max3A : i1 to vector<16xi1>
      %reduce_max3A_268 = arith.constant -2147483648 : i32
      %reduce_max3A_269 = vector.broadcast %reduce_max3A_268 : i32 to vector<16xi32>
      %reduce_max3A_270 = arith.xori %select_n3A_266, %reduce_max3A_269 : vector<16xi32>
      %reduce_max3A_271 = tpu.scan <max>, %reduce_max3A_270 masked %reduce_max3A_267 : vector<16xi32>, vector<16xi1> -> vector<16xi32>
      %reduce_max3A_272 = arith.xori %reduce_max3A_271, %reduce_max3A_269 : vector<16xi32>
      %reduce_max3A_273 = vector.extract %reduce_max3A_272[15] : i32 from vector<16xi32>
      %broadcast_in_dim3A_274 = vector.broadcast %scan3A_159 : i32 to vector<16xi32>
      %select_n3A_275 = arith.select %lt3A_255, %broadcast_in_dim3A_274, %min3A_203 : vector<16xi1>, vector<16xi32>
      %reduce_min3A = arith.constant true
      %reduce_min3A_276 = vector.broadcast %reduce_min3A : i1 to vector<16xi1>
      %reduce_min3A_277 = arith.constant -2147483648 : i32
      %reduce_min3A_278 = vector.broadcast %reduce_min3A_277 : i32 to vector<16xi32>
      %reduce_min3A_279 = arith.xori %select_n3A_275, %reduce_min3A_278 : vector<16xi32>
      %reduce_min3A_280 = tpu.scan <min>, %reduce_min3A_279 masked %reduce_min3A_276 : vector<16xi32>, vector<16xi1> -> vector<16xi32>
      %reduce_min3A_281 = arith.xori %reduce_min3A_280, %reduce_min3A_278 : vector<16xi32>
      %reduce_min3A_282 = vector.extract %reduce_min3A_281[15] : i32 from vector<16xi32>
      %add3A_283 = arith.constant 1 : i32
      %add3A_284 = vector.broadcast %add3A_283 : i32 to vector<16xi32>
      %add3A_285 = arith.addi %min3A_245, %add3A_284 : vector<16xi32>
      %broadcast_in_dim3A_286 = vector.broadcast %scan3A_160 : i32 to vector<16xi32>
      %select_n3A_287 = arith.select %lt3A_259, %add3A_285, %broadcast_in_dim3A_286 : vector<16xi1>, vector<16xi32>
      %reduce_max3A_288 = arith.constant true
      %reduce_max3A_289 = vector.broadcast %reduce_max3A_288 : i1 to vector<16xi1>
      %reduce_max3A_290 = arith.constant -2147483648 : i32
      %reduce_max3A_291 = vector.broadcast %reduce_max3A_290 : i32 to vector<16xi32>
      %reduce_max3A_292 = arith.xori %select_n3A_287, %reduce_max3A_291 : vector<16xi32>
      %reduce_max3A_293 = tpu.scan <max>, %reduce_max3A_292 masked %reduce_max3A_289 : vector<16xi32>, vector<16xi1> -> vector<16xi32>
      %reduce_max3A_294 = arith.xori %reduce_max3A_293, %reduce_max3A_291 : vector<16xi32>
      %reduce_max3A_295 = vector.extract %reduce_max3A_294[15] : i32 from vector<16xi32>
      %broadcast_in_dim3A_296 = vector.broadcast %scan3A_161 : i32 to vector<16xi32>
      %select_n3A_297 = arith.select %lt3A_259, %broadcast_in_dim3A_296, %min3A_245 : vector<16xi1>, vector<16xi32>
      %reduce_min3A_298 = arith.constant true
      %reduce_min3A_299 = vector.broadcast %reduce_min3A_298 : i1 to vector<16xi1>
      %reduce_min3A_300 = arith.constant -2147483648 : i32
      %reduce_min3A_301 = vector.broadcast %reduce_min3A_300 : i32 to vector<16xi32>
      %reduce_min3A_302 = arith.xori %select_n3A_297, %reduce_min3A_301 : vector<16xi32>
      %reduce_min3A_303 = tpu.scan <min>, %reduce_min3A_302 masked %reduce_min3A_299 : vector<16xi32>, vector<16xi1> -> vector<16xi32>
      %reduce_min3A_304 = arith.xori %reduce_min3A_303, %reduce_min3A_301 : vector<16xi32>
      %reduce_min3A_305 = vector.extract %reduce_min3A_304[15] : i32 from vector<16xi32>
      %select_n3A_306 = arith.select %lt3A_260, %reduce_max3A_273, %scan3A_158 : i32
      %select_n3A_307 = arith.select %lt3A_260, %reduce_min3A_282, %scan3A_159 : i32
      %select_n3A_308 = arith.select %lt3A_261, %reduce_max3A_295, %scan3A_160 : i32
      %select_n3A_309 = arith.select %lt3A_261, %reduce_min3A_305, %scan3A_161 : i32
      scf.yield %select_n3A_306, %select_n3A_307, %select_n3A_308, %select_n3A_309 : i32, i32, i32, i32
    }
    %scan3A_52 = arith.constant 6 : i32
    %and3A_53 = arith.constant -8 : i32
    %and3A_54 = arith.andi %scan3A_51#0, %and3A_53 : i32
    %sub3A = arith.subi %scan3A_51#2, %and3A_54 : i32
    %add3A_55 = arith.constant 8192 : i32
    %add3A_56 = arith.addi %sub3A, %add3A_55 : i32
    %sub3A_57 = arith.constant 1 : i32
    %sub3A_58 = arith.subi %add3A_56, %sub3A_57 : i32
    %jit3A = arith.constant 8192 : i32
    %div3A = arith.divsi %sub3A_58, %jit3A : i32
    %sign3A = arith.constant 0 : i32
    %sign3A_59 = arith.cmpi sgt, %sub3A_58, %sign3A : i32
    %sign3A_60 = arith.extui %sign3A_59 : i1 to i32
    %sign3A_61 = arith.constant 0 : i32
    %sign3A_62 = arith.cmpi slt, %sub3A_58, %sign3A_61 : i32
    %sign3A_63 = arith.extui %sign3A_62 : i1 to i32
    %sign3A_64 = arith.subi %sign3A_60, %sign3A_63 : i32
    %sign3A_65 = arith.constant 0 : i32
    %sign3A_66 = arith.cmpi sgt, %jit3A, %sign3A_65 : i32
    %sign3A_67 = arith.extui %sign3A_66 : i1 to i32
    %sign3A_68 = arith.constant 0 : i32
    %sign3A_69 = arith.cmpi slt, %jit3A, %sign3A_68 : i32
    %sign3A_70 = arith.extui %sign3A_69 : i1 to i32
    %sign3A_71 = arith.subi %sign3A_67, %sign3A_70 : i32
    %ne3A = arith.cmpi ne, %sign3A_64, %sign3A_71 : i32
    %rem3A = arith.remsi %sub3A_58, %jit3A : i32
    %ne3A_72 = arith.constant 0 : i32
    %ne3A_73 = arith.cmpi ne, %rem3A, %ne3A_72 : i32
    %and3A_74 = arith.andi %ne3A, %ne3A_73 : i1
    %sub3A_75 = arith.constant 1 : i32
    %sub3A_76 = arith.subi %div3A, %sub3A_75 : i32
    %select_n3A = arith.select %and3A_74, %sub3A_76, %div3A : i32
    %ne3A_77 = arith.cmpi ne, %and3A_54, %and3A_10 : i32
    %convert_element_type3A = arith.extui %ne3A_77 : i1 to i32
    %cond3A = arith.constant 0 : i32
    %cond3A_78 = arith.cmpi ne, %convert_element_type3A, %cond3A : i32
    scf.if %cond3A_78 {
      %dma_wait3A_157 = arith.constant 0 : i32
      %dma_wait3A_158 = tpu.memref_slice %arg3[%dma_wait3A_157] : memref<4000000xi32, #tpu.memory_space<hbm>> -> memref<8192xi32, #tpu.memory_space<hbm>>
      %dma_wait3A_159 = arith.constant 0 : i32
      %dma_wait3A_160 = tpu.memref_slice %arg3[%dma_wait3A_159] : memref<4000000xi32, #tpu.memory_space<hbm>> -> memref<8192xi32, #tpu.memory_space<hbm>>
      tpu.wait_dma2 semaphore(%arg16 : memref<!tpu.dma_semaphore, #tpu.memory_space<semaphore_mem>>) src(%dma_wait3A_160 : memref<8192xi32, #tpu.memory_space<hbm>>) dst(%arg5 : memref<8192xi32, #tpu.memory_space<vmem>>)
      %dma_wait3A_161 = arith.constant 0 : i32
      %dma_wait3A_162 = tpu.memref_slice %arg2[%dma_wait3A_161] : memref<4000000xi32, #tpu.memory_space<hbm>> -> memref<8192xi32, #tpu.memory_space<hbm>>
      %dma_wait3A_163 = arith.constant 0 : i32
      %dma_wait3A_164 = tpu.memref_slice %arg2[%dma_wait3A_163] : memref<4000000xi32, #tpu.memory_space<hbm>> -> memref<8192xi32, #tpu.memory_space<hbm>>
      tpu.wait_dma2 semaphore(%arg16 : memref<!tpu.dma_semaphore, #tpu.memory_space<semaphore_mem>>) src(%dma_wait3A_164 : memref<8192xi32, #tpu.memory_space<hbm>>) dst(%arg9 : memref<8192xi32, #tpu.memory_space<vmem>>)
      %add3A_165 = arith.constant 0 : i32
      %add3A_166 = arith.addi %and3A_54, %add3A_165 : i32
      %min3A_167 = arith.constant 3991808 : i32
      %min3A_168 = arith.minsi %add3A_166, %min3A_167 : i32
      %multiple_of3A_169 = tpu.assume_multiple %min3A_168, 8 : i32
      %dma_start3A_170 = tpu.memref_slice %arg3[%multiple_of3A_169] : memref<4000000xi32, #tpu.memory_space<hbm>> -> memref<8192xi32, #tpu.memory_space<hbm>>
      %dma_start3A_171 = tpu.memref_slice %arg3[%multiple_of3A_169] : memref<4000000xi32, #tpu.memory_space<hbm>> -> memref<8192xi32, #tpu.memory_space<hbm>>
      tpu.enqueue_dma source(%dma_start3A_171 : memref<8192xi32, #tpu.memory_space<hbm>>) target(%arg5 : memref<8192xi32, #tpu.memory_space<vmem>>) target_semaphore(%arg16 : memref<!tpu.dma_semaphore, #tpu.memory_space<semaphore_mem>>)
      %dma_start3A_172 = tpu.memref_slice %arg2[%multiple_of3A_169] : memref<4000000xi32, #tpu.memory_space<hbm>> -> memref<8192xi32, #tpu.memory_space<hbm>>
      %dma_start3A_173 = tpu.memref_slice %arg2[%multiple_of3A_169] : memref<4000000xi32, #tpu.memory_space<hbm>> -> memref<8192xi32, #tpu.memory_space<hbm>>
      tpu.enqueue_dma source(%dma_start3A_173 : memref<8192xi32, #tpu.memory_space<hbm>>) target(%arg9 : memref<8192xi32, #tpu.memory_space<vmem>>) target_semaphore(%arg16 : memref<!tpu.dma_semaphore, #tpu.memory_space<semaphore_mem>>)
      %dma_wait3A_174 = arith.constant 0 : i32
      %dma_wait3A_175 = tpu.memref_slice %arg3[%dma_wait3A_174] : memref<4000000xi32, #tpu.memory_space<hbm>> -> memref<8192xi32, #tpu.memory_space<hbm>>
      %dma_wait3A_176 = arith.constant 0 : i32
      %dma_wait3A_177 = tpu.memref_slice %arg3[%dma_wait3A_176] : memref<4000000xi32, #tpu.memory_space<hbm>> -> memref<8192xi32, #tpu.memory_space<hbm>>
      tpu.wait_dma2 semaphore(%arg17 : memref<!tpu.dma_semaphore, #tpu.memory_space<semaphore_mem>>) src(%dma_wait3A_177 : memref<8192xi32, #tpu.memory_space<hbm>>) dst(%arg6 : memref<8192xi32, #tpu.memory_space<vmem>>)
      %dma_wait3A_178 = arith.constant 0 : i32
      %dma_wait3A_179 = tpu.memref_slice %arg2[%dma_wait3A_178] : memref<4000000xi32, #tpu.memory_space<hbm>> -> memref<8192xi32, #tpu.memory_space<hbm>>
      %dma_wait3A_180 = arith.constant 0 : i32
      %dma_wait3A_181 = tpu.memref_slice %arg2[%dma_wait3A_180] : memref<4000000xi32, #tpu.memory_space<hbm>> -> memref<8192xi32, #tpu.memory_space<hbm>>
      tpu.wait_dma2 semaphore(%arg17 : memref<!tpu.dma_semaphore, #tpu.memory_space<semaphore_mem>>) src(%dma_wait3A_181 : memref<8192xi32, #tpu.memory_space<hbm>>) dst(%arg10 : memref<8192xi32, #tpu.memory_space<vmem>>)
      %add3A_182 = arith.constant 8192 : i32
      %add3A_183 = arith.addi %and3A_54, %add3A_182 : i32
      %min3A_184 = arith.constant 3991808 : i32
      %min3A_185 = arith.minsi %add3A_183, %min3A_184 : i32
      %multiple_of3A_186 = tpu.assume_multiple %min3A_185, 8 : i32
      %dma_start3A_187 = tpu.memref_slice %arg3[%multiple_of3A_186] : memref<4000000xi32, #tpu.memory_space<hbm>> -> memref<8192xi32, #tpu.memory_space<hbm>>
      %dma_start3A_188 = tpu.memref_slice %arg3[%multiple_of3A_186] : memref<4000000xi32, #tpu.memory_space<hbm>> -> memref<8192xi32, #tpu.memory_space<hbm>>
      tpu.enqueue_dma source(%dma_start3A_188 : memref<8192xi32, #tpu.memory_space<hbm>>) target(%arg6 : memref<8192xi32, #tpu.memory_space<vmem>>) target_semaphore(%arg17 : memref<!tpu.dma_semaphore, #tpu.memory_space<semaphore_mem>>)
      %dma_start3A_189 = tpu.memref_slice %arg2[%multiple_of3A_186] : memref<4000000xi32, #tpu.memory_space<hbm>> -> memref<8192xi32, #tpu.memory_space<hbm>>
      %dma_start3A_190 = tpu.memref_slice %arg2[%multiple_of3A_186] : memref<4000000xi32, #tpu.memory_space<hbm>> -> memref<8192xi32, #tpu.memory_space<hbm>>
      tpu.enqueue_dma source(%dma_start3A_190 : memref<8192xi32, #tpu.memory_space<hbm>>) target(%arg10 : memref<8192xi32, #tpu.memory_space<vmem>>) target_semaphore(%arg17 : memref<!tpu.dma_semaphore, #tpu.memory_space<semaphore_mem>>)
      %dma_wait3A_191 = arith.constant 0 : i32
      %dma_wait3A_192 = tpu.memref_slice %arg3[%dma_wait3A_191] : memref<4000000xi32, #tpu.memory_space<hbm>> -> memref<8192xi32, #tpu.memory_space<hbm>>
      %dma_wait3A_193 = arith.constant 0 : i32
      %dma_wait3A_194 = tpu.memref_slice %arg3[%dma_wait3A_193] : memref<4000000xi32, #tpu.memory_space<hbm>> -> memref<8192xi32, #tpu.memory_space<hbm>>
      tpu.wait_dma2 semaphore(%arg18 : memref<!tpu.dma_semaphore, #tpu.memory_space<semaphore_mem>>) src(%dma_wait3A_194 : memref<8192xi32, #tpu.memory_space<hbm>>) dst(%arg7 : memref<8192xi32, #tpu.memory_space<vmem>>)
      %dma_wait3A_195 = arith.constant 0 : i32
      %dma_wait3A_196 = tpu.memref_slice %arg2[%dma_wait3A_195] : memref<4000000xi32, #tpu.memory_space<hbm>> -> memref<8192xi32, #tpu.memory_space<hbm>>
      %dma_wait3A_197 = arith.constant 0 : i32
      %dma_wait3A_198 = tpu.memref_slice %arg2[%dma_wait3A_197] : memref<4000000xi32, #tpu.memory_space<hbm>> -> memref<8192xi32, #tpu.memory_space<hbm>>
      tpu.wait_dma2 semaphore(%arg18 : memref<!tpu.dma_semaphore, #tpu.memory_space<semaphore_mem>>) src(%dma_wait3A_198 : memref<8192xi32, #tpu.memory_space<hbm>>) dst(%arg11 : memref<8192xi32, #tpu.memory_space<vmem>>)
      %add3A_199 = arith.constant 16384 : i32
      %add3A_200 = arith.addi %and3A_54, %add3A_199 : i32
      %min3A_201 = arith.constant 3991808 : i32
      %min3A_202 = arith.minsi %add3A_200, %min3A_201 : i32
      %multiple_of3A_203 = tpu.assume_multiple %min3A_202, 8 : i32
      %dma_start3A_204 = tpu.memref_slice %arg3[%multiple_of3A_203] : memref<4000000xi32, #tpu.memory_space<hbm>> -> memref<8192xi32, #tpu.memory_space<hbm>>
      %dma_start3A_205 = tpu.memref_slice %arg3[%multiple_of3A_203] : memref<4000000xi32, #tpu.memory_space<hbm>> -> memref<8192xi32, #tpu.memory_space<hbm>>
      tpu.enqueue_dma source(%dma_start3A_205 : memref<8192xi32, #tpu.memory_space<hbm>>) target(%arg7 : memref<8192xi32, #tpu.memory_space<vmem>>) target_semaphore(%arg18 : memref<!tpu.dma_semaphore, #tpu.memory_space<semaphore_mem>>)
      %dma_start3A_206 = tpu.memref_slice %arg2[%multiple_of3A_203] : memref<4000000xi32, #tpu.memory_space<hbm>> -> memref<8192xi32, #tpu.memory_space<hbm>>
      %dma_start3A_207 = tpu.memref_slice %arg2[%multiple_of3A_203] : memref<4000000xi32, #tpu.memory_space<hbm>> -> memref<8192xi32, #tpu.memory_space<hbm>>
      tpu.enqueue_dma source(%dma_start3A_207 : memref<8192xi32, #tpu.memory_space<hbm>>) target(%arg11 : memref<8192xi32, #tpu.memory_space<vmem>>) target_semaphore(%arg18 : memref<!tpu.dma_semaphore, #tpu.memory_space<semaphore_mem>>)
      %dma_wait3A_208 = arith.constant 0 : i32
      %dma_wait3A_209 = tpu.memref_slice %arg3[%dma_wait3A_208] : memref<4000000xi32, #tpu.memory_space<hbm>> -> memref<8192xi32, #tpu.memory_space<hbm>>
      %dma_wait3A_210 = arith.constant 0 : i32
      %dma_wait3A_211 = tpu.memref_slice %arg3[%dma_wait3A_210] : memref<4000000xi32, #tpu.memory_space<hbm>> -> memref<8192xi32, #tpu.memory_space<hbm>>
      tpu.wait_dma2 semaphore(%arg19 : memref<!tpu.dma_semaphore, #tpu.memory_space<semaphore_mem>>) src(%dma_wait3A_211 : memref<8192xi32, #tpu.memory_space<hbm>>) dst(%arg8 : memref<8192xi32, #tpu.memory_space<vmem>>)
      %dma_wait3A_212 = arith.constant 0 : i32
      %dma_wait3A_213 = tpu.memref_slice %arg2[%dma_wait3A_212] : memref<4000000xi32, #tpu.memory_space<hbm>> -> memref<8192xi32, #tpu.memory_space<hbm>>
      %dma_wait3A_214 = arith.constant 0 : i32
      %dma_wait3A_215 = tpu.memref_slice %arg2[%dma_wait3A_214] : memref<4000000xi32, #tpu.memory_space<hbm>> -> memref<8192xi32, #tpu.memory_space<hbm>>
      tpu.wait_dma2 semaphore(%arg19 : memref<!tpu.dma_semaphore, #tpu.memory_space<semaphore_mem>>) src(%dma_wait3A_215 : memref<8192xi32, #tpu.memory_space<hbm>>) dst(%arg12 : memref<8192xi32, #tpu.memory_space<vmem>>)
      %add3A_216 = arith.constant 24576 : i32
      %add3A_217 = arith.addi %and3A_54, %add3A_216 : i32
      %min3A_218 = arith.constant 3991808 : i32
      %min3A_219 = arith.minsi %add3A_217, %min3A_218 : i32
      %multiple_of3A_220 = tpu.assume_multiple %min3A_219, 8 : i32
      %dma_start3A_221 = tpu.memref_slice %arg3[%multiple_of3A_220] : memref<4000000xi32, #tpu.memory_space<hbm>> -> memref<8192xi32, #tpu.memory_space<hbm>>
      %dma_start3A_222 = tpu.memref_slice %arg3[%multiple_of3A_220] : memref<4000000xi32, #tpu.memory_space<hbm>> -> memref<8192xi32, #tpu.memory_space<hbm>>
      tpu.enqueue_dma source(%dma_start3A_222 : memref<8192xi32, #tpu.memory_space<hbm>>) target(%arg8 : memref<8192xi32, #tpu.memory_space<vmem>>) target_semaphore(%arg19 : memref<!tpu.dma_semaphore, #tpu.memory_space<semaphore_mem>>)
      %dma_start3A_223 = tpu.memref_slice %arg2[%multiple_of3A_220] : memref<4000000xi32, #tpu.memory_space<hbm>> -> memref<8192xi32, #tpu.memory_space<hbm>>
      %dma_start3A_224 = tpu.memref_slice %arg2[%multiple_of3A_220] : memref<4000000xi32, #tpu.memory_space<hbm>> -> memref<8192xi32, #tpu.memory_space<hbm>>
      tpu.enqueue_dma source(%dma_start3A_224 : memref<8192xi32, #tpu.memory_space<hbm>>) target(%arg12 : memref<8192xi32, #tpu.memory_space<vmem>>) target_semaphore(%arg19 : memref<!tpu.dma_semaphore, #tpu.memory_space<semaphore_mem>>)
    } else {
    }
    %scan3A_79 = arith.constant 0 : i32
    %scan3A_80 = arith.constant 0 : i32
    %scan3A_81 = arith.constant 256 : i32
    %scan3A_82 = arith.addi %scan3A_80, %scan3A_81 : i32
    %scan3A_83 = arith.constant 1 : i32
    scf.for %scan3A_157 = %scan3A_80 to %scan3A_82 step %scan3A_83  : i32 {
      %mul3A_158 = arith.constant 8 : i32
      %mul3A_159 = arith.muli %scan3A_157, %mul3A_158 : i32
      %mul3A_160 = arith.constant 16 : i32
      %mul3A_161 = arith.muli %mul3A_159, %mul3A_160 : i32
      %add3A_162 = arith.constant 0 : i32
      %add3A_163 = arith.addi %mul3A_161, %add3A_162 : i32
      %swap3A = arith.index_cast %add3A_163 : i32 to index
      %swap3A_164 = tpu.vector_load %arg13[%swap3A] {strides = array<i32>} : memref<32768xf32, #tpu.memory_space<vmem>>, vector<16xf32>,
      tpu.vector_store %arg13[%swap3A], %broadcast_in_dim3A_3 {strides = array<i32>} : memref<32768xf32, #tpu.memory_space<vmem>>, vector<16xf32>,
      %mul3A_165 = arith.constant 8 : i32
      %mul3A_166 = arith.muli %scan3A_157, %mul3A_165 : i32
      %mul3A_167 = arith.constant 16 : i32
      %mul3A_168 = arith.muli %mul3A_166, %mul3A_167 : i32
      %add3A_169 = arith.constant 16 : i32
      %add3A_170 = arith.addi %mul3A_168, %add3A_169 : i32
      %swap3A_171 = arith.index_cast %add3A_170 : i32 to index
      %swap3A_172 = tpu.vector_load %arg13[%swap3A_171] {strides = array<i32>} : memref<32768xf32, #tpu.memory_space<vmem>>, vector<16xf32>,
      tpu.vector_store %arg13[%swap3A_171], %broadcast_in_dim3A_3 {strides = array<i32>} : memref<32768xf32, #tpu.memory_space<vmem>>, vector<16xf32>,
      %mul3A_173 = arith.constant 8 : i32
      %mul3A_174 = arith.muli %scan3A_157, %mul3A_173 : i32
      %mul3A_175 = arith.constant 16 : i32
      %mul3A_176 = arith.muli %mul3A_174, %mul3A_175 : i32
      %add3A_177 = arith.constant 32 : i32
      %add3A_178 = arith.addi %mul3A_176, %add3A_177 : i32
      %swap3A_179 = arith.index_cast %add3A_178 : i32 to index
      %swap3A_180 = tpu.vector_load %arg13[%swap3A_179] {strides = array<i32>} : memref<32768xf32, #tpu.memory_space<vmem>>, vector<16xf32>,
      tpu.vector_store %arg13[%swap3A_179], %broadcast_in_dim3A_3 {strides = array<i32>} : memref<32768xf32, #tpu.memory_space<vmem>>, vector<16xf32>,
      %mul3A_181 = arith.constant 8 : i32
      %mul3A_182 = arith.muli %scan3A_157, %mul3A_181 : i32
      %mul3A_183 = arith.constant 16 : i32
      %mul3A_184 = arith.muli %mul3A_182, %mul3A_183 : i32
      %add3A_185 = arith.constant 48 : i32
      %add3A_186 = arith.addi %mul3A_184, %add3A_185 : i32
      %swap3A_187 = arith.index_cast %add3A_186 : i32 to index
      %swap3A_188 = tpu.vector_load %arg13[%swap3A_187] {strides = array<i32>} : memref<32768xf32, #tpu.memory_space<vmem>>, vector<16xf32>,
      tpu.vector_store %arg13[%swap3A_187], %broadcast_in_dim3A_3 {strides = array<i32>} : memref<32768xf32, #tpu.memory_space<vmem>>, vector<16xf32>,
      %mul3A_189 = arith.constant 8 : i32
      %mul3A_190 = arith.muli %scan3A_157, %mul3A_189 : i32
      %mul3A_191 = arith.constant 16 : i32
      %mul3A_192 = arith.muli %mul3A_190, %mul3A_191 : i32
      %add3A_193 = arith.constant 64 : i32
      %add3A_194 = arith.addi %mul3A_192, %add3A_193 : i32
      %swap3A_195 = arith.index_cast %add3A_194 : i32 to index
      %swap3A_196 = tpu.vector_load %arg13[%swap3A_195] {strides = array<i32>} : memref<32768xf32, #tpu.memory_space<vmem>>, vector<16xf32>,
      tpu.vector_store %arg13[%swap3A_195], %broadcast_in_dim3A_3 {strides = array<i32>} : memref<32768xf32, #tpu.memory_space<vmem>>, vector<16xf32>,
      %mul3A_197 = arith.constant 8 : i32
      %mul3A_198 = arith.muli %scan3A_157, %mul3A_197 : i32
      %mul3A_199 = arith.constant 16 : i32
      %mul3A_200 = arith.muli %mul3A_198, %mul3A_199 : i32
      %add3A_201 = arith.constant 80 : i32
      %add3A_202 = arith.addi %mul3A_200, %add3A_201 : i32
      %swap3A_203 = arith.index_cast %add3A_202 : i32 to index
      %swap3A_204 = tpu.vector_load %arg13[%swap3A_203] {strides = array<i32>} : memref<32768xf32, #tpu.memory_space<vmem>>, vector<16xf32>,
      tpu.vector_store %arg13[%swap3A_203], %broadcast_in_dim3A_3 {strides = array<i32>} : memref<32768xf32, #tpu.memory_space<vmem>>, vector<16xf32>,
      %mul3A_205 = arith.constant 8 : i32
      %mul3A_206 = arith.muli %scan3A_157, %mul3A_205 : i32
      %mul3A_207 = arith.constant 16 : i32
      %mul3A_208 = arith.muli %mul3A_206, %mul3A_207 : i32
      %add3A_209 = arith.constant 96 : i32
      %add3A_210 = arith.addi %mul3A_208, %add3A_209 : i32
      %swap3A_211 = arith.index_cast %add3A_210 : i32 to index
      %swap3A_212 = tpu.vector_load %arg13[%swap3A_211] {strides = array<i32>} : memref<32768xf32, #tpu.memory_space<vmem>>, vector<16xf32>,
      tpu.vector_store %arg13[%swap3A_211], %broadcast_in_dim3A_3 {strides = array<i32>} : memref<32768xf32, #tpu.memory_space<vmem>>, vector<16xf32>,
      %mul3A_213 = arith.constant 8 : i32
      %mul3A_214 = arith.muli %scan3A_157, %mul3A_213 : i32
      %mul3A_215 = arith.constant 16 : i32
      %mul3A_216 = arith.muli %mul3A_214, %mul3A_215 : i32
      %add3A_217 = arith.constant 112 : i32
      %add3A_218 = arith.addi %mul3A_216, %add3A_217 : i32
      %swap3A_219 = arith.index_cast %add3A_218 : i32 to index
      %swap3A_220 = tpu.vector_load %arg13[%swap3A_219] {strides = array<i32>} : memref<32768xf32, #tpu.memory_space<vmem>>, vector<16xf32>,
      tpu.vector_store %arg13[%swap3A_219], %broadcast_in_dim3A_3 {strides = array<i32>} : memref<32768xf32, #tpu.memory_space<vmem>>, vector<16xf32>,
    }
    %scan3A_84 = arith.constant 256 : i32
    %add3A_85 = arith.constant 4 : i32
    %add3A_86 = arith.addi %select_n3A, %add3A_85 : i32
    %sub3A_87 = arith.constant 1 : i32
    %sub3A_88 = arith.subi %add3A_86, %sub3A_87 : i32
    %jit3A_89 = arith.constant 4 : i32
    %div3A_90 = arith.divsi %sub3A_88, %jit3A_89 : i32
    %sign3A_91 = arith.constant 0 : i32
    %sign3A_92 = arith.cmpi sgt, %sub3A_88, %sign3A_91 : i32
    %sign3A_93 = arith.extui %sign3A_92 : i1 to i32
    %sign3A_94 = arith.constant 0 : i32
    %sign3A_95 = arith.cmpi slt, %sub3A_88, %sign3A_94 : i32
    %sign3A_96 = arith.extui %sign3A_95 : i1 to i32
    %sign3A_97 = arith.subi %sign3A_93, %sign3A_96 : i32
    %sign3A_98 = arith.constant 0 : i32
    %sign3A_99 = arith.cmpi sgt, %jit3A_89, %sign3A_98 : i32
    %sign3A_100 = arith.extui %sign3A_99 : i1 to i32
    %sign3A_101 = arith.constant 0 : i32
    %sign3A_102 = arith.cmpi slt, %jit3A_89, %sign3A_101 : i32
    %sign3A_103 = arith.extui %sign3A_102 : i1 to i32
    %sign3A_104 = arith.subi %sign3A_100, %sign3A_103 : i32
    %ne3A_105 = arith.cmpi ne, %sign3A_97, %sign3A_104 : i32
    %rem3A_106 = arith.remsi %sub3A_88, %jit3A_89 : i32
    %ne3A_107 = arith.constant 0 : i32
    %ne3A_108 = arith.cmpi ne, %rem3A_106, %ne3A_107 : i32
    %and3A_109 = arith.andi %ne3A_105, %ne3A_108 : i1
    %sub3A_110 = arith.constant 1 : i32
    %sub3A_111 = arith.subi %div3A_90, %sub3A_110 : i32
    %select_n3A_112 = arith.select %and3A_109, %sub3A_111, %div3A_90 : i32
    %while3A = arith.constant 0 : i32
    %while3A_113 = arith.constant 0 : i32
    %while3A_114 = arith.subi %select_n3A_112, %while3A_113 : i32
    %while3A_115 = arith.addi %while3A_113, %while3A_114 : i32
    %while3A_116 = arith.constant 1 : i32
    %while3A_117 = arith.divsi %while3A_114, %while3A_116 : i32
    %while3A_118 = arith.muli %while3A_117, %while3A_116 : i32
    %while3A_119 = arith.addi %while3A_113, %while3A_118 : i32
    %while3A_120 = arith.constant 1 : i32
    scf.for %while3A_157 = %while3A_113 to %while3A_119 step %while3A_120  : i32 {
      %mul3A_158 = arith.constant 4 : i32
      %mul3A_159 = arith.muli %mul3A_158, %while3A_157 : i32
      %add3A_160 = arith.constant 0 : i32
      %add3A_161 = arith.addi %mul3A_159, %add3A_160 : i32
      %dma_wait3A_162 = arith.constant 0 : i32
      %dma_wait3A_163 = tpu.memref_slice %arg3[%dma_wait3A_162] : memref<4000000xi32, #tpu.memory_space<hbm>> -> memref<8192xi32, #tpu.memory_space<hbm>>
      %dma_wait3A_164 = arith.constant 0 : i32
      %dma_wait3A_165 = tpu.memref_slice %arg3[%dma_wait3A_164] : memref<4000000xi32, #tpu.memory_space<hbm>> -> memref<8192xi32, #tpu.memory_space<hbm>>
      tpu.wait_dma2 semaphore(%arg16 : memref<!tpu.dma_semaphore, #tpu.memory_space<semaphore_mem>>) src(%dma_wait3A_165 : memref<8192xi32, #tpu.memory_space<hbm>>) dst(%arg5 : memref<8192xi32, #tpu.memory_space<vmem>>)
      %dma_wait3A_166 = arith.constant 0 : i32
      %dma_wait3A_167 = tpu.memref_slice %arg2[%dma_wait3A_166] : memref<4000000xi32, #tpu.memory_space<hbm>> -> memref<8192xi32, #tpu.memory_space<hbm>>
      %dma_wait3A_168 = arith.constant 0 : i32
      %dma_wait3A_169 = tpu.memref_slice %arg2[%dma_wait3A_168] : memref<4000000xi32, #tpu.memory_space<hbm>> -> memref<8192xi32, #tpu.memory_space<hbm>>
      tpu.wait_dma2 semaphore(%arg16 : memref<!tpu.dma_semaphore, #tpu.memory_space<semaphore_mem>>) src(%dma_wait3A_169 : memref<8192xi32, #tpu.memory_space<hbm>>) dst(%arg9 : memref<8192xi32, #tpu.memory_space<vmem>>)
      %mul3A_170 = arith.constant 8192 : i32
      %mul3A_171 = arith.muli %add3A_161, %mul3A_170 : i32
      %add3A_172 = arith.addi %and3A_54, %mul3A_171 : i32
      %min3A_173 = arith.constant 3991808 : i32
      %min3A_174 = arith.minsi %add3A_172, %min3A_173 : i32
      %multiple_of3A_175 = tpu.assume_multiple %min3A_174, 8 : i32
      %mul3A_176 = arith.constant 8192 : i32
      %mul3A_177 = arith.muli %add3A_161, %mul3A_176 : i32
      %add3A_178 = arith.addi %and3A_54, %mul3A_177 : i32
      %max3A = arith.maxsi %scan3A_51#0, %add3A_178 : i32
      %eq3A = arith.constant 0 : i32
      %eq3A_179 = arith.cmpi eq, %add3A_161, %eq3A : i32
      %sub3A_180 = arith.constant 1 : i32
      %sub3A_181 = arith.subi %select_n3A, %sub3A_180 : i32
      %ge3A = arith.cmpi sge, %add3A_161, %sub3A_181 : i32
      %or3A = arith.ori %eq3A_179, %ge3A : i1
      %convert_element_type3A_182 = arith.extui %or3A : i1 to i32
      %cond3A_183 = arith.constant 0 : i32
      %cond3A_184 = arith.cmpi ne, %convert_element_type3A_182, %cond3A_183 : i32
      scf.if %cond3A_184 {
        %scan3A_326 = arith.constant 0 : i32
        %scan3A_327 = arith.constant 0 : i32
        %scan3A_328 = arith.constant 32 : i32
        %scan3A_329 = arith.addi %scan3A_327, %scan3A_328 : i32
        %scan3A_330 = arith.constant 1 : i32
        scf.for %scan3A_332 = %scan3A_327 to %scan3A_329 step %scan3A_330  : i32 {
          %mul3A_333 = arith.constant 16 : i32
          %mul3A_334 = arith.muli %scan3A_332, %mul3A_333 : i32
          %mul3A_335 = arith.constant 16 : i32
          %mul3A_336 = arith.muli %mul3A_334, %mul3A_335 : i32
          %add3A_337 = arith.constant 0 : i32
          %add3A_338 = arith.addi %mul3A_336, %add3A_337 : i32
          %get3A = arith.index_cast %add3A_338 : i32 to index
          %get3A_339 = tpu.vector_load %arg5[%get3A] {strides = array<i32>} : memref<8192xi32, #tpu.memory_space<vmem>>, vector<16xi32>,
          %and3A_340 = arith.constant 255 : i32
          %and3A_341 = vector.broadcast %and3A_340 : i32 to vector<16xi32>
          %and3A_342 = arith.andi %get3A_339, %and3A_341 : vector<16xi32>
          %shift_left3A = arith.constant 7 : i32
          %shift_left3A_343 = vector.broadcast %shift_left3A : i32 to vector<16xi32>
          %shift_left3A_344 = arith.shli %and3A_342, %shift_left3A_343 : vector<16xi32>
          %get3A_345 = arith.index_cast %add3A_338 : i32 to index
          %get3A_346 = tpu.vector_load %arg9[%get3A_345] {strides = array<i32>} : memref<8192xi32, #tpu.memory_space<vmem>>, vector<16xi32>,
          %or3A_347 = arith.ori %shift_left3A_344, %get3A_346 : vector<16xi32>
          %mul3A_348 = arith.constant 16 : i32
          %mul3A_349 = arith.muli %scan3A_332, %mul3A_348 : i32
          %mul3A_350 = arith.constant 16 : i32
          %mul3A_351 = arith.muli %mul3A_349, %mul3A_350 : i32
          %add3A_352 = arith.addi %multiple_of3A_175, %mul3A_351 : i32
          %add3A_353 = arith.constant 0 : i32
          %add3A_354 = arith.addi %add3A_352, %add3A_353 : i32
          %add3A_355 = vector.broadcast %add3A_354 : i32 to vector<16xi32>
          %add3A_356 = arith.addi %add3A_355, %iota3A : vector<16xi32>
          %ge3A_357 = vector.broadcast %max3A : i32 to vector<16xi32>
          %ge3A_358 = arith.cmpi sge, %add3A_356, %ge3A_357 : vector<16xi32>
          %lt3A = vector.broadcast %scan3A_51#2 : i32 to vector<16xi32>
          %lt3A_359 = arith.cmpi slt, %add3A_356, %lt3A : vector<16xi32>
          %and3A_360 = arith.andi %ge3A_358, %lt3A_359 : vector<16xi1>
          tpu.vector_store_idx %arg13[%or3A_347], %broadcast_in_dim3A_1 masked %and3A_360 {add = true} : memref<32768xf32, #tpu.memory_space<vmem>>[vector<16xi32>], vector<16xf32>, vector<16xi1>
          %mul3A_361 = arith.constant 16 : i32
          %mul3A_362 = arith.muli %scan3A_332, %mul3A_361 : i32
          %mul3A_363 = arith.constant 16 : i32
          %mul3A_364 = arith.muli %mul3A_362, %mul3A_363 : i32
          %add3A_365 = arith.constant 16 : i32
          %add3A_366 = arith.addi %mul3A_364, %add3A_365 : i32
          %get3A_367 = arith.index_cast %add3A_366 : i32 to index
          %get3A_368 = tpu.vector_load %arg5[%get3A_367] {strides = array<i32>} : memref<8192xi32, #tpu.memory_space<vmem>>, vector<16xi32>,
          %and3A_369 = arith.constant 255 : i32
          %and3A_370 = vector.broadcast %and3A_369 : i32 to vector<16xi32>
          %and3A_371 = arith.andi %get3A_368, %and3A_370 : vector<16xi32>
          %shift_left3A_372 = arith.constant 7 : i32
          %shift_left3A_373 = vector.broadcast %shift_left3A_372 : i32 to vector<16xi32>
          %shift_left3A_374 = arith.shli %and3A_371, %shift_left3A_373 : vector<16xi32>
          %get3A_375 = arith.index_cast %add3A_366 : i32 to index
          %get3A_376 = tpu.vector_load %arg9[%get3A_375] {strides = array<i32>} : memref<8192xi32, #tpu.memory_space<vmem>>, vector<16xi32>,
          %or3A_377 = arith.ori %shift_left3A_374, %get3A_376 : vector<16xi32>
          %mul3A_378 = arith.constant 16 : i32
          %mul3A_379 = arith.muli %scan3A_332, %mul3A_378 : i32
          %mul3A_380 = arith.constant 16 : i32
          %mul3A_381 = arith.muli %mul3A_379, %mul3A_380 : i32
          %add3A_382 = arith.addi %multiple_of3A_175, %mul3A_381 : i32
          %add3A_383 = arith.constant 16 : i32
          %add3A_384 = arith.addi %add3A_382, %add3A_383 : i32
          %add3A_385 = vector.broadcast %add3A_384 : i32 to vector<16xi32>
          %add3A_386 = arith.addi %add3A_385, %iota3A : vector<16xi32>
          %ge3A_387 = vector.broadcast %max3A : i32 to vector<16xi32>
          %ge3A_388 = arith.cmpi sge, %add3A_386, %ge3A_387 : vector<16xi32>
          %lt3A_389 = vector.broadcast %scan3A_51#2 : i32 to vector<16xi32>
          %lt3A_390 = arith.cmpi slt, %add3A_386, %lt3A_389 : vector<16xi32>
          %and3A_391 = arith.andi %ge3A_388, %lt3A_390 : vector<16xi1>
          tpu.vector_store_idx %arg13[%or3A_377], %broadcast_in_dim3A_1 masked %and3A_391 {add = true} : memref<32768xf32, #tpu.memory_space<vmem>>[vector<16xi32>], vector<16xf32>, vector<16xi1>
          %mul3A_392 = arith.constant 16 : i32
          %mul3A_393 = arith.muli %scan3A_332, %mul3A_392 : i32
          %mul3A_394 = arith.constant 16 : i32
          %mul3A_395 = arith.muli %mul3A_393, %mul3A_394 : i32
          %add3A_396 = arith.constant 32 : i32
          %add3A_397 = arith.addi %mul3A_395, %add3A_396 : i32
          %get3A_398 = arith.index_cast %add3A_397 : i32 to index
          %get3A_399 = tpu.vector_load %arg5[%get3A_398] {strides = array<i32>} : memref<8192xi32, #tpu.memory_space<vmem>>, vector<16xi32>,
          %and3A_400 = arith.constant 255 : i32
          %and3A_401 = vector.broadcast %and3A_400 : i32 to vector<16xi32>
          %and3A_402 = arith.andi %get3A_399, %and3A_401 : vector<16xi32>
          %shift_left3A_403 = arith.constant 7 : i32
          %shift_left3A_404 = vector.broadcast %shift_left3A_403 : i32 to vector<16xi32>
          %shift_left3A_405 = arith.shli %and3A_402, %shift_left3A_404 : vector<16xi32>
          %get3A_406 = arith.index_cast %add3A_397 : i32 to index
          %get3A_407 = tpu.vector_load %arg9[%get3A_406] {strides = array<i32>} : memref<8192xi32, #tpu.memory_space<vmem>>, vector<16xi32>,
          %or3A_408 = arith.ori %shift_left3A_405, %get3A_407 : vector<16xi32>
          %mul3A_409 = arith.constant 16 : i32
          %mul3A_410 = arith.muli %scan3A_332, %mul3A_409 : i32
          %mul3A_411 = arith.constant 16 : i32
          %mul3A_412 = arith.muli %mul3A_410, %mul3A_411 : i32
          %add3A_413 = arith.addi %multiple_of3A_175, %mul3A_412 : i32
          %add3A_414 = arith.constant 32 : i32
          %add3A_415 = arith.addi %add3A_413, %add3A_414 : i32
          %add3A_416 = vector.broadcast %add3A_415 : i32 to vector<16xi32>
          %add3A_417 = arith.addi %add3A_416, %iota3A : vector<16xi32>
          %ge3A_418 = vector.broadcast %max3A : i32 to vector<16xi32>
          %ge3A_419 = arith.cmpi sge, %add3A_417, %ge3A_418 : vector<16xi32>
          %lt3A_420 = vector.broadcast %scan3A_51#2 : i32 to vector<16xi32>
          %lt3A_421 = arith.cmpi slt, %add3A_417, %lt3A_420 : vector<16xi32>
          %and3A_422 = arith.andi %ge3A_419, %lt3A_421 : vector<16xi1>
          tpu.vector_store_idx %arg13[%or3A_408], %broadcast_in_dim3A_1 masked %and3A_422 {add = true} : memref<32768xf32, #tpu.memory_space<vmem>>[vector<16xi32>], vector<16xf32>, vector<16xi1>
          %mul3A_423 = arith.constant 16 : i32
          %mul3A_424 = arith.muli %scan3A_332, %mul3A_423 : i32
          %mul3A_425 = arith.constant 16 : i32
          %mul3A_426 = arith.muli %mul3A_424, %mul3A_425 : i32
          %add3A_427 = arith.constant 48 : i32
          %add3A_428 = arith.addi %mul3A_426, %add3A_427 : i32
          %get3A_429 = arith.index_cast %add3A_428 : i32 to index
          %get3A_430 = tpu.vector_load %arg5[%get3A_429] {strides = array<i32>} : memref<8192xi32, #tpu.memory_space<vmem>>, vector<16xi32>,
          %and3A_431 = arith.constant 255 : i32
          %and3A_432 = vector.broadcast %and3A_431 : i32 to vector<16xi32>
          %and3A_433 = arith.andi %get3A_430, %and3A_432 : vector<16xi32>
          %shift_left3A_434 = arith.constant 7 : i32
          %shift_left3A_435 = vector.broadcast %shift_left3A_434 : i32 to vector<16xi32>
          %shift_left3A_436 = arith.shli %and3A_433, %shift_left3A_435 : vector<16xi32>
          %get3A_437 = arith.index_cast %add3A_428 : i32 to index
          %get3A_438 = tpu.vector_load %arg9[%get3A_437] {strides = array<i32>} : memref<8192xi32, #tpu.memory_space<vmem>>, vector<16xi32>,
          %or3A_439 = arith.ori %shift_left3A_436, %get3A_438 : vector<16xi32>
          %mul3A_440 = arith.constant 16 : i32
          %mul3A_441 = arith.muli %scan3A_332, %mul3A_440 : i32
          %mul3A_442 = arith.constant 16 : i32
          %mul3A_443 = arith.muli %mul3A_441, %mul3A_442 : i32
          %add3A_444 = arith.addi %multiple_of3A_175, %mul3A_443 : i32
          %add3A_445 = arith.constant 48 : i32
          %add3A_446 = arith.addi %add3A_444, %add3A_445 : i32
          %add3A_447 = vector.broadcast %add3A_446 : i32 to vector<16xi32>
          %add3A_448 = arith.addi %add3A_447, %iota3A : vector<16xi32>
          %ge3A_449 = vector.broadcast %max3A : i32 to vector<16xi32>
          %ge3A_450 = arith.cmpi sge, %add3A_448, %ge3A_449 : vector<16xi32>
          %lt3A_451 = vector.broadcast %scan3A_51#2 : i32 to vector<16xi32>
          %lt3A_452 = arith.cmpi slt, %add3A_448, %lt3A_451 : vector<16xi32>
          %and3A_453 = arith.andi %ge3A_450, %lt3A_452 : vector<16xi1>
          tpu.vector_store_idx %arg13[%or3A_439], %broadcast_in_dim3A_1 masked %and3A_453 {add = true} : memref<32768xf32, #tpu.memory_space<vmem>>[vector<16xi32>], vector<16xf32>, vector<16xi1>
          %mul3A_454 = arith.constant 16 : i32
          %mul3A_455 = arith.muli %scan3A_332, %mul3A_454 : i32
          %mul3A_456 = arith.constant 16 : i32
          %mul3A_457 = arith.muli %mul3A_455, %mul3A_456 : i32
          %add3A_458 = arith.constant 64 : i32
          %add3A_459 = arith.addi %mul3A_457, %add3A_458 : i32
          %get3A_460 = arith.index_cast %add3A_459 : i32 to index
          %get3A_461 = tpu.vector_load %arg5[%get3A_460] {strides = array<i32>} : memref<8192xi32, #tpu.memory_space<vmem>>, vector<16xi32>,
          %and3A_462 = arith.constant 255 : i32
          %and3A_463 = vector.broadcast %and3A_462 : i32 to vector<16xi32>
          %and3A_464 = arith.andi %get3A_461, %and3A_463 : vector<16xi32>
          %shift_left3A_465 = arith.constant 7 : i32
          %shift_left3A_466 = vector.broadcast %shift_left3A_465 : i32 to vector<16xi32>
          %shift_left3A_467 = arith.shli %and3A_464, %shift_left3A_466 : vector<16xi32>
          %get3A_468 = arith.index_cast %add3A_459 : i32 to index
          %get3A_469 = tpu.vector_load %arg9[%get3A_468] {strides = array<i32>} : memref<8192xi32, #tpu.memory_space<vmem>>, vector<16xi32>,
          %or3A_470 = arith.ori %shift_left3A_467, %get3A_469 : vector<16xi32>
          %mul3A_471 = arith.constant 16 : i32
          %mul3A_472 = arith.muli %scan3A_332, %mul3A_471 : i32
          %mul3A_473 = arith.constant 16 : i32
          %mul3A_474 = arith.muli %mul3A_472, %mul3A_473 : i32
          %add3A_475 = arith.addi %multiple_of3A_175, %mul3A_474 : i32
          %add3A_476 = arith.constant 64 : i32
          %add3A_477 = arith.addi %add3A_475, %add3A_476 : i32
          %add3A_478 = vector.broadcast %add3A_477 : i32 to vector<16xi32>
          %add3A_479 = arith.addi %add3A_478, %iota3A : vector<16xi32>
          %ge3A_480 = vector.broadcast %max3A : i32 to vector<16xi32>
          %ge3A_481 = arith.cmpi sge, %add3A_479, %ge3A_480 : vector<16xi32>
          %lt3A_482 = vector.broadcast %scan3A_51#2 : i32 to vector<16xi32>
          %lt3A_483 = arith.cmpi slt, %add3A_479, %lt3A_482 : vector<16xi32>
          %and3A_484 = arith.andi %ge3A_481, %lt3A_483 : vector<16xi1>
          tpu.vector_store_idx %arg13[%or3A_470], %broadcast_in_dim3A_1 masked %and3A_484 {add = true} : memref<32768xf32, #tpu.memory_space<vmem>>[vector<16xi32>], vector<16xf32>, vector<16xi1>
          %mul3A_485 = arith.constant 16 : i32
          %mul3A_486 = arith.muli %scan3A_332, %mul3A_485 : i32
          %mul3A_487 = arith.constant 16 : i32
          %mul3A_488 = arith.muli %mul3A_486, %mul3A_487 : i32
          %add3A_489 = arith.constant 80 : i32
          %add3A_490 = arith.addi %mul3A_488, %add3A_489 : i32
          %get3A_491 = arith.index_cast %add3A_490 : i32 to index
          %get3A_492 = tpu.vector_load %arg5[%get3A_491] {strides = array<i32>} : memref<8192xi32, #tpu.memory_space<vmem>>, vector<16xi32>,
          %and3A_493 = arith.constant 255 : i32
          %and3A_494 = vector.broadcast %and3A_493 : i32 to vector<16xi32>
          %and3A_495 = arith.andi %get3A_492, %and3A_494 : vector<16xi32>
          %shift_left3A_496 = arith.constant 7 : i32
          %shift_left3A_497 = vector.broadcast %shift_left3A_496 : i32 to vector<16xi32>
          %shift_left3A_498 = arith.shli %and3A_495, %shift_left3A_497 : vector<16xi32>
          %get3A_499 = arith.index_cast %add3A_490 : i32 to index
          %get3A_500 = tpu.vector_load %arg9[%get3A_499] {strides = array<i32>} : memref<8192xi32, #tpu.memory_space<vmem>>, vector<16xi32>,
          %or3A_501 = arith.ori %shift_left3A_498, %get3A_500 : vector<16xi32>
          %mul3A_502 = arith.constant 16 : i32
          %mul3A_503 = arith.muli %scan3A_332, %mul3A_502 : i32
          %mul3A_504 = arith.constant 16 : i32
          %mul3A_505 = arith.muli %mul3A_503, %mul3A_504 : i32
          %add3A_506 = arith.addi %multiple_of3A_175, %mul3A_505 : i32
          %add3A_507 = arith.constant 80 : i32
          %add3A_508 = arith.addi %add3A_506, %add3A_507 : i32
          %add3A_509 = vector.broadcast %add3A_508 : i32 to vector<16xi32>
          %add3A_510 = arith.addi %add3A_509, %iota3A : vector<16xi32>
          %ge3A_511 = vector.broadcast %max3A : i32 to vector<16xi32>
          %ge3A_512 = arith.cmpi sge, %add3A_510, %ge3A_511 : vector<16xi32>
          %lt3A_513 = vector.broadcast %scan3A_51#2 : i32 to vector<16xi32>
          %lt3A_514 = arith.cmpi slt, %add3A_510, %lt3A_513 : vector<16xi32>
          %and3A_515 = arith.andi %ge3A_512, %lt3A_514 : vector<16xi1>
          tpu.vector_store_idx %arg13[%or3A_501], %broadcast_in_dim3A_1 masked %and3A_515 {add = true} : memref<32768xf32, #tpu.memory_space<vmem>>[vector<16xi32>], vector<16xf32>, vector<16xi1>
          %mul3A_516 = arith.constant 16 : i32
          %mul3A_517 = arith.muli %scan3A_332, %mul3A_516 : i32
          %mul3A_518 = arith.constant 16 : i32
          %mul3A_519 = arith.muli %mul3A_517, %mul3A_518 : i32
          %add3A_520 = arith.constant 96 : i32
          %add3A_521 = arith.addi %mul3A_519, %add3A_520 : i32
          %get3A_522 = arith.index_cast %add3A_521 : i32 to index
          %get3A_523 = tpu.vector_load %arg5[%get3A_522] {strides = array<i32>} : memref<8192xi32, #tpu.memory_space<vmem>>, vector<16xi32>,
          %and3A_524 = arith.constant 255 : i32
          %and3A_525 = vector.broadcast %and3A_524 : i32 to vector<16xi32>
          %and3A_526 = arith.andi %get3A_523, %and3A_525 : vector<16xi32>
          %shift_left3A_527 = arith.constant 7 : i32
          %shift_left3A_528 = vector.broadcast %shift_left3A_527 : i32 to vector<16xi32>
          %shift_left3A_529 = arith.shli %and3A_526, %shift_left3A_528 : vector<16xi32>
          %get3A_530 = arith.index_cast %add3A_521 : i32 to index
          %get3A_531 = tpu.vector_load %arg9[%get3A_530] {strides = array<i32>} : memref<8192xi32, #tpu.memory_space<vmem>>, vector<16xi32>,
          %or3A_532 = arith.ori %shift_left3A_529, %get3A_531 : vector<16xi32>
          %mul3A_533 = arith.constant 16 : i32
          %mul3A_534 = arith.muli %scan3A_332, %mul3A_533 : i32
          %mul3A_535 = arith.constant 16 : i32
          %mul3A_536 = arith.muli %mul3A_534, %mul3A_535 : i32
          %add3A_537 = arith.addi %multiple_of3A_175, %mul3A_536 : i32
          %add3A_538 = arith.constant 96 : i32
          %add3A_539 = arith.addi %add3A_537, %add3A_538 : i32
          %add3A_540 = vector.broadcast %add3A_539 : i32 to vector<16xi32>
          %add3A_541 = arith.addi %add3A_540, %iota3A : vector<16xi32>
          %ge3A_542 = vector.broadcast %max3A : i32 to vector<16xi32>
          %ge3A_543 = arith.cmpi sge, %add3A_541, %ge3A_542 : vector<16xi32>
          %lt3A_544 = vector.broadcast %scan3A_51#2 : i32 to vector<16xi32>
          %lt3A_545 = arith.cmpi slt, %add3A_541, %lt3A_544 : vector<16xi32>
          %and3A_546 = arith.andi %ge3A_543, %lt3A_545 : vector<16xi1>
          tpu.vector_store_idx %arg13[%or3A_532], %broadcast_in_dim3A_1 masked %and3A_546 {add = true} : memref<32768xf32, #tpu.memory_space<vmem>>[vector<16xi32>], vector<16xf32>, vector<16xi1>
          %mul3A_547 = arith.constant 16 : i32
          %mul3A_548 = arith.muli %scan3A_332, %mul3A_547 : i32
          %mul3A_549 = arith.constant 16 : i32
          %mul3A_550 = arith.muli %mul3A_548, %mul3A_549 : i32
          %add3A_551 = arith.constant 112 : i32
          %add3A_552 = arith.addi %mul3A_550, %add3A_551 : i32
          %get3A_553 = arith.index_cast %add3A_552 : i32 to index
          %get3A_554 = tpu.vector_load %arg5[%get3A_553] {strides = array<i32>} : memref<8192xi32, #tpu.memory_space<vmem>>, vector<16xi32>,
          %and3A_555 = arith.constant 255 : i32
          %and3A_556 = vector.broadcast %and3A_555 : i32 to vector<16xi32>
          %and3A_557 = arith.andi %get3A_554, %and3A_556 : vector<16xi32>
          %shift_left3A_558 = arith.constant 7 : i32
          %shift_left3A_559 = vector.broadcast %shift_left3A_558 : i32 to vector<16xi32>
          %shift_left3A_560 = arith.shli %and3A_557, %shift_left3A_559 : vector<16xi32>
          %get3A_561 = arith.index_cast %add3A_552 : i32 to index
          %get3A_562 = tpu.vector_load %arg9[%get3A_561] {strides = array<i32>} : memref<8192xi32, #tpu.memory_space<vmem>>, vector<16xi32>,
          %or3A_563 = arith.ori %shift_left3A_560, %get3A_562 : vector<16xi32>
          %mul3A_564 = arith.constant 16 : i32
          %mul3A_565 = arith.muli %scan3A_332, %mul3A_564 : i32
          %mul3A_566 = arith.constant 16 : i32
          %mul3A_567 = arith.muli %mul3A_565, %mul3A_566 : i32
          %add3A_568 = arith.addi %multiple_of3A_175, %mul3A_567 : i32
          %add3A_569 = arith.constant 112 : i32
          %add3A_570 = arith.addi %add3A_568, %add3A_569 : i32
          %add3A_571 = vector.broadcast %add3A_570 : i32 to vector<16xi32>
          %add3A_572 = arith.addi %add3A_571, %iota3A : vector<16xi32>
          %ge3A_573 = vector.broadcast %max3A : i32 to vector<16xi32>
          %ge3A_574 = arith.cmpi sge, %add3A_572, %ge3A_573 : vector<16xi32>
          %lt3A_575 = vector.broadcast %scan3A_51#2 : i32 to vector<16xi32>
          %lt3A_576 = arith.cmpi slt, %add3A_572, %lt3A_575 : vector<16xi32>
          %and3A_577 = arith.andi %ge3A_574, %lt3A_576 : vector<16xi1>
          tpu.vector_store_idx %arg13[%or3A_563], %broadcast_in_dim3A_1 masked %and3A_577 {add = true} : memref<32768xf32, #tpu.memory_space<vmem>>[vector<16xi32>], vector<16xf32>, vector<16xi1>
          %mul3A_578 = arith.constant 16 : i32
          %mul3A_579 = arith.muli %scan3A_332, %mul3A_578 : i32
          %mul3A_580 = arith.constant 16 : i32
          %mul3A_581 = arith.muli %mul3A_579, %mul3A_580 : i32
          %add3A_582 = arith.constant 128 : i32
          %add3A_583 = arith.addi %mul3A_581, %add3A_582 : i32
          %get3A_584 = arith.index_cast %add3A_583 : i32 to index
          %get3A_585 = tpu.vector_load %arg5[%get3A_584] {strides = array<i32>} : memref<8192xi32, #tpu.memory_space<vmem>>, vector<16xi32>,
          %and3A_586 = arith.constant 255 : i32
          %and3A_587 = vector.broadcast %and3A_586 : i32 to vector<16xi32>
          %and3A_588 = arith.andi %get3A_585, %and3A_587 : vector<16xi32>
          %shift_left3A_589 = arith.constant 7 : i32
          %shift_left3A_590 = vector.broadcast %shift_left3A_589 : i32 to vector<16xi32>
          %shift_left3A_591 = arith.shli %and3A_588, %shift_left3A_590 : vector<16xi32>
          %get3A_592 = arith.index_cast %add3A_583 : i32 to index
          %get3A_593 = tpu.vector_load %arg9[%get3A_592] {strides = array<i32>} : memref<8192xi32, #tpu.memory_space<vmem>>, vector<16xi32>,
          %or3A_594 = arith.ori %shift_left3A_591, %get3A_593 : vector<16xi32>
          %mul3A_595 = arith.constant 16 : i32
          %mul3A_596 = arith.muli %scan3A_332, %mul3A_595 : i32
          %mul3A_597 = arith.constant 16 : i32
          %mul3A_598 = arith.muli %mul3A_596, %mul3A_597 : i32
          %add3A_599 = arith.addi %multiple_of3A_175, %mul3A_598 : i32
          %add3A_600 = arith.constant 128 : i32
          %add3A_601 = arith.addi %add3A_599, %add3A_600 : i32
          %add3A_602 = vector.broadcast %add3A_601 : i32 to vector<16xi32>
          %add3A_603 = arith.addi %add3A_602, %iota3A : vector<16xi32>
          %ge3A_604 = vector.broadcast %max3A : i32 to vector<16xi32>
          %ge3A_605 = arith.cmpi sge, %add3A_603, %ge3A_604 : vector<16xi32>
          %lt3A_606 = vector.broadcast %scan3A_51#2 : i32 to vector<16xi32>
          %lt3A_607 = arith.cmpi slt, %add3A_603, %lt3A_606 : vector<16xi32>
          %and3A_608 = arith.andi %ge3A_605, %lt3A_607 : vector<16xi1>
          tpu.vector_store_idx %arg13[%or3A_594], %broadcast_in_dim3A_1 masked %and3A_608 {add = true} : memref<32768xf32, #tpu.memory_space<vmem>>[vector<16xi32>], vector<16xf32>, vector<16xi1>
          %mul3A_609 = arith.constant 16 : i32
          %mul3A_610 = arith.muli %scan3A_332, %mul3A_609 : i32
          %mul3A_611 = arith.constant 16 : i32
          %mul3A_612 = arith.muli %mul3A_610, %mul3A_611 : i32
          %add3A_613 = arith.constant 144 : i32
          %add3A_614 = arith.addi %mul3A_612, %add3A_613 : i32
          %get3A_615 = arith.index_cast %add3A_614 : i32 to index
          %get3A_616 = tpu.vector_load %arg5[%get3A_615] {strides = array<i32>} : memref<8192xi32, #tpu.memory_space<vmem>>, vector<16xi32>,
          %and3A_617 = arith.constant 255 : i32
          %and3A_618 = vector.broadcast %and3A_617 : i32 to vector<16xi32>
          %and3A_619 = arith.andi %get3A_616, %and3A_618 : vector<16xi32>
          %shift_left3A_620 = arith.constant 7 : i32
          %shift_left3A_621 = vector.broadcast %shift_left3A_620 : i32 to vector<16xi32>
          %shift_left3A_622 = arith.shli %and3A_619, %shift_left3A_621 : vector<16xi32>
          %get3A_623 = arith.index_cast %add3A_614 : i32 to index
          %get3A_624 = tpu.vector_load %arg9[%get3A_623] {strides = array<i32>} : memref<8192xi32, #tpu.memory_space<vmem>>, vector<16xi32>,
          %or3A_625 = arith.ori %shift_left3A_622, %get3A_624 : vector<16xi32>
          %mul3A_626 = arith.constant 16 : i32
          %mul3A_627 = arith.muli %scan3A_332, %mul3A_626 : i32
          %mul3A_628 = arith.constant 16 : i32
          %mul3A_629 = arith.muli %mul3A_627, %mul3A_628 : i32
          %add3A_630 = arith.addi %multiple_of3A_175, %mul3A_629 : i32
          %add3A_631 = arith.constant 144 : i32
          %add3A_632 = arith.addi %add3A_630, %add3A_631 : i32
          %add3A_633 = vector.broadcast %add3A_632 : i32 to vector<16xi32>
          %add3A_634 = arith.addi %add3A_633, %iota3A : vector<16xi32>
          %ge3A_635 = vector.broadcast %max3A : i32 to vector<16xi32>
          %ge3A_636 = arith.cmpi sge, %add3A_634, %ge3A_635 : vector<16xi32>
          %lt3A_637 = vector.broadcast %scan3A_51#2 : i32 to vector<16xi32>
          %lt3A_638 = arith.cmpi slt, %add3A_634, %lt3A_637 : vector<16xi32>
          %and3A_639 = arith.andi %ge3A_636, %lt3A_638 : vector<16xi1>
          tpu.vector_store_idx %arg13[%or3A_625], %broadcast_in_dim3A_1 masked %and3A_639 {add = true} : memref<32768xf32, #tpu.memory_space<vmem>>[vector<16xi32>], vector<16xf32>, vector<16xi1>
          %mul3A_640 = arith.constant 16 : i32
          %mul3A_641 = arith.muli %scan3A_332, %mul3A_640 : i32
          %mul3A_642 = arith.constant 16 : i32
          %mul3A_643 = arith.muli %mul3A_641, %mul3A_642 : i32
          %add3A_644 = arith.constant 160 : i32
          %add3A_645 = arith.addi %mul3A_643, %add3A_644 : i32
          %get3A_646 = arith.index_cast %add3A_645 : i32 to index
          %get3A_647 = tpu.vector_load %arg5[%get3A_646] {strides = array<i32>} : memref<8192xi32, #tpu.memory_space<vmem>>, vector<16xi32>,
          %and3A_648 = arith.constant 255 : i32
          %and3A_649 = vector.broadcast %and3A_648 : i32 to vector<16xi32>
          %and3A_650 = arith.andi %get3A_647, %and3A_649 : vector<16xi32>
          %shift_left3A_651 = arith.constant 7 : i32
          %shift_left3A_652 = vector.broadcast %shift_left3A_651 : i32 to vector<16xi32>
          %shift_left3A_653 = arith.shli %and3A_650, %shift_left3A_652 : vector<16xi32>
          %get3A_654 = arith.index_cast %add3A_645 : i32 to index
          %get3A_655 = tpu.vector_load %arg9[%get3A_654] {strides = array<i32>} : memref<8192xi32, #tpu.memory_space<vmem>>, vector<16xi32>,
          %or3A_656 = arith.ori %shift_left3A_653, %get3A_655 : vector<16xi32>
          %mul3A_657 = arith.constant 16 : i32
          %mul3A_658 = arith.muli %scan3A_332, %mul3A_657 : i32
          %mul3A_659 = arith.constant 16 : i32
          %mul3A_660 = arith.muli %mul3A_658, %mul3A_659 : i32
          %add3A_661 = arith.addi %multiple_of3A_175, %mul3A_660 : i32
          %add3A_662 = arith.constant 160 : i32
          %add3A_663 = arith.addi %add3A_661, %add3A_662 : i32
          %add3A_664 = vector.broadcast %add3A_663 : i32 to vector<16xi32>
          %add3A_665 = arith.addi %add3A_664, %iota3A : vector<16xi32>
          %ge3A_666 = vector.broadcast %max3A : i32 to vector<16xi32>
          %ge3A_667 = arith.cmpi sge, %add3A_665, %ge3A_666 : vector<16xi32>
          %lt3A_668 = vector.broadcast %scan3A_51#2 : i32 to vector<16xi32>
          %lt3A_669 = arith.cmpi slt, %add3A_665, %lt3A_668 : vector<16xi32>
          %and3A_670 = arith.andi %ge3A_667, %lt3A_669 : vector<16xi1>
          tpu.vector_store_idx %arg13[%or3A_656], %broadcast_in_dim3A_1 masked %and3A_670 {add = true} : memref<32768xf32, #tpu.memory_space<vmem>>[vector<16xi32>], vector<16xf32>, vector<16xi1>
          %mul3A_671 = arith.constant 16 : i32
          %mul3A_672 = arith.muli %scan3A_332, %mul3A_671 : i32
          %mul3A_673 = arith.constant 16 : i32
          %mul3A_674 = arith.muli %mul3A_672, %mul3A_673 : i32
          %add3A_675 = arith.constant 176 : i32
          %add3A_676 = arith.addi %mul3A_674, %add3A_675 : i32
          %get3A_677 = arith.index_cast %add3A_676 : i32 to index
          %get3A_678 = tpu.vector_load %arg5[%get3A_677] {strides = array<i32>} : memref<8192xi32, #tpu.memory_space<vmem>>, vector<16xi32>,
          %and3A_679 = arith.constant 255 : i32
          %and3A_680 = vector.broadcast %and3A_679 : i32 to vector<16xi32>
          %and3A_681 = arith.andi %get3A_678, %and3A_680 : vector<16xi32>
          %shift_left3A_682 = arith.constant 7 : i32
          %shift_left3A_683 = vector.broadcast %shift_left3A_682 : i32 to vector<16xi32>
          %shift_left3A_684 = arith.shli %and3A_681, %shift_left3A_683 : vector<16xi32>
          %get3A_685 = arith.index_cast %add3A_676 : i32 to index
          %get3A_686 = tpu.vector_load %arg9[%get3A_685] {strides = array<i32>} : memref<8192xi32, #tpu.memory_space<vmem>>, vector<16xi32>,
          %or3A_687 = arith.ori %shift_left3A_684, %get3A_686 : vector<16xi32>
          %mul3A_688 = arith.constant 16 : i32
          %mul3A_689 = arith.muli %scan3A_332, %mul3A_688 : i32
          %mul3A_690 = arith.constant 16 : i32
          %mul3A_691 = arith.muli %mul3A_689, %mul3A_690 : i32
          %add3A_692 = arith.addi %multiple_of3A_175, %mul3A_691 : i32
          %add3A_693 = arith.constant 176 : i32
          %add3A_694 = arith.addi %add3A_692, %add3A_693 : i32
          %add3A_695 = vector.broadcast %add3A_694 : i32 to vector<16xi32>
          %add3A_696 = arith.addi %add3A_695, %iota3A : vector<16xi32>
          %ge3A_697 = vector.broadcast %max3A : i32 to vector<16xi32>
          %ge3A_698 = arith.cmpi sge, %add3A_696, %ge3A_697 : vector<16xi32>
          %lt3A_699 = vector.broadcast %scan3A_51#2 : i32 to vector<16xi32>
          %lt3A_700 = arith.cmpi slt, %add3A_696, %lt3A_699 : vector<16xi32>
          %and3A_701 = arith.andi %ge3A_698, %lt3A_700 : vector<16xi1>
          tpu.vector_store_idx %arg13[%or3A_687], %broadcast_in_dim3A_1 masked %and3A_701 {add = true} : memref<32768xf32, #tpu.memory_space<vmem>>[vector<16xi32>], vector<16xf32>, vector<16xi1>
          %mul3A_702 = arith.constant 16 : i32
          %mul3A_703 = arith.muli %scan3A_332, %mul3A_702 : i32
          %mul3A_704 = arith.constant 16 : i32
          %mul3A_705 = arith.muli %mul3A_703, %mul3A_704 : i32
          %add3A_706 = arith.constant 192 : i32
          %add3A_707 = arith.addi %mul3A_705, %add3A_706 : i32
          %get3A_708 = arith.index_cast %add3A_707 : i32 to index
          %get3A_709 = tpu.vector_load %arg5[%get3A_708] {strides = array<i32>} : memref<8192xi32, #tpu.memory_space<vmem>>, vector<16xi32>,
          %and3A_710 = arith.constant 255 : i32
          %and3A_711 = vector.broadcast %and3A_710 : i32 to vector<16xi32>
          %and3A_712 = arith.andi %get3A_709, %and3A_711 : vector<16xi32>
          %shift_left3A_713 = arith.constant 7 : i32
          %shift_left3A_714 = vector.broadcast %shift_left3A_713 : i32 to vector<16xi32>
          %shift_left3A_715 = arith.shli %and3A_712, %shift_left3A_714 : vector<16xi32>
          %get3A_716 = arith.index_cast %add3A_707 : i32 to index
          %get3A_717 = tpu.vector_load %arg9[%get3A_716] {strides = array<i32>} : memref<8192xi32, #tpu.memory_space<vmem>>, vector<16xi32>,
          %or3A_718 = arith.ori %shift_left3A_715, %get3A_717 : vector<16xi32>
          %mul3A_719 = arith.constant 16 : i32
          %mul3A_720 = arith.muli %scan3A_332, %mul3A_719 : i32
          %mul3A_721 = arith.constant 16 : i32
          %mul3A_722 = arith.muli %mul3A_720, %mul3A_721 : i32
          %add3A_723 = arith.addi %multiple_of3A_175, %mul3A_722 : i32
          %add3A_724 = arith.constant 192 : i32
          %add3A_725 = arith.addi %add3A_723, %add3A_724 : i32
          %add3A_726 = vector.broadcast %add3A_725 : i32 to vector<16xi32>
          %add3A_727 = arith.addi %add3A_726, %iota3A : vector<16xi32>
          %ge3A_728 = vector.broadcast %max3A : i32 to vector<16xi32>
          %ge3A_729 = arith.cmpi sge, %add3A_727, %ge3A_728 : vector<16xi32>
          %lt3A_730 = vector.broadcast %scan3A_51#2 : i32 to vector<16xi32>
          %lt3A_731 = arith.cmpi slt, %add3A_727, %lt3A_730 : vector<16xi32>
          %and3A_732 = arith.andi %ge3A_729, %lt3A_731 : vector<16xi1>
          tpu.vector_store_idx %arg13[%or3A_718], %broadcast_in_dim3A_1 masked %and3A_732 {add = true} : memref<32768xf32, #tpu.memory_space<vmem>>[vector<16xi32>], vector<16xf32>, vector<16xi1>
          %mul3A_733 = arith.constant 16 : i32
          %mul3A_734 = arith.muli %scan3A_332, %mul3A_733 : i32
          %mul3A_735 = arith.constant 16 : i32
          %mul3A_736 = arith.muli %mul3A_734, %mul3A_735 : i32
          %add3A_737 = arith.constant 208 : i32
          %add3A_738 = arith.addi %mul3A_736, %add3A_737 : i32
          %get3A_739 = arith.index_cast %add3A_738 : i32 to index
          %get3A_740 = tpu.vector_load %arg5[%get3A_739] {strides = array<i32>} : memref<8192xi32, #tpu.memory_space<vmem>>, vector<16xi32>,
          %and3A_741 = arith.constant 255 : i32
          %and3A_742 = vector.broadcast %and3A_741 : i32 to vector<16xi32>
          %and3A_743 = arith.andi %get3A_740, %and3A_742 : vector<16xi32>
          %shift_left3A_744 = arith.constant 7 : i32
          %shift_left3A_745 = vector.broadcast %shift_left3A_744 : i32 to vector<16xi32>
          %shift_left3A_746 = arith.shli %and3A_743, %shift_left3A_745 : vector<16xi32>
          %get3A_747 = arith.index_cast %add3A_738 : i32 to index
          %get3A_748 = tpu.vector_load %arg9[%get3A_747] {strides = array<i32>} : memref<8192xi32, #tpu.memory_space<vmem>>, vector<16xi32>,
          %or3A_749 = arith.ori %shift_left3A_746, %get3A_748 : vector<16xi32>
          %mul3A_750 = arith.constant 16 : i32
          %mul3A_751 = arith.muli %scan3A_332, %mul3A_750 : i32
          %mul3A_752 = arith.constant 16 : i32
          %mul3A_753 = arith.muli %mul3A_751, %mul3A_752 : i32
          %add3A_754 = arith.addi %multiple_of3A_175, %mul3A_753 : i32
          %add3A_755 = arith.constant 208 : i32
          %add3A_756 = arith.addi %add3A_754, %add3A_755 : i32
          %add3A_757 = vector.broadcast %add3A_756 : i32 to vector<16xi32>
          %add3A_758 = arith.addi %add3A_757, %iota3A : vector<16xi32>
          %ge3A_759 = vector.broadcast %max3A : i32 to vector<16xi32>
          %ge3A_760 = arith.cmpi sge, %add3A_758, %ge3A_759 : vector<16xi32>
          %lt3A_761 = vector.broadcast %scan3A_51#2 : i32 to vector<16xi32>
          %lt3A_762 = arith.cmpi slt, %add3A_758, %lt3A_761 : vector<16xi32>
          %and3A_763 = arith.andi %ge3A_760, %lt3A_762 : vector<16xi1>
          tpu.vector_store_idx %arg13[%or3A_749], %broadcast_in_dim3A_1 masked %and3A_763 {add = true} : memref<32768xf32, #tpu.memory_space<vmem>>[vector<16xi32>], vector<16xf32>, vector<16xi1>
          %mul3A_764 = arith.constant 16 : i32
          %mul3A_765 = arith.muli %scan3A_332, %mul3A_764 : i32
          %mul3A_766 = arith.constant 16 : i32
          %mul3A_767 = arith.muli %mul3A_765, %mul3A_766 : i32
          %add3A_768 = arith.constant 224 : i32
          %add3A_769 = arith.addi %mul3A_767, %add3A_768 : i32
          %get3A_770 = arith.index_cast %add3A_769 : i32 to index
          %get3A_771 = tpu.vector_load %arg5[%get3A_770] {strides = array<i32>} : memref<8192xi32, #tpu.memory_space<vmem>>, vector<16xi32>,
          %and3A_772 = arith.constant 255 : i32
          %and3A_773 = vector.broadcast %and3A_772 : i32 to vector<16xi32>
          %and3A_774 = arith.andi %get3A_771, %and3A_773 : vector<16xi32>
          %shift_left3A_775 = arith.constant 7 : i32
          %shift_left3A_776 = vector.broadcast %shift_left3A_775 : i32 to vector<16xi32>
          %shift_left3A_777 = arith.shli %and3A_774, %shift_left3A_776 : vector<16xi32>
          %get3A_778 = arith.index_cast %add3A_769 : i32 to index
          %get3A_779 = tpu.vector_load %arg9[%get3A_778] {strides = array<i32>} : memref<8192xi32, #tpu.memory_space<vmem>>, vector<16xi32>,
          %or3A_780 = arith.ori %shift_left3A_777, %get3A_779 : vector<16xi32>
          %mul3A_781 = arith.constant 16 : i32
          %mul3A_782 = arith.muli %scan3A_332, %mul3A_781 : i32
          %mul3A_783 = arith.constant 16 : i32
          %mul3A_784 = arith.muli %mul3A_782, %mul3A_783 : i32
          %add3A_785 = arith.addi %multiple_of3A_175, %mul3A_784 : i32
          %add3A_786 = arith.constant 224 : i32
          %add3A_787 = arith.addi %add3A_785, %add3A_786 : i32
          %add3A_788 = vector.broadcast %add3A_787 : i32 to vector<16xi32>
          %add3A_789 = arith.addi %add3A_788, %iota3A : vector<16xi32>
          %ge3A_790 = vector.broadcast %max3A : i32 to vector<16xi32>
          %ge3A_791 = arith.cmpi sge, %add3A_789, %ge3A_790 : vector<16xi32>
          %lt3A_792 = vector.broadcast %scan3A_51#2 : i32 to vector<16xi32>
          %lt3A_793 = arith.cmpi slt, %add3A_789, %lt3A_792 : vector<16xi32>
          %and3A_794 = arith.andi %ge3A_791, %lt3A_793 : vector<16xi1>
          tpu.vector_store_idx %arg13[%or3A_780], %broadcast_in_dim3A_1 masked %and3A_794 {add = true} : memref<32768xf32, #tpu.memory_space<vmem>>[vector<16xi32>], vector<16xf32>, vector<16xi1>
          %mul3A_795 = arith.constant 16 : i32
          %mul3A_796 = arith.muli %scan3A_332, %mul3A_795 : i32
          %mul3A_797 = arith.constant 16 : i32
          %mul3A_798 = arith.muli %mul3A_796, %mul3A_797 : i32
          %add3A_799 = arith.constant 240 : i32
          %add3A_800 = arith.addi %mul3A_798, %add3A_799 : i32
          %get3A_801 = arith.index_cast %add3A_800 : i32 to index
          %get3A_802 = tpu.vector_load %arg5[%get3A_801] {strides = array<i32>} : memref<8192xi32, #tpu.memory_space<vmem>>, vector<16xi32>,
          %and3A_803 = arith.constant 255 : i32
          %and3A_804 = vector.broadcast %and3A_803 : i32 to vector<16xi32>
          %and3A_805 = arith.andi %get3A_802, %and3A_804 : vector<16xi32>
          %shift_left3A_806 = arith.constant 7 : i32
          %shift_left3A_807 = vector.broadcast %shift_left3A_806 : i32 to vector<16xi32>
          %shift_left3A_808 = arith.shli %and3A_805, %shift_left3A_807 : vector<16xi32>
          %get3A_809 = arith.index_cast %add3A_800 : i32 to index
          %get3A_810 = tpu.vector_load %arg9[%get3A_809] {strides = array<i32>} : memref<8192xi32, #tpu.memory_space<vmem>>, vector<16xi32>,
          %or3A_811 = arith.ori %shift_left3A_808, %get3A_810 : vector<16xi32>
          %mul3A_812 = arith.constant 16 : i32
          %mul3A_813 = arith.muli %scan3A_332, %mul3A_812 : i32
          %mul3A_814 = arith.constant 16 : i32
          %mul3A_815 = arith.muli %mul3A_813, %mul3A_814 : i32
          %add3A_816 = arith.addi %multiple_of3A_175, %mul3A_815 : i32
          %add3A_817 = arith.constant 240 : i32
          %add3A_818 = arith.addi %add3A_816, %add3A_817 : i32
          %add3A_819 = vector.broadcast %add3A_818 : i32 to vector<16xi32>
          %add3A_820 = arith.addi %add3A_819, %iota3A : vector<16xi32>
          %ge3A_821 = vector.broadcast %max3A : i32 to vector<16xi32>
          %ge3A_822 = arith.cmpi sge, %add3A_820, %ge3A_821 : vector<16xi32>
          %lt3A_823 = vector.broadcast %scan3A_51#2 : i32 to vector<16xi32>
          %lt3A_824 = arith.cmpi slt, %add3A_820, %lt3A_823 : vector<16xi32>
          %and3A_825 = arith.andi %ge3A_822, %lt3A_824 : vector<16xi1>
          tpu.vector_store_idx %arg13[%or3A_811], %broadcast_in_dim3A_1 masked %and3A_825 {add = true} : memref<32768xf32, #tpu.memory_space<vmem>>[vector<16xi32>], vector<16xf32>, vector<16xi1>
        }
        %scan3A_331 = arith.constant 32 : i32
      } else {
        %parallel_loop3A = arith.constant 0 : i32
        %parallel_loop3A_326 = arith.constant 512 : i32
        %parallel_loop3A_327 = arith.constant 1 : i32
        scf.for %parallel_loop3A_328 = %parallel_loop3A to %parallel_loop3A_326 step %parallel_loop3A_327  : i32 {
          %parallel_loop3A_329 = arith.constant 16 : i32
          %parallel_loop3A_330 = arith.muli %parallel_loop3A_328, %parallel_loop3A_329 : i32
          %parallel_loop3A_331 = arith.index_cast %parallel_loop3A_330 : i32 to index
          %parallel_loop3A_332 = tpu.vector_load %arg5[%parallel_loop3A_331] {strides = array<i32>} : memref<8192xi32, #tpu.memory_space<vmem>>, vector<16xi32>,
          %parallel_loop3A_333 = arith.constant 255 : i32
          %parallel_loop3A_334 = vector.broadcast %parallel_loop3A_333 : i32 to vector<16xi32>
          %parallel_loop3A_335 = arith.andi %parallel_loop3A_332, %parallel_loop3A_334 : vector<16xi32>
          %parallel_loop3A_336 = arith.constant 7 : i32
          %parallel_loop3A_337 = vector.broadcast %parallel_loop3A_336 : i32 to vector<16xi32>
          %parallel_loop3A_338 = arith.shli %parallel_loop3A_335, %parallel_loop3A_337 : vector<16xi32>
          %parallel_loop3A_339 = arith.index_cast %parallel_loop3A_330 : i32 to index
          %parallel_loop3A_340 = tpu.vector_load %arg9[%parallel_loop3A_339] {strides = array<i32>} : memref<8192xi32, #tpu.memory_space<vmem>>, vector<16xi32>,
          %parallel_loop3A_341 = arith.ori %parallel_loop3A_338, %parallel_loop3A_340 : vector<16xi32>
          tpu.vector_store_idx %arg13[%parallel_loop3A_341], %broadcast_in_dim3A_1 {add = true} : memref<32768xf32, #tpu.memory_space<vmem>>[vector<16xi32>], vector<16xf32>,
        } {sc.loop_unroll_factor = 16 : i64, sc.parallel_access}
      }
      %add3A_185 = arith.constant 4 : i32
      %add3A_186 = arith.addi %add3A_161, %add3A_185 : i32
      %mul3A_187 = arith.constant 8192 : i32
      %mul3A_188 = arith.muli %add3A_186, %mul3A_187 : i32
      %add3A_189 = arith.addi %and3A_54, %mul3A_188 : i32
      %min3A_190 = arith.constant 3991808 : i32
      %min3A_191 = arith.minsi %add3A_189, %min3A_190 : i32
      %multiple_of3A_192 = tpu.assume_multiple %min3A_191, 8 : i32
      %dma_start3A_193 = tpu.memref_slice %arg3[%multiple_of3A_192] : memref<4000000xi32, #tpu.memory_space<hbm>> -> memref<8192xi32, #tpu.memory_space<hbm>>
      %dma_start3A_194 = tpu.memref_slice %arg3[%multiple_of3A_192] : memref<4000000xi32, #tpu.memory_space<hbm>> -> memref<8192xi32, #tpu.memory_space<hbm>>
      tpu.enqueue_dma source(%dma_start3A_194 : memref<8192xi32, #tpu.memory_space<hbm>>) target(%arg5 : memref<8192xi32, #tpu.memory_space<vmem>>) target_semaphore(%arg16 : memref<!tpu.dma_semaphore, #tpu.memory_space<semaphore_mem>>)
      %dma_start3A_195 = tpu.memref_slice %arg2[%multiple_of3A_192] : memref<4000000xi32, #tpu.memory_space<hbm>> -> memref<8192xi32, #tpu.memory_space<hbm>>
      %dma_start3A_196 = tpu.memref_slice %arg2[%multiple_of3A_192] : memref<4000000xi32, #tpu.memory_space<hbm>> -> memref<8192xi32, #tpu.memory_space<hbm>>
      tpu.enqueue_dma source(%dma_start3A_196 : memref<8192xi32, #tpu.memory_space<hbm>>) target(%arg9 : memref<8192xi32, #tpu.memory_space<vmem>>) target_semaphore(%arg16 : memref<!tpu.dma_semaphore, #tpu.memory_space<semaphore_mem>>)
      %mul3A_197 = arith.constant 4 : i32
      %mul3A_198 = arith.muli %mul3A_197, %while3A_157 : i32
      %add3A_199 = arith.constant 1 : i32
      %add3A_200 = arith.addi %mul3A_198, %add3A_199 : i32
      %dma_wait3A_201 = arith.constant 0 : i32
      %dma_wait3A_202 = tpu.memref_slice %arg3[%dma_wait3A_201] : memref<4000000xi32, #tpu.memory_space<hbm>> -> memref<8192xi32, #tpu.memory_space<hbm>>
      %dma_wait3A_203 = arith.constant 0 : i32
      %dma_wait3A_204 = tpu.memref_slice %arg3[%dma_wait3A_203] : memref<4000000xi32, #tpu.memory_space<hbm>> -> memref<8192xi32, #tpu.memory_space<hbm>>
      tpu.wait_dma2 semaphore(%arg17 : memref<!tpu.dma_semaphore, #tpu.memory_space<semaphore_mem>>) src(%dma_wait3A_204 : memref<8192xi32, #tpu.memory_space<hbm>>) dst(%arg6 : memref<8192xi32, #tpu.memory_space<vmem>>)
      %dma_wait3A_205 = arith.constant 0 : i32
      %dma_wait3A_206 = tpu.memref_slice %arg2[%dma_wait3A_205] : memref<4000000xi32, #tpu.memory_space<hbm>> -> memref<8192xi32, #tpu.memory_space<hbm>>
      %dma_wait3A_207 = arith.constant 0 : i32
      %dma_wait3A_208 = tpu.memref_slice %arg2[%dma_wait3A_207] : memref<4000000xi32, #tpu.memory_space<hbm>> -> memref<8192xi32, #tpu.memory_space<hbm>>
      tpu.wait_dma2 semaphore(%arg17 : memref<!tpu.dma_semaphore, #tpu.memory_space<semaphore_mem>>) src(%dma_wait3A_208 : memref<8192xi32, #tpu.memory_space<hbm>>) dst(%arg10 : memref<8192xi32, #tpu.memory_space<vmem>>)
      %mul3A_209 = arith.constant 8192 : i32
      %mul3A_210 = arith.muli %add3A_200, %mul3A_209 : i32
      %add3A_211 = arith.addi %and3A_54, %mul3A_210 : i32
      %min3A_212 = arith.constant 3991808 : i32
      %min3A_213 = arith.minsi %add3A_211, %min3A_212 : i32
      %multiple_of3A_214 = tpu.assume_multiple %min3A_213, 8 : i32
      %mul3A_215 = arith.constant 8192 : i32
      %mul3A_216 = arith.muli %add3A_200, %mul3A_215 : i32
      %add3A_217 = arith.addi %and3A_54, %mul3A_216 : i32
      %max3A_218 = arith.maxsi %scan3A_51#0, %add3A_217 : i32
      %eq3A_219 = arith.constant 0 : i32
      %eq3A_220 = arith.cmpi eq, %add3A_200, %eq3A_219 : i32
      %sub3A_221 = arith.constant 1 : i32
      %sub3A_222 = arith.subi %select_n3A, %sub3A_221 : i32
      %ge3A_223 = arith.cmpi sge, %add3A_200, %sub3A_222 : i32
      %or3A_224 = arith.ori %eq3A_220, %ge3A_223 : i1
      %convert_element_type3A_225 = arith.extui %or3A_224 : i1 to i32
      %cond3A_226 = arith.constant 0 : i32
      %cond3A_227 = arith.cmpi ne, %convert_element_type3A_225, %cond3A_226 : i32
      scf.if %cond3A_227 {
        %scan3A_326 = arith.constant 0 : i32
        %scan3A_327 = arith.constant 0 : i32
        %scan3A_328 = arith.constant 32 : i32
        %scan3A_329 = arith.addi %scan3A_327, %scan3A_328 : i32
        %scan3A_330 = arith.constant 1 : i32
        scf.for %scan3A_332 = %scan3A_327 to %scan3A_329 step %scan3A_330  : i32 {
          %mul3A_333 = arith.constant 16 : i32
          %mul3A_334 = arith.muli %scan3A_332, %mul3A_333 : i32
          %mul3A_335 = arith.constant 16 : i32
          %mul3A_336 = arith.muli %mul3A_334, %mul3A_335 : i32
          %add3A_337 = arith.constant 0 : i32
          %add3A_338 = arith.addi %mul3A_336, %add3A_337 : i32
          %get3A = arith.index_cast %add3A_338 : i32 to index
          %get3A_339 = tpu.vector_load %arg6[%get3A] {strides = array<i32>} : memref<8192xi32, #tpu.memory_space<vmem>>, vector<16xi32>,
          %and3A_340 = arith.constant 255 : i32
          %and3A_341 = vector.broadcast %and3A_340 : i32 to vector<16xi32>
          %and3A_342 = arith.andi %get3A_339, %and3A_341 : vector<16xi32>
          %shift_left3A = arith.constant 7 : i32
          %shift_left3A_343 = vector.broadcast %shift_left3A : i32 to vector<16xi32>
          %shift_left3A_344 = arith.shli %and3A_342, %shift_left3A_343 : vector<16xi32>
          %get3A_345 = arith.index_cast %add3A_338 : i32 to index
          %get3A_346 = tpu.vector_load %arg10[%get3A_345] {strides = array<i32>} : memref<8192xi32, #tpu.memory_space<vmem>>, vector<16xi32>,
          %or3A_347 = arith.ori %shift_left3A_344, %get3A_346 : vector<16xi32>
          %mul3A_348 = arith.constant 16 : i32
          %mul3A_349 = arith.muli %scan3A_332, %mul3A_348 : i32
          %mul3A_350 = arith.constant 16 : i32
          %mul3A_351 = arith.muli %mul3A_349, %mul3A_350 : i32
          %add3A_352 = arith.addi %multiple_of3A_214, %mul3A_351 : i32
          %add3A_353 = arith.constant 0 : i32
          %add3A_354 = arith.addi %add3A_352, %add3A_353 : i32
          %add3A_355 = vector.broadcast %add3A_354 : i32 to vector<16xi32>
          %add3A_356 = arith.addi %add3A_355, %iota3A : vector<16xi32>
          %ge3A_357 = vector.broadcast %max3A_218 : i32 to vector<16xi32>
          %ge3A_358 = arith.cmpi sge, %add3A_356, %ge3A_357 : vector<16xi32>
          %lt3A = vector.broadcast %scan3A_51#2 : i32 to vector<16xi32>
          %lt3A_359 = arith.cmpi slt, %add3A_356, %lt3A : vector<16xi32>
          %and3A_360 = arith.andi %ge3A_358, %lt3A_359 : vector<16xi1>
          tpu.vector_store_idx %arg13[%or3A_347], %broadcast_in_dim3A_1 masked %and3A_360 {add = true} : memref<32768xf32, #tpu.memory_space<vmem>>[vector<16xi32>], vector<16xf32>, vector<16xi1>
          %mul3A_361 = arith.constant 16 : i32
          %mul3A_362 = arith.muli %scan3A_332, %mul3A_361 : i32
          %mul3A_363 = arith.constant 16 : i32
          %mul3A_364 = arith.muli %mul3A_362, %mul3A_363 : i32
          %add3A_365 = arith.constant 16 : i32
          %add3A_366 = arith.addi %mul3A_364, %add3A_365 : i32
          %get3A_367 = arith.index_cast %add3A_366 : i32 to index
          %get3A_368 = tpu.vector_load %arg6[%get3A_367] {strides = array<i32>} : memref<8192xi32, #tpu.memory_space<vmem>>, vector<16xi32>,
          %and3A_369 = arith.constant 255 : i32
          %and3A_370 = vector.broadcast %and3A_369 : i32 to vector<16xi32>
          %and3A_371 = arith.andi %get3A_368, %and3A_370 : vector<16xi32>
          %shift_left3A_372 = arith.constant 7 : i32
          %shift_left3A_373 = vector.broadcast %shift_left3A_372 : i32 to vector<16xi32>
          %shift_left3A_374 = arith.shli %and3A_371, %shift_left3A_373 : vector<16xi32>
          %get3A_375 = arith.index_cast %add3A_366 : i32 to index
          %get3A_376 = tpu.vector_load %arg10[%get3A_375] {strides = array<i32>} : memref<8192xi32, #tpu.memory_space<vmem>>, vector<16xi32>,
          %or3A_377 = arith.ori %shift_left3A_374, %get3A_376 : vector<16xi32>
          %mul3A_378 = arith.constant 16 : i32
          %mul3A_379 = arith.muli %scan3A_332, %mul3A_378 : i32
          %mul3A_380 = arith.constant 16 : i32
          %mul3A_381 = arith.muli %mul3A_379, %mul3A_380 : i32
          %add3A_382 = arith.addi %multiple_of3A_214, %mul3A_381 : i32
          %add3A_383 = arith.constant 16 : i32
          %add3A_384 = arith.addi %add3A_382, %add3A_383 : i32
          %add3A_385 = vector.broadcast %add3A_384 : i32 to vector<16xi32>
          %add3A_386 = arith.addi %add3A_385, %iota3A : vector<16xi32>
          %ge3A_387 = vector.broadcast %max3A_218 : i32 to vector<16xi32>
          %ge3A_388 = arith.cmpi sge, %add3A_386, %ge3A_387 : vector<16xi32>
          %lt3A_389 = vector.broadcast %scan3A_51#2 : i32 to vector<16xi32>
          %lt3A_390 = arith.cmpi slt, %add3A_386, %lt3A_389 : vector<16xi32>
          %and3A_391 = arith.andi %ge3A_388, %lt3A_390 : vector<16xi1>
          tpu.vector_store_idx %arg13[%or3A_377], %broadcast_in_dim3A_1 masked %and3A_391 {add = true} : memref<32768xf32, #tpu.memory_space<vmem>>[vector<16xi32>], vector<16xf32>, vector<16xi1>
          %mul3A_392 = arith.constant 16 : i32
          %mul3A_393 = arith.muli %scan3A_332, %mul3A_392 : i32
          %mul3A_394 = arith.constant 16 : i32
          %mul3A_395 = arith.muli %mul3A_393, %mul3A_394 : i32
          %add3A_396 = arith.constant 32 : i32
          %add3A_397 = arith.addi %mul3A_395, %add3A_396 : i32
          %get3A_398 = arith.index_cast %add3A_397 : i32 to index
          %get3A_399 = tpu.vector_load %arg6[%get3A_398] {strides = array<i32>} : memref<8192xi32, #tpu.memory_space<vmem>>, vector<16xi32>,
          %and3A_400 = arith.constant 255 : i32
          %and3A_401 = vector.broadcast %and3A_400 : i32 to vector<16xi32>
          %and3A_402 = arith.andi %get3A_399, %and3A_401 : vector<16xi32>
          %shift_left3A_403 = arith.constant 7 : i32
          %shift_left3A_404 = vector.broadcast %shift_left3A_403 : i32 to vector<16xi32>
          %shift_left3A_405 = arith.shli %and3A_402, %shift_left3A_404 : vector<16xi32>
          %get3A_406 = arith.index_cast %add3A_397 : i32 to index
          %get3A_407 = tpu.vector_load %arg10[%get3A_406] {strides = array<i32>} : memref<8192xi32, #tpu.memory_space<vmem>>, vector<16xi32>,
          %or3A_408 = arith.ori %shift_left3A_405, %get3A_407 : vector<16xi32>
          %mul3A_409 = arith.constant 16 : i32
          %mul3A_410 = arith.muli %scan3A_332, %mul3A_409 : i32
          %mul3A_411 = arith.constant 16 : i32
          %mul3A_412 = arith.muli %mul3A_410, %mul3A_411 : i32
          %add3A_413 = arith.addi %multiple_of3A_214, %mul3A_412 : i32
          %add3A_414 = arith.constant 32 : i32
          %add3A_415 = arith.addi %add3A_413, %add3A_414 : i32
          %add3A_416 = vector.broadcast %add3A_415 : i32 to vector<16xi32>
          %add3A_417 = arith.addi %add3A_416, %iota3A : vector<16xi32>
          %ge3A_418 = vector.broadcast %max3A_218 : i32 to vector<16xi32>
          %ge3A_419 = arith.cmpi sge, %add3A_417, %ge3A_418 : vector<16xi32>
          %lt3A_420 = vector.broadcast %scan3A_51#2 : i32 to vector<16xi32>
          %lt3A_421 = arith.cmpi slt, %add3A_417, %lt3A_420 : vector<16xi32>
          %and3A_422 = arith.andi %ge3A_419, %lt3A_421 : vector<16xi1>
          tpu.vector_store_idx %arg13[%or3A_408], %broadcast_in_dim3A_1 masked %and3A_422 {add = true} : memref<32768xf32, #tpu.memory_space<vmem>>[vector<16xi32>], vector<16xf32>, vector<16xi1>
          %mul3A_423 = arith.constant 16 : i32
          %mul3A_424 = arith.muli %scan3A_332, %mul3A_423 : i32
          %mul3A_425 = arith.constant 16 : i32
          %mul3A_426 = arith.muli %mul3A_424, %mul3A_425 : i32
          %add3A_427 = arith.constant 48 : i32
          %add3A_428 = arith.addi %mul3A_426, %add3A_427 : i32
          %get3A_429 = arith.index_cast %add3A_428 : i32 to index
          %get3A_430 = tpu.vector_load %arg6[%get3A_429] {strides = array<i32>} : memref<8192xi32, #tpu.memory_space<vmem>>, vector<16xi32>,
          %and3A_431 = arith.constant 255 : i32
          %and3A_432 = vector.broadcast %and3A_431 : i32 to vector<16xi32>
          %and3A_433 = arith.andi %get3A_430, %and3A_432 : vector<16xi32>
          %shift_left3A_434 = arith.constant 7 : i32
          %shift_left3A_435 = vector.broadcast %shift_left3A_434 : i32 to vector<16xi32>
          %shift_left3A_436 = arith.shli %and3A_433, %shift_left3A_435 : vector<16xi32>
          %get3A_437 = arith.index_cast %add3A_428 : i32 to index
          %get3A_438 = tpu.vector_load %arg10[%get3A_437] {strides = array<i32>} : memref<8192xi32, #tpu.memory_space<vmem>>, vector<16xi32>,
          %or3A_439 = arith.ori %shift_left3A_436, %get3A_438 : vector<16xi32>
          %mul3A_440 = arith.constant 16 : i32
          %mul3A_441 = arith.muli %scan3A_332, %mul3A_440 : i32
          %mul3A_442 = arith.constant 16 : i32
          %mul3A_443 = arith.muli %mul3A_441, %mul3A_442 : i32
          %add3A_444 = arith.addi %multiple_of3A_214, %mul3A_443 : i32
          %add3A_445 = arith.constant 48 : i32
          %add3A_446 = arith.addi %add3A_444, %add3A_445 : i32
          %add3A_447 = vector.broadcast %add3A_446 : i32 to vector<16xi32>
          %add3A_448 = arith.addi %add3A_447, %iota3A : vector<16xi32>
          %ge3A_449 = vector.broadcast %max3A_218 : i32 to vector<16xi32>
          %ge3A_450 = arith.cmpi sge, %add3A_448, %ge3A_449 : vector<16xi32>
          %lt3A_451 = vector.broadcast %scan3A_51#2 : i32 to vector<16xi32>
          %lt3A_452 = arith.cmpi slt, %add3A_448, %lt3A_451 : vector<16xi32>
          %and3A_453 = arith.andi %ge3A_450, %lt3A_452 : vector<16xi1>
          tpu.vector_store_idx %arg13[%or3A_439], %broadcast_in_dim3A_1 masked %and3A_453 {add = true} : memref<32768xf32, #tpu.memory_space<vmem>>[vector<16xi32>], vector<16xf32>, vector<16xi1>
          %mul3A_454 = arith.constant 16 : i32
          %mul3A_455 = arith.muli %scan3A_332, %mul3A_454 : i32
          %mul3A_456 = arith.constant 16 : i32
          %mul3A_457 = arith.muli %mul3A_455, %mul3A_456 : i32
          %add3A_458 = arith.constant 64 : i32
          %add3A_459 = arith.addi %mul3A_457, %add3A_458 : i32
          %get3A_460 = arith.index_cast %add3A_459 : i32 to index
          %get3A_461 = tpu.vector_load %arg6[%get3A_460] {strides = array<i32>} : memref<8192xi32, #tpu.memory_space<vmem>>, vector<16xi32>,
          %and3A_462 = arith.constant 255 : i32
          %and3A_463 = vector.broadcast %and3A_462 : i32 to vector<16xi32>
          %and3A_464 = arith.andi %get3A_461, %and3A_463 : vector<16xi32>
          %shift_left3A_465 = arith.constant 7 : i32
          %shift_left3A_466 = vector.broadcast %shift_left3A_465 : i32 to vector<16xi32>
          %shift_left3A_467 = arith.shli %and3A_464, %shift_left3A_466 : vector<16xi32>
          %get3A_468 = arith.index_cast %add3A_459 : i32 to index
          %get3A_469 = tpu.vector_load %arg10[%get3A_468] {strides = array<i32>} : memref<8192xi32, #tpu.memory_space<vmem>>, vector<16xi32>,
          %or3A_470 = arith.ori %shift_left3A_467, %get3A_469 : vector<16xi32>
          %mul3A_471 = arith.constant 16 : i32
          %mul3A_472 = arith.muli %scan3A_332, %mul3A_471 : i32
          %mul3A_473 = arith.constant 16 : i32
          %mul3A_474 = arith.muli %mul3A_472, %mul3A_473 : i32
          %add3A_475 = arith.addi %multiple_of3A_214, %mul3A_474 : i32
          %add3A_476 = arith.constant 64 : i32
          %add3A_477 = arith.addi %add3A_475, %add3A_476 : i32
          %add3A_478 = vector.broadcast %add3A_477 : i32 to vector<16xi32>
          %add3A_479 = arith.addi %add3A_478, %iota3A : vector<16xi32>
          %ge3A_480 = vector.broadcast %max3A_218 : i32 to vector<16xi32>
          %ge3A_481 = arith.cmpi sge, %add3A_479, %ge3A_480 : vector<16xi32>
          %lt3A_482 = vector.broadcast %scan3A_51#2 : i32 to vector<16xi32>
          %lt3A_483 = arith.cmpi slt, %add3A_479, %lt3A_482 : vector<16xi32>
          %and3A_484 = arith.andi %ge3A_481, %lt3A_483 : vector<16xi1>
          tpu.vector_store_idx %arg13[%or3A_470], %broadcast_in_dim3A_1 masked %and3A_484 {add = true} : memref<32768xf32, #tpu.memory_space<vmem>>[vector<16xi32>], vector<16xf32>, vector<16xi1>
          %mul3A_485 = arith.constant 16 : i32
          %mul3A_486 = arith.muli %scan3A_332, %mul3A_485 : i32
          %mul3A_487 = arith.constant 16 : i32
          %mul3A_488 = arith.muli %mul3A_486, %mul3A_487 : i32
          %add3A_489 = arith.constant 80 : i32
          %add3A_490 = arith.addi %mul3A_488, %add3A_489 : i32
          %get3A_491 = arith.index_cast %add3A_490 : i32 to index
          %get3A_492 = tpu.vector_load %arg6[%get3A_491] {strides = array<i32>} : memref<8192xi32, #tpu.memory_space<vmem>>, vector<16xi32>,
          %and3A_493 = arith.constant 255 : i32
          %and3A_494 = vector.broadcast %and3A_493 : i32 to vector<16xi32>
          %and3A_495 = arith.andi %get3A_492, %and3A_494 : vector<16xi32>
          %shift_left3A_496 = arith.constant 7 : i32
          %shift_left3A_497 = vector.broadcast %shift_left3A_496 : i32 to vector<16xi32>
          %shift_left3A_498 = arith.shli %and3A_495, %shift_left3A_497 : vector<16xi32>
          %get3A_499 = arith.index_cast %add3A_490 : i32 to index
          %get3A_500 = tpu.vector_load %arg10[%get3A_499] {strides = array<i32>} : memref<8192xi32, #tpu.memory_space<vmem>>, vector<16xi32>,
          %or3A_501 = arith.ori %shift_left3A_498, %get3A_500 : vector<16xi32>
          %mul3A_502 = arith.constant 16 : i32
          %mul3A_503 = arith.muli %scan3A_332, %mul3A_502 : i32
          %mul3A_504 = arith.constant 16 : i32
          %mul3A_505 = arith.muli %mul3A_503, %mul3A_504 : i32
          %add3A_506 = arith.addi %multiple_of3A_214, %mul3A_505 : i32
          %add3A_507 = arith.constant 80 : i32
          %add3A_508 = arith.addi %add3A_506, %add3A_507 : i32
          %add3A_509 = vector.broadcast %add3A_508 : i32 to vector<16xi32>
          %add3A_510 = arith.addi %add3A_509, %iota3A : vector<16xi32>
          %ge3A_511 = vector.broadcast %max3A_218 : i32 to vector<16xi32>
          %ge3A_512 = arith.cmpi sge, %add3A_510, %ge3A_511 : vector<16xi32>
          %lt3A_513 = vector.broadcast %scan3A_51#2 : i32 to vector<16xi32>
          %lt3A_514 = arith.cmpi slt, %add3A_510, %lt3A_513 : vector<16xi32>
          %and3A_515 = arith.andi %ge3A_512, %lt3A_514 : vector<16xi1>
          tpu.vector_store_idx %arg13[%or3A_501], %broadcast_in_dim3A_1 masked %and3A_515 {add = true} : memref<32768xf32, #tpu.memory_space<vmem>>[vector<16xi32>], vector<16xf32>, vector<16xi1>
          %mul3A_516 = arith.constant 16 : i32
          %mul3A_517 = arith.muli %scan3A_332, %mul3A_516 : i32
          %mul3A_518 = arith.constant 16 : i32
          %mul3A_519 = arith.muli %mul3A_517, %mul3A_518 : i32
          %add3A_520 = arith.constant 96 : i32
          %add3A_521 = arith.addi %mul3A_519, %add3A_520 : i32
          %get3A_522 = arith.index_cast %add3A_521 : i32 to index
          %get3A_523 = tpu.vector_load %arg6[%get3A_522] {strides = array<i32>} : memref<8192xi32, #tpu.memory_space<vmem>>, vector<16xi32>,
          %and3A_524 = arith.constant 255 : i32
          %and3A_525 = vector.broadcast %and3A_524 : i32 to vector<16xi32>
          %and3A_526 = arith.andi %get3A_523, %and3A_525 : vector<16xi32>
          %shift_left3A_527 = arith.constant 7 : i32
          %shift_left3A_528 = vector.broadcast %shift_left3A_527 : i32 to vector<16xi32>
          %shift_left3A_529 = arith.shli %and3A_526, %shift_left3A_528 : vector<16xi32>
          %get3A_530 = arith.index_cast %add3A_521 : i32 to index
          %get3A_531 = tpu.vector_load %arg10[%get3A_530] {strides = array<i32>} : memref<8192xi32, #tpu.memory_space<vmem>>, vector<16xi32>,
          %or3A_532 = arith.ori %shift_left3A_529, %get3A_531 : vector<16xi32>
          %mul3A_533 = arith.constant 16 : i32
          %mul3A_534 = arith.muli %scan3A_332, %mul3A_533 : i32
          %mul3A_535 = arith.constant 16 : i32
          %mul3A_536 = arith.muli %mul3A_534, %mul3A_535 : i32
          %add3A_537 = arith.addi %multiple_of3A_214, %mul3A_536 : i32
          %add3A_538 = arith.constant 96 : i32
          %add3A_539 = arith.addi %add3A_537, %add3A_538 : i32
          %add3A_540 = vector.broadcast %add3A_539 : i32 to vector<16xi32>
          %add3A_541 = arith.addi %add3A_540, %iota3A : vector<16xi32>
          %ge3A_542 = vector.broadcast %max3A_218 : i32 to vector<16xi32>
          %ge3A_543 = arith.cmpi sge, %add3A_541, %ge3A_542 : vector<16xi32>
          %lt3A_544 = vector.broadcast %scan3A_51#2 : i32 to vector<16xi32>
          %lt3A_545 = arith.cmpi slt, %add3A_541, %lt3A_544 : vector<16xi32>
          %and3A_546 = arith.andi %ge3A_543, %lt3A_545 : vector<16xi1>
          tpu.vector_store_idx %arg13[%or3A_532], %broadcast_in_dim3A_1 masked %and3A_546 {add = true} : memref<32768xf32, #tpu.memory_space<vmem>>[vector<16xi32>], vector<16xf32>, vector<16xi1>
          %mul3A_547 = arith.constant 16 : i32
          %mul3A_548 = arith.muli %scan3A_332, %mul3A_547 : i32
          %mul3A_549 = arith.constant 16 : i32
          %mul3A_550 = arith.muli %mul3A_548, %mul3A_549 : i32
          %add3A_551 = arith.constant 112 : i32
          %add3A_552 = arith.addi %mul3A_550, %add3A_551 : i32
          %get3A_553 = arith.index_cast %add3A_552 : i32 to index
          %get3A_554 = tpu.vector_load %arg6[%get3A_553] {strides = array<i32>} : memref<8192xi32, #tpu.memory_space<vmem>>, vector<16xi32>,
          %and3A_555 = arith.constant 255 : i32
          %and3A_556 = vector.broadcast %and3A_555 : i32 to vector<16xi32>
          %and3A_557 = arith.andi %get3A_554, %and3A_556 : vector<16xi32>
          %shift_left3A_558 = arith.constant 7 : i32
          %shift_left3A_559 = vector.broadcast %shift_left3A_558 : i32 to vector<16xi32>
          %shift_left3A_560 = arith.shli %and3A_557, %shift_left3A_559 : vector<16xi32>
          %get3A_561 = arith.index_cast %add3A_552 : i32 to index
          %get3A_562 = tpu.vector_load %arg10[%get3A_561] {strides = array<i32>} : memref<8192xi32, #tpu.memory_space<vmem>>, vector<16xi32>,
          %or3A_563 = arith.ori %shift_left3A_560, %get3A_562 : vector<16xi32>
          %mul3A_564 = arith.constant 16 : i32
          %mul3A_565 = arith.muli %scan3A_332, %mul3A_564 : i32
          %mul3A_566 = arith.constant 16 : i32
          %mul3A_567 = arith.muli %mul3A_565, %mul3A_566 : i32
          %add3A_568 = arith.addi %multiple_of3A_214, %mul3A_567 : i32
          %add3A_569 = arith.constant 112 : i32
          %add3A_570 = arith.addi %add3A_568, %add3A_569 : i32
          %add3A_571 = vector.broadcast %add3A_570 : i32 to vector<16xi32>
          %add3A_572 = arith.addi %add3A_571, %iota3A : vector<16xi32>
          %ge3A_573 = vector.broadcast %max3A_218 : i32 to vector<16xi32>
          %ge3A_574 = arith.cmpi sge, %add3A_572, %ge3A_573 : vector<16xi32>
          %lt3A_575 = vector.broadcast %scan3A_51#2 : i32 to vector<16xi32>
          %lt3A_576 = arith.cmpi slt, %add3A_572, %lt3A_575 : vector<16xi32>
          %and3A_577 = arith.andi %ge3A_574, %lt3A_576 : vector<16xi1>
          tpu.vector_store_idx %arg13[%or3A_563], %broadcast_in_dim3A_1 masked %and3A_577 {add = true} : memref<32768xf32, #tpu.memory_space<vmem>>[vector<16xi32>], vector<16xf32>, vector<16xi1>
          %mul3A_578 = arith.constant 16 : i32
          %mul3A_579 = arith.muli %scan3A_332, %mul3A_578 : i32
          %mul3A_580 = arith.constant 16 : i32
          %mul3A_581 = arith.muli %mul3A_579, %mul3A_580 : i32
          %add3A_582 = arith.constant 128 : i32
          %add3A_583 = arith.addi %mul3A_581, %add3A_582 : i32
          %get3A_584 = arith.index_cast %add3A_583 : i32 to index
          %get3A_585 = tpu.vector_load %arg6[%get3A_584] {strides = array<i32>} : memref<8192xi32, #tpu.memory_space<vmem>>, vector<16xi32>,
          %and3A_586 = arith.constant 255 : i32
          %and3A_587 = vector.broadcast %and3A_586 : i32 to vector<16xi32>
          %and3A_588 = arith.andi %get3A_585, %and3A_587 : vector<16xi32>
          %shift_left3A_589 = arith.constant 7 : i32
          %shift_left3A_590 = vector.broadcast %shift_left3A_589 : i32 to vector<16xi32>
          %shift_left3A_591 = arith.shli %and3A_588, %shift_left3A_590 : vector<16xi32>
          %get3A_592 = arith.index_cast %add3A_583 : i32 to index
          %get3A_593 = tpu.vector_load %arg10[%get3A_592] {strides = array<i32>} : memref<8192xi32, #tpu.memory_space<vmem>>, vector<16xi32>,
          %or3A_594 = arith.ori %shift_left3A_591, %get3A_593 : vector<16xi32>
          %mul3A_595 = arith.constant 16 : i32
          %mul3A_596 = arith.muli %scan3A_332, %mul3A_595 : i32
          %mul3A_597 = arith.constant 16 : i32
          %mul3A_598 = arith.muli %mul3A_596, %mul3A_597 : i32
          %add3A_599 = arith.addi %multiple_of3A_214, %mul3A_598 : i32
          %add3A_600 = arith.constant 128 : i32
          %add3A_601 = arith.addi %add3A_599, %add3A_600 : i32
          %add3A_602 = vector.broadcast %add3A_601 : i32 to vector<16xi32>
          %add3A_603 = arith.addi %add3A_602, %iota3A : vector<16xi32>
          %ge3A_604 = vector.broadcast %max3A_218 : i32 to vector<16xi32>
          %ge3A_605 = arith.cmpi sge, %add3A_603, %ge3A_604 : vector<16xi32>
          %lt3A_606 = vector.broadcast %scan3A_51#2 : i32 to vector<16xi32>
          %lt3A_607 = arith.cmpi slt, %add3A_603, %lt3A_606 : vector<16xi32>
          %and3A_608 = arith.andi %ge3A_605, %lt3A_607 : vector<16xi1>
          tpu.vector_store_idx %arg13[%or3A_594], %broadcast_in_dim3A_1 masked %and3A_608 {add = true} : memref<32768xf32, #tpu.memory_space<vmem>>[vector<16xi32>], vector<16xf32>, vector<16xi1>
          %mul3A_609 = arith.constant 16 : i32
          %mul3A_610 = arith.muli %scan3A_332, %mul3A_609 : i32
          %mul3A_611 = arith.constant 16 : i32
          %mul3A_612 = arith.muli %mul3A_610, %mul3A_611 : i32
          %add3A_613 = arith.constant 144 : i32
          %add3A_614 = arith.addi %mul3A_612, %add3A_613 : i32
          %get3A_615 = arith.index_cast %add3A_614 : i32 to index
          %get3A_616 = tpu.vector_load %arg6[%get3A_615] {strides = array<i32>} : memref<8192xi32, #tpu.memory_space<vmem>>, vector<16xi32>,
          %and3A_617 = arith.constant 255 : i32
          %and3A_618 = vector.broadcast %and3A_617 : i32 to vector<16xi32>
          %and3A_619 = arith.andi %get3A_616, %and3A_618 : vector<16xi32>
          %shift_left3A_620 = arith.constant 7 : i32
          %shift_left3A_621 = vector.broadcast %shift_left3A_620 : i32 to vector<16xi32>
          %shift_left3A_622 = arith.shli %and3A_619, %shift_left3A_621 : vector<16xi32>
          %get3A_623 = arith.index_cast %add3A_614 : i32 to index
          %get3A_624 = tpu.vector_load %arg10[%get3A_623] {strides = array<i32>} : memref<8192xi32, #tpu.memory_space<vmem>>, vector<16xi32>,
          %or3A_625 = arith.ori %shift_left3A_622, %get3A_624 : vector<16xi32>
          %mul3A_626 = arith.constant 16 : i32
          %mul3A_627 = arith.muli %scan3A_332, %mul3A_626 : i32
          %mul3A_628 = arith.constant 16 : i32
          %mul3A_629 = arith.muli %mul3A_627, %mul3A_628 : i32
          %add3A_630 = arith.addi %multiple_of3A_214, %mul3A_629 : i32
          %add3A_631 = arith.constant 144 : i32
          %add3A_632 = arith.addi %add3A_630, %add3A_631 : i32
          %add3A_633 = vector.broadcast %add3A_632 : i32 to vector<16xi32>
          %add3A_634 = arith.addi %add3A_633, %iota3A : vector<16xi32>
          %ge3A_635 = vector.broadcast %max3A_218 : i32 to vector<16xi32>
          %ge3A_636 = arith.cmpi sge, %add3A_634, %ge3A_635 : vector<16xi32>
          %lt3A_637 = vector.broadcast %scan3A_51#2 : i32 to vector<16xi32>
          %lt3A_638 = arith.cmpi slt, %add3A_634, %lt3A_637 : vector<16xi32>
          %and3A_639 = arith.andi %ge3A_636, %lt3A_638 : vector<16xi1>
          tpu.vector_store_idx %arg13[%or3A_625], %broadcast_in_dim3A_1 masked %and3A_639 {add = true} : memref<32768xf32, #tpu.memory_space<vmem>>[vector<16xi32>], vector<16xf32>, vector<16xi1>
          %mul3A_640 = arith.constant 16 : i32
          %mul3A_641 = arith.muli %scan3A_332, %mul3A_640 : i32
          %mul3A_642 = arith.constant 16 : i32
          %mul3A_643 = arith.muli %mul3A_641, %mul3A_642 : i32
          %add3A_644 = arith.constant 160 : i32
          %add3A_645 = arith.addi %mul3A_643, %add3A_644 : i32
          %get3A_646 = arith.index_cast %add3A_645 : i32 to index
          %get3A_647 = tpu.vector_load %arg6[%get3A_646] {strides = array<i32>} : memref<8192xi32, #tpu.memory_space<vmem>>, vector<16xi32>,
          %and3A_648 = arith.constant 255 : i32
          %and3A_649 = vector.broadcast %and3A_648 : i32 to vector<16xi32>
          %and3A_650 = arith.andi %get3A_647, %and3A_649 : vector<16xi32>
          %shift_left3A_651 = arith.constant 7 : i32
          %shift_left3A_652 = vector.broadcast %shift_left3A_651 : i32 to vector<16xi32>
          %shift_left3A_653 = arith.shli %and3A_650, %shift_left3A_652 : vector<16xi32>
          %get3A_654 = arith.index_cast %add3A_645 : i32 to index
          %get3A_655 = tpu.vector_load %arg10[%get3A_654] {strides = array<i32>} : memref<8192xi32, #tpu.memory_space<vmem>>, vector<16xi32>,
          %or3A_656 = arith.ori %shift_left3A_653, %get3A_655 : vector<16xi32>
          %mul3A_657 = arith.constant 16 : i32
          %mul3A_658 = arith.muli %scan3A_332, %mul3A_657 : i32
          %mul3A_659 = arith.constant 16 : i32
          %mul3A_660 = arith.muli %mul3A_658, %mul3A_659 : i32
          %add3A_661 = arith.addi %multiple_of3A_214, %mul3A_660 : i32
          %add3A_662 = arith.constant 160 : i32
          %add3A_663 = arith.addi %add3A_661, %add3A_662 : i32
          %add3A_664 = vector.broadcast %add3A_663 : i32 to vector<16xi32>
          %add3A_665 = arith.addi %add3A_664, %iota3A : vector<16xi32>
          %ge3A_666 = vector.broadcast %max3A_218 : i32 to vector<16xi32>
          %ge3A_667 = arith.cmpi sge, %add3A_665, %ge3A_666 : vector<16xi32>
          %lt3A_668 = vector.broadcast %scan3A_51#2 : i32 to vector<16xi32>
          %lt3A_669 = arith.cmpi slt, %add3A_665, %lt3A_668 : vector<16xi32>
          %and3A_670 = arith.andi %ge3A_667, %lt3A_669 : vector<16xi1>
          tpu.vector_store_idx %arg13[%or3A_656], %broadcast_in_dim3A_1 masked %and3A_670 {add = true} : memref<32768xf32, #tpu.memory_space<vmem>>[vector<16xi32>], vector<16xf32>, vector<16xi1>
          %mul3A_671 = arith.constant 16 : i32
          %mul3A_672 = arith.muli %scan3A_332, %mul3A_671 : i32
          %mul3A_673 = arith.constant 16 : i32
          %mul3A_674 = arith.muli %mul3A_672, %mul3A_673 : i32
          %add3A_675 = arith.constant 176 : i32
          %add3A_676 = arith.addi %mul3A_674, %add3A_675 : i32
          %get3A_677 = arith.index_cast %add3A_676 : i32 to index
          %get3A_678 = tpu.vector_load %arg6[%get3A_677] {strides = array<i32>} : memref<8192xi32, #tpu.memory_space<vmem>>, vector<16xi32>,
          %and3A_679 = arith.constant 255 : i32
          %and3A_680 = vector.broadcast %and3A_679 : i32 to vector<16xi32>
          %and3A_681 = arith.andi %get3A_678, %and3A_680 : vector<16xi32>
          %shift_left3A_682 = arith.constant 7 : i32
          %shift_left3A_683 = vector.broadcast %shift_left3A_682 : i32 to vector<16xi32>
          %shift_left3A_684 = arith.shli %and3A_681, %shift_left3A_683 : vector<16xi32>
          %get3A_685 = arith.index_cast %add3A_676 : i32 to index
          %get3A_686 = tpu.vector_load %arg10[%get3A_685] {strides = array<i32>} : memref<8192xi32, #tpu.memory_space<vmem>>, vector<16xi32>,
          %or3A_687 = arith.ori %shift_left3A_684, %get3A_686 : vector<16xi32>
          %mul3A_688 = arith.constant 16 : i32
          %mul3A_689 = arith.muli %scan3A_332, %mul3A_688 : i32
          %mul3A_690 = arith.constant 16 : i32
          %mul3A_691 = arith.muli %mul3A_689, %mul3A_690 : i32
          %add3A_692 = arith.addi %multiple_of3A_214, %mul3A_691 : i32
          %add3A_693 = arith.constant 176 : i32
          %add3A_694 = arith.addi %add3A_692, %add3A_693 : i32
          %add3A_695 = vector.broadcast %add3A_694 : i32 to vector<16xi32>
          %add3A_696 = arith.addi %add3A_695, %iota3A : vector<16xi32>
          %ge3A_697 = vector.broadcast %max3A_218 : i32 to vector<16xi32>
          %ge3A_698 = arith.cmpi sge, %add3A_696, %ge3A_697 : vector<16xi32>
          %lt3A_699 = vector.broadcast %scan3A_51#2 : i32 to vector<16xi32>
          %lt3A_700 = arith.cmpi slt, %add3A_696, %lt3A_699 : vector<16xi32>
          %and3A_701 = arith.andi %ge3A_698, %lt3A_700 : vector<16xi1>
          tpu.vector_store_idx %arg13[%or3A_687], %broadcast_in_dim3A_1 masked %and3A_701 {add = true} : memref<32768xf32, #tpu.memory_space<vmem>>[vector<16xi32>], vector<16xf32>, vector<16xi1>
          %mul3A_702 = arith.constant 16 : i32
          %mul3A_703 = arith.muli %scan3A_332, %mul3A_702 : i32
          %mul3A_704 = arith.constant 16 : i32
          %mul3A_705 = arith.muli %mul3A_703, %mul3A_704 : i32
          %add3A_706 = arith.constant 192 : i32
          %add3A_707 = arith.addi %mul3A_705, %add3A_706 : i32
          %get3A_708 = arith.index_cast %add3A_707 : i32 to index
          %get3A_709 = tpu.vector_load %arg6[%get3A_708] {strides = array<i32>} : memref<8192xi32, #tpu.memory_space<vmem>>, vector<16xi32>,
          %and3A_710 = arith.constant 255 : i32
          %and3A_711 = vector.broadcast %and3A_710 : i32 to vector<16xi32>
          %and3A_712 = arith.andi %get3A_709, %and3A_711 : vector<16xi32>
          %shift_left3A_713 = arith.constant 7 : i32
          %shift_left3A_714 = vector.broadcast %shift_left3A_713 : i32 to vector<16xi32>
          %shift_left3A_715 = arith.shli %and3A_712, %shift_left3A_714 : vector<16xi32>
          %get3A_716 = arith.index_cast %add3A_707 : i32 to index
          %get3A_717 = tpu.vector_load %arg10[%get3A_716] {strides = array<i32>} : memref<8192xi32, #tpu.memory_space<vmem>>, vector<16xi32>,
          %or3A_718 = arith.ori %shift_left3A_715, %get3A_717 : vector<16xi32>
          %mul3A_719 = arith.constant 16 : i32
          %mul3A_720 = arith.muli %scan3A_332, %mul3A_719 : i32
          %mul3A_721 = arith.constant 16 : i32
          %mul3A_722 = arith.muli %mul3A_720, %mul3A_721 : i32
          %add3A_723 = arith.addi %multiple_of3A_214, %mul3A_722 : i32
          %add3A_724 = arith.constant 192 : i32
          %add3A_725 = arith.addi %add3A_723, %add3A_724 : i32
          %add3A_726 = vector.broadcast %add3A_725 : i32 to vector<16xi32>
          %add3A_727 = arith.addi %add3A_726, %iota3A : vector<16xi32>
          %ge3A_728 = vector.broadcast %max3A_218 : i32 to vector<16xi32>
          %ge3A_729 = arith.cmpi sge, %add3A_727, %ge3A_728 : vector<16xi32>
          %lt3A_730 = vector.broadcast %scan3A_51#2 : i32 to vector<16xi32>
          %lt3A_731 = arith.cmpi slt, %add3A_727, %lt3A_730 : vector<16xi32>
          %and3A_732 = arith.andi %ge3A_729, %lt3A_731 : vector<16xi1>
          tpu.vector_store_idx %arg13[%or3A_718], %broadcast_in_dim3A_1 masked %and3A_732 {add = true} : memref<32768xf32, #tpu.memory_space<vmem>>[vector<16xi32>], vector<16xf32>, vector<16xi1>
          %mul3A_733 = arith.constant 16 : i32
          %mul3A_734 = arith.muli %scan3A_332, %mul3A_733 : i32
          %mul3A_735 = arith.constant 16 : i32
          %mul3A_736 = arith.muli %mul3A_734, %mul3A_735 : i32
          %add3A_737 = arith.constant 208 : i32
          %add3A_738 = arith.addi %mul3A_736, %add3A_737 : i32
          %get3A_739 = arith.index_cast %add3A_738 : i32 to index
          %get3A_740 = tpu.vector_load %arg6[%get3A_739] {strides = array<i32>} : memref<8192xi32, #tpu.memory_space<vmem>>, vector<16xi32>,
          %and3A_741 = arith.constant 255 : i32
          %and3A_742 = vector.broadcast %and3A_741 : i32 to vector<16xi32>
          %and3A_743 = arith.andi %get3A_740, %and3A_742 : vector<16xi32>
          %shift_left3A_744 = arith.constant 7 : i32
          %shift_left3A_745 = vector.broadcast %shift_left3A_744 : i32 to vector<16xi32>
          %shift_left3A_746 = arith.shli %and3A_743, %shift_left3A_745 : vector<16xi32>
          %get3A_747 = arith.index_cast %add3A_738 : i32 to index
          %get3A_748 = tpu.vector_load %arg10[%get3A_747] {strides = array<i32>} : memref<8192xi32, #tpu.memory_space<vmem>>, vector<16xi32>,
          %or3A_749 = arith.ori %shift_left3A_746, %get3A_748 : vector<16xi32>
          %mul3A_750 = arith.constant 16 : i32
          %mul3A_751 = arith.muli %scan3A_332, %mul3A_750 : i32
          %mul3A_752 = arith.constant 16 : i32
          %mul3A_753 = arith.muli %mul3A_751, %mul3A_752 : i32
          %add3A_754 = arith.addi %multiple_of3A_214, %mul3A_753 : i32
          %add3A_755 = arith.constant 208 : i32
          %add3A_756 = arith.addi %add3A_754, %add3A_755 : i32
          %add3A_757 = vector.broadcast %add3A_756 : i32 to vector<16xi32>
          %add3A_758 = arith.addi %add3A_757, %iota3A : vector<16xi32>
          %ge3A_759 = vector.broadcast %max3A_218 : i32 to vector<16xi32>
          %ge3A_760 = arith.cmpi sge, %add3A_758, %ge3A_759 : vector<16xi32>
          %lt3A_761 = vector.broadcast %scan3A_51#2 : i32 to vector<16xi32>
          %lt3A_762 = arith.cmpi slt, %add3A_758, %lt3A_761 : vector<16xi32>
          %and3A_763 = arith.andi %ge3A_760, %lt3A_762 : vector<16xi1>
          tpu.vector_store_idx %arg13[%or3A_749], %broadcast_in_dim3A_1 masked %and3A_763 {add = true} : memref<32768xf32, #tpu.memory_space<vmem>>[vector<16xi32>], vector<16xf32>, vector<16xi1>
          %mul3A_764 = arith.constant 16 : i32
          %mul3A_765 = arith.muli %scan3A_332, %mul3A_764 : i32
          %mul3A_766 = arith.constant 16 : i32
          %mul3A_767 = arith.muli %mul3A_765, %mul3A_766 : i32
          %add3A_768 = arith.constant 224 : i32
          %add3A_769 = arith.addi %mul3A_767, %add3A_768 : i32
          %get3A_770 = arith.index_cast %add3A_769 : i32 to index
          %get3A_771 = tpu.vector_load %arg6[%get3A_770] {strides = array<i32>} : memref<8192xi32, #tpu.memory_space<vmem>>, vector<16xi32>,
          %and3A_772 = arith.constant 255 : i32
          %and3A_773 = vector.broadcast %and3A_772 : i32 to vector<16xi32>
          %and3A_774 = arith.andi %get3A_771, %and3A_773 : vector<16xi32>
          %shift_left3A_775 = arith.constant 7 : i32
          %shift_left3A_776 = vector.broadcast %shift_left3A_775 : i32 to vector<16xi32>
          %shift_left3A_777 = arith.shli %and3A_774, %shift_left3A_776 : vector<16xi32>
          %get3A_778 = arith.index_cast %add3A_769 : i32 to index
          %get3A_779 = tpu.vector_load %arg10[%get3A_778] {strides = array<i32>} : memref<8192xi32, #tpu.memory_space<vmem>>, vector<16xi32>,
          %or3A_780 = arith.ori %shift_left3A_777, %get3A_779 : vector<16xi32>
          %mul3A_781 = arith.constant 16 : i32
          %mul3A_782 = arith.muli %scan3A_332, %mul3A_781 : i32
          %mul3A_783 = arith.constant 16 : i32
          %mul3A_784 = arith.muli %mul3A_782, %mul3A_783 : i32
          %add3A_785 = arith.addi %multiple_of3A_214, %mul3A_784 : i32
          %add3A_786 = arith.constant 224 : i32
          %add3A_787 = arith.addi %add3A_785, %add3A_786 : i32
          %add3A_788 = vector.broadcast %add3A_787 : i32 to vector<16xi32>
          %add3A_789 = arith.addi %add3A_788, %iota3A : vector<16xi32>
          %ge3A_790 = vector.broadcast %max3A_218 : i32 to vector<16xi32>
          %ge3A_791 = arith.cmpi sge, %add3A_789, %ge3A_790 : vector<16xi32>
          %lt3A_792 = vector.broadcast %scan3A_51#2 : i32 to vector<16xi32>
          %lt3A_793 = arith.cmpi slt, %add3A_789, %lt3A_792 : vector<16xi32>
          %and3A_794 = arith.andi %ge3A_791, %lt3A_793 : vector<16xi1>
          tpu.vector_store_idx %arg13[%or3A_780], %broadcast_in_dim3A_1 masked %and3A_794 {add = true} : memref<32768xf32, #tpu.memory_space<vmem>>[vector<16xi32>], vector<16xf32>, vector<16xi1>
          %mul3A_795 = arith.constant 16 : i32
          %mul3A_796 = arith.muli %scan3A_332, %mul3A_795 : i32
          %mul3A_797 = arith.constant 16 : i32
          %mul3A_798 = arith.muli %mul3A_796, %mul3A_797 : i32
          %add3A_799 = arith.constant 240 : i32
          %add3A_800 = arith.addi %mul3A_798, %add3A_799 : i32
          %get3A_801 = arith.index_cast %add3A_800 : i32 to index
          %get3A_802 = tpu.vector_load %arg6[%get3A_801] {strides = array<i32>} : memref<8192xi32, #tpu.memory_space<vmem>>, vector<16xi32>,
          %and3A_803 = arith.constant 255 : i32
          %and3A_804 = vector.broadcast %and3A_803 : i32 to vector<16xi32>
          %and3A_805 = arith.andi %get3A_802, %and3A_804 : vector<16xi32>
          %shift_left3A_806 = arith.constant 7 : i32
          %shift_left3A_807 = vector.broadcast %shift_left3A_806 : i32 to vector<16xi32>
          %shift_left3A_808 = arith.shli %and3A_805, %shift_left3A_807 : vector<16xi32>
          %get3A_809 = arith.index_cast %add3A_800 : i32 to index
          %get3A_810 = tpu.vector_load %arg10[%get3A_809] {strides = array<i32>} : memref<8192xi32, #tpu.memory_space<vmem>>, vector<16xi32>,
          %or3A_811 = arith.ori %shift_left3A_808, %get3A_810 : vector<16xi32>
          %mul3A_812 = arith.constant 16 : i32
          %mul3A_813 = arith.muli %scan3A_332, %mul3A_812 : i32
          %mul3A_814 = arith.constant 16 : i32
          %mul3A_815 = arith.muli %mul3A_813, %mul3A_814 : i32
          %add3A_816 = arith.addi %multiple_of3A_214, %mul3A_815 : i32
          %add3A_817 = arith.constant 240 : i32
          %add3A_818 = arith.addi %add3A_816, %add3A_817 : i32
          %add3A_819 = vector.broadcast %add3A_818 : i32 to vector<16xi32>
          %add3A_820 = arith.addi %add3A_819, %iota3A : vector<16xi32>
          %ge3A_821 = vector.broadcast %max3A_218 : i32 to vector<16xi32>
          %ge3A_822 = arith.cmpi sge, %add3A_820, %ge3A_821 : vector<16xi32>
          %lt3A_823 = vector.broadcast %scan3A_51#2 : i32 to vector<16xi32>
          %lt3A_824 = arith.cmpi slt, %add3A_820, %lt3A_823 : vector<16xi32>
          %and3A_825 = arith.andi %ge3A_822, %lt3A_824 : vector<16xi1>
          tpu.vector_store_idx %arg13[%or3A_811], %broadcast_in_dim3A_1 masked %and3A_825 {add = true} : memref<32768xf32, #tpu.memory_space<vmem>>[vector<16xi32>], vector<16xf32>, vector<16xi1>
        }
        %scan3A_331 = arith.constant 32 : i32
      } else {
        %parallel_loop3A = arith.constant 0 : i32
        %parallel_loop3A_326 = arith.constant 512 : i32
        %parallel_loop3A_327 = arith.constant 1 : i32
        scf.for %parallel_loop3A_328 = %parallel_loop3A to %parallel_loop3A_326 step %parallel_loop3A_327  : i32 {
          %parallel_loop3A_329 = arith.constant 16 : i32
          %parallel_loop3A_330 = arith.muli %parallel_loop3A_328, %parallel_loop3A_329 : i32
          %parallel_loop3A_331 = arith.index_cast %parallel_loop3A_330 : i32 to index
          %parallel_loop3A_332 = tpu.vector_load %arg6[%parallel_loop3A_331] {strides = array<i32>} : memref<8192xi32, #tpu.memory_space<vmem>>, vector<16xi32>,
          %parallel_loop3A_333 = arith.constant 255 : i32
          %parallel_loop3A_334 = vector.broadcast %parallel_loop3A_333 : i32 to vector<16xi32>
          %parallel_loop3A_335 = arith.andi %parallel_loop3A_332, %parallel_loop3A_334 : vector<16xi32>
          %parallel_loop3A_336 = arith.constant 7 : i32
          %parallel_loop3A_337 = vector.broadcast %parallel_loop3A_336 : i32 to vector<16xi32>
          %parallel_loop3A_338 = arith.shli %parallel_loop3A_335, %parallel_loop3A_337 : vector<16xi32>
          %parallel_loop3A_339 = arith.index_cast %parallel_loop3A_330 : i32 to index
          %parallel_loop3A_340 = tpu.vector_load %arg10[%parallel_loop3A_339] {strides = array<i32>} : memref<8192xi32, #tpu.memory_space<vmem>>, vector<16xi32>,
          %parallel_loop3A_341 = arith.ori %parallel_loop3A_338, %parallel_loop3A_340 : vector<16xi32>
          tpu.vector_store_idx %arg13[%parallel_loop3A_341], %broadcast_in_dim3A_1 {add = true} : memref<32768xf32, #tpu.memory_space<vmem>>[vector<16xi32>], vector<16xf32>,
        } {sc.loop_unroll_factor = 16 : i64, sc.parallel_access}
      }
      %add3A_228 = arith.constant 4 : i32
      %add3A_229 = arith.addi %add3A_200, %add3A_228 : i32
      %mul3A_230 = arith.constant 8192 : i32
      %mul3A_231 = arith.muli %add3A_229, %mul3A_230 : i32
      %add3A_232 = arith.addi %and3A_54, %mul3A_231 : i32
      %min3A_233 = arith.constant 3991808 : i32
      %min3A_234 = arith.minsi %add3A_232, %min3A_233 : i32
      %multiple_of3A_235 = tpu.assume_multiple %min3A_234, 8 : i32
      %dma_start3A_236 = tpu.memref_slice %arg3[%multiple_of3A_235] : memref<4000000xi32, #tpu.memory_space<hbm>> -> memref<8192xi32, #tpu.memory_space<hbm>>
      %dma_start3A_237 = tpu.memref_slice %arg3[%multiple_of3A_235] : memref<4000000xi32, #tpu.memory_space<hbm>> -> memref<8192xi32, #tpu.memory_space<hbm>>
      tpu.enqueue_dma source(%dma_start3A_237 : memref<8192xi32, #tpu.memory_space<hbm>>) target(%arg6 : memref<8192xi32, #tpu.memory_space<vmem>>) target_semaphore(%arg17 : memref<!tpu.dma_semaphore, #tpu.memory_space<semaphore_mem>>)
      %dma_start3A_238 = tpu.memref_slice %arg2[%multiple_of3A_235] : memref<4000000xi32, #tpu.memory_space<hbm>> -> memref<8192xi32, #tpu.memory_space<hbm>>
      %dma_start3A_239 = tpu.memref_slice %arg2[%multiple_of3A_235] : memref<4000000xi32, #tpu.memory_space<hbm>> -> memref<8192xi32, #tpu.memory_space<hbm>>
      tpu.enqueue_dma source(%dma_start3A_239 : memref<8192xi32, #tpu.memory_space<hbm>>) target(%arg10 : memref<8192xi32, #tpu.memory_space<vmem>>) target_semaphore(%arg17 : memref<!tpu.dma_semaphore, #tpu.memory_space<semaphore_mem>>)
      %mul3A_240 = arith.constant 4 : i32
      %mul3A_241 = arith.muli %mul3A_240, %while3A_157 : i32
      %add3A_242 = arith.constant 2 : i32
      %add3A_243 = arith.addi %mul3A_241, %add3A_242 : i32
      %dma_wait3A_244 = arith.constant 0 : i32
      %dma_wait3A_245 = tpu.memref_slice %arg3[%dma_wait3A_244] : memref<4000000xi32, #tpu.memory_space<hbm>> -> memref<8192xi32, #tpu.memory_space<hbm>>
      %dma_wait3A_246 = arith.constant 0 : i32
      %dma_wait3A_247 = tpu.memref_slice %arg3[%dma_wait3A_246] : memref<4000000xi32, #tpu.memory_space<hbm>> -> memref<8192xi32, #tpu.memory_space<hbm>>
      tpu.wait_dma2 semaphore(%arg18 : memref<!tpu.dma_semaphore, #tpu.memory_space<semaphore_mem>>) src(%dma_wait3A_247 : memref<8192xi32, #tpu.memory_space<hbm>>) dst(%arg7 : memref<8192xi32, #tpu.memory_space<vmem>>)
      %dma_wait3A_248 = arith.constant 0 : i32
      %dma_wait3A_249 = tpu.memref_slice %arg2[%dma_wait3A_248] : memref<4000000xi32, #tpu.memory_space<hbm>> -> memref<8192xi32, #tpu.memory_space<hbm>>
      %dma_wait3A_250 = arith.constant 0 : i32
      %dma_wait3A_251 = tpu.memref_slice %arg2[%dma_wait3A_250] : memref<4000000xi32, #tpu.memory_space<hbm>> -> memref<8192xi32, #tpu.memory_space<hbm>>
      tpu.wait_dma2 semaphore(%arg18 : memref<!tpu.dma_semaphore, #tpu.memory_space<semaphore_mem>>) src(%dma_wait3A_251 : memref<8192xi32, #tpu.memory_space<hbm>>) dst(%arg11 : memref<8192xi32, #tpu.memory_space<vmem>>)
      %mul3A_252 = arith.constant 8192 : i32
      %mul3A_253 = arith.muli %add3A_243, %mul3A_252 : i32
      %add3A_254 = arith.addi %and3A_54, %mul3A_253 : i32
      %min3A_255 = arith.constant 3991808 : i32
      %min3A_256 = arith.minsi %add3A_254, %min3A_255 : i32
      %multiple_of3A_257 = tpu.assume_multiple %min3A_256, 8 : i32
      %mul3A_258 = arith.constant 8192 : i32
      %mul3A_259 = arith.muli %add3A_243, %mul3A_258 : i32
      %add3A_260 = arith.addi %and3A_54, %mul3A_259 : i32
      %max3A_261 = arith.maxsi %scan3A_51#0, %add3A_260 : i32
      %eq3A_262 = arith.constant 0 : i32
      %eq3A_263 = arith.cmpi eq, %add3A_243, %eq3A_262 : i32
      %sub3A_264 = arith.constant 1 : i32
      %sub3A_265 = arith.subi %select_n3A, %sub3A_264 : i32
      %ge3A_266 = arith.cmpi sge, %add3A_243, %sub3A_265 : i32
      %or3A_267 = arith.ori %eq3A_263, %ge3A_266 : i1
      %convert_element_type3A_268 = arith.extui %or3A_267 : i1 to i32
      %cond3A_269 = arith.constant 0 : i32
      %cond3A_270 = arith.cmpi ne, %convert_element_type3A_268, %cond3A_269 : i32
      scf.if %cond3A_270 {
        %scan3A_326 = arith.constant 0 : i32
        %scan3A_327 = arith.constant 0 : i32
        %scan3A_328 = arith.constant 32 : i32
        %scan3A_329 = arith.addi %scan3A_327, %scan3A_328 : i32
        %scan3A_330 = arith.constant 1 : i32
        scf.for %scan3A_332 = %scan3A_327 to %scan3A_329 step %scan3A_330  : i32 {
          %mul3A_333 = arith.constant 16 : i32
          %mul3A_334 = arith.muli %scan3A_332, %mul3A_333 : i32
          %mul3A_335 = arith.constant 16 : i32
          %mul3A_336 = arith.muli %mul3A_334, %mul3A_335 : i32
          %add3A_337 = arith.constant 0 : i32
          %add3A_338 = arith.addi %mul3A_336, %add3A_337 : i32
          %get3A = arith.index_cast %add3A_338 : i32 to index
          %get3A_339 = tpu.vector_load %arg7[%get3A] {strides = array<i32>} : memref<8192xi32, #tpu.memory_space<vmem>>, vector<16xi32>,
          %and3A_340 = arith.constant 255 : i32
          %and3A_341 = vector.broadcast %and3A_340 : i32 to vector<16xi32>
          %and3A_342 = arith.andi %get3A_339, %and3A_341 : vector<16xi32>
          %shift_left3A = arith.constant 7 : i32
          %shift_left3A_343 = vector.broadcast %shift_left3A : i32 to vector<16xi32>
          %shift_left3A_344 = arith.shli %and3A_342, %shift_left3A_343 : vector<16xi32>
          %get3A_345 = arith.index_cast %add3A_338 : i32 to index
          %get3A_346 = tpu.vector_load %arg11[%get3A_345] {strides = array<i32>} : memref<8192xi32, #tpu.memory_space<vmem>>, vector<16xi32>,
          %or3A_347 = arith.ori %shift_left3A_344, %get3A_346 : vector<16xi32>
          %mul3A_348 = arith.constant 16 : i32
          %mul3A_349 = arith.muli %scan3A_332, %mul3A_348 : i32
          %mul3A_350 = arith.constant 16 : i32
          %mul3A_351 = arith.muli %mul3A_349, %mul3A_350 : i32
          %add3A_352 = arith.addi %multiple_of3A_257, %mul3A_351 : i32
          %add3A_353 = arith.constant 0 : i32
          %add3A_354 = arith.addi %add3A_352, %add3A_353 : i32
          %add3A_355 = vector.broadcast %add3A_354 : i32 to vector<16xi32>
          %add3A_356 = arith.addi %add3A_355, %iota3A : vector<16xi32>
          %ge3A_357 = vector.broadcast %max3A_261 : i32 to vector<16xi32>
          %ge3A_358 = arith.cmpi sge, %add3A_356, %ge3A_357 : vector<16xi32>
          %lt3A = vector.broadcast %scan3A_51#2 : i32 to vector<16xi32>
          %lt3A_359 = arith.cmpi slt, %add3A_356, %lt3A : vector<16xi32>
          %and3A_360 = arith.andi %ge3A_358, %lt3A_359 : vector<16xi1>
          tpu.vector_store_idx %arg13[%or3A_347], %broadcast_in_dim3A_1 masked %and3A_360 {add = true} : memref<32768xf32, #tpu.memory_space<vmem>>[vector<16xi32>], vector<16xf32>, vector<16xi1>
          %mul3A_361 = arith.constant 16 : i32
          %mul3A_362 = arith.muli %scan3A_332, %mul3A_361 : i32
          %mul3A_363 = arith.constant 16 : i32
          %mul3A_364 = arith.muli %mul3A_362, %mul3A_363 : i32
          %add3A_365 = arith.constant 16 : i32
          %add3A_366 = arith.addi %mul3A_364, %add3A_365 : i32
          %get3A_367 = arith.index_cast %add3A_366 : i32 to index
          %get3A_368 = tpu.vector_load %arg7[%get3A_367] {strides = array<i32>} : memref<8192xi32, #tpu.memory_space<vmem>>, vector<16xi32>,
          %and3A_369 = arith.constant 255 : i32
          %and3A_370 = vector.broadcast %and3A_369 : i32 to vector<16xi32>
          %and3A_371 = arith.andi %get3A_368, %and3A_370 : vector<16xi32>
          %shift_left3A_372 = arith.constant 7 : i32
          %shift_left3A_373 = vector.broadcast %shift_left3A_372 : i32 to vector<16xi32>
          %shift_left3A_374 = arith.shli %and3A_371, %shift_left3A_373 : vector<16xi32>
          %get3A_375 = arith.index_cast %add3A_366 : i32 to index
          %get3A_376 = tpu.vector_load %arg11[%get3A_375] {strides = array<i32>} : memref<8192xi32, #tpu.memory_space<vmem>>, vector<16xi32>,
          %or3A_377 = arith.ori %shift_left3A_374, %get3A_376 : vector<16xi32>
          %mul3A_378 = arith.constant 16 : i32
          %mul3A_379 = arith.muli %scan3A_332, %mul3A_378 : i32
          %mul3A_380 = arith.constant 16 : i32
          %mul3A_381 = arith.muli %mul3A_379, %mul3A_380 : i32
          %add3A_382 = arith.addi %multiple_of3A_257, %mul3A_381 : i32
          %add3A_383 = arith.constant 16 : i32
          %add3A_384 = arith.addi %add3A_382, %add3A_383 : i32
          %add3A_385 = vector.broadcast %add3A_384 : i32 to vector<16xi32>
          %add3A_386 = arith.addi %add3A_385, %iota3A : vector<16xi32>
          %ge3A_387 = vector.broadcast %max3A_261 : i32 to vector<16xi32>
          %ge3A_388 = arith.cmpi sge, %add3A_386, %ge3A_387 : vector<16xi32>
          %lt3A_389 = vector.broadcast %scan3A_51#2 : i32 to vector<16xi32>
          %lt3A_390 = arith.cmpi slt, %add3A_386, %lt3A_389 : vector<16xi32>
          %and3A_391 = arith.andi %ge3A_388, %lt3A_390 : vector<16xi1>
          tpu.vector_store_idx %arg13[%or3A_377], %broadcast_in_dim3A_1 masked %and3A_391 {add = true} : memref<32768xf32, #tpu.memory_space<vmem>>[vector<16xi32>], vector<16xf32>, vector<16xi1>
          %mul3A_392 = arith.constant 16 : i32
          %mul3A_393 = arith.muli %scan3A_332, %mul3A_392 : i32
          %mul3A_394 = arith.constant 16 : i32
          %mul3A_395 = arith.muli %mul3A_393, %mul3A_394 : i32
          %add3A_396 = arith.constant 32 : i32
          %add3A_397 = arith.addi %mul3A_395, %add3A_396 : i32
          %get3A_398 = arith.index_cast %add3A_397 : i32 to index
          %get3A_399 = tpu.vector_load %arg7[%get3A_398] {strides = array<i32>} : memref<8192xi32, #tpu.memory_space<vmem>>, vector<16xi32>,
          %and3A_400 = arith.constant 255 : i32
          %and3A_401 = vector.broadcast %and3A_400 : i32 to vector<16xi32>
          %and3A_402 = arith.andi %get3A_399, %and3A_401 : vector<16xi32>
          %shift_left3A_403 = arith.constant 7 : i32
          %shift_left3A_404 = vector.broadcast %shift_left3A_403 : i32 to vector<16xi32>
          %shift_left3A_405 = arith.shli %and3A_402, %shift_left3A_404 : vector<16xi32>
          %get3A_406 = arith.index_cast %add3A_397 : i32 to index
          %get3A_407 = tpu.vector_load %arg11[%get3A_406] {strides = array<i32>} : memref<8192xi32, #tpu.memory_space<vmem>>, vector<16xi32>,
          %or3A_408 = arith.ori %shift_left3A_405, %get3A_407 : vector<16xi32>
          %mul3A_409 = arith.constant 16 : i32
          %mul3A_410 = arith.muli %scan3A_332, %mul3A_409 : i32
          %mul3A_411 = arith.constant 16 : i32
          %mul3A_412 = arith.muli %mul3A_410, %mul3A_411 : i32
          %add3A_413 = arith.addi %multiple_of3A_257, %mul3A_412 : i32
          %add3A_414 = arith.constant 32 : i32
          %add3A_415 = arith.addi %add3A_413, %add3A_414 : i32
          %add3A_416 = vector.broadcast %add3A_415 : i32 to vector<16xi32>
          %add3A_417 = arith.addi %add3A_416, %iota3A : vector<16xi32>
          %ge3A_418 = vector.broadcast %max3A_261 : i32 to vector<16xi32>
          %ge3A_419 = arith.cmpi sge, %add3A_417, %ge3A_418 : vector<16xi32>
          %lt3A_420 = vector.broadcast %scan3A_51#2 : i32 to vector<16xi32>
          %lt3A_421 = arith.cmpi slt, %add3A_417, %lt3A_420 : vector<16xi32>
          %and3A_422 = arith.andi %ge3A_419, %lt3A_421 : vector<16xi1>
          tpu.vector_store_idx %arg13[%or3A_408], %broadcast_in_dim3A_1 masked %and3A_422 {add = true} : memref<32768xf32, #tpu.memory_space<vmem>>[vector<16xi32>], vector<16xf32>, vector<16xi1>
          %mul3A_423 = arith.constant 16 : i32
          %mul3A_424 = arith.muli %scan3A_332, %mul3A_423 : i32
          %mul3A_425 = arith.constant 16 : i32
          %mul3A_426 = arith.muli %mul3A_424, %mul3A_425 : i32
          %add3A_427 = arith.constant 48 : i32
          %add3A_428 = arith.addi %mul3A_426, %add3A_427 : i32
          %get3A_429 = arith.index_cast %add3A_428 : i32 to index
          %get3A_430 = tpu.vector_load %arg7[%get3A_429] {strides = array<i32>} : memref<8192xi32, #tpu.memory_space<vmem>>, vector<16xi32>,
          %and3A_431 = arith.constant 255 : i32
          %and3A_432 = vector.broadcast %and3A_431 : i32 to vector<16xi32>
          %and3A_433 = arith.andi %get3A_430, %and3A_432 : vector<16xi32>
          %shift_left3A_434 = arith.constant 7 : i32
          %shift_left3A_435 = vector.broadcast %shift_left3A_434 : i32 to vector<16xi32>
          %shift_left3A_436 = arith.shli %and3A_433, %shift_left3A_435 : vector<16xi32>
          %get3A_437 = arith.index_cast %add3A_428 : i32 to index
          %get3A_438 = tpu.vector_load %arg11[%get3A_437] {strides = array<i32>} : memref<8192xi32, #tpu.memory_space<vmem>>, vector<16xi32>,
          %or3A_439 = arith.ori %shift_left3A_436, %get3A_438 : vector<16xi32>
          %mul3A_440 = arith.constant 16 : i32
          %mul3A_441 = arith.muli %scan3A_332, %mul3A_440 : i32
          %mul3A_442 = arith.constant 16 : i32
          %mul3A_443 = arith.muli %mul3A_441, %mul3A_442 : i32
          %add3A_444 = arith.addi %multiple_of3A_257, %mul3A_443 : i32
          %add3A_445 = arith.constant 48 : i32
          %add3A_446 = arith.addi %add3A_444, %add3A_445 : i32
          %add3A_447 = vector.broadcast %add3A_446 : i32 to vector<16xi32>
          %add3A_448 = arith.addi %add3A_447, %iota3A : vector<16xi32>
          %ge3A_449 = vector.broadcast %max3A_261 : i32 to vector<16xi32>
          %ge3A_450 = arith.cmpi sge, %add3A_448, %ge3A_449 : vector<16xi32>
          %lt3A_451 = vector.broadcast %scan3A_51#2 : i32 to vector<16xi32>
          %lt3A_452 = arith.cmpi slt, %add3A_448, %lt3A_451 : vector<16xi32>
          %and3A_453 = arith.andi %ge3A_450, %lt3A_452 : vector<16xi1>
          tpu.vector_store_idx %arg13[%or3A_439], %broadcast_in_dim3A_1 masked %and3A_453 {add = true} : memref<32768xf32, #tpu.memory_space<vmem>>[vector<16xi32>], vector<16xf32>, vector<16xi1>
          %mul3A_454 = arith.constant 16 : i32
          %mul3A_455 = arith.muli %scan3A_332, %mul3A_454 : i32
          %mul3A_456 = arith.constant 16 : i32
          %mul3A_457 = arith.muli %mul3A_455, %mul3A_456 : i32
          %add3A_458 = arith.constant 64 : i32
          %add3A_459 = arith.addi %mul3A_457, %add3A_458 : i32
          %get3A_460 = arith.index_cast %add3A_459 : i32 to index
          %get3A_461 = tpu.vector_load %arg7[%get3A_460] {strides = array<i32>} : memref<8192xi32, #tpu.memory_space<vmem>>, vector<16xi32>,
          %and3A_462 = arith.constant 255 : i32
          %and3A_463 = vector.broadcast %and3A_462 : i32 to vector<16xi32>
          %and3A_464 = arith.andi %get3A_461, %and3A_463 : vector<16xi32>
          %shift_left3A_465 = arith.constant 7 : i32
          %shift_left3A_466 = vector.broadcast %shift_left3A_465 : i32 to vector<16xi32>
          %shift_left3A_467 = arith.shli %and3A_464, %shift_left3A_466 : vector<16xi32>
          %get3A_468 = arith.index_cast %add3A_459 : i32 to index
          %get3A_469 = tpu.vector_load %arg11[%get3A_468] {strides = array<i32>} : memref<8192xi32, #tpu.memory_space<vmem>>, vector<16xi32>,
          %or3A_470 = arith.ori %shift_left3A_467, %get3A_469 : vector<16xi32>
          %mul3A_471 = arith.constant 16 : i32
          %mul3A_472 = arith.muli %scan3A_332, %mul3A_471 : i32
          %mul3A_473 = arith.constant 16 : i32
          %mul3A_474 = arith.muli %mul3A_472, %mul3A_473 : i32
          %add3A_475 = arith.addi %multiple_of3A_257, %mul3A_474 : i32
          %add3A_476 = arith.constant 64 : i32
          %add3A_477 = arith.addi %add3A_475, %add3A_476 : i32
          %add3A_478 = vector.broadcast %add3A_477 : i32 to vector<16xi32>
          %add3A_479 = arith.addi %add3A_478, %iota3A : vector<16xi32>
          %ge3A_480 = vector.broadcast %max3A_261 : i32 to vector<16xi32>
          %ge3A_481 = arith.cmpi sge, %add3A_479, %ge3A_480 : vector<16xi32>
          %lt3A_482 = vector.broadcast %scan3A_51#2 : i32 to vector<16xi32>
          %lt3A_483 = arith.cmpi slt, %add3A_479, %lt3A_482 : vector<16xi32>
          %and3A_484 = arith.andi %ge3A_481, %lt3A_483 : vector<16xi1>
          tpu.vector_store_idx %arg13[%or3A_470], %broadcast_in_dim3A_1 masked %and3A_484 {add = true} : memref<32768xf32, #tpu.memory_space<vmem>>[vector<16xi32>], vector<16xf32>, vector<16xi1>
          %mul3A_485 = arith.constant 16 : i32
          %mul3A_486 = arith.muli %scan3A_332, %mul3A_485 : i32
          %mul3A_487 = arith.constant 16 : i32
          %mul3A_488 = arith.muli %mul3A_486, %mul3A_487 : i32
          %add3A_489 = arith.constant 80 : i32
          %add3A_490 = arith.addi %mul3A_488, %add3A_489 : i32
          %get3A_491 = arith.index_cast %add3A_490 : i32 to index
          %get3A_492 = tpu.vector_load %arg7[%get3A_491] {strides = array<i32>} : memref<8192xi32, #tpu.memory_space<vmem>>, vector<16xi32>,
          %and3A_493 = arith.constant 255 : i32
          %and3A_494 = vector.broadcast %and3A_493 : i32 to vector<16xi32>
          %and3A_495 = arith.andi %get3A_492, %and3A_494 : vector<16xi32>
          %shift_left3A_496 = arith.constant 7 : i32
          %shift_left3A_497 = vector.broadcast %shift_left3A_496 : i32 to vector<16xi32>
          %shift_left3A_498 = arith.shli %and3A_495, %shift_left3A_497 : vector<16xi32>
          %get3A_499 = arith.index_cast %add3A_490 : i32 to index
          %get3A_500 = tpu.vector_load %arg11[%get3A_499] {strides = array<i32>} : memref<8192xi32, #tpu.memory_space<vmem>>, vector<16xi32>,
          %or3A_501 = arith.ori %shift_left3A_498, %get3A_500 : vector<16xi32>
          %mul3A_502 = arith.constant 16 : i32
          %mul3A_503 = arith.muli %scan3A_332, %mul3A_502 : i32
          %mul3A_504 = arith.constant 16 : i32
          %mul3A_505 = arith.muli %mul3A_503, %mul3A_504 : i32
          %add3A_506 = arith.addi %multiple_of3A_257, %mul3A_505 : i32
          %add3A_507 = arith.constant 80 : i32
          %add3A_508 = arith.addi %add3A_506, %add3A_507 : i32
          %add3A_509 = vector.broadcast %add3A_508 : i32 to vector<16xi32>
          %add3A_510 = arith.addi %add3A_509, %iota3A : vector<16xi32>
          %ge3A_511 = vector.broadcast %max3A_261 : i32 to vector<16xi32>
          %ge3A_512 = arith.cmpi sge, %add3A_510, %ge3A_511 : vector<16xi32>
          %lt3A_513 = vector.broadcast %scan3A_51#2 : i32 to vector<16xi32>
          %lt3A_514 = arith.cmpi slt, %add3A_510, %lt3A_513 : vector<16xi32>
          %and3A_515 = arith.andi %ge3A_512, %lt3A_514 : vector<16xi1>
          tpu.vector_store_idx %arg13[%or3A_501], %broadcast_in_dim3A_1 masked %and3A_515 {add = true} : memref<32768xf32, #tpu.memory_space<vmem>>[vector<16xi32>], vector<16xf32>, vector<16xi1>
          %mul3A_516 = arith.constant 16 : i32
          %mul3A_517 = arith.muli %scan3A_332, %mul3A_516 : i32
          %mul3A_518 = arith.constant 16 : i32
          %mul3A_519 = arith.muli %mul3A_517, %mul3A_518 : i32
          %add3A_520 = arith.constant 96 : i32
          %add3A_521 = arith.addi %mul3A_519, %add3A_520 : i32
          %get3A_522 = arith.index_cast %add3A_521 : i32 to index
          %get3A_523 = tpu.vector_load %arg7[%get3A_522] {strides = array<i32>} : memref<8192xi32, #tpu.memory_space<vmem>>, vector<16xi32>,
          %and3A_524 = arith.constant 255 : i32
          %and3A_525 = vector.broadcast %and3A_524 : i32 to vector<16xi32>
          %and3A_526 = arith.andi %get3A_523, %and3A_525 : vector<16xi32>
          %shift_left3A_527 = arith.constant 7 : i32
          %shift_left3A_528 = vector.broadcast %shift_left3A_527 : i32 to vector<16xi32>
          %shift_left3A_529 = arith.shli %and3A_526, %shift_left3A_528 : vector<16xi32>
          %get3A_530 = arith.index_cast %add3A_521 : i32 to index
          %get3A_531 = tpu.vector_load %arg11[%get3A_530] {strides = array<i32>} : memref<8192xi32, #tpu.memory_space<vmem>>, vector<16xi32>,
          %or3A_532 = arith.ori %shift_left3A_529, %get3A_531 : vector<16xi32>
          %mul3A_533 = arith.constant 16 : i32
          %mul3A_534 = arith.muli %scan3A_332, %mul3A_533 : i32
          %mul3A_535 = arith.constant 16 : i32
          %mul3A_536 = arith.muli %mul3A_534, %mul3A_535 : i32
          %add3A_537 = arith.addi %multiple_of3A_257, %mul3A_536 : i32
          %add3A_538 = arith.constant 96 : i32
          %add3A_539 = arith.addi %add3A_537, %add3A_538 : i32
          %add3A_540 = vector.broadcast %add3A_539 : i32 to vector<16xi32>
          %add3A_541 = arith.addi %add3A_540, %iota3A : vector<16xi32>
          %ge3A_542 = vector.broadcast %max3A_261 : i32 to vector<16xi32>
          %ge3A_543 = arith.cmpi sge, %add3A_541, %ge3A_542 : vector<16xi32>
          %lt3A_544 = vector.broadcast %scan3A_51#2 : i32 to vector<16xi32>
          %lt3A_545 = arith.cmpi slt, %add3A_541, %lt3A_544 : vector<16xi32>
          %and3A_546 = arith.andi %ge3A_543, %lt3A_545 : vector<16xi1>
          tpu.vector_store_idx %arg13[%or3A_532], %broadcast_in_dim3A_1 masked %and3A_546 {add = true} : memref<32768xf32, #tpu.memory_space<vmem>>[vector<16xi32>], vector<16xf32>, vector<16xi1>
          %mul3A_547 = arith.constant 16 : i32
          %mul3A_548 = arith.muli %scan3A_332, %mul3A_547 : i32
          %mul3A_549 = arith.constant 16 : i32
          %mul3A_550 = arith.muli %mul3A_548, %mul3A_549 : i32
          %add3A_551 = arith.constant 112 : i32
          %add3A_552 = arith.addi %mul3A_550, %add3A_551 : i32
          %get3A_553 = arith.index_cast %add3A_552 : i32 to index
          %get3A_554 = tpu.vector_load %arg7[%get3A_553] {strides = array<i32>} : memref<8192xi32, #tpu.memory_space<vmem>>, vector<16xi32>,
          %and3A_555 = arith.constant 255 : i32
          %and3A_556 = vector.broadcast %and3A_555 : i32 to vector<16xi32>
          %and3A_557 = arith.andi %get3A_554, %and3A_556 : vector<16xi32>
          %shift_left3A_558 = arith.constant 7 : i32
          %shift_left3A_559 = vector.broadcast %shift_left3A_558 : i32 to vector<16xi32>
          %shift_left3A_560 = arith.shli %and3A_557, %shift_left3A_559 : vector<16xi32>
          %get3A_561 = arith.index_cast %add3A_552 : i32 to index
          %get3A_562 = tpu.vector_load %arg11[%get3A_561] {strides = array<i32>} : memref<8192xi32, #tpu.memory_space<vmem>>, vector<16xi32>,
          %or3A_563 = arith.ori %shift_left3A_560, %get3A_562 : vector<16xi32>
          %mul3A_564 = arith.constant 16 : i32
          %mul3A_565 = arith.muli %scan3A_332, %mul3A_564 : i32
          %mul3A_566 = arith.constant 16 : i32
          %mul3A_567 = arith.muli %mul3A_565, %mul3A_566 : i32
          %add3A_568 = arith.addi %multiple_of3A_257, %mul3A_567 : i32
          %add3A_569 = arith.constant 112 : i32
          %add3A_570 = arith.addi %add3A_568, %add3A_569 : i32
          %add3A_571 = vector.broadcast %add3A_570 : i32 to vector<16xi32>
          %add3A_572 = arith.addi %add3A_571, %iota3A : vector<16xi32>
          %ge3A_573 = vector.broadcast %max3A_261 : i32 to vector<16xi32>
          %ge3A_574 = arith.cmpi sge, %add3A_572, %ge3A_573 : vector<16xi32>
          %lt3A_575 = vector.broadcast %scan3A_51#2 : i32 to vector<16xi32>
          %lt3A_576 = arith.cmpi slt, %add3A_572, %lt3A_575 : vector<16xi32>
          %and3A_577 = arith.andi %ge3A_574, %lt3A_576 : vector<16xi1>
          tpu.vector_store_idx %arg13[%or3A_563], %broadcast_in_dim3A_1 masked %and3A_577 {add = true} : memref<32768xf32, #tpu.memory_space<vmem>>[vector<16xi32>], vector<16xf32>, vector<16xi1>
          %mul3A_578 = arith.constant 16 : i32
          %mul3A_579 = arith.muli %scan3A_332, %mul3A_578 : i32
          %mul3A_580 = arith.constant 16 : i32
          %mul3A_581 = arith.muli %mul3A_579, %mul3A_580 : i32
          %add3A_582 = arith.constant 128 : i32
          %add3A_583 = arith.addi %mul3A_581, %add3A_582 : i32
          %get3A_584 = arith.index_cast %add3A_583 : i32 to index
          %get3A_585 = tpu.vector_load %arg7[%get3A_584] {strides = array<i32>} : memref<8192xi32, #tpu.memory_space<vmem>>, vector<16xi32>,
          %and3A_586 = arith.constant 255 : i32
          %and3A_587 = vector.broadcast %and3A_586 : i32 to vector<16xi32>
          %and3A_588 = arith.andi %get3A_585, %and3A_587 : vector<16xi32>
          %shift_left3A_589 = arith.constant 7 : i32
          %shift_left3A_590 = vector.broadcast %shift_left3A_589 : i32 to vector<16xi32>
          %shift_left3A_591 = arith.shli %and3A_588, %shift_left3A_590 : vector<16xi32>
          %get3A_592 = arith.index_cast %add3A_583 : i32 to index
          %get3A_593 = tpu.vector_load %arg11[%get3A_592] {strides = array<i32>} : memref<8192xi32, #tpu.memory_space<vmem>>, vector<16xi32>,
          %or3A_594 = arith.ori %shift_left3A_591, %get3A_593 : vector<16xi32>
          %mul3A_595 = arith.constant 16 : i32
          %mul3A_596 = arith.muli %scan3A_332, %mul3A_595 : i32
          %mul3A_597 = arith.constant 16 : i32
          %mul3A_598 = arith.muli %mul3A_596, %mul3A_597 : i32
          %add3A_599 = arith.addi %multiple_of3A_257, %mul3A_598 : i32
          %add3A_600 = arith.constant 128 : i32
          %add3A_601 = arith.addi %add3A_599, %add3A_600 : i32
          %add3A_602 = vector.broadcast %add3A_601 : i32 to vector<16xi32>
          %add3A_603 = arith.addi %add3A_602, %iota3A : vector<16xi32>
          %ge3A_604 = vector.broadcast %max3A_261 : i32 to vector<16xi32>
          %ge3A_605 = arith.cmpi sge, %add3A_603, %ge3A_604 : vector<16xi32>
          %lt3A_606 = vector.broadcast %scan3A_51#2 : i32 to vector<16xi32>
          %lt3A_607 = arith.cmpi slt, %add3A_603, %lt3A_606 : vector<16xi32>
          %and3A_608 = arith.andi %ge3A_605, %lt3A_607 : vector<16xi1>
          tpu.vector_store_idx %arg13[%or3A_594], %broadcast_in_dim3A_1 masked %and3A_608 {add = true} : memref<32768xf32, #tpu.memory_space<vmem>>[vector<16xi32>], vector<16xf32>, vector<16xi1>
          %mul3A_609 = arith.constant 16 : i32
          %mul3A_610 = arith.muli %scan3A_332, %mul3A_609 : i32
          %mul3A_611 = arith.constant 16 : i32
          %mul3A_612 = arith.muli %mul3A_610, %mul3A_611 : i32
          %add3A_613 = arith.constant 144 : i32
          %add3A_614 = arith.addi %mul3A_612, %add3A_613 : i32
          %get3A_615 = arith.index_cast %add3A_614 : i32 to index
          %get3A_616 = tpu.vector_load %arg7[%get3A_615] {strides = array<i32>} : memref<8192xi32, #tpu.memory_space<vmem>>, vector<16xi32>,
          %and3A_617 = arith.constant 255 : i32
          %and3A_618 = vector.broadcast %and3A_617 : i32 to vector<16xi32>
          %and3A_619 = arith.andi %get3A_616, %and3A_618 : vector<16xi32>
          %shift_left3A_620 = arith.constant 7 : i32
          %shift_left3A_621 = vector.broadcast %shift_left3A_620 : i32 to vector<16xi32>
          %shift_left3A_622 = arith.shli %and3A_619, %shift_left3A_621 : vector<16xi32>
          %get3A_623 = arith.index_cast %add3A_614 : i32 to index
          %get3A_624 = tpu.vector_load %arg11[%get3A_623] {strides = array<i32>} : memref<8192xi32, #tpu.memory_space<vmem>>, vector<16xi32>,
          %or3A_625 = arith.ori %shift_left3A_622, %get3A_624 : vector<16xi32>
          %mul3A_626 = arith.constant 16 : i32
          %mul3A_627 = arith.muli %scan3A_332, %mul3A_626 : i32
          %mul3A_628 = arith.constant 16 : i32
          %mul3A_629 = arith.muli %mul3A_627, %mul3A_628 : i32
          %add3A_630 = arith.addi %multiple_of3A_257, %mul3A_629 : i32
          %add3A_631 = arith.constant 144 : i32
          %add3A_632 = arith.addi %add3A_630, %add3A_631 : i32
          %add3A_633 = vector.broadcast %add3A_632 : i32 to vector<16xi32>
          %add3A_634 = arith.addi %add3A_633, %iota3A : vector<16xi32>
          %ge3A_635 = vector.broadcast %max3A_261 : i32 to vector<16xi32>
          %ge3A_636 = arith.cmpi sge, %add3A_634, %ge3A_635 : vector<16xi32>
          %lt3A_637 = vector.broadcast %scan3A_51#2 : i32 to vector<16xi32>
          %lt3A_638 = arith.cmpi slt, %add3A_634, %lt3A_637 : vector<16xi32>
          %and3A_639 = arith.andi %ge3A_636, %lt3A_638 : vector<16xi1>
          tpu.vector_store_idx %arg13[%or3A_625], %broadcast_in_dim3A_1 masked %and3A_639 {add = true} : memref<32768xf32, #tpu.memory_space<vmem>>[vector<16xi32>], vector<16xf32>, vector<16xi1>
          %mul3A_640 = arith.constant 16 : i32
          %mul3A_641 = arith.muli %scan3A_332, %mul3A_640 : i32
          %mul3A_642 = arith.constant 16 : i32
          %mul3A_643 = arith.muli %mul3A_641, %mul3A_642 : i32
          %add3A_644 = arith.constant 160 : i32
          %add3A_645 = arith.addi %mul3A_643, %add3A_644 : i32
          %get3A_646 = arith.index_cast %add3A_645 : i32 to index
          %get3A_647 = tpu.vector_load %arg7[%get3A_646] {strides = array<i32>} : memref<8192xi32, #tpu.memory_space<vmem>>, vector<16xi32>,
          %and3A_648 = arith.constant 255 : i32
          %and3A_649 = vector.broadcast %and3A_648 : i32 to vector<16xi32>
          %and3A_650 = arith.andi %get3A_647, %and3A_649 : vector<16xi32>
          %shift_left3A_651 = arith.constant 7 : i32
          %shift_left3A_652 = vector.broadcast %shift_left3A_651 : i32 to vector<16xi32>
          %shift_left3A_653 = arith.shli %and3A_650, %shift_left3A_652 : vector<16xi32>
          %get3A_654 = arith.index_cast %add3A_645 : i32 to index
          %get3A_655 = tpu.vector_load %arg11[%get3A_654] {strides = array<i32>} : memref<8192xi32, #tpu.memory_space<vmem>>, vector<16xi32>,
          %or3A_656 = arith.ori %shift_left3A_653, %get3A_655 : vector<16xi32>
          %mul3A_657 = arith.constant 16 : i32
          %mul3A_658 = arith.muli %scan3A_332, %mul3A_657 : i32
          %mul3A_659 = arith.constant 16 : i32
          %mul3A_660 = arith.muli %mul3A_658, %mul3A_659 : i32
          %add3A_661 = arith.addi %multiple_of3A_257, %mul3A_660 : i32
          %add3A_662 = arith.constant 160 : i32
          %add3A_663 = arith.addi %add3A_661, %add3A_662 : i32
          %add3A_664 = vector.broadcast %add3A_663 : i32 to vector<16xi32>
          %add3A_665 = arith.addi %add3A_664, %iota3A : vector<16xi32>
          %ge3A_666 = vector.broadcast %max3A_261 : i32 to vector<16xi32>
          %ge3A_667 = arith.cmpi sge, %add3A_665, %ge3A_666 : vector<16xi32>
          %lt3A_668 = vector.broadcast %scan3A_51#2 : i32 to vector<16xi32>
          %lt3A_669 = arith.cmpi slt, %add3A_665, %lt3A_668 : vector<16xi32>
          %and3A_670 = arith.andi %ge3A_667, %lt3A_669 : vector<16xi1>
          tpu.vector_store_idx %arg13[%or3A_656], %broadcast_in_dim3A_1 masked %and3A_670 {add = true} : memref<32768xf32, #tpu.memory_space<vmem>>[vector<16xi32>], vector<16xf32>, vector<16xi1>
          %mul3A_671 = arith.constant 16 : i32
          %mul3A_672 = arith.muli %scan3A_332, %mul3A_671 : i32
          %mul3A_673 = arith.constant 16 : i32
          %mul3A_674 = arith.muli %mul3A_672, %mul3A_673 : i32
          %add3A_675 = arith.constant 176 : i32
          %add3A_676 = arith.addi %mul3A_674, %add3A_675 : i32
          %get3A_677 = arith.index_cast %add3A_676 : i32 to index
          %get3A_678 = tpu.vector_load %arg7[%get3A_677] {strides = array<i32>} : memref<8192xi32, #tpu.memory_space<vmem>>, vector<16xi32>,
          %and3A_679 = arith.constant 255 : i32
          %and3A_680 = vector.broadcast %and3A_679 : i32 to vector<16xi32>
          %and3A_681 = arith.andi %get3A_678, %and3A_680 : vector<16xi32>
          %shift_left3A_682 = arith.constant 7 : i32
          %shift_left3A_683 = vector.broadcast %shift_left3A_682 : i32 to vector<16xi32>
          %shift_left3A_684 = arith.shli %and3A_681, %shift_left3A_683 : vector<16xi32>
          %get3A_685 = arith.index_cast %add3A_676 : i32 to index
          %get3A_686 = tpu.vector_load %arg11[%get3A_685] {strides = array<i32>} : memref<8192xi32, #tpu.memory_space<vmem>>, vector<16xi32>,
          %or3A_687 = arith.ori %shift_left3A_684, %get3A_686 : vector<16xi32>
          %mul3A_688 = arith.constant 16 : i32
          %mul3A_689 = arith.muli %scan3A_332, %mul3A_688 : i32
          %mul3A_690 = arith.constant 16 : i32
          %mul3A_691 = arith.muli %mul3A_689, %mul3A_690 : i32
          %add3A_692 = arith.addi %multiple_of3A_257, %mul3A_691 : i32
          %add3A_693 = arith.constant 176 : i32
          %add3A_694 = arith.addi %add3A_692, %add3A_693 : i32
          %add3A_695 = vector.broadcast %add3A_694 : i32 to vector<16xi32>
          %add3A_696 = arith.addi %add3A_695, %iota3A : vector<16xi32>
          %ge3A_697 = vector.broadcast %max3A_261 : i32 to vector<16xi32>
          %ge3A_698 = arith.cmpi sge, %add3A_696, %ge3A_697 : vector<16xi32>
          %lt3A_699 = vector.broadcast %scan3A_51#2 : i32 to vector<16xi32>
          %lt3A_700 = arith.cmpi slt, %add3A_696, %lt3A_699 : vector<16xi32>
          %and3A_701 = arith.andi %ge3A_698, %lt3A_700 : vector<16xi1>
          tpu.vector_store_idx %arg13[%or3A_687], %broadcast_in_dim3A_1 masked %and3A_701 {add = true} : memref<32768xf32, #tpu.memory_space<vmem>>[vector<16xi32>], vector<16xf32>, vector<16xi1>
          %mul3A_702 = arith.constant 16 : i32
          %mul3A_703 = arith.muli %scan3A_332, %mul3A_702 : i32
          %mul3A_704 = arith.constant 16 : i32
          %mul3A_705 = arith.muli %mul3A_703, %mul3A_704 : i32
          %add3A_706 = arith.constant 192 : i32
          %add3A_707 = arith.addi %mul3A_705, %add3A_706 : i32
          %get3A_708 = arith.index_cast %add3A_707 : i32 to index
          %get3A_709 = tpu.vector_load %arg7[%get3A_708] {strides = array<i32>} : memref<8192xi32, #tpu.memory_space<vmem>>, vector<16xi32>,
          %and3A_710 = arith.constant 255 : i32
          %and3A_711 = vector.broadcast %and3A_710 : i32 to vector<16xi32>
          %and3A_712 = arith.andi %get3A_709, %and3A_711 : vector<16xi32>
          %shift_left3A_713 = arith.constant 7 : i32
          %shift_left3A_714 = vector.broadcast %shift_left3A_713 : i32 to vector<16xi32>
          %shift_left3A_715 = arith.shli %and3A_712, %shift_left3A_714 : vector<16xi32>
          %get3A_716 = arith.index_cast %add3A_707 : i32 to index
          %get3A_717 = tpu.vector_load %arg11[%get3A_716] {strides = array<i32>} : memref<8192xi32, #tpu.memory_space<vmem>>, vector<16xi32>,
          %or3A_718 = arith.ori %shift_left3A_715, %get3A_717 : vector<16xi32>
          %mul3A_719 = arith.constant 16 : i32
          %mul3A_720 = arith.muli %scan3A_332, %mul3A_719 : i32
          %mul3A_721 = arith.constant 16 : i32
          %mul3A_722 = arith.muli %mul3A_720, %mul3A_721 : i32
          %add3A_723 = arith.addi %multiple_of3A_257, %mul3A_722 : i32
          %add3A_724 = arith.constant 192 : i32
          %add3A_725 = arith.addi %add3A_723, %add3A_724 : i32
          %add3A_726 = vector.broadcast %add3A_725 : i32 to vector<16xi32>
          %add3A_727 = arith.addi %add3A_726, %iota3A : vector<16xi32>
          %ge3A_728 = vector.broadcast %max3A_261 : i32 to vector<16xi32>
          %ge3A_729 = arith.cmpi sge, %add3A_727, %ge3A_728 : vector<16xi32>
          %lt3A_730 = vector.broadcast %scan3A_51#2 : i32 to vector<16xi32>
          %lt3A_731 = arith.cmpi slt, %add3A_727, %lt3A_730 : vector<16xi32>
          %and3A_732 = arith.andi %ge3A_729, %lt3A_731 : vector<16xi1>
          tpu.vector_store_idx %arg13[%or3A_718], %broadcast_in_dim3A_1 masked %and3A_732 {add = true} : memref<32768xf32, #tpu.memory_space<vmem>>[vector<16xi32>], vector<16xf32>, vector<16xi1>
          %mul3A_733 = arith.constant 16 : i32
          %mul3A_734 = arith.muli %scan3A_332, %mul3A_733 : i32
          %mul3A_735 = arith.constant 16 : i32
          %mul3A_736 = arith.muli %mul3A_734, %mul3A_735 : i32
          %add3A_737 = arith.constant 208 : i32
          %add3A_738 = arith.addi %mul3A_736, %add3A_737 : i32
          %get3A_739 = arith.index_cast %add3A_738 : i32 to index
          %get3A_740 = tpu.vector_load %arg7[%get3A_739] {strides = array<i32>} : memref<8192xi32, #tpu.memory_space<vmem>>, vector<16xi32>,
          %and3A_741 = arith.constant 255 : i32
          %and3A_742 = vector.broadcast %and3A_741 : i32 to vector<16xi32>
          %and3A_743 = arith.andi %get3A_740, %and3A_742 : vector<16xi32>
          %shift_left3A_744 = arith.constant 7 : i32
          %shift_left3A_745 = vector.broadcast %shift_left3A_744 : i32 to vector<16xi32>
          %shift_left3A_746 = arith.shli %and3A_743, %shift_left3A_745 : vector<16xi32>
          %get3A_747 = arith.index_cast %add3A_738 : i32 to index
          %get3A_748 = tpu.vector_load %arg11[%get3A_747] {strides = array<i32>} : memref<8192xi32, #tpu.memory_space<vmem>>, vector<16xi32>,
          %or3A_749 = arith.ori %shift_left3A_746, %get3A_748 : vector<16xi32>
          %mul3A_750 = arith.constant 16 : i32
          %mul3A_751 = arith.muli %scan3A_332, %mul3A_750 : i32
          %mul3A_752 = arith.constant 16 : i32
          %mul3A_753 = arith.muli %mul3A_751, %mul3A_752 : i32
          %add3A_754 = arith.addi %multiple_of3A_257, %mul3A_753 : i32
          %add3A_755 = arith.constant 208 : i32
          %add3A_756 = arith.addi %add3A_754, %add3A_755 : i32
          %add3A_757 = vector.broadcast %add3A_756 : i32 to vector<16xi32>
          %add3A_758 = arith.addi %add3A_757, %iota3A : vector<16xi32>
          %ge3A_759 = vector.broadcast %max3A_261 : i32 to vector<16xi32>
          %ge3A_760 = arith.cmpi sge, %add3A_758, %ge3A_759 : vector<16xi32>
          %lt3A_761 = vector.broadcast %scan3A_51#2 : i32 to vector<16xi32>
          %lt3A_762 = arith.cmpi slt, %add3A_758, %lt3A_761 : vector<16xi32>
          %and3A_763 = arith.andi %ge3A_760, %lt3A_762 : vector<16xi1>
          tpu.vector_store_idx %arg13[%or3A_749], %broadcast_in_dim3A_1 masked %and3A_763 {add = true} : memref<32768xf32, #tpu.memory_space<vmem>>[vector<16xi32>], vector<16xf32>, vector<16xi1>
          %mul3A_764 = arith.constant 16 : i32
          %mul3A_765 = arith.muli %scan3A_332, %mul3A_764 : i32
          %mul3A_766 = arith.constant 16 : i32
          %mul3A_767 = arith.muli %mul3A_765, %mul3A_766 : i32
          %add3A_768 = arith.constant 224 : i32
          %add3A_769 = arith.addi %mul3A_767, %add3A_768 : i32
          %get3A_770 = arith.index_cast %add3A_769 : i32 to index
          %get3A_771 = tpu.vector_load %arg7[%get3A_770] {strides = array<i32>} : memref<8192xi32, #tpu.memory_space<vmem>>, vector<16xi32>,
          %and3A_772 = arith.constant 255 : i32
          %and3A_773 = vector.broadcast %and3A_772 : i32 to vector<16xi32>
          %and3A_774 = arith.andi %get3A_771, %and3A_773 : vector<16xi32>
          %shift_left3A_775 = arith.constant 7 : i32
          %shift_left3A_776 = vector.broadcast %shift_left3A_775 : i32 to vector<16xi32>
          %shift_left3A_777 = arith.shli %and3A_774, %shift_left3A_776 : vector<16xi32>
          %get3A_778 = arith.index_cast %add3A_769 : i32 to index
          %get3A_779 = tpu.vector_load %arg11[%get3A_778] {strides = array<i32>} : memref<8192xi32, #tpu.memory_space<vmem>>, vector<16xi32>,
          %or3A_780 = arith.ori %shift_left3A_777, %get3A_779 : vector<16xi32>
          %mul3A_781 = arith.constant 16 : i32
          %mul3A_782 = arith.muli %scan3A_332, %mul3A_781 : i32
          %mul3A_783 = arith.constant 16 : i32
          %mul3A_784 = arith.muli %mul3A_782, %mul3A_783 : i32
          %add3A_785 = arith.addi %multiple_of3A_257, %mul3A_784 : i32
          %add3A_786 = arith.constant 224 : i32
          %add3A_787 = arith.addi %add3A_785, %add3A_786 : i32
          %add3A_788 = vector.broadcast %add3A_787 : i32 to vector<16xi32>
          %add3A_789 = arith.addi %add3A_788, %iota3A : vector<16xi32>
          %ge3A_790 = vector.broadcast %max3A_261 : i32 to vector<16xi32>
          %ge3A_791 = arith.cmpi sge, %add3A_789, %ge3A_790 : vector<16xi32>
          %lt3A_792 = vector.broadcast %scan3A_51#2 : i32 to vector<16xi32>
          %lt3A_793 = arith.cmpi slt, %add3A_789, %lt3A_792 : vector<16xi32>
          %and3A_794 = arith.andi %ge3A_791, %lt3A_793 : vector<16xi1>
          tpu.vector_store_idx %arg13[%or3A_780], %broadcast_in_dim3A_1 masked %and3A_794 {add = true} : memref<32768xf32, #tpu.memory_space<vmem>>[vector<16xi32>], vector<16xf32>, vector<16xi1>
          %mul3A_795 = arith.constant 16 : i32
          %mul3A_796 = arith.muli %scan3A_332, %mul3A_795 : i32
          %mul3A_797 = arith.constant 16 : i32
          %mul3A_798 = arith.muli %mul3A_796, %mul3A_797 : i32
          %add3A_799 = arith.constant 240 : i32
          %add3A_800 = arith.addi %mul3A_798, %add3A_799 : i32
          %get3A_801 = arith.index_cast %add3A_800 : i32 to index
          %get3A_802 = tpu.vector_load %arg7[%get3A_801] {strides = array<i32>} : memref<8192xi32, #tpu.memory_space<vmem>>, vector<16xi32>,
          %and3A_803 = arith.constant 255 : i32
          %and3A_804 = vector.broadcast %and3A_803 : i32 to vector<16xi32>
          %and3A_805 = arith.andi %get3A_802, %and3A_804 : vector<16xi32>
          %shift_left3A_806 = arith.constant 7 : i32
          %shift_left3A_807 = vector.broadcast %shift_left3A_806 : i32 to vector<16xi32>
          %shift_left3A_808 = arith.shli %and3A_805, %shift_left3A_807 : vector<16xi32>
          %get3A_809 = arith.index_cast %add3A_800 : i32 to index
          %get3A_810 = tpu.vector_load %arg11[%get3A_809] {strides = array<i32>} : memref<8192xi32, #tpu.memory_space<vmem>>, vector<16xi32>,
          %or3A_811 = arith.ori %shift_left3A_808, %get3A_810 : vector<16xi32>
          %mul3A_812 = arith.constant 16 : i32
          %mul3A_813 = arith.muli %scan3A_332, %mul3A_812 : i32
          %mul3A_814 = arith.constant 16 : i32
          %mul3A_815 = arith.muli %mul3A_813, %mul3A_814 : i32
          %add3A_816 = arith.addi %multiple_of3A_257, %mul3A_815 : i32
          %add3A_817 = arith.constant 240 : i32
          %add3A_818 = arith.addi %add3A_816, %add3A_817 : i32
          %add3A_819 = vector.broadcast %add3A_818 : i32 to vector<16xi32>
          %add3A_820 = arith.addi %add3A_819, %iota3A : vector<16xi32>
          %ge3A_821 = vector.broadcast %max3A_261 : i32 to vector<16xi32>
          %ge3A_822 = arith.cmpi sge, %add3A_820, %ge3A_821 : vector<16xi32>
          %lt3A_823 = vector.broadcast %scan3A_51#2 : i32 to vector<16xi32>
          %lt3A_824 = arith.cmpi slt, %add3A_820, %lt3A_823 : vector<16xi32>
          %and3A_825 = arith.andi %ge3A_822, %lt3A_824 : vector<16xi1>
          tpu.vector_store_idx %arg13[%or3A_811], %broadcast_in_dim3A_1 masked %and3A_825 {add = true} : memref<32768xf32, #tpu.memory_space<vmem>>[vector<16xi32>], vector<16xf32>, vector<16xi1>
        }
        %scan3A_331 = arith.constant 32 : i32
      } else {
        %parallel_loop3A = arith.constant 0 : i32
        %parallel_loop3A_326 = arith.constant 512 : i32
        %parallel_loop3A_327 = arith.constant 1 : i32
        scf.for %parallel_loop3A_328 = %parallel_loop3A to %parallel_loop3A_326 step %parallel_loop3A_327  : i32 {
          %parallel_loop3A_329 = arith.constant 16 : i32
          %parallel_loop3A_330 = arith.muli %parallel_loop3A_328, %parallel_loop3A_329 : i32
          %parallel_loop3A_331 = arith.index_cast %parallel_loop3A_330 : i32 to index
          %parallel_loop3A_332 = tpu.vector_load %arg7[%parallel_loop3A_331] {strides = array<i32>} : memref<8192xi32, #tpu.memory_space<vmem>>, vector<16xi32>,
          %parallel_loop3A_333 = arith.constant 255 : i32
          %parallel_loop3A_334 = vector.broadcast %parallel_loop3A_333 : i32 to vector<16xi32>
          %parallel_loop3A_335 = arith.andi %parallel_loop3A_332, %parallel_loop3A_334 : vector<16xi32>
          %parallel_loop3A_336 = arith.constant 7 : i32
          %parallel_loop3A_337 = vector.broadcast %parallel_loop3A_336 : i32 to vector<16xi32>
          %parallel_loop3A_338 = arith.shli %parallel_loop3A_335, %parallel_loop3A_337 : vector<16xi32>
          %parallel_loop3A_339 = arith.index_cast %parallel_loop3A_330 : i32 to index
          %parallel_loop3A_340 = tpu.vector_load %arg11[%parallel_loop3A_339] {strides = array<i32>} : memref<8192xi32, #tpu.memory_space<vmem>>, vector<16xi32>,
          %parallel_loop3A_341 = arith.ori %parallel_loop3A_338, %parallel_loop3A_340 : vector<16xi32>
          tpu.vector_store_idx %arg13[%parallel_loop3A_341], %broadcast_in_dim3A_1 {add = true} : memref<32768xf32, #tpu.memory_space<vmem>>[vector<16xi32>], vector<16xf32>,
        } {sc.loop_unroll_factor = 16 : i64, sc.parallel_access}
      }
      %add3A_271 = arith.constant 4 : i32
      %add3A_272 = arith.addi %add3A_243, %add3A_271 : i32
      %mul3A_273 = arith.constant 8192 : i32
      %mul3A_274 = arith.muli %add3A_272, %mul3A_273 : i32
      %add3A_275 = arith.addi %and3A_54, %mul3A_274 : i32
      %min3A_276 = arith.constant 3991808 : i32
      %min3A_277 = arith.minsi %add3A_275, %min3A_276 : i32
      %multiple_of3A_278 = tpu.assume_multiple %min3A_277, 8 : i32
      %dma_start3A_279 = tpu.memref_slice %arg3[%multiple_of3A_278] : memref<4000000xi32, #tpu.memory_space<hbm>> -> memref<8192xi32, #tpu.memory_space<hbm>>
      %dma_start3A_280 = tpu.memref_slice %arg3[%multiple_of3A_278] : memref<4000000xi32, #tpu.memory_space<hbm>> -> memref<8192xi32, #tpu.memory_space<hbm>>
      tpu.enqueue_dma source(%dma_start3A_280 : memref<8192xi32, #tpu.memory_space<hbm>>) target(%arg7 : memref<8192xi32, #tpu.memory_space<vmem>>) target_semaphore(%arg18 : memref<!tpu.dma_semaphore, #tpu.memory_space<semaphore_mem>>)
      %dma_start3A_281 = tpu.memref_slice %arg2[%multiple_of3A_278] : memref<4000000xi32, #tpu.memory_space<hbm>> -> memref<8192xi32, #tpu.memory_space<hbm>>
      %dma_start3A_282 = tpu.memref_slice %arg2[%multiple_of3A_278] : memref<4000000xi32, #tpu.memory_space<hbm>> -> memref<8192xi32, #tpu.memory_space<hbm>>
      tpu.enqueue_dma source(%dma_start3A_282 : memref<8192xi32, #tpu.memory_space<hbm>>) target(%arg11 : memref<8192xi32, #tpu.memory_space<vmem>>) target_semaphore(%arg18 : memref<!tpu.dma_semaphore, #tpu.memory_space<semaphore_mem>>)
      %mul3A_283 = arith.constant 4 : i32
      %mul3A_284 = arith.muli %mul3A_283, %while3A_157 : i32
      %add3A_285 = arith.constant 3 : i32
      %add3A_286 = arith.addi %mul3A_284, %add3A_285 : i32
      %dma_wait3A_287 = arith.constant 0 : i32
      %dma_wait3A_288 = tpu.memref_slice %arg3[%dma_wait3A_287] : memref<4000000xi32, #tpu.memory_space<hbm>> -> memref<8192xi32, #tpu.memory_space<hbm>>
      %dma_wait3A_289 = arith.constant 0 : i32
      %dma_wait3A_290 = tpu.memref_slice %arg3[%dma_wait3A_289] : memref<4000000xi32, #tpu.memory_space<hbm>> -> memref<8192xi32, #tpu.memory_space<hbm>>
      tpu.wait_dma2 semaphore(%arg19 : memref<!tpu.dma_semaphore, #tpu.memory_space<semaphore_mem>>) src(%dma_wait3A_290 : memref<8192xi32, #tpu.memory_space<hbm>>) dst(%arg8 : memref<8192xi32, #tpu.memory_space<vmem>>)
      %dma_wait3A_291 = arith.constant 0 : i32
      %dma_wait3A_292 = tpu.memref_slice %arg2[%dma_wait3A_291] : memref<4000000xi32, #tpu.memory_space<hbm>> -> memref<8192xi32, #tpu.memory_space<hbm>>
      %dma_wait3A_293 = arith.constant 0 : i32
      %dma_wait3A_294 = tpu.memref_slice %arg2[%dma_wait3A_293] : memref<4000000xi32, #tpu.memory_space<hbm>> -> memref<8192xi32, #tpu.memory_space<hbm>>
      tpu.wait_dma2 semaphore(%arg19 : memref<!tpu.dma_semaphore, #tpu.memory_space<semaphore_mem>>) src(%dma_wait3A_294 : memref<8192xi32, #tpu.memory_space<hbm>>) dst(%arg12 : memref<8192xi32, #tpu.memory_space<vmem>>)
      %mul3A_295 = arith.constant 8192 : i32
      %mul3A_296 = arith.muli %add3A_286, %mul3A_295 : i32
      %add3A_297 = arith.addi %and3A_54, %mul3A_296 : i32
      %min3A_298 = arith.constant 3991808 : i32
      %min3A_299 = arith.minsi %add3A_297, %min3A_298 : i32
      %multiple_of3A_300 = tpu.assume_multiple %min3A_299, 8 : i32
      %mul3A_301 = arith.constant 8192 : i32
      %mul3A_302 = arith.muli %add3A_286, %mul3A_301 : i32
      %add3A_303 = arith.addi %and3A_54, %mul3A_302 : i32
      %max3A_304 = arith.maxsi %scan3A_51#0, %add3A_303 : i32
      %eq3A_305 = arith.constant 0 : i32
      %eq3A_306 = arith.cmpi eq, %add3A_286, %eq3A_305 : i32
      %sub3A_307 = arith.constant 1 : i32
      %sub3A_308 = arith.subi %select_n3A, %sub3A_307 : i32
      %ge3A_309 = arith.cmpi sge, %add3A_286, %sub3A_308 : i32
      %or3A_310 = arith.ori %eq3A_306, %ge3A_309 : i1
      %convert_element_type3A_311 = arith.extui %or3A_310 : i1 to i32
      %cond3A_312 = arith.constant 0 : i32
      %cond3A_313 = arith.cmpi ne, %convert_element_type3A_311, %cond3A_312 : i32
      scf.if %cond3A_313 {
        %scan3A_326 = arith.constant 0 : i32
        %scan3A_327 = arith.constant 0 : i32
        %scan3A_328 = arith.constant 32 : i32
        %scan3A_329 = arith.addi %scan3A_327, %scan3A_328 : i32
        %scan3A_330 = arith.constant 1 : i32
        scf.for %scan3A_332 = %scan3A_327 to %scan3A_329 step %scan3A_330  : i32 {
          %mul3A_333 = arith.constant 16 : i32
          %mul3A_334 = arith.muli %scan3A_332, %mul3A_333 : i32
          %mul3A_335 = arith.constant 16 : i32
          %mul3A_336 = arith.muli %mul3A_334, %mul3A_335 : i32
          %add3A_337 = arith.constant 0 : i32
          %add3A_338 = arith.addi %mul3A_336, %add3A_337 : i32
          %get3A = arith.index_cast %add3A_338 : i32 to index
          %get3A_339 = tpu.vector_load %arg8[%get3A] {strides = array<i32>} : memref<8192xi32, #tpu.memory_space<vmem>>, vector<16xi32>,
          %and3A_340 = arith.constant 255 : i32
          %and3A_341 = vector.broadcast %and3A_340 : i32 to vector<16xi32>
          %and3A_342 = arith.andi %get3A_339, %and3A_341 : vector<16xi32>
          %shift_left3A = arith.constant 7 : i32
          %shift_left3A_343 = vector.broadcast %shift_left3A : i32 to vector<16xi32>
          %shift_left3A_344 = arith.shli %and3A_342, %shift_left3A_343 : vector<16xi32>
          %get3A_345 = arith.index_cast %add3A_338 : i32 to index
          %get3A_346 = tpu.vector_load %arg12[%get3A_345] {strides = array<i32>} : memref<8192xi32, #tpu.memory_space<vmem>>, vector<16xi32>,
          %or3A_347 = arith.ori %shift_left3A_344, %get3A_346 : vector<16xi32>
          %mul3A_348 = arith.constant 16 : i32
          %mul3A_349 = arith.muli %scan3A_332, %mul3A_348 : i32
          %mul3A_350 = arith.constant 16 : i32
          %mul3A_351 = arith.muli %mul3A_349, %mul3A_350 : i32
          %add3A_352 = arith.addi %multiple_of3A_300, %mul3A_351 : i32
          %add3A_353 = arith.constant 0 : i32
          %add3A_354 = arith.addi %add3A_352, %add3A_353 : i32
          %add3A_355 = vector.broadcast %add3A_354 : i32 to vector<16xi32>
          %add3A_356 = arith.addi %add3A_355, %iota3A : vector<16xi32>
          %ge3A_357 = vector.broadcast %max3A_304 : i32 to vector<16xi32>
          %ge3A_358 = arith.cmpi sge, %add3A_356, %ge3A_357 : vector<16xi32>
          %lt3A = vector.broadcast %scan3A_51#2 : i32 to vector<16xi32>
          %lt3A_359 = arith.cmpi slt, %add3A_356, %lt3A : vector<16xi32>
          %and3A_360 = arith.andi %ge3A_358, %lt3A_359 : vector<16xi1>
          tpu.vector_store_idx %arg13[%or3A_347], %broadcast_in_dim3A_1 masked %and3A_360 {add = true} : memref<32768xf32, #tpu.memory_space<vmem>>[vector<16xi32>], vector<16xf32>, vector<16xi1>
          %mul3A_361 = arith.constant 16 : i32
          %mul3A_362 = arith.muli %scan3A_332, %mul3A_361 : i32
          %mul3A_363 = arith.constant 16 : i32
          %mul3A_364 = arith.muli %mul3A_362, %mul3A_363 : i32
          %add3A_365 = arith.constant 16 : i32
          %add3A_366 = arith.addi %mul3A_364, %add3A_365 : i32
          %get3A_367 = arith.index_cast %add3A_366 : i32 to index
          %get3A_368 = tpu.vector_load %arg8[%get3A_367] {strides = array<i32>} : memref<8192xi32, #tpu.memory_space<vmem>>, vector<16xi32>,
          %and3A_369 = arith.constant 255 : i32
          %and3A_370 = vector.broadcast %and3A_369 : i32 to vector<16xi32>
          %and3A_371 = arith.andi %get3A_368, %and3A_370 : vector<16xi32>
          %shift_left3A_372 = arith.constant 7 : i32
          %shift_left3A_373 = vector.broadcast %shift_left3A_372 : i32 to vector<16xi32>
          %shift_left3A_374 = arith.shli %and3A_371, %shift_left3A_373 : vector<16xi32>
          %get3A_375 = arith.index_cast %add3A_366 : i32 to index
          %get3A_376 = tpu.vector_load %arg12[%get3A_375] {strides = array<i32>} : memref<8192xi32, #tpu.memory_space<vmem>>, vector<16xi32>,
          %or3A_377 = arith.ori %shift_left3A_374, %get3A_376 : vector<16xi32>
          %mul3A_378 = arith.constant 16 : i32
          %mul3A_379 = arith.muli %scan3A_332, %mul3A_378 : i32
          %mul3A_380 = arith.constant 16 : i32
          %mul3A_381 = arith.muli %mul3A_379, %mul3A_380 : i32
          %add3A_382 = arith.addi %multiple_of3A_300, %mul3A_381 : i32
          %add3A_383 = arith.constant 16 : i32
          %add3A_384 = arith.addi %add3A_382, %add3A_383 : i32
          %add3A_385 = vector.broadcast %add3A_384 : i32 to vector<16xi32>
          %add3A_386 = arith.addi %add3A_385, %iota3A : vector<16xi32>
          %ge3A_387 = vector.broadcast %max3A_304 : i32 to vector<16xi32>
          %ge3A_388 = arith.cmpi sge, %add3A_386, %ge3A_387 : vector<16xi32>
          %lt3A_389 = vector.broadcast %scan3A_51#2 : i32 to vector<16xi32>
          %lt3A_390 = arith.cmpi slt, %add3A_386, %lt3A_389 : vector<16xi32>
          %and3A_391 = arith.andi %ge3A_388, %lt3A_390 : vector<16xi1>
          tpu.vector_store_idx %arg13[%or3A_377], %broadcast_in_dim3A_1 masked %and3A_391 {add = true} : memref<32768xf32, #tpu.memory_space<vmem>>[vector<16xi32>], vector<16xf32>, vector<16xi1>
          %mul3A_392 = arith.constant 16 : i32
          %mul3A_393 = arith.muli %scan3A_332, %mul3A_392 : i32
          %mul3A_394 = arith.constant 16 : i32
          %mul3A_395 = arith.muli %mul3A_393, %mul3A_394 : i32
          %add3A_396 = arith.constant 32 : i32
          %add3A_397 = arith.addi %mul3A_395, %add3A_396 : i32
          %get3A_398 = arith.index_cast %add3A_397 : i32 to index
          %get3A_399 = tpu.vector_load %arg8[%get3A_398] {strides = array<i32>} : memref<8192xi32, #tpu.memory_space<vmem>>, vector<16xi32>,
          %and3A_400 = arith.constant 255 : i32
          %and3A_401 = vector.broadcast %and3A_400 : i32 to vector<16xi32>
          %and3A_402 = arith.andi %get3A_399, %and3A_401 : vector<16xi32>
          %shift_left3A_403 = arith.constant 7 : i32
          %shift_left3A_404 = vector.broadcast %shift_left3A_403 : i32 to vector<16xi32>
          %shift_left3A_405 = arith.shli %and3A_402, %shift_left3A_404 : vector<16xi32>
          %get3A_406 = arith.index_cast %add3A_397 : i32 to index
          %get3A_407 = tpu.vector_load %arg12[%get3A_406] {strides = array<i32>} : memref<8192xi32, #tpu.memory_space<vmem>>, vector<16xi32>,
          %or3A_408 = arith.ori %shift_left3A_405, %get3A_407 : vector<16xi32>
          %mul3A_409 = arith.constant 16 : i32
          %mul3A_410 = arith.muli %scan3A_332, %mul3A_409 : i32
          %mul3A_411 = arith.constant 16 : i32
          %mul3A_412 = arith.muli %mul3A_410, %mul3A_411 : i32
          %add3A_413 = arith.addi %multiple_of3A_300, %mul3A_412 : i32
          %add3A_414 = arith.constant 32 : i32
          %add3A_415 = arith.addi %add3A_413, %add3A_414 : i32
          %add3A_416 = vector.broadcast %add3A_415 : i32 to vector<16xi32>
          %add3A_417 = arith.addi %add3A_416, %iota3A : vector<16xi32>
          %ge3A_418 = vector.broadcast %max3A_304 : i32 to vector<16xi32>
          %ge3A_419 = arith.cmpi sge, %add3A_417, %ge3A_418 : vector<16xi32>
          %lt3A_420 = vector.broadcast %scan3A_51#2 : i32 to vector<16xi32>
          %lt3A_421 = arith.cmpi slt, %add3A_417, %lt3A_420 : vector<16xi32>
          %and3A_422 = arith.andi %ge3A_419, %lt3A_421 : vector<16xi1>
          tpu.vector_store_idx %arg13[%or3A_408], %broadcast_in_dim3A_1 masked %and3A_422 {add = true} : memref<32768xf32, #tpu.memory_space<vmem>>[vector<16xi32>], vector<16xf32>, vector<16xi1>
          %mul3A_423 = arith.constant 16 : i32
          %mul3A_424 = arith.muli %scan3A_332, %mul3A_423 : i32
          %mul3A_425 = arith.constant 16 : i32
          %mul3A_426 = arith.muli %mul3A_424, %mul3A_425 : i32
          %add3A_427 = arith.constant 48 : i32
          %add3A_428 = arith.addi %mul3A_426, %add3A_427 : i32
          %get3A_429 = arith.index_cast %add3A_428 : i32 to index
          %get3A_430 = tpu.vector_load %arg8[%get3A_429] {strides = array<i32>} : memref<8192xi32, #tpu.memory_space<vmem>>, vector<16xi32>,
          %and3A_431 = arith.constant 255 : i32
          %and3A_432 = vector.broadcast %and3A_431 : i32 to vector<16xi32>
          %and3A_433 = arith.andi %get3A_430, %and3A_432 : vector<16xi32>
          %shift_left3A_434 = arith.constant 7 : i32
          %shift_left3A_435 = vector.broadcast %shift_left3A_434 : i32 to vector<16xi32>
          %shift_left3A_436 = arith.shli %and3A_433, %shift_left3A_435 : vector<16xi32>
          %get3A_437 = arith.index_cast %add3A_428 : i32 to index
          %get3A_438 = tpu.vector_load %arg12[%get3A_437] {strides = array<i32>} : memref<8192xi32, #tpu.memory_space<vmem>>, vector<16xi32>,
          %or3A_439 = arith.ori %shift_left3A_436, %get3A_438 : vector<16xi32>
          %mul3A_440 = arith.constant 16 : i32
          %mul3A_441 = arith.muli %scan3A_332, %mul3A_440 : i32
          %mul3A_442 = arith.constant 16 : i32
          %mul3A_443 = arith.muli %mul3A_441, %mul3A_442 : i32
          %add3A_444 = arith.addi %multiple_of3A_300, %mul3A_443 : i32
          %add3A_445 = arith.constant 48 : i32
          %add3A_446 = arith.addi %add3A_444, %add3A_445 : i32
          %add3A_447 = vector.broadcast %add3A_446 : i32 to vector<16xi32>
          %add3A_448 = arith.addi %add3A_447, %iota3A : vector<16xi32>
          %ge3A_449 = vector.broadcast %max3A_304 : i32 to vector<16xi32>
          %ge3A_450 = arith.cmpi sge, %add3A_448, %ge3A_449 : vector<16xi32>
          %lt3A_451 = vector.broadcast %scan3A_51#2 : i32 to vector<16xi32>
          %lt3A_452 = arith.cmpi slt, %add3A_448, %lt3A_451 : vector<16xi32>
          %and3A_453 = arith.andi %ge3A_450, %lt3A_452 : vector<16xi1>
          tpu.vector_store_idx %arg13[%or3A_439], %broadcast_in_dim3A_1 masked %and3A_453 {add = true} : memref<32768xf32, #tpu.memory_space<vmem>>[vector<16xi32>], vector<16xf32>, vector<16xi1>
          %mul3A_454 = arith.constant 16 : i32
          %mul3A_455 = arith.muli %scan3A_332, %mul3A_454 : i32
          %mul3A_456 = arith.constant 16 : i32
          %mul3A_457 = arith.muli %mul3A_455, %mul3A_456 : i32
          %add3A_458 = arith.constant 64 : i32
          %add3A_459 = arith.addi %mul3A_457, %add3A_458 : i32
          %get3A_460 = arith.index_cast %add3A_459 : i32 to index
          %get3A_461 = tpu.vector_load %arg8[%get3A_460] {strides = array<i32>} : memref<8192xi32, #tpu.memory_space<vmem>>, vector<16xi32>,
          %and3A_462 = arith.constant 255 : i32
          %and3A_463 = vector.broadcast %and3A_462 : i32 to vector<16xi32>
          %and3A_464 = arith.andi %get3A_461, %and3A_463 : vector<16xi32>
          %shift_left3A_465 = arith.constant 7 : i32
          %shift_left3A_466 = vector.broadcast %shift_left3A_465 : i32 to vector<16xi32>
          %shift_left3A_467 = arith.shli %and3A_464, %shift_left3A_466 : vector<16xi32>
          %get3A_468 = arith.index_cast %add3A_459 : i32 to index
          %get3A_469 = tpu.vector_load %arg12[%get3A_468] {strides = array<i32>} : memref<8192xi32, #tpu.memory_space<vmem>>, vector<16xi32>,
          %or3A_470 = arith.ori %shift_left3A_467, %get3A_469 : vector<16xi32>
          %mul3A_471 = arith.constant 16 : i32
          %mul3A_472 = arith.muli %scan3A_332, %mul3A_471 : i32
          %mul3A_473 = arith.constant 16 : i32
          %mul3A_474 = arith.muli %mul3A_472, %mul3A_473 : i32
          %add3A_475 = arith.addi %multiple_of3A_300, %mul3A_474 : i32
          %add3A_476 = arith.constant 64 : i32
          %add3A_477 = arith.addi %add3A_475, %add3A_476 : i32
          %add3A_478 = vector.broadcast %add3A_477 : i32 to vector<16xi32>
          %add3A_479 = arith.addi %add3A_478, %iota3A : vector<16xi32>
          %ge3A_480 = vector.broadcast %max3A_304 : i32 to vector<16xi32>
          %ge3A_481 = arith.cmpi sge, %add3A_479, %ge3A_480 : vector<16xi32>
          %lt3A_482 = vector.broadcast %scan3A_51#2 : i32 to vector<16xi32>
          %lt3A_483 = arith.cmpi slt, %add3A_479, %lt3A_482 : vector<16xi32>
          %and3A_484 = arith.andi %ge3A_481, %lt3A_483 : vector<16xi1>
          tpu.vector_store_idx %arg13[%or3A_470], %broadcast_in_dim3A_1 masked %and3A_484 {add = true} : memref<32768xf32, #tpu.memory_space<vmem>>[vector<16xi32>], vector<16xf32>, vector<16xi1>
          %mul3A_485 = arith.constant 16 : i32
          %mul3A_486 = arith.muli %scan3A_332, %mul3A_485 : i32
          %mul3A_487 = arith.constant 16 : i32
          %mul3A_488 = arith.muli %mul3A_486, %mul3A_487 : i32
          %add3A_489 = arith.constant 80 : i32
          %add3A_490 = arith.addi %mul3A_488, %add3A_489 : i32
          %get3A_491 = arith.index_cast %add3A_490 : i32 to index
          %get3A_492 = tpu.vector_load %arg8[%get3A_491] {strides = array<i32>} : memref<8192xi32, #tpu.memory_space<vmem>>, vector<16xi32>,
          %and3A_493 = arith.constant 255 : i32
          %and3A_494 = vector.broadcast %and3A_493 : i32 to vector<16xi32>
          %and3A_495 = arith.andi %get3A_492, %and3A_494 : vector<16xi32>
          %shift_left3A_496 = arith.constant 7 : i32
          %shift_left3A_497 = vector.broadcast %shift_left3A_496 : i32 to vector<16xi32>
          %shift_left3A_498 = arith.shli %and3A_495, %shift_left3A_497 : vector<16xi32>
          %get3A_499 = arith.index_cast %add3A_490 : i32 to index
          %get3A_500 = tpu.vector_load %arg12[%get3A_499] {strides = array<i32>} : memref<8192xi32, #tpu.memory_space<vmem>>, vector<16xi32>,
          %or3A_501 = arith.ori %shift_left3A_498, %get3A_500 : vector<16xi32>
          %mul3A_502 = arith.constant 16 : i32
          %mul3A_503 = arith.muli %scan3A_332, %mul3A_502 : i32
          %mul3A_504 = arith.constant 16 : i32
          %mul3A_505 = arith.muli %mul3A_503, %mul3A_504 : i32
          %add3A_506 = arith.addi %multiple_of3A_300, %mul3A_505 : i32
          %add3A_507 = arith.constant 80 : i32
          %add3A_508 = arith.addi %add3A_506, %add3A_507 : i32
          %add3A_509 = vector.broadcast %add3A_508 : i32 to vector<16xi32>
          %add3A_510 = arith.addi %add3A_509, %iota3A : vector<16xi32>
          %ge3A_511 = vector.broadcast %max3A_304 : i32 to vector<16xi32>
          %ge3A_512 = arith.cmpi sge, %add3A_510, %ge3A_511 : vector<16xi32>
          %lt3A_513 = vector.broadcast %scan3A_51#2 : i32 to vector<16xi32>
          %lt3A_514 = arith.cmpi slt, %add3A_510, %lt3A_513 : vector<16xi32>
          %and3A_515 = arith.andi %ge3A_512, %lt3A_514 : vector<16xi1>
          tpu.vector_store_idx %arg13[%or3A_501], %broadcast_in_dim3A_1 masked %and3A_515 {add = true} : memref<32768xf32, #tpu.memory_space<vmem>>[vector<16xi32>], vector<16xf32>, vector<16xi1>
          %mul3A_516 = arith.constant 16 : i32
          %mul3A_517 = arith.muli %scan3A_332, %mul3A_516 : i32
          %mul3A_518 = arith.constant 16 : i32
          %mul3A_519 = arith.muli %mul3A_517, %mul3A_518 : i32
          %add3A_520 = arith.constant 96 : i32
          %add3A_521 = arith.addi %mul3A_519, %add3A_520 : i32
          %get3A_522 = arith.index_cast %add3A_521 : i32 to index
          %get3A_523 = tpu.vector_load %arg8[%get3A_522] {strides = array<i32>} : memref<8192xi32, #tpu.memory_space<vmem>>, vector<16xi32>,
          %and3A_524 = arith.constant 255 : i32
          %and3A_525 = vector.broadcast %and3A_524 : i32 to vector<16xi32>
          %and3A_526 = arith.andi %get3A_523, %and3A_525 : vector<16xi32>
          %shift_left3A_527 = arith.constant 7 : i32
          %shift_left3A_528 = vector.broadcast %shift_left3A_527 : i32 to vector<16xi32>
          %shift_left3A_529 = arith.shli %and3A_526, %shift_left3A_528 : vector<16xi32>
          %get3A_530 = arith.index_cast %add3A_521 : i32 to index
          %get3A_531 = tpu.vector_load %arg12[%get3A_530] {strides = array<i32>} : memref<8192xi32, #tpu.memory_space<vmem>>, vector<16xi32>,
          %or3A_532 = arith.ori %shift_left3A_529, %get3A_531 : vector<16xi32>
          %mul3A_533 = arith.constant 16 : i32
          %mul3A_534 = arith.muli %scan3A_332, %mul3A_533 : i32
          %mul3A_535 = arith.constant 16 : i32
          %mul3A_536 = arith.muli %mul3A_534, %mul3A_535 : i32
          %add3A_537 = arith.addi %multiple_of3A_300, %mul3A_536 : i32
          %add3A_538 = arith.constant 96 : i32
          %add3A_539 = arith.addi %add3A_537, %add3A_538 : i32
          %add3A_540 = vector.broadcast %add3A_539 : i32 to vector<16xi32>
          %add3A_541 = arith.addi %add3A_540, %iota3A : vector<16xi32>
          %ge3A_542 = vector.broadcast %max3A_304 : i32 to vector<16xi32>
          %ge3A_543 = arith.cmpi sge, %add3A_541, %ge3A_542 : vector<16xi32>
          %lt3A_544 = vector.broadcast %scan3A_51#2 : i32 to vector<16xi32>
          %lt3A_545 = arith.cmpi slt, %add3A_541, %lt3A_544 : vector<16xi32>
          %and3A_546 = arith.andi %ge3A_543, %lt3A_545 : vector<16xi1>
          tpu.vector_store_idx %arg13[%or3A_532], %broadcast_in_dim3A_1 masked %and3A_546 {add = true} : memref<32768xf32, #tpu.memory_space<vmem>>[vector<16xi32>], vector<16xf32>, vector<16xi1>
          %mul3A_547 = arith.constant 16 : i32
          %mul3A_548 = arith.muli %scan3A_332, %mul3A_547 : i32
          %mul3A_549 = arith.constant 16 : i32
          %mul3A_550 = arith.muli %mul3A_548, %mul3A_549 : i32
          %add3A_551 = arith.constant 112 : i32
          %add3A_552 = arith.addi %mul3A_550, %add3A_551 : i32
          %get3A_553 = arith.index_cast %add3A_552 : i32 to index
          %get3A_554 = tpu.vector_load %arg8[%get3A_553] {strides = array<i32>} : memref<8192xi32, #tpu.memory_space<vmem>>, vector<16xi32>,
          %and3A_555 = arith.constant 255 : i32
          %and3A_556 = vector.broadcast %and3A_555 : i32 to vector<16xi32>
          %and3A_557 = arith.andi %get3A_554, %and3A_556 : vector<16xi32>
          %shift_left3A_558 = arith.constant 7 : i32
          %shift_left3A_559 = vector.broadcast %shift_left3A_558 : i32 to vector<16xi32>
          %shift_left3A_560 = arith.shli %and3A_557, %shift_left3A_559 : vector<16xi32>
          %get3A_561 = arith.index_cast %add3A_552 : i32 to index
          %get3A_562 = tpu.vector_load %arg12[%get3A_561] {strides = array<i32>} : memref<8192xi32, #tpu.memory_space<vmem>>, vector<16xi32>,
          %or3A_563 = arith.ori %shift_left3A_560, %get3A_562 : vector<16xi32>
          %mul3A_564 = arith.constant 16 : i32
          %mul3A_565 = arith.muli %scan3A_332, %mul3A_564 : i32
          %mul3A_566 = arith.constant 16 : i32
          %mul3A_567 = arith.muli %mul3A_565, %mul3A_566 : i32
          %add3A_568 = arith.addi %multiple_of3A_300, %mul3A_567 : i32
          %add3A_569 = arith.constant 112 : i32
          %add3A_570 = arith.addi %add3A_568, %add3A_569 : i32
          %add3A_571 = vector.broadcast %add3A_570 : i32 to vector<16xi32>
          %add3A_572 = arith.addi %add3A_571, %iota3A : vector<16xi32>
          %ge3A_573 = vector.broadcast %max3A_304 : i32 to vector<16xi32>
          %ge3A_574 = arith.cmpi sge, %add3A_572, %ge3A_573 : vector<16xi32>
          %lt3A_575 = vector.broadcast %scan3A_51#2 : i32 to vector<16xi32>
          %lt3A_576 = arith.cmpi slt, %add3A_572, %lt3A_575 : vector<16xi32>
          %and3A_577 = arith.andi %ge3A_574, %lt3A_576 : vector<16xi1>
          tpu.vector_store_idx %arg13[%or3A_563], %broadcast_in_dim3A_1 masked %and3A_577 {add = true} : memref<32768xf32, #tpu.memory_space<vmem>>[vector<16xi32>], vector<16xf32>, vector<16xi1>
          %mul3A_578 = arith.constant 16 : i32
          %mul3A_579 = arith.muli %scan3A_332, %mul3A_578 : i32
          %mul3A_580 = arith.constant 16 : i32
          %mul3A_581 = arith.muli %mul3A_579, %mul3A_580 : i32
          %add3A_582 = arith.constant 128 : i32
          %add3A_583 = arith.addi %mul3A_581, %add3A_582 : i32
          %get3A_584 = arith.index_cast %add3A_583 : i32 to index
          %get3A_585 = tpu.vector_load %arg8[%get3A_584] {strides = array<i32>} : memref<8192xi32, #tpu.memory_space<vmem>>, vector<16xi32>,
          %and3A_586 = arith.constant 255 : i32
          %and3A_587 = vector.broadcast %and3A_586 : i32 to vector<16xi32>
          %and3A_588 = arith.andi %get3A_585, %and3A_587 : vector<16xi32>
          %shift_left3A_589 = arith.constant 7 : i32
          %shift_left3A_590 = vector.broadcast %shift_left3A_589 : i32 to vector<16xi32>
          %shift_left3A_591 = arith.shli %and3A_588, %shift_left3A_590 : vector<16xi32>
          %get3A_592 = arith.index_cast %add3A_583 : i32 to index
          %get3A_593 = tpu.vector_load %arg12[%get3A_592] {strides = array<i32>} : memref<8192xi32, #tpu.memory_space<vmem>>, vector<16xi32>,
          %or3A_594 = arith.ori %shift_left3A_591, %get3A_593 : vector<16xi32>
          %mul3A_595 = arith.constant 16 : i32
          %mul3A_596 = arith.muli %scan3A_332, %mul3A_595 : i32
          %mul3A_597 = arith.constant 16 : i32
          %mul3A_598 = arith.muli %mul3A_596, %mul3A_597 : i32
          %add3A_599 = arith.addi %multiple_of3A_300, %mul3A_598 : i32
          %add3A_600 = arith.constant 128 : i32
          %add3A_601 = arith.addi %add3A_599, %add3A_600 : i32
          %add3A_602 = vector.broadcast %add3A_601 : i32 to vector<16xi32>
          %add3A_603 = arith.addi %add3A_602, %iota3A : vector<16xi32>
          %ge3A_604 = vector.broadcast %max3A_304 : i32 to vector<16xi32>
          %ge3A_605 = arith.cmpi sge, %add3A_603, %ge3A_604 : vector<16xi32>
          %lt3A_606 = vector.broadcast %scan3A_51#2 : i32 to vector<16xi32>
          %lt3A_607 = arith.cmpi slt, %add3A_603, %lt3A_606 : vector<16xi32>
          %and3A_608 = arith.andi %ge3A_605, %lt3A_607 : vector<16xi1>
          tpu.vector_store_idx %arg13[%or3A_594], %broadcast_in_dim3A_1 masked %and3A_608 {add = true} : memref<32768xf32, #tpu.memory_space<vmem>>[vector<16xi32>], vector<16xf32>, vector<16xi1>
          %mul3A_609 = arith.constant 16 : i32
          %mul3A_610 = arith.muli %scan3A_332, %mul3A_609 : i32
          %mul3A_611 = arith.constant 16 : i32
          %mul3A_612 = arith.muli %mul3A_610, %mul3A_611 : i32
          %add3A_613 = arith.constant 144 : i32
          %add3A_614 = arith.addi %mul3A_612, %add3A_613 : i32
          %get3A_615 = arith.index_cast %add3A_614 : i32 to index
          %get3A_616 = tpu.vector_load %arg8[%get3A_615] {strides = array<i32>} : memref<8192xi32, #tpu.memory_space<vmem>>, vector<16xi32>,
          %and3A_617 = arith.constant 255 : i32
          %and3A_618 = vector.broadcast %and3A_617 : i32 to vector<16xi32>
          %and3A_619 = arith.andi %get3A_616, %and3A_618 : vector<16xi32>
          %shift_left3A_620 = arith.constant 7 : i32
          %shift_left3A_621 = vector.broadcast %shift_left3A_620 : i32 to vector<16xi32>
          %shift_left3A_622 = arith.shli %and3A_619, %shift_left3A_621 : vector<16xi32>
          %get3A_623 = arith.index_cast %add3A_614 : i32 to index
          %get3A_624 = tpu.vector_load %arg12[%get3A_623] {strides = array<i32>} : memref<8192xi32, #tpu.memory_space<vmem>>, vector<16xi32>,
          %or3A_625 = arith.ori %shift_left3A_622, %get3A_624 : vector<16xi32>
          %mul3A_626 = arith.constant 16 : i32
          %mul3A_627 = arith.muli %scan3A_332, %mul3A_626 : i32
          %mul3A_628 = arith.constant 16 : i32
          %mul3A_629 = arith.muli %mul3A_627, %mul3A_628 : i32
          %add3A_630 = arith.addi %multiple_of3A_300, %mul3A_629 : i32
          %add3A_631 = arith.constant 144 : i32
          %add3A_632 = arith.addi %add3A_630, %add3A_631 : i32
          %add3A_633 = vector.broadcast %add3A_632 : i32 to vector<16xi32>
          %add3A_634 = arith.addi %add3A_633, %iota3A : vector<16xi32>
          %ge3A_635 = vector.broadcast %max3A_304 : i32 to vector<16xi32>
          %ge3A_636 = arith.cmpi sge, %add3A_634, %ge3A_635 : vector<16xi32>
          %lt3A_637 = vector.broadcast %scan3A_51#2 : i32 to vector<16xi32>
          %lt3A_638 = arith.cmpi slt, %add3A_634, %lt3A_637 : vector<16xi32>
          %and3A_639 = arith.andi %ge3A_636, %lt3A_638 : vector<16xi1>
          tpu.vector_store_idx %arg13[%or3A_625], %broadcast_in_dim3A_1 masked %and3A_639 {add = true} : memref<32768xf32, #tpu.memory_space<vmem>>[vector<16xi32>], vector<16xf32>, vector<16xi1>
          %mul3A_640 = arith.constant 16 : i32
          %mul3A_641 = arith.muli %scan3A_332, %mul3A_640 : i32
          %mul3A_642 = arith.constant 16 : i32
          %mul3A_643 = arith.muli %mul3A_641, %mul3A_642 : i32
          %add3A_644 = arith.constant 160 : i32
          %add3A_645 = arith.addi %mul3A_643, %add3A_644 : i32
          %get3A_646 = arith.index_cast %add3A_645 : i32 to index
          %get3A_647 = tpu.vector_load %arg8[%get3A_646] {strides = array<i32>} : memref<8192xi32, #tpu.memory_space<vmem>>, vector<16xi32>,
          %and3A_648 = arith.constant 255 : i32
          %and3A_649 = vector.broadcast %and3A_648 : i32 to vector<16xi32>
          %and3A_650 = arith.andi %get3A_647, %and3A_649 : vector<16xi32>
          %shift_left3A_651 = arith.constant 7 : i32
          %shift_left3A_652 = vector.broadcast %shift_left3A_651 : i32 to vector<16xi32>
          %shift_left3A_653 = arith.shli %and3A_650, %shift_left3A_652 : vector<16xi32>
          %get3A_654 = arith.index_cast %add3A_645 : i32 to index
          %get3A_655 = tpu.vector_load %arg12[%get3A_654] {strides = array<i32>} : memref<8192xi32, #tpu.memory_space<vmem>>, vector<16xi32>,
          %or3A_656 = arith.ori %shift_left3A_653, %get3A_655 : vector<16xi32>
          %mul3A_657 = arith.constant 16 : i32
          %mul3A_658 = arith.muli %scan3A_332, %mul3A_657 : i32
          %mul3A_659 = arith.constant 16 : i32
          %mul3A_660 = arith.muli %mul3A_658, %mul3A_659 : i32
          %add3A_661 = arith.addi %multiple_of3A_300, %mul3A_660 : i32
          %add3A_662 = arith.constant 160 : i32
          %add3A_663 = arith.addi %add3A_661, %add3A_662 : i32
          %add3A_664 = vector.broadcast %add3A_663 : i32 to vector<16xi32>
          %add3A_665 = arith.addi %add3A_664, %iota3A : vector<16xi32>
          %ge3A_666 = vector.broadcast %max3A_304 : i32 to vector<16xi32>
          %ge3A_667 = arith.cmpi sge, %add3A_665, %ge3A_666 : vector<16xi32>
          %lt3A_668 = vector.broadcast %scan3A_51#2 : i32 to vector<16xi32>
          %lt3A_669 = arith.cmpi slt, %add3A_665, %lt3A_668 : vector<16xi32>
          %and3A_670 = arith.andi %ge3A_667, %lt3A_669 : vector<16xi1>
          tpu.vector_store_idx %arg13[%or3A_656], %broadcast_in_dim3A_1 masked %and3A_670 {add = true} : memref<32768xf32, #tpu.memory_space<vmem>>[vector<16xi32>], vector<16xf32>, vector<16xi1>
          %mul3A_671 = arith.constant 16 : i32
          %mul3A_672 = arith.muli %scan3A_332, %mul3A_671 : i32
          %mul3A_673 = arith.constant 16 : i32
          %mul3A_674 = arith.muli %mul3A_672, %mul3A_673 : i32
          %add3A_675 = arith.constant 176 : i32
          %add3A_676 = arith.addi %mul3A_674, %add3A_675 : i32
          %get3A_677 = arith.index_cast %add3A_676 : i32 to index
          %get3A_678 = tpu.vector_load %arg8[%get3A_677] {strides = array<i32>} : memref<8192xi32, #tpu.memory_space<vmem>>, vector<16xi32>,
          %and3A_679 = arith.constant 255 : i32
          %and3A_680 = vector.broadcast %and3A_679 : i32 to vector<16xi32>
          %and3A_681 = arith.andi %get3A_678, %and3A_680 : vector<16xi32>
          %shift_left3A_682 = arith.constant 7 : i32
          %shift_left3A_683 = vector.broadcast %shift_left3A_682 : i32 to vector<16xi32>
          %shift_left3A_684 = arith.shli %and3A_681, %shift_left3A_683 : vector<16xi32>
          %get3A_685 = arith.index_cast %add3A_676 : i32 to index
          %get3A_686 = tpu.vector_load %arg12[%get3A_685] {strides = array<i32>} : memref<8192xi32, #tpu.memory_space<vmem>>, vector<16xi32>,
          %or3A_687 = arith.ori %shift_left3A_684, %get3A_686 : vector<16xi32>
          %mul3A_688 = arith.constant 16 : i32
          %mul3A_689 = arith.muli %scan3A_332, %mul3A_688 : i32
          %mul3A_690 = arith.constant 16 : i32
          %mul3A_691 = arith.muli %mul3A_689, %mul3A_690 : i32
          %add3A_692 = arith.addi %multiple_of3A_300, %mul3A_691 : i32
          %add3A_693 = arith.constant 176 : i32
          %add3A_694 = arith.addi %add3A_692, %add3A_693 : i32
          %add3A_695 = vector.broadcast %add3A_694 : i32 to vector<16xi32>
          %add3A_696 = arith.addi %add3A_695, %iota3A : vector<16xi32>
          %ge3A_697 = vector.broadcast %max3A_304 : i32 to vector<16xi32>
          %ge3A_698 = arith.cmpi sge, %add3A_696, %ge3A_697 : vector<16xi32>
          %lt3A_699 = vector.broadcast %scan3A_51#2 : i32 to vector<16xi32>
          %lt3A_700 = arith.cmpi slt, %add3A_696, %lt3A_699 : vector<16xi32>
          %and3A_701 = arith.andi %ge3A_698, %lt3A_700 : vector<16xi1>
          tpu.vector_store_idx %arg13[%or3A_687], %broadcast_in_dim3A_1 masked %and3A_701 {add = true} : memref<32768xf32, #tpu.memory_space<vmem>>[vector<16xi32>], vector<16xf32>, vector<16xi1>
          %mul3A_702 = arith.constant 16 : i32
          %mul3A_703 = arith.muli %scan3A_332, %mul3A_702 : i32
          %mul3A_704 = arith.constant 16 : i32
          %mul3A_705 = arith.muli %mul3A_703, %mul3A_704 : i32
          %add3A_706 = arith.constant 192 : i32
          %add3A_707 = arith.addi %mul3A_705, %add3A_706 : i32
          %get3A_708 = arith.index_cast %add3A_707 : i32 to index
          %get3A_709 = tpu.vector_load %arg8[%get3A_708] {strides = array<i32>} : memref<8192xi32, #tpu.memory_space<vmem>>, vector<16xi32>,
          %and3A_710 = arith.constant 255 : i32
          %and3A_711 = vector.broadcast %and3A_710 : i32 to vector<16xi32>
          %and3A_712 = arith.andi %get3A_709, %and3A_711 : vector<16xi32>
          %shift_left3A_713 = arith.constant 7 : i32
          %shift_left3A_714 = vector.broadcast %shift_left3A_713 : i32 to vector<16xi32>
          %shift_left3A_715 = arith.shli %and3A_712, %shift_left3A_714 : vector<16xi32>
          %get3A_716 = arith.index_cast %add3A_707 : i32 to index
          %get3A_717 = tpu.vector_load %arg12[%get3A_716] {strides = array<i32>} : memref<8192xi32, #tpu.memory_space<vmem>>, vector<16xi32>,
          %or3A_718 = arith.ori %shift_left3A_715, %get3A_717 : vector<16xi32>
          %mul3A_719 = arith.constant 16 : i32
          %mul3A_720 = arith.muli %scan3A_332, %mul3A_719 : i32
          %mul3A_721 = arith.constant 16 : i32
          %mul3A_722 = arith.muli %mul3A_720, %mul3A_721 : i32
          %add3A_723 = arith.addi %multiple_of3A_300, %mul3A_722 : i32
          %add3A_724 = arith.constant 192 : i32
          %add3A_725 = arith.addi %add3A_723, %add3A_724 : i32
          %add3A_726 = vector.broadcast %add3A_725 : i32 to vector<16xi32>
          %add3A_727 = arith.addi %add3A_726, %iota3A : vector<16xi32>
          %ge3A_728 = vector.broadcast %max3A_304 : i32 to vector<16xi32>
          %ge3A_729 = arith.cmpi sge, %add3A_727, %ge3A_728 : vector<16xi32>
          %lt3A_730 = vector.broadcast %scan3A_51#2 : i32 to vector<16xi32>
          %lt3A_731 = arith.cmpi slt, %add3A_727, %lt3A_730 : vector<16xi32>
          %and3A_732 = arith.andi %ge3A_729, %lt3A_731 : vector<16xi1>
          tpu.vector_store_idx %arg13[%or3A_718], %broadcast_in_dim3A_1 masked %and3A_732 {add = true} : memref<32768xf32, #tpu.memory_space<vmem>>[vector<16xi32>], vector<16xf32>, vector<16xi1>
          %mul3A_733 = arith.constant 16 : i32
          %mul3A_734 = arith.muli %scan3A_332, %mul3A_733 : i32
          %mul3A_735 = arith.constant 16 : i32
          %mul3A_736 = arith.muli %mul3A_734, %mul3A_735 : i32
          %add3A_737 = arith.constant 208 : i32
          %add3A_738 = arith.addi %mul3A_736, %add3A_737 : i32
          %get3A_739 = arith.index_cast %add3A_738 : i32 to index
          %get3A_740 = tpu.vector_load %arg8[%get3A_739] {strides = array<i32>} : memref<8192xi32, #tpu.memory_space<vmem>>, vector<16xi32>,
          %and3A_741 = arith.constant 255 : i32
          %and3A_742 = vector.broadcast %and3A_741 : i32 to vector<16xi32>
          %and3A_743 = arith.andi %get3A_740, %and3A_742 : vector<16xi32>
          %shift_left3A_744 = arith.constant 7 : i32
          %shift_left3A_745 = vector.broadcast %shift_left3A_744 : i32 to vector<16xi32>
          %shift_left3A_746 = arith.shli %and3A_743, %shift_left3A_745 : vector<16xi32>
          %get3A_747 = arith.index_cast %add3A_738 : i32 to index
          %get3A_748 = tpu.vector_load %arg12[%get3A_747] {strides = array<i32>} : memref<8192xi32, #tpu.memory_space<vmem>>, vector<16xi32>,
          %or3A_749 = arith.ori %shift_left3A_746, %get3A_748 : vector<16xi32>
          %mul3A_750 = arith.constant 16 : i32
          %mul3A_751 = arith.muli %scan3A_332, %mul3A_750 : i32
          %mul3A_752 = arith.constant 16 : i32
          %mul3A_753 = arith.muli %mul3A_751, %mul3A_752 : i32
          %add3A_754 = arith.addi %multiple_of3A_300, %mul3A_753 : i32
          %add3A_755 = arith.constant 208 : i32
          %add3A_756 = arith.addi %add3A_754, %add3A_755 : i32
          %add3A_757 = vector.broadcast %add3A_756 : i32 to vector<16xi32>
          %add3A_758 = arith.addi %add3A_757, %iota3A : vector<16xi32>
          %ge3A_759 = vector.broadcast %max3A_304 : i32 to vector<16xi32>
          %ge3A_760 = arith.cmpi sge, %add3A_758, %ge3A_759 : vector<16xi32>
          %lt3A_761 = vector.broadcast %scan3A_51#2 : i32 to vector<16xi32>
          %lt3A_762 = arith.cmpi slt, %add3A_758, %lt3A_761 : vector<16xi32>
          %and3A_763 = arith.andi %ge3A_760, %lt3A_762 : vector<16xi1>
          tpu.vector_store_idx %arg13[%or3A_749], %broadcast_in_dim3A_1 masked %and3A_763 {add = true} : memref<32768xf32, #tpu.memory_space<vmem>>[vector<16xi32>], vector<16xf32>, vector<16xi1>
          %mul3A_764 = arith.constant 16 : i32
          %mul3A_765 = arith.muli %scan3A_332, %mul3A_764 : i32
          %mul3A_766 = arith.constant 16 : i32
          %mul3A_767 = arith.muli %mul3A_765, %mul3A_766 : i32
          %add3A_768 = arith.constant 224 : i32
          %add3A_769 = arith.addi %mul3A_767, %add3A_768 : i32
          %get3A_770 = arith.index_cast %add3A_769 : i32 to index
          %get3A_771 = tpu.vector_load %arg8[%get3A_770] {strides = array<i32>} : memref<8192xi32, #tpu.memory_space<vmem>>, vector<16xi32>,
          %and3A_772 = arith.constant 255 : i32
          %and3A_773 = vector.broadcast %and3A_772 : i32 to vector<16xi32>
          %and3A_774 = arith.andi %get3A_771, %and3A_773 : vector<16xi32>
          %shift_left3A_775 = arith.constant 7 : i32
          %shift_left3A_776 = vector.broadcast %shift_left3A_775 : i32 to vector<16xi32>
          %shift_left3A_777 = arith.shli %and3A_774, %shift_left3A_776 : vector<16xi32>
          %get3A_778 = arith.index_cast %add3A_769 : i32 to index
          %get3A_779 = tpu.vector_load %arg12[%get3A_778] {strides = array<i32>} : memref<8192xi32, #tpu.memory_space<vmem>>, vector<16xi32>,
          %or3A_780 = arith.ori %shift_left3A_777, %get3A_779 : vector<16xi32>
          %mul3A_781 = arith.constant 16 : i32
          %mul3A_782 = arith.muli %scan3A_332, %mul3A_781 : i32
          %mul3A_783 = arith.constant 16 : i32
          %mul3A_784 = arith.muli %mul3A_782, %mul3A_783 : i32
          %add3A_785 = arith.addi %multiple_of3A_300, %mul3A_784 : i32
          %add3A_786 = arith.constant 224 : i32
          %add3A_787 = arith.addi %add3A_785, %add3A_786 : i32
          %add3A_788 = vector.broadcast %add3A_787 : i32 to vector<16xi32>
          %add3A_789 = arith.addi %add3A_788, %iota3A : vector<16xi32>
          %ge3A_790 = vector.broadcast %max3A_304 : i32 to vector<16xi32>
          %ge3A_791 = arith.cmpi sge, %add3A_789, %ge3A_790 : vector<16xi32>
          %lt3A_792 = vector.broadcast %scan3A_51#2 : i32 to vector<16xi32>
          %lt3A_793 = arith.cmpi slt, %add3A_789, %lt3A_792 : vector<16xi32>
          %and3A_794 = arith.andi %ge3A_791, %lt3A_793 : vector<16xi1>
          tpu.vector_store_idx %arg13[%or3A_780], %broadcast_in_dim3A_1 masked %and3A_794 {add = true} : memref<32768xf32, #tpu.memory_space<vmem>>[vector<16xi32>], vector<16xf32>, vector<16xi1>
          %mul3A_795 = arith.constant 16 : i32
          %mul3A_796 = arith.muli %scan3A_332, %mul3A_795 : i32
          %mul3A_797 = arith.constant 16 : i32
          %mul3A_798 = arith.muli %mul3A_796, %mul3A_797 : i32
          %add3A_799 = arith.constant 240 : i32
          %add3A_800 = arith.addi %mul3A_798, %add3A_799 : i32
          %get3A_801 = arith.index_cast %add3A_800 : i32 to index
          %get3A_802 = tpu.vector_load %arg8[%get3A_801] {strides = array<i32>} : memref<8192xi32, #tpu.memory_space<vmem>>, vector<16xi32>,
          %and3A_803 = arith.constant 255 : i32
          %and3A_804 = vector.broadcast %and3A_803 : i32 to vector<16xi32>
          %and3A_805 = arith.andi %get3A_802, %and3A_804 : vector<16xi32>
          %shift_left3A_806 = arith.constant 7 : i32
          %shift_left3A_807 = vector.broadcast %shift_left3A_806 : i32 to vector<16xi32>
          %shift_left3A_808 = arith.shli %and3A_805, %shift_left3A_807 : vector<16xi32>
          %get3A_809 = arith.index_cast %add3A_800 : i32 to index
          %get3A_810 = tpu.vector_load %arg12[%get3A_809] {strides = array<i32>} : memref<8192xi32, #tpu.memory_space<vmem>>, vector<16xi32>,
          %or3A_811 = arith.ori %shift_left3A_808, %get3A_810 : vector<16xi32>
          %mul3A_812 = arith.constant 16 : i32
          %mul3A_813 = arith.muli %scan3A_332, %mul3A_812 : i32
          %mul3A_814 = arith.constant 16 : i32
          %mul3A_815 = arith.muli %mul3A_813, %mul3A_814 : i32
          %add3A_816 = arith.addi %multiple_of3A_300, %mul3A_815 : i32
          %add3A_817 = arith.constant 240 : i32
          %add3A_818 = arith.addi %add3A_816, %add3A_817 : i32
          %add3A_819 = vector.broadcast %add3A_818 : i32 to vector<16xi32>
          %add3A_820 = arith.addi %add3A_819, %iota3A : vector<16xi32>
          %ge3A_821 = vector.broadcast %max3A_304 : i32 to vector<16xi32>
          %ge3A_822 = arith.cmpi sge, %add3A_820, %ge3A_821 : vector<16xi32>
          %lt3A_823 = vector.broadcast %scan3A_51#2 : i32 to vector<16xi32>
          %lt3A_824 = arith.cmpi slt, %add3A_820, %lt3A_823 : vector<16xi32>
          %and3A_825 = arith.andi %ge3A_822, %lt3A_824 : vector<16xi1>
          tpu.vector_store_idx %arg13[%or3A_811], %broadcast_in_dim3A_1 masked %and3A_825 {add = true} : memref<32768xf32, #tpu.memory_space<vmem>>[vector<16xi32>], vector<16xf32>, vector<16xi1>
        }
        %scan3A_331 = arith.constant 32 : i32
      } else {
        %parallel_loop3A = arith.constant 0 : i32
        %parallel_loop3A_326 = arith.constant 512 : i32
        %parallel_loop3A_327 = arith.constant 1 : i32
        scf.for %parallel_loop3A_328 = %parallel_loop3A to %parallel_loop3A_326 step %parallel_loop3A_327  : i32 {
          %parallel_loop3A_329 = arith.constant 16 : i32
          %parallel_loop3A_330 = arith.muli %parallel_loop3A_328, %parallel_loop3A_329 : i32
          %parallel_loop3A_331 = arith.index_cast %parallel_loop3A_330 : i32 to index
          %parallel_loop3A_332 = tpu.vector_load %arg8[%parallel_loop3A_331] {strides = array<i32>} : memref<8192xi32, #tpu.memory_space<vmem>>, vector<16xi32>,
          %parallel_loop3A_333 = arith.constant 255 : i32
          %parallel_loop3A_334 = vector.broadcast %parallel_loop3A_333 : i32 to vector<16xi32>
          %parallel_loop3A_335 = arith.andi %parallel_loop3A_332, %parallel_loop3A_334 : vector<16xi32>
          %parallel_loop3A_336 = arith.constant 7 : i32
          %parallel_loop3A_337 = vector.broadcast %parallel_loop3A_336 : i32 to vector<16xi32>
          %parallel_loop3A_338 = arith.shli %parallel_loop3A_335, %parallel_loop3A_337 : vector<16xi32>
          %parallel_loop3A_339 = arith.index_cast %parallel_loop3A_330 : i32 to index
          %parallel_loop3A_340 = tpu.vector_load %arg12[%parallel_loop3A_339] {strides = array<i32>} : memref<8192xi32, #tpu.memory_space<vmem>>, vector<16xi32>,
          %parallel_loop3A_341 = arith.ori %parallel_loop3A_338, %parallel_loop3A_340 : vector<16xi32>
          tpu.vector_store_idx %arg13[%parallel_loop3A_341], %broadcast_in_dim3A_1 {add = true} : memref<32768xf32, #tpu.memory_space<vmem>>[vector<16xi32>], vector<16xf32>,
        } {sc.loop_unroll_factor = 16 : i64, sc.parallel_access}
      }
      %add3A_314 = arith.constant 4 : i32
      %add3A_315 = arith.addi %add3A_286, %add3A_314 : i32
      %mul3A_316 = arith.constant 8192 : i32
      %mul3A_317 = arith.muli %add3A_315, %mul3A_316 : i32
      %add3A_318 = arith.addi %and3A_54, %mul3A_317 : i32
      %min3A_319 = arith.constant 3991808 : i32
      %min3A_320 = arith.minsi %add3A_318, %min3A_319 : i32
      %multiple_of3A_321 = tpu.assume_multiple %min3A_320, 8 : i32
      %dma_start3A_322 = tpu.memref_slice %arg3[%multiple_of3A_321] : memref<4000000xi32, #tpu.memory_space<hbm>> -> memref<8192xi32, #tpu.memory_space<hbm>>
      %dma_start3A_323 = tpu.memref_slice %arg3[%multiple_of3A_321] : memref<4000000xi32, #tpu.memory_space<hbm>> -> memref<8192xi32, #tpu.memory_space<hbm>>
      tpu.enqueue_dma source(%dma_start3A_323 : memref<8192xi32, #tpu.memory_space<hbm>>) target(%arg8 : memref<8192xi32, #tpu.memory_space<vmem>>) target_semaphore(%arg19 : memref<!tpu.dma_semaphore, #tpu.memory_space<semaphore_mem>>)
      %dma_start3A_324 = tpu.memref_slice %arg2[%multiple_of3A_321] : memref<4000000xi32, #tpu.memory_space<hbm>> -> memref<8192xi32, #tpu.memory_space<hbm>>
      %dma_start3A_325 = tpu.memref_slice %arg2[%multiple_of3A_321] : memref<4000000xi32, #tpu.memory_space<hbm>> -> memref<8192xi32, #tpu.memory_space<hbm>>
      tpu.enqueue_dma source(%dma_start3A_325 : memref<8192xi32, #tpu.memory_space<hbm>>) target(%arg12 : memref<8192xi32, #tpu.memory_space<vmem>>) target_semaphore(%arg19 : memref<!tpu.dma_semaphore, #tpu.memory_space<semaphore_mem>>)
    }
    %while3A_121 = arith.constant 1 : i32
    scf.for %while3A_157 = %while3A_119 to %while3A_115 step %while3A_121  : i32 {
      %mul3A_158 = arith.constant 4 : i32
      %mul3A_159 = arith.muli %mul3A_158, %while3A_157 : i32
      %add3A_160 = arith.constant 0 : i32
      %add3A_161 = arith.addi %mul3A_159, %add3A_160 : i32
      %dma_wait3A_162 = arith.constant 0 : i32
      %dma_wait3A_163 = tpu.memref_slice %arg3[%dma_wait3A_162] : memref<4000000xi32, #tpu.memory_space<hbm>> -> memref<8192xi32, #tpu.memory_space<hbm>>
      %dma_wait3A_164 = arith.constant 0 : i32
      %dma_wait3A_165 = tpu.memref_slice %arg3[%dma_wait3A_164] : memref<4000000xi32, #tpu.memory_space<hbm>> -> memref<8192xi32, #tpu.memory_space<hbm>>
      tpu.wait_dma2 semaphore(%arg16 : memref<!tpu.dma_semaphore, #tpu.memory_space<semaphore_mem>>) src(%dma_wait3A_165 : memref<8192xi32, #tpu.memory_space<hbm>>) dst(%arg5 : memref<8192xi32, #tpu.memory_space<vmem>>)
      %dma_wait3A_166 = arith.constant 0 : i32
      %dma_wait3A_167 = tpu.memref_slice %arg2[%dma_wait3A_166] : memref<4000000xi32, #tpu.memory_space<hbm>> -> memref<8192xi32, #tpu.memory_space<hbm>>
      %dma_wait3A_168 = arith.constant 0 : i32
      %dma_wait3A_169 = tpu.memref_slice %arg2[%dma_wait3A_168] : memref<4000000xi32, #tpu.memory_space<hbm>> -> memref<8192xi32, #tpu.memory_space<hbm>>
      tpu.wait_dma2 semaphore(%arg16 : memref<!tpu.dma_semaphore, #tpu.memory_space<semaphore_mem>>) src(%dma_wait3A_169 : memref<8192xi32, #tpu.memory_space<hbm>>) dst(%arg9 : memref<8192xi32, #tpu.memory_space<vmem>>)
      %mul3A_170 = arith.constant 8192 : i32
      %mul3A_171 = arith.muli %add3A_161, %mul3A_170 : i32
      %add3A_172 = arith.addi %and3A_54, %mul3A_171 : i32
      %min3A_173 = arith.constant 3991808 : i32
      %min3A_174 = arith.minsi %add3A_172, %min3A_173 : i32
      %multiple_of3A_175 = tpu.assume_multiple %min3A_174, 8 : i32
      %mul3A_176 = arith.constant 8192 : i32
      %mul3A_177 = arith.muli %add3A_161, %mul3A_176 : i32
      %add3A_178 = arith.addi %and3A_54, %mul3A_177 : i32
      %max3A = arith.maxsi %scan3A_51#0, %add3A_178 : i32
      %eq3A = arith.constant 0 : i32
      %eq3A_179 = arith.cmpi eq, %add3A_161, %eq3A : i32
      %sub3A_180 = arith.constant 1 : i32
      %sub3A_181 = arith.subi %select_n3A, %sub3A_180 : i32
      %ge3A = arith.cmpi sge, %add3A_161, %sub3A_181 : i32
      %or3A = arith.ori %eq3A_179, %ge3A : i1
      %convert_element_type3A_182 = arith.extui %or3A : i1 to i32
      %cond3A_183 = arith.constant 0 : i32
      %cond3A_184 = arith.cmpi ne, %convert_element_type3A_182, %cond3A_183 : i32
      scf.if %cond3A_184 {
        %scan3A_326 = arith.constant 0 : i32
        %scan3A_327 = arith.constant 0 : i32
        %scan3A_328 = arith.constant 32 : i32
        %scan3A_329 = arith.addi %scan3A_327, %scan3A_328 : i32
        %scan3A_330 = arith.constant 1 : i32
        scf.for %scan3A_332 = %scan3A_327 to %scan3A_329 step %scan3A_330  : i32 {
          %mul3A_333 = arith.constant 16 : i32
          %mul3A_334 = arith.muli %scan3A_332, %mul3A_333 : i32
          %mul3A_335 = arith.constant 16 : i32
          %mul3A_336 = arith.muli %mul3A_334, %mul3A_335 : i32
          %add3A_337 = arith.constant 0 : i32
          %add3A_338 = arith.addi %mul3A_336, %add3A_337 : i32
          %get3A = arith.index_cast %add3A_338 : i32 to index
          %get3A_339 = tpu.vector_load %arg5[%get3A] {strides = array<i32>} : memref<8192xi32, #tpu.memory_space<vmem>>, vector<16xi32>,
          %and3A_340 = arith.constant 255 : i32
          %and3A_341 = vector.broadcast %and3A_340 : i32 to vector<16xi32>
          %and3A_342 = arith.andi %get3A_339, %and3A_341 : vector<16xi32>
          %shift_left3A = arith.constant 7 : i32
          %shift_left3A_343 = vector.broadcast %shift_left3A : i32 to vector<16xi32>
          %shift_left3A_344 = arith.shli %and3A_342, %shift_left3A_343 : vector<16xi32>
          %get3A_345 = arith.index_cast %add3A_338 : i32 to index
          %get3A_346 = tpu.vector_load %arg9[%get3A_345] {strides = array<i32>} : memref<8192xi32, #tpu.memory_space<vmem>>, vector<16xi32>,
          %or3A_347 = arith.ori %shift_left3A_344, %get3A_346 : vector<16xi32>
          %mul3A_348 = arith.constant 16 : i32
          %mul3A_349 = arith.muli %scan3A_332, %mul3A_348 : i32
          %mul3A_350 = arith.constant 16 : i32
          %mul3A_351 = arith.muli %mul3A_349, %mul3A_350 : i32
          %add3A_352 = arith.addi %multiple_of3A_175, %mul3A_351 : i32
          %add3A_353 = arith.constant 0 : i32
          %add3A_354 = arith.addi %add3A_352, %add3A_353 : i32
          %add3A_355 = vector.broadcast %add3A_354 : i32 to vector<16xi32>
          %add3A_356 = arith.addi %add3A_355, %iota3A : vector<16xi32>
          %ge3A_357 = vector.broadcast %max3A : i32 to vector<16xi32>
          %ge3A_358 = arith.cmpi sge, %add3A_356, %ge3A_357 : vector<16xi32>
          %lt3A = vector.broadcast %scan3A_51#2 : i32 to vector<16xi32>
          %lt3A_359 = arith.cmpi slt, %add3A_356, %lt3A : vector<16xi32>
          %and3A_360 = arith.andi %ge3A_358, %lt3A_359 : vector<16xi1>
          tpu.vector_store_idx %arg13[%or3A_347], %broadcast_in_dim3A_1 masked %and3A_360 {add = true} : memref<32768xf32, #tpu.memory_space<vmem>>[vector<16xi32>], vector<16xf32>, vector<16xi1>
          %mul3A_361 = arith.constant 16 : i32
          %mul3A_362 = arith.muli %scan3A_332, %mul3A_361 : i32
          %mul3A_363 = arith.constant 16 : i32
          %mul3A_364 = arith.muli %mul3A_362, %mul3A_363 : i32
          %add3A_365 = arith.constant 16 : i32
          %add3A_366 = arith.addi %mul3A_364, %add3A_365 : i32
          %get3A_367 = arith.index_cast %add3A_366 : i32 to index
          %get3A_368 = tpu.vector_load %arg5[%get3A_367] {strides = array<i32>} : memref<8192xi32, #tpu.memory_space<vmem>>, vector<16xi32>,
          %and3A_369 = arith.constant 255 : i32
          %and3A_370 = vector.broadcast %and3A_369 : i32 to vector<16xi32>
          %and3A_371 = arith.andi %get3A_368, %and3A_370 : vector<16xi32>
          %shift_left3A_372 = arith.constant 7 : i32
          %shift_left3A_373 = vector.broadcast %shift_left3A_372 : i32 to vector<16xi32>
          %shift_left3A_374 = arith.shli %and3A_371, %shift_left3A_373 : vector<16xi32>
          %get3A_375 = arith.index_cast %add3A_366 : i32 to index
          %get3A_376 = tpu.vector_load %arg9[%get3A_375] {strides = array<i32>} : memref<8192xi32, #tpu.memory_space<vmem>>, vector<16xi32>,
          %or3A_377 = arith.ori %shift_left3A_374, %get3A_376 : vector<16xi32>
          %mul3A_378 = arith.constant 16 : i32
          %mul3A_379 = arith.muli %scan3A_332, %mul3A_378 : i32
          %mul3A_380 = arith.constant 16 : i32
          %mul3A_381 = arith.muli %mul3A_379, %mul3A_380 : i32
          %add3A_382 = arith.addi %multiple_of3A_175, %mul3A_381 : i32
          %add3A_383 = arith.constant 16 : i32
          %add3A_384 = arith.addi %add3A_382, %add3A_383 : i32
          %add3A_385 = vector.broadcast %add3A_384 : i32 to vector<16xi32>
          %add3A_386 = arith.addi %add3A_385, %iota3A : vector<16xi32>
          %ge3A_387 = vector.broadcast %max3A : i32 to vector<16xi32>
          %ge3A_388 = arith.cmpi sge, %add3A_386, %ge3A_387 : vector<16xi32>
          %lt3A_389 = vector.broadcast %scan3A_51#2 : i32 to vector<16xi32>
          %lt3A_390 = arith.cmpi slt, %add3A_386, %lt3A_389 : vector<16xi32>
          %and3A_391 = arith.andi %ge3A_388, %lt3A_390 : vector<16xi1>
          tpu.vector_store_idx %arg13[%or3A_377], %broadcast_in_dim3A_1 masked %and3A_391 {add = true} : memref<32768xf32, #tpu.memory_space<vmem>>[vector<16xi32>], vector<16xf32>, vector<16xi1>
          %mul3A_392 = arith.constant 16 : i32
          %mul3A_393 = arith.muli %scan3A_332, %mul3A_392 : i32
          %mul3A_394 = arith.constant 16 : i32
          %mul3A_395 = arith.muli %mul3A_393, %mul3A_394 : i32
          %add3A_396 = arith.constant 32 : i32
          %add3A_397 = arith.addi %mul3A_395, %add3A_396 : i32
          %get3A_398 = arith.index_cast %add3A_397 : i32 to index
          %get3A_399 = tpu.vector_load %arg5[%get3A_398] {strides = array<i32>} : memref<8192xi32, #tpu.memory_space<vmem>>, vector<16xi32>,
          %and3A_400 = arith.constant 255 : i32
          %and3A_401 = vector.broadcast %and3A_400 : i32 to vector<16xi32>
          %and3A_402 = arith.andi %get3A_399, %and3A_401 : vector<16xi32>
          %shift_left3A_403 = arith.constant 7 : i32
          %shift_left3A_404 = vector.broadcast %shift_left3A_403 : i32 to vector<16xi32>
          %shift_left3A_405 = arith.shli %and3A_402, %shift_left3A_404 : vector<16xi32>
          %get3A_406 = arith.index_cast %add3A_397 : i32 to index
          %get3A_407 = tpu.vector_load %arg9[%get3A_406] {strides = array<i32>} : memref<8192xi32, #tpu.memory_space<vmem>>, vector<16xi32>,
          %or3A_408 = arith.ori %shift_left3A_405, %get3A_407 : vector<16xi32>
          %mul3A_409 = arith.constant 16 : i32
          %mul3A_410 = arith.muli %scan3A_332, %mul3A_409 : i32
          %mul3A_411 = arith.constant 16 : i32
          %mul3A_412 = arith.muli %mul3A_410, %mul3A_411 : i32
          %add3A_413 = arith.addi %multiple_of3A_175, %mul3A_412 : i32
          %add3A_414 = arith.constant 32 : i32
          %add3A_415 = arith.addi %add3A_413, %add3A_414 : i32
          %add3A_416 = vector.broadcast %add3A_415 : i32 to vector<16xi32>
          %add3A_417 = arith.addi %add3A_416, %iota3A : vector<16xi32>
          %ge3A_418 = vector.broadcast %max3A : i32 to vector<16xi32>
          %ge3A_419 = arith.cmpi sge, %add3A_417, %ge3A_418 : vector<16xi32>
          %lt3A_420 = vector.broadcast %scan3A_51#2 : i32 to vector<16xi32>
          %lt3A_421 = arith.cmpi slt, %add3A_417, %lt3A_420 : vector<16xi32>
          %and3A_422 = arith.andi %ge3A_419, %lt3A_421 : vector<16xi1>
          tpu.vector_store_idx %arg13[%or3A_408], %broadcast_in_dim3A_1 masked %and3A_422 {add = true} : memref<32768xf32, #tpu.memory_space<vmem>>[vector<16xi32>], vector<16xf32>, vector<16xi1>
          %mul3A_423 = arith.constant 16 : i32
          %mul3A_424 = arith.muli %scan3A_332, %mul3A_423 : i32
          %mul3A_425 = arith.constant 16 : i32
          %mul3A_426 = arith.muli %mul3A_424, %mul3A_425 : i32
          %add3A_427 = arith.constant 48 : i32
          %add3A_428 = arith.addi %mul3A_426, %add3A_427 : i32
          %get3A_429 = arith.index_cast %add3A_428 : i32 to index
          %get3A_430 = tpu.vector_load %arg5[%get3A_429] {strides = array<i32>} : memref<8192xi32, #tpu.memory_space<vmem>>, vector<16xi32>,
          %and3A_431 = arith.constant 255 : i32
          %and3A_432 = vector.broadcast %and3A_431 : i32 to vector<16xi32>
          %and3A_433 = arith.andi %get3A_430, %and3A_432 : vector<16xi32>
          %shift_left3A_434 = arith.constant 7 : i32
          %shift_left3A_435 = vector.broadcast %shift_left3A_434 : i32 to vector<16xi32>
          %shift_left3A_436 = arith.shli %and3A_433, %shift_left3A_435 : vector<16xi32>
          %get3A_437 = arith.index_cast %add3A_428 : i32 to index
          %get3A_438 = tpu.vector_load %arg9[%get3A_437] {strides = array<i32>} : memref<8192xi32, #tpu.memory_space<vmem>>, vector<16xi32>,
          %or3A_439 = arith.ori %shift_left3A_436, %get3A_438 : vector<16xi32>
          %mul3A_440 = arith.constant 16 : i32
          %mul3A_441 = arith.muli %scan3A_332, %mul3A_440 : i32
          %mul3A_442 = arith.constant 16 : i32
          %mul3A_443 = arith.muli %mul3A_441, %mul3A_442 : i32
          %add3A_444 = arith.addi %multiple_of3A_175, %mul3A_443 : i32
          %add3A_445 = arith.constant 48 : i32
          %add3A_446 = arith.addi %add3A_444, %add3A_445 : i32
          %add3A_447 = vector.broadcast %add3A_446 : i32 to vector<16xi32>
          %add3A_448 = arith.addi %add3A_447, %iota3A : vector<16xi32>
          %ge3A_449 = vector.broadcast %max3A : i32 to vector<16xi32>
          %ge3A_450 = arith.cmpi sge, %add3A_448, %ge3A_449 : vector<16xi32>
          %lt3A_451 = vector.broadcast %scan3A_51#2 : i32 to vector<16xi32>
          %lt3A_452 = arith.cmpi slt, %add3A_448, %lt3A_451 : vector<16xi32>
          %and3A_453 = arith.andi %ge3A_450, %lt3A_452 : vector<16xi1>
          tpu.vector_store_idx %arg13[%or3A_439], %broadcast_in_dim3A_1 masked %and3A_453 {add = true} : memref<32768xf32, #tpu.memory_space<vmem>>[vector<16xi32>], vector<16xf32>, vector<16xi1>
          %mul3A_454 = arith.constant 16 : i32
          %mul3A_455 = arith.muli %scan3A_332, %mul3A_454 : i32
          %mul3A_456 = arith.constant 16 : i32
          %mul3A_457 = arith.muli %mul3A_455, %mul3A_456 : i32
          %add3A_458 = arith.constant 64 : i32
          %add3A_459 = arith.addi %mul3A_457, %add3A_458 : i32
          %get3A_460 = arith.index_cast %add3A_459 : i32 to index
          %get3A_461 = tpu.vector_load %arg5[%get3A_460] {strides = array<i32>} : memref<8192xi32, #tpu.memory_space<vmem>>, vector<16xi32>,
          %and3A_462 = arith.constant 255 : i32
          %and3A_463 = vector.broadcast %and3A_462 : i32 to vector<16xi32>
          %and3A_464 = arith.andi %get3A_461, %and3A_463 : vector<16xi32>
          %shift_left3A_465 = arith.constant 7 : i32
          %shift_left3A_466 = vector.broadcast %shift_left3A_465 : i32 to vector<16xi32>
          %shift_left3A_467 = arith.shli %and3A_464, %shift_left3A_466 : vector<16xi32>
          %get3A_468 = arith.index_cast %add3A_459 : i32 to index
          %get3A_469 = tpu.vector_load %arg9[%get3A_468] {strides = array<i32>} : memref<8192xi32, #tpu.memory_space<vmem>>, vector<16xi32>,
          %or3A_470 = arith.ori %shift_left3A_467, %get3A_469 : vector<16xi32>
          %mul3A_471 = arith.constant 16 : i32
          %mul3A_472 = arith.muli %scan3A_332, %mul3A_471 : i32
          %mul3A_473 = arith.constant 16 : i32
          %mul3A_474 = arith.muli %mul3A_472, %mul3A_473 : i32
          %add3A_475 = arith.addi %multiple_of3A_175, %mul3A_474 : i32
          %add3A_476 = arith.constant 64 : i32
          %add3A_477 = arith.addi %add3A_475, %add3A_476 : i32
          %add3A_478 = vector.broadcast %add3A_477 : i32 to vector<16xi32>
          %add3A_479 = arith.addi %add3A_478, %iota3A : vector<16xi32>
          %ge3A_480 = vector.broadcast %max3A : i32 to vector<16xi32>
          %ge3A_481 = arith.cmpi sge, %add3A_479, %ge3A_480 : vector<16xi32>
          %lt3A_482 = vector.broadcast %scan3A_51#2 : i32 to vector<16xi32>
          %lt3A_483 = arith.cmpi slt, %add3A_479, %lt3A_482 : vector<16xi32>
          %and3A_484 = arith.andi %ge3A_481, %lt3A_483 : vector<16xi1>
          tpu.vector_store_idx %arg13[%or3A_470], %broadcast_in_dim3A_1 masked %and3A_484 {add = true} : memref<32768xf32, #tpu.memory_space<vmem>>[vector<16xi32>], vector<16xf32>, vector<16xi1>
          %mul3A_485 = arith.constant 16 : i32
          %mul3A_486 = arith.muli %scan3A_332, %mul3A_485 : i32
          %mul3A_487 = arith.constant 16 : i32
          %mul3A_488 = arith.muli %mul3A_486, %mul3A_487 : i32
          %add3A_489 = arith.constant 80 : i32
          %add3A_490 = arith.addi %mul3A_488, %add3A_489 : i32
          %get3A_491 = arith.index_cast %add3A_490 : i32 to index
          %get3A_492 = tpu.vector_load %arg5[%get3A_491] {strides = array<i32>} : memref<8192xi32, #tpu.memory_space<vmem>>, vector<16xi32>,
          %and3A_493 = arith.constant 255 : i32
          %and3A_494 = vector.broadcast %and3A_493 : i32 to vector<16xi32>
          %and3A_495 = arith.andi %get3A_492, %and3A_494 : vector<16xi32>
          %shift_left3A_496 = arith.constant 7 : i32
          %shift_left3A_497 = vector.broadcast %shift_left3A_496 : i32 to vector<16xi32>
          %shift_left3A_498 = arith.shli %and3A_495, %shift_left3A_497 : vector<16xi32>
          %get3A_499 = arith.index_cast %add3A_490 : i32 to index
          %get3A_500 = tpu.vector_load %arg9[%get3A_499] {strides = array<i32>} : memref<8192xi32, #tpu.memory_space<vmem>>, vector<16xi32>,
          %or3A_501 = arith.ori %shift_left3A_498, %get3A_500 : vector<16xi32>
          %mul3A_502 = arith.constant 16 : i32
          %mul3A_503 = arith.muli %scan3A_332, %mul3A_502 : i32
          %mul3A_504 = arith.constant 16 : i32
          %mul3A_505 = arith.muli %mul3A_503, %mul3A_504 : i32
          %add3A_506 = arith.addi %multiple_of3A_175, %mul3A_505 : i32
          %add3A_507 = arith.constant 80 : i32
          %add3A_508 = arith.addi %add3A_506, %add3A_507 : i32
          %add3A_509 = vector.broadcast %add3A_508 : i32 to vector<16xi32>
          %add3A_510 = arith.addi %add3A_509, %iota3A : vector<16xi32>
          %ge3A_511 = vector.broadcast %max3A : i32 to vector<16xi32>
          %ge3A_512 = arith.cmpi sge, %add3A_510, %ge3A_511 : vector<16xi32>
          %lt3A_513 = vector.broadcast %scan3A_51#2 : i32 to vector<16xi32>
          %lt3A_514 = arith.cmpi slt, %add3A_510, %lt3A_513 : vector<16xi32>
          %and3A_515 = arith.andi %ge3A_512, %lt3A_514 : vector<16xi1>
          tpu.vector_store_idx %arg13[%or3A_501], %broadcast_in_dim3A_1 masked %and3A_515 {add = true} : memref<32768xf32, #tpu.memory_space<vmem>>[vector<16xi32>], vector<16xf32>, vector<16xi1>
          %mul3A_516 = arith.constant 16 : i32
          %mul3A_517 = arith.muli %scan3A_332, %mul3A_516 : i32
          %mul3A_518 = arith.constant 16 : i32
          %mul3A_519 = arith.muli %mul3A_517, %mul3A_518 : i32
          %add3A_520 = arith.constant 96 : i32
          %add3A_521 = arith.addi %mul3A_519, %add3A_520 : i32
          %get3A_522 = arith.index_cast %add3A_521 : i32 to index
          %get3A_523 = tpu.vector_load %arg5[%get3A_522] {strides = array<i32>} : memref<8192xi32, #tpu.memory_space<vmem>>, vector<16xi32>,
          %and3A_524 = arith.constant 255 : i32
          %and3A_525 = vector.broadcast %and3A_524 : i32 to vector<16xi32>
          %and3A_526 = arith.andi %get3A_523, %and3A_525 : vector<16xi32>
          %shift_left3A_527 = arith.constant 7 : i32
          %shift_left3A_528 = vector.broadcast %shift_left3A_527 : i32 to vector<16xi32>
          %shift_left3A_529 = arith.shli %and3A_526, %shift_left3A_528 : vector<16xi32>
          %get3A_530 = arith.index_cast %add3A_521 : i32 to index
          %get3A_531 = tpu.vector_load %arg9[%get3A_530] {strides = array<i32>} : memref<8192xi32, #tpu.memory_space<vmem>>, vector<16xi32>,
          %or3A_532 = arith.ori %shift_left3A_529, %get3A_531 : vector<16xi32>
          %mul3A_533 = arith.constant 16 : i32
          %mul3A_534 = arith.muli %scan3A_332, %mul3A_533 : i32
          %mul3A_535 = arith.constant 16 : i32
          %mul3A_536 = arith.muli %mul3A_534, %mul3A_535 : i32
          %add3A_537 = arith.addi %multiple_of3A_175, %mul3A_536 : i32
          %add3A_538 = arith.constant 96 : i32
          %add3A_539 = arith.addi %add3A_537, %add3A_538 : i32
          %add3A_540 = vector.broadcast %add3A_539 : i32 to vector<16xi32>
          %add3A_541 = arith.addi %add3A_540, %iota3A : vector<16xi32>
          %ge3A_542 = vector.broadcast %max3A : i32 to vector<16xi32>
          %ge3A_543 = arith.cmpi sge, %add3A_541, %ge3A_542 : vector<16xi32>
          %lt3A_544 = vector.broadcast %scan3A_51#2 : i32 to vector<16xi32>
          %lt3A_545 = arith.cmpi slt, %add3A_541, %lt3A_544 : vector<16xi32>
          %and3A_546 = arith.andi %ge3A_543, %lt3A_545 : vector<16xi1>
          tpu.vector_store_idx %arg13[%or3A_532], %broadcast_in_dim3A_1 masked %and3A_546 {add = true} : memref<32768xf32, #tpu.memory_space<vmem>>[vector<16xi32>], vector<16xf32>, vector<16xi1>
          %mul3A_547 = arith.constant 16 : i32
          %mul3A_548 = arith.muli %scan3A_332, %mul3A_547 : i32
          %mul3A_549 = arith.constant 16 : i32
          %mul3A_550 = arith.muli %mul3A_548, %mul3A_549 : i32
          %add3A_551 = arith.constant 112 : i32
          %add3A_552 = arith.addi %mul3A_550, %add3A_551 : i32
          %get3A_553 = arith.index_cast %add3A_552 : i32 to index
          %get3A_554 = tpu.vector_load %arg5[%get3A_553] {strides = array<i32>} : memref<8192xi32, #tpu.memory_space<vmem>>, vector<16xi32>,
          %and3A_555 = arith.constant 255 : i32
          %and3A_556 = vector.broadcast %and3A_555 : i32 to vector<16xi32>
          %and3A_557 = arith.andi %get3A_554, %and3A_556 : vector<16xi32>
          %shift_left3A_558 = arith.constant 7 : i32
          %shift_left3A_559 = vector.broadcast %shift_left3A_558 : i32 to vector<16xi32>
          %shift_left3A_560 = arith.shli %and3A_557, %shift_left3A_559 : vector<16xi32>
          %get3A_561 = arith.index_cast %add3A_552 : i32 to index
          %get3A_562 = tpu.vector_load %arg9[%get3A_561] {strides = array<i32>} : memref<8192xi32, #tpu.memory_space<vmem>>, vector<16xi32>,
          %or3A_563 = arith.ori %shift_left3A_560, %get3A_562 : vector<16xi32>
          %mul3A_564 = arith.constant 16 : i32
          %mul3A_565 = arith.muli %scan3A_332, %mul3A_564 : i32
          %mul3A_566 = arith.constant 16 : i32
          %mul3A_567 = arith.muli %mul3A_565, %mul3A_566 : i32
          %add3A_568 = arith.addi %multiple_of3A_175, %mul3A_567 : i32
          %add3A_569 = arith.constant 112 : i32
          %add3A_570 = arith.addi %add3A_568, %add3A_569 : i32
          %add3A_571 = vector.broadcast %add3A_570 : i32 to vector<16xi32>
          %add3A_572 = arith.addi %add3A_571, %iota3A : vector<16xi32>
          %ge3A_573 = vector.broadcast %max3A : i32 to vector<16xi32>
          %ge3A_574 = arith.cmpi sge, %add3A_572, %ge3A_573 : vector<16xi32>
          %lt3A_575 = vector.broadcast %scan3A_51#2 : i32 to vector<16xi32>
          %lt3A_576 = arith.cmpi slt, %add3A_572, %lt3A_575 : vector<16xi32>
          %and3A_577 = arith.andi %ge3A_574, %lt3A_576 : vector<16xi1>
          tpu.vector_store_idx %arg13[%or3A_563], %broadcast_in_dim3A_1 masked %and3A_577 {add = true} : memref<32768xf32, #tpu.memory_space<vmem>>[vector<16xi32>], vector<16xf32>, vector<16xi1>
          %mul3A_578 = arith.constant 16 : i32
          %mul3A_579 = arith.muli %scan3A_332, %mul3A_578 : i32
          %mul3A_580 = arith.constant 16 : i32
          %mul3A_581 = arith.muli %mul3A_579, %mul3A_580 : i32
          %add3A_582 = arith.constant 128 : i32
          %add3A_583 = arith.addi %mul3A_581, %add3A_582 : i32
          %get3A_584 = arith.index_cast %add3A_583 : i32 to index
          %get3A_585 = tpu.vector_load %arg5[%get3A_584] {strides = array<i32>} : memref<8192xi32, #tpu.memory_space<vmem>>, vector<16xi32>,
          %and3A_586 = arith.constant 255 : i32
          %and3A_587 = vector.broadcast %and3A_586 : i32 to vector<16xi32>
          %and3A_588 = arith.andi %get3A_585, %and3A_587 : vector<16xi32>
          %shift_left3A_589 = arith.constant 7 : i32
          %shift_left3A_590 = vector.broadcast %shift_left3A_589 : i32 to vector<16xi32>
          %shift_left3A_591 = arith.shli %and3A_588, %shift_left3A_590 : vector<16xi32>
          %get3A_592 = arith.index_cast %add3A_583 : i32 to index
          %get3A_593 = tpu.vector_load %arg9[%get3A_592] {strides = array<i32>} : memref<8192xi32, #tpu.memory_space<vmem>>, vector<16xi32>,
          %or3A_594 = arith.ori %shift_left3A_591, %get3A_593 : vector<16xi32>
          %mul3A_595 = arith.constant 16 : i32
          %mul3A_596 = arith.muli %scan3A_332, %mul3A_595 : i32
          %mul3A_597 = arith.constant 16 : i32
          %mul3A_598 = arith.muli %mul3A_596, %mul3A_597 : i32
          %add3A_599 = arith.addi %multiple_of3A_175, %mul3A_598 : i32
          %add3A_600 = arith.constant 128 : i32
          %add3A_601 = arith.addi %add3A_599, %add3A_600 : i32
          %add3A_602 = vector.broadcast %add3A_601 : i32 to vector<16xi32>
          %add3A_603 = arith.addi %add3A_602, %iota3A : vector<16xi32>
          %ge3A_604 = vector.broadcast %max3A : i32 to vector<16xi32>
          %ge3A_605 = arith.cmpi sge, %add3A_603, %ge3A_604 : vector<16xi32>
          %lt3A_606 = vector.broadcast %scan3A_51#2 : i32 to vector<16xi32>
          %lt3A_607 = arith.cmpi slt, %add3A_603, %lt3A_606 : vector<16xi32>
          %and3A_608 = arith.andi %ge3A_605, %lt3A_607 : vector<16xi1>
          tpu.vector_store_idx %arg13[%or3A_594], %broadcast_in_dim3A_1 masked %and3A_608 {add = true} : memref<32768xf32, #tpu.memory_space<vmem>>[vector<16xi32>], vector<16xf32>, vector<16xi1>
          %mul3A_609 = arith.constant 16 : i32
          %mul3A_610 = arith.muli %scan3A_332, %mul3A_609 : i32
          %mul3A_611 = arith.constant 16 : i32
          %mul3A_612 = arith.muli %mul3A_610, %mul3A_611 : i32
          %add3A_613 = arith.constant 144 : i32
          %add3A_614 = arith.addi %mul3A_612, %add3A_613 : i32
          %get3A_615 = arith.index_cast %add3A_614 : i32 to index
          %get3A_616 = tpu.vector_load %arg5[%get3A_615] {strides = array<i32>} : memref<8192xi32, #tpu.memory_space<vmem>>, vector<16xi32>,
          %and3A_617 = arith.constant 255 : i32
          %and3A_618 = vector.broadcast %and3A_617 : i32 to vector<16xi32>
          %and3A_619 = arith.andi %get3A_616, %and3A_618 : vector<16xi32>
          %shift_left3A_620 = arith.constant 7 : i32
          %shift_left3A_621 = vector.broadcast %shift_left3A_620 : i32 to vector<16xi32>
          %shift_left3A_622 = arith.shli %and3A_619, %shift_left3A_621 : vector<16xi32>
          %get3A_623 = arith.index_cast %add3A_614 : i32 to index
          %get3A_624 = tpu.vector_load %arg9[%get3A_623] {strides = array<i32>} : memref<8192xi32, #tpu.memory_space<vmem>>, vector<16xi32>,
          %or3A_625 = arith.ori %shift_left3A_622, %get3A_624 : vector<16xi32>
          %mul3A_626 = arith.constant 16 : i32
          %mul3A_627 = arith.muli %scan3A_332, %mul3A_626 : i32
          %mul3A_628 = arith.constant 16 : i32
          %mul3A_629 = arith.muli %mul3A_627, %mul3A_628 : i32
          %add3A_630 = arith.addi %multiple_of3A_175, %mul3A_629 : i32
          %add3A_631 = arith.constant 144 : i32
          %add3A_632 = arith.addi %add3A_630, %add3A_631 : i32
          %add3A_633 = vector.broadcast %add3A_632 : i32 to vector<16xi32>
          %add3A_634 = arith.addi %add3A_633, %iota3A : vector<16xi32>
          %ge3A_635 = vector.broadcast %max3A : i32 to vector<16xi32>
          %ge3A_636 = arith.cmpi sge, %add3A_634, %ge3A_635 : vector<16xi32>
          %lt3A_637 = vector.broadcast %scan3A_51#2 : i32 to vector<16xi32>
          %lt3A_638 = arith.cmpi slt, %add3A_634, %lt3A_637 : vector<16xi32>
          %and3A_639 = arith.andi %ge3A_636, %lt3A_638 : vector<16xi1>
          tpu.vector_store_idx %arg13[%or3A_625], %broadcast_in_dim3A_1 masked %and3A_639 {add = true} : memref<32768xf32, #tpu.memory_space<vmem>>[vector<16xi32>], vector<16xf32>, vector<16xi1>
          %mul3A_640 = arith.constant 16 : i32
          %mul3A_641 = arith.muli %scan3A_332, %mul3A_640 : i32
          %mul3A_642 = arith.constant 16 : i32
          %mul3A_643 = arith.muli %mul3A_641, %mul3A_642 : i32
          %add3A_644 = arith.constant 160 : i32
          %add3A_645 = arith.addi %mul3A_643, %add3A_644 : i32
          %get3A_646 = arith.index_cast %add3A_645 : i32 to index
          %get3A_647 = tpu.vector_load %arg5[%get3A_646] {strides = array<i32>} : memref<8192xi32, #tpu.memory_space<vmem>>, vector<16xi32>,
          %and3A_648 = arith.constant 255 : i32
          %and3A_649 = vector.broadcast %and3A_648 : i32 to vector<16xi32>
          %and3A_650 = arith.andi %get3A_647, %and3A_649 : vector<16xi32>
          %shift_left3A_651 = arith.constant 7 : i32
          %shift_left3A_652 = vector.broadcast %shift_left3A_651 : i32 to vector<16xi32>
          %shift_left3A_653 = arith.shli %and3A_650, %shift_left3A_652 : vector<16xi32>
          %get3A_654 = arith.index_cast %add3A_645 : i32 to index
          %get3A_655 = tpu.vector_load %arg9[%get3A_654] {strides = array<i32>} : memref<8192xi32, #tpu.memory_space<vmem>>, vector<16xi32>,
          %or3A_656 = arith.ori %shift_left3A_653, %get3A_655 : vector<16xi32>
          %mul3A_657 = arith.constant 16 : i32
          %mul3A_658 = arith.muli %scan3A_332, %mul3A_657 : i32
          %mul3A_659 = arith.constant 16 : i32
          %mul3A_660 = arith.muli %mul3A_658, %mul3A_659 : i32
          %add3A_661 = arith.addi %multiple_of3A_175, %mul3A_660 : i32
          %add3A_662 = arith.constant 160 : i32
          %add3A_663 = arith.addi %add3A_661, %add3A_662 : i32
          %add3A_664 = vector.broadcast %add3A_663 : i32 to vector<16xi32>
          %add3A_665 = arith.addi %add3A_664, %iota3A : vector<16xi32>
          %ge3A_666 = vector.broadcast %max3A : i32 to vector<16xi32>
          %ge3A_667 = arith.cmpi sge, %add3A_665, %ge3A_666 : vector<16xi32>
          %lt3A_668 = vector.broadcast %scan3A_51#2 : i32 to vector<16xi32>
          %lt3A_669 = arith.cmpi slt, %add3A_665, %lt3A_668 : vector<16xi32>
          %and3A_670 = arith.andi %ge3A_667, %lt3A_669 : vector<16xi1>
          tpu.vector_store_idx %arg13[%or3A_656], %broadcast_in_dim3A_1 masked %and3A_670 {add = true} : memref<32768xf32, #tpu.memory_space<vmem>>[vector<16xi32>], vector<16xf32>, vector<16xi1>
          %mul3A_671 = arith.constant 16 : i32
          %mul3A_672 = arith.muli %scan3A_332, %mul3A_671 : i32
          %mul3A_673 = arith.constant 16 : i32
          %mul3A_674 = arith.muli %mul3A_672, %mul3A_673 : i32
          %add3A_675 = arith.constant 176 : i32
          %add3A_676 = arith.addi %mul3A_674, %add3A_675 : i32
          %get3A_677 = arith.index_cast %add3A_676 : i32 to index
          %get3A_678 = tpu.vector_load %arg5[%get3A_677] {strides = array<i32>} : memref<8192xi32, #tpu.memory_space<vmem>>, vector<16xi32>,
          %and3A_679 = arith.constant 255 : i32
          %and3A_680 = vector.broadcast %and3A_679 : i32 to vector<16xi32>
          %and3A_681 = arith.andi %get3A_678, %and3A_680 : vector<16xi32>
          %shift_left3A_682 = arith.constant 7 : i32
          %shift_left3A_683 = vector.broadcast %shift_left3A_682 : i32 to vector<16xi32>
          %shift_left3A_684 = arith.shli %and3A_681, %shift_left3A_683 : vector<16xi32>
          %get3A_685 = arith.index_cast %add3A_676 : i32 to index
          %get3A_686 = tpu.vector_load %arg9[%get3A_685] {strides = array<i32>} : memref<8192xi32, #tpu.memory_space<vmem>>, vector<16xi32>,
          %or3A_687 = arith.ori %shift_left3A_684, %get3A_686 : vector<16xi32>
          %mul3A_688 = arith.constant 16 : i32
          %mul3A_689 = arith.muli %scan3A_332, %mul3A_688 : i32
          %mul3A_690 = arith.constant 16 : i32
          %mul3A_691 = arith.muli %mul3A_689, %mul3A_690 : i32
          %add3A_692 = arith.addi %multiple_of3A_175, %mul3A_691 : i32
          %add3A_693 = arith.constant 176 : i32
          %add3A_694 = arith.addi %add3A_692, %add3A_693 : i32
          %add3A_695 = vector.broadcast %add3A_694 : i32 to vector<16xi32>
          %add3A_696 = arith.addi %add3A_695, %iota3A : vector<16xi32>
          %ge3A_697 = vector.broadcast %max3A : i32 to vector<16xi32>
          %ge3A_698 = arith.cmpi sge, %add3A_696, %ge3A_697 : vector<16xi32>
          %lt3A_699 = vector.broadcast %scan3A_51#2 : i32 to vector<16xi32>
          %lt3A_700 = arith.cmpi slt, %add3A_696, %lt3A_699 : vector<16xi32>
          %and3A_701 = arith.andi %ge3A_698, %lt3A_700 : vector<16xi1>
          tpu.vector_store_idx %arg13[%or3A_687], %broadcast_in_dim3A_1 masked %and3A_701 {add = true} : memref<32768xf32, #tpu.memory_space<vmem>>[vector<16xi32>], vector<16xf32>, vector<16xi1>
          %mul3A_702 = arith.constant 16 : i32
          %mul3A_703 = arith.muli %scan3A_332, %mul3A_702 : i32
          %mul3A_704 = arith.constant 16 : i32
          %mul3A_705 = arith.muli %mul3A_703, %mul3A_704 : i32
          %add3A_706 = arith.constant 192 : i32
          %add3A_707 = arith.addi %mul3A_705, %add3A_706 : i32
          %get3A_708 = arith.index_cast %add3A_707 : i32 to index
          %get3A_709 = tpu.vector_load %arg5[%get3A_708] {strides = array<i32>} : memref<8192xi32, #tpu.memory_space<vmem>>, vector<16xi32>,
          %and3A_710 = arith.constant 255 : i32
          %and3A_711 = vector.broadcast %and3A_710 : i32 to vector<16xi32>
          %and3A_712 = arith.andi %get3A_709, %and3A_711 : vector<16xi32>
          %shift_left3A_713 = arith.constant 7 : i32
          %shift_left3A_714 = vector.broadcast %shift_left3A_713 : i32 to vector<16xi32>
          %shift_left3A_715 = arith.shli %and3A_712, %shift_left3A_714 : vector<16xi32>
          %get3A_716 = arith.index_cast %add3A_707 : i32 to index
          %get3A_717 = tpu.vector_load %arg9[%get3A_716] {strides = array<i32>} : memref<8192xi32, #tpu.memory_space<vmem>>, vector<16xi32>,
          %or3A_718 = arith.ori %shift_left3A_715, %get3A_717 : vector<16xi32>
          %mul3A_719 = arith.constant 16 : i32
          %mul3A_720 = arith.muli %scan3A_332, %mul3A_719 : i32
          %mul3A_721 = arith.constant 16 : i32
          %mul3A_722 = arith.muli %mul3A_720, %mul3A_721 : i32
          %add3A_723 = arith.addi %multiple_of3A_175, %mul3A_722 : i32
          %add3A_724 = arith.constant 192 : i32
          %add3A_725 = arith.addi %add3A_723, %add3A_724 : i32
          %add3A_726 = vector.broadcast %add3A_725 : i32 to vector<16xi32>
          %add3A_727 = arith.addi %add3A_726, %iota3A : vector<16xi32>
          %ge3A_728 = vector.broadcast %max3A : i32 to vector<16xi32>
          %ge3A_729 = arith.cmpi sge, %add3A_727, %ge3A_728 : vector<16xi32>
          %lt3A_730 = vector.broadcast %scan3A_51#2 : i32 to vector<16xi32>
          %lt3A_731 = arith.cmpi slt, %add3A_727, %lt3A_730 : vector<16xi32>
          %and3A_732 = arith.andi %ge3A_729, %lt3A_731 : vector<16xi1>
          tpu.vector_store_idx %arg13[%or3A_718], %broadcast_in_dim3A_1 masked %and3A_732 {add = true} : memref<32768xf32, #tpu.memory_space<vmem>>[vector<16xi32>], vector<16xf32>, vector<16xi1>
          %mul3A_733 = arith.constant 16 : i32
          %mul3A_734 = arith.muli %scan3A_332, %mul3A_733 : i32
          %mul3A_735 = arith.constant 16 : i32
          %mul3A_736 = arith.muli %mul3A_734, %mul3A_735 : i32
          %add3A_737 = arith.constant 208 : i32
          %add3A_738 = arith.addi %mul3A_736, %add3A_737 : i32
          %get3A_739 = arith.index_cast %add3A_738 : i32 to index
          %get3A_740 = tpu.vector_load %arg5[%get3A_739] {strides = array<i32>} : memref<8192xi32, #tpu.memory_space<vmem>>, vector<16xi32>,
          %and3A_741 = arith.constant 255 : i32
          %and3A_742 = vector.broadcast %and3A_741 : i32 to vector<16xi32>
          %and3A_743 = arith.andi %get3A_740, %and3A_742 : vector<16xi32>
          %shift_left3A_744 = arith.constant 7 : i32
          %shift_left3A_745 = vector.broadcast %shift_left3A_744 : i32 to vector<16xi32>
          %shift_left3A_746 = arith.shli %and3A_743, %shift_left3A_745 : vector<16xi32>
          %get3A_747 = arith.index_cast %add3A_738 : i32 to index
          %get3A_748 = tpu.vector_load %arg9[%get3A_747] {strides = array<i32>} : memref<8192xi32, #tpu.memory_space<vmem>>, vector<16xi32>,
          %or3A_749 = arith.ori %shift_left3A_746, %get3A_748 : vector<16xi32>
          %mul3A_750 = arith.constant 16 : i32
          %mul3A_751 = arith.muli %scan3A_332, %mul3A_750 : i32
          %mul3A_752 = arith.constant 16 : i32
          %mul3A_753 = arith.muli %mul3A_751, %mul3A_752 : i32
          %add3A_754 = arith.addi %multiple_of3A_175, %mul3A_753 : i32
          %add3A_755 = arith.constant 208 : i32
          %add3A_756 = arith.addi %add3A_754, %add3A_755 : i32
          %add3A_757 = vector.broadcast %add3A_756 : i32 to vector<16xi32>
          %add3A_758 = arith.addi %add3A_757, %iota3A : vector<16xi32>
          %ge3A_759 = vector.broadcast %max3A : i32 to vector<16xi32>
          %ge3A_760 = arith.cmpi sge, %add3A_758, %ge3A_759 : vector<16xi32>
          %lt3A_761 = vector.broadcast %scan3A_51#2 : i32 to vector<16xi32>
          %lt3A_762 = arith.cmpi slt, %add3A_758, %lt3A_761 : vector<16xi32>
          %and3A_763 = arith.andi %ge3A_760, %lt3A_762 : vector<16xi1>
          tpu.vector_store_idx %arg13[%or3A_749], %broadcast_in_dim3A_1 masked %and3A_763 {add = true} : memref<32768xf32, #tpu.memory_space<vmem>>[vector<16xi32>], vector<16xf32>, vector<16xi1>
          %mul3A_764 = arith.constant 16 : i32
          %mul3A_765 = arith.muli %scan3A_332, %mul3A_764 : i32
          %mul3A_766 = arith.constant 16 : i32
          %mul3A_767 = arith.muli %mul3A_765, %mul3A_766 : i32
          %add3A_768 = arith.constant 224 : i32
          %add3A_769 = arith.addi %mul3A_767, %add3A_768 : i32
          %get3A_770 = arith.index_cast %add3A_769 : i32 to index
          %get3A_771 = tpu.vector_load %arg5[%get3A_770] {strides = array<i32>} : memref<8192xi32, #tpu.memory_space<vmem>>, vector<16xi32>,
          %and3A_772 = arith.constant 255 : i32
          %and3A_773 = vector.broadcast %and3A_772 : i32 to vector<16xi32>
          %and3A_774 = arith.andi %get3A_771, %and3A_773 : vector<16xi32>
          %shift_left3A_775 = arith.constant 7 : i32
          %shift_left3A_776 = vector.broadcast %shift_left3A_775 : i32 to vector<16xi32>
          %shift_left3A_777 = arith.shli %and3A_774, %shift_left3A_776 : vector<16xi32>
          %get3A_778 = arith.index_cast %add3A_769 : i32 to index
          %get3A_779 = tpu.vector_load %arg9[%get3A_778] {strides = array<i32>} : memref<8192xi32, #tpu.memory_space<vmem>>, vector<16xi32>,
          %or3A_780 = arith.ori %shift_left3A_777, %get3A_779 : vector<16xi32>
          %mul3A_781 = arith.constant 16 : i32
          %mul3A_782 = arith.muli %scan3A_332, %mul3A_781 : i32
          %mul3A_783 = arith.constant 16 : i32
          %mul3A_784 = arith.muli %mul3A_782, %mul3A_783 : i32
          %add3A_785 = arith.addi %multiple_of3A_175, %mul3A_784 : i32
          %add3A_786 = arith.constant 224 : i32
          %add3A_787 = arith.addi %add3A_785, %add3A_786 : i32
          %add3A_788 = vector.broadcast %add3A_787 : i32 to vector<16xi32>
          %add3A_789 = arith.addi %add3A_788, %iota3A : vector<16xi32>
          %ge3A_790 = vector.broadcast %max3A : i32 to vector<16xi32>
          %ge3A_791 = arith.cmpi sge, %add3A_789, %ge3A_790 : vector<16xi32>
          %lt3A_792 = vector.broadcast %scan3A_51#2 : i32 to vector<16xi32>
          %lt3A_793 = arith.cmpi slt, %add3A_789, %lt3A_792 : vector<16xi32>
          %and3A_794 = arith.andi %ge3A_791, %lt3A_793 : vector<16xi1>
          tpu.vector_store_idx %arg13[%or3A_780], %broadcast_in_dim3A_1 masked %and3A_794 {add = true} : memref<32768xf32, #tpu.memory_space<vmem>>[vector<16xi32>], vector<16xf32>, vector<16xi1>
          %mul3A_795 = arith.constant 16 : i32
          %mul3A_796 = arith.muli %scan3A_332, %mul3A_795 : i32
          %mul3A_797 = arith.constant 16 : i32
          %mul3A_798 = arith.muli %mul3A_796, %mul3A_797 : i32
          %add3A_799 = arith.constant 240 : i32
          %add3A_800 = arith.addi %mul3A_798, %add3A_799 : i32
          %get3A_801 = arith.index_cast %add3A_800 : i32 to index
          %get3A_802 = tpu.vector_load %arg5[%get3A_801] {strides = array<i32>} : memref<8192xi32, #tpu.memory_space<vmem>>, vector<16xi32>,
          %and3A_803 = arith.constant 255 : i32
          %and3A_804 = vector.broadcast %and3A_803 : i32 to vector<16xi32>
          %and3A_805 = arith.andi %get3A_802, %and3A_804 : vector<16xi32>
          %shift_left3A_806 = arith.constant 7 : i32
          %shift_left3A_807 = vector.broadcast %shift_left3A_806 : i32 to vector<16xi32>
          %shift_left3A_808 = arith.shli %and3A_805, %shift_left3A_807 : vector<16xi32>
          %get3A_809 = arith.index_cast %add3A_800 : i32 to index
          %get3A_810 = tpu.vector_load %arg9[%get3A_809] {strides = array<i32>} : memref<8192xi32, #tpu.memory_space<vmem>>, vector<16xi32>,
          %or3A_811 = arith.ori %shift_left3A_808, %get3A_810 : vector<16xi32>
          %mul3A_812 = arith.constant 16 : i32
          %mul3A_813 = arith.muli %scan3A_332, %mul3A_812 : i32
          %mul3A_814 = arith.constant 16 : i32
          %mul3A_815 = arith.muli %mul3A_813, %mul3A_814 : i32
          %add3A_816 = arith.addi %multiple_of3A_175, %mul3A_815 : i32
          %add3A_817 = arith.constant 240 : i32
          %add3A_818 = arith.addi %add3A_816, %add3A_817 : i32
          %add3A_819 = vector.broadcast %add3A_818 : i32 to vector<16xi32>
          %add3A_820 = arith.addi %add3A_819, %iota3A : vector<16xi32>
          %ge3A_821 = vector.broadcast %max3A : i32 to vector<16xi32>
          %ge3A_822 = arith.cmpi sge, %add3A_820, %ge3A_821 : vector<16xi32>
          %lt3A_823 = vector.broadcast %scan3A_51#2 : i32 to vector<16xi32>
          %lt3A_824 = arith.cmpi slt, %add3A_820, %lt3A_823 : vector<16xi32>
          %and3A_825 = arith.andi %ge3A_822, %lt3A_824 : vector<16xi1>
          tpu.vector_store_idx %arg13[%or3A_811], %broadcast_in_dim3A_1 masked %and3A_825 {add = true} : memref<32768xf32, #tpu.memory_space<vmem>>[vector<16xi32>], vector<16xf32>, vector<16xi1>
        }
        %scan3A_331 = arith.constant 32 : i32
      } else {
        %parallel_loop3A = arith.constant 0 : i32
        %parallel_loop3A_326 = arith.constant 512 : i32
        %parallel_loop3A_327 = arith.constant 1 : i32
        scf.for %parallel_loop3A_328 = %parallel_loop3A to %parallel_loop3A_326 step %parallel_loop3A_327  : i32 {
          %parallel_loop3A_329 = arith.constant 16 : i32
          %parallel_loop3A_330 = arith.muli %parallel_loop3A_328, %parallel_loop3A_329 : i32
          %parallel_loop3A_331 = arith.index_cast %parallel_loop3A_330 : i32 to index
          %parallel_loop3A_332 = tpu.vector_load %arg5[%parallel_loop3A_331] {strides = array<i32>} : memref<8192xi32, #tpu.memory_space<vmem>>, vector<16xi32>,
          %parallel_loop3A_333 = arith.constant 255 : i32
          %parallel_loop3A_334 = vector.broadcast %parallel_loop3A_333 : i32 to vector<16xi32>
          %parallel_loop3A_335 = arith.andi %parallel_loop3A_332, %parallel_loop3A_334 : vector<16xi32>
          %parallel_loop3A_336 = arith.constant 7 : i32
          %parallel_loop3A_337 = vector.broadcast %parallel_loop3A_336 : i32 to vector<16xi32>
          %parallel_loop3A_338 = arith.shli %parallel_loop3A_335, %parallel_loop3A_337 : vector<16xi32>
          %parallel_loop3A_339 = arith.index_cast %parallel_loop3A_330 : i32 to index
          %parallel_loop3A_340 = tpu.vector_load %arg9[%parallel_loop3A_339] {strides = array<i32>} : memref<8192xi32, #tpu.memory_space<vmem>>, vector<16xi32>,
          %parallel_loop3A_341 = arith.ori %parallel_loop3A_338, %parallel_loop3A_340 : vector<16xi32>
          tpu.vector_store_idx %arg13[%parallel_loop3A_341], %broadcast_in_dim3A_1 {add = true} : memref<32768xf32, #tpu.memory_space<vmem>>[vector<16xi32>], vector<16xf32>,
        } {sc.loop_unroll_factor = 16 : i64, sc.parallel_access}
      }
      %add3A_185 = arith.constant 4 : i32
      %add3A_186 = arith.addi %add3A_161, %add3A_185 : i32
      %mul3A_187 = arith.constant 8192 : i32
      %mul3A_188 = arith.muli %add3A_186, %mul3A_187 : i32
      %add3A_189 = arith.addi %and3A_54, %mul3A_188 : i32
      %min3A_190 = arith.constant 3991808 : i32
      %min3A_191 = arith.minsi %add3A_189, %min3A_190 : i32
      %multiple_of3A_192 = tpu.assume_multiple %min3A_191, 8 : i32
      %dma_start3A_193 = tpu.memref_slice %arg3[%multiple_of3A_192] : memref<4000000xi32, #tpu.memory_space<hbm>> -> memref<8192xi32, #tpu.memory_space<hbm>>
      %dma_start3A_194 = tpu.memref_slice %arg3[%multiple_of3A_192] : memref<4000000xi32, #tpu.memory_space<hbm>> -> memref<8192xi32, #tpu.memory_space<hbm>>
      tpu.enqueue_dma source(%dma_start3A_194 : memref<8192xi32, #tpu.memory_space<hbm>>) target(%arg5 : memref<8192xi32, #tpu.memory_space<vmem>>) target_semaphore(%arg16 : memref<!tpu.dma_semaphore, #tpu.memory_space<semaphore_mem>>)
      %dma_start3A_195 = tpu.memref_slice %arg2[%multiple_of3A_192] : memref<4000000xi32, #tpu.memory_space<hbm>> -> memref<8192xi32, #tpu.memory_space<hbm>>
      %dma_start3A_196 = tpu.memref_slice %arg2[%multiple_of3A_192] : memref<4000000xi32, #tpu.memory_space<hbm>> -> memref<8192xi32, #tpu.memory_space<hbm>>
      tpu.enqueue_dma source(%dma_start3A_196 : memref<8192xi32, #tpu.memory_space<hbm>>) target(%arg9 : memref<8192xi32, #tpu.memory_space<vmem>>) target_semaphore(%arg16 : memref<!tpu.dma_semaphore, #tpu.memory_space<semaphore_mem>>)
      %mul3A_197 = arith.constant 4 : i32
      %mul3A_198 = arith.muli %mul3A_197, %while3A_157 : i32
      %add3A_199 = arith.constant 1 : i32
      %add3A_200 = arith.addi %mul3A_198, %add3A_199 : i32
      %dma_wait3A_201 = arith.constant 0 : i32
      %dma_wait3A_202 = tpu.memref_slice %arg3[%dma_wait3A_201] : memref<4000000xi32, #tpu.memory_space<hbm>> -> memref<8192xi32, #tpu.memory_space<hbm>>
      %dma_wait3A_203 = arith.constant 0 : i32
      %dma_wait3A_204 = tpu.memref_slice %arg3[%dma_wait3A_203] : memref<4000000xi32, #tpu.memory_space<hbm>> -> memref<8192xi32, #tpu.memory_space<hbm>>
      tpu.wait_dma2 semaphore(%arg17 : memref<!tpu.dma_semaphore, #tpu.memory_space<semaphore_mem>>) src(%dma_wait3A_204 : memref<8192xi32, #tpu.memory_space<hbm>>) dst(%arg6 : memref<8192xi32, #tpu.memory_space<vmem>>)
      %dma_wait3A_205 = arith.constant 0 : i32
      %dma_wait3A_206 = tpu.memref_slice %arg2[%dma_wait3A_205] : memref<4000000xi32, #tpu.memory_space<hbm>> -> memref<8192xi32, #tpu.memory_space<hbm>>
      %dma_wait3A_207 = arith.constant 0 : i32
      %dma_wait3A_208 = tpu.memref_slice %arg2[%dma_wait3A_207] : memref<4000000xi32, #tpu.memory_space<hbm>> -> memref<8192xi32, #tpu.memory_space<hbm>>
      tpu.wait_dma2 semaphore(%arg17 : memref<!tpu.dma_semaphore, #tpu.memory_space<semaphore_mem>>) src(%dma_wait3A_208 : memref<8192xi32, #tpu.memory_space<hbm>>) dst(%arg10 : memref<8192xi32, #tpu.memory_space<vmem>>)
      %mul3A_209 = arith.constant 8192 : i32
      %mul3A_210 = arith.muli %add3A_200, %mul3A_209 : i32
      %add3A_211 = arith.addi %and3A_54, %mul3A_210 : i32
      %min3A_212 = arith.constant 3991808 : i32
      %min3A_213 = arith.minsi %add3A_211, %min3A_212 : i32
      %multiple_of3A_214 = tpu.assume_multiple %min3A_213, 8 : i32
      %mul3A_215 = arith.constant 8192 : i32
      %mul3A_216 = arith.muli %add3A_200, %mul3A_215 : i32
      %add3A_217 = arith.addi %and3A_54, %mul3A_216 : i32
      %max3A_218 = arith.maxsi %scan3A_51#0, %add3A_217 : i32
      %eq3A_219 = arith.constant 0 : i32
      %eq3A_220 = arith.cmpi eq, %add3A_200, %eq3A_219 : i32
      %sub3A_221 = arith.constant 1 : i32
      %sub3A_222 = arith.subi %select_n3A, %sub3A_221 : i32
      %ge3A_223 = arith.cmpi sge, %add3A_200, %sub3A_222 : i32
      %or3A_224 = arith.ori %eq3A_220, %ge3A_223 : i1
      %convert_element_type3A_225 = arith.extui %or3A_224 : i1 to i32
      %cond3A_226 = arith.constant 0 : i32
      %cond3A_227 = arith.cmpi ne, %convert_element_type3A_225, %cond3A_226 : i32
      scf.if %cond3A_227 {
        %scan3A_326 = arith.constant 0 : i32
        %scan3A_327 = arith.constant 0 : i32
        %scan3A_328 = arith.constant 32 : i32
        %scan3A_329 = arith.addi %scan3A_327, %scan3A_328 : i32
        %scan3A_330 = arith.constant 1 : i32
        scf.for %scan3A_332 = %scan3A_327 to %scan3A_329 step %scan3A_330  : i32 {
          %mul3A_333 = arith.constant 16 : i32
          %mul3A_334 = arith.muli %scan3A_332, %mul3A_333 : i32
          %mul3A_335 = arith.constant 16 : i32
          %mul3A_336 = arith.muli %mul3A_334, %mul3A_335 : i32
          %add3A_337 = arith.constant 0 : i32
          %add3A_338 = arith.addi %mul3A_336, %add3A_337 : i32
          %get3A = arith.index_cast %add3A_338 : i32 to index
          %get3A_339 = tpu.vector_load %arg6[%get3A] {strides = array<i32>} : memref<8192xi32, #tpu.memory_space<vmem>>, vector<16xi32>,
          %and3A_340 = arith.constant 255 : i32
          %and3A_341 = vector.broadcast %and3A_340 : i32 to vector<16xi32>
          %and3A_342 = arith.andi %get3A_339, %and3A_341 : vector<16xi32>
          %shift_left3A = arith.constant 7 : i32
          %shift_left3A_343 = vector.broadcast %shift_left3A : i32 to vector<16xi32>
          %shift_left3A_344 = arith.shli %and3A_342, %shift_left3A_343 : vector<16xi32>
          %get3A_345 = arith.index_cast %add3A_338 : i32 to index
          %get3A_346 = tpu.vector_load %arg10[%get3A_345] {strides = array<i32>} : memref<8192xi32, #tpu.memory_space<vmem>>, vector<16xi32>,
          %or3A_347 = arith.ori %shift_left3A_344, %get3A_346 : vector<16xi32>
          %mul3A_348 = arith.constant 16 : i32
          %mul3A_349 = arith.muli %scan3A_332, %mul3A_348 : i32
          %mul3A_350 = arith.constant 16 : i32
          %mul3A_351 = arith.muli %mul3A_349, %mul3A_350 : i32
          %add3A_352 = arith.addi %multiple_of3A_214, %mul3A_351 : i32
          %add3A_353 = arith.constant 0 : i32
          %add3A_354 = arith.addi %add3A_352, %add3A_353 : i32
          %add3A_355 = vector.broadcast %add3A_354 : i32 to vector<16xi32>
          %add3A_356 = arith.addi %add3A_355, %iota3A : vector<16xi32>
          %ge3A_357 = vector.broadcast %max3A_218 : i32 to vector<16xi32>
          %ge3A_358 = arith.cmpi sge, %add3A_356, %ge3A_357 : vector<16xi32>
          %lt3A = vector.broadcast %scan3A_51#2 : i32 to vector<16xi32>
          %lt3A_359 = arith.cmpi slt, %add3A_356, %lt3A : vector<16xi32>
          %and3A_360 = arith.andi %ge3A_358, %lt3A_359 : vector<16xi1>
          tpu.vector_store_idx %arg13[%or3A_347], %broadcast_in_dim3A_1 masked %and3A_360 {add = true} : memref<32768xf32, #tpu.memory_space<vmem>>[vector<16xi32>], vector<16xf32>, vector<16xi1>
          %mul3A_361 = arith.constant 16 : i32
          %mul3A_362 = arith.muli %scan3A_332, %mul3A_361 : i32
          %mul3A_363 = arith.constant 16 : i32
          %mul3A_364 = arith.muli %mul3A_362, %mul3A_363 : i32
          %add3A_365 = arith.constant 16 : i32
          %add3A_366 = arith.addi %mul3A_364, %add3A_365 : i32
          %get3A_367 = arith.index_cast %add3A_366 : i32 to index
          %get3A_368 = tpu.vector_load %arg6[%get3A_367] {strides = array<i32>} : memref<8192xi32, #tpu.memory_space<vmem>>, vector<16xi32>,
          %and3A_369 = arith.constant 255 : i32
          %and3A_370 = vector.broadcast %and3A_369 : i32 to vector<16xi32>
          %and3A_371 = arith.andi %get3A_368, %and3A_370 : vector<16xi32>
          %shift_left3A_372 = arith.constant 7 : i32
          %shift_left3A_373 = vector.broadcast %shift_left3A_372 : i32 to vector<16xi32>
          %shift_left3A_374 = arith.shli %and3A_371, %shift_left3A_373 : vector<16xi32>
          %get3A_375 = arith.index_cast %add3A_366 : i32 to index
          %get3A_376 = tpu.vector_load %arg10[%get3A_375] {strides = array<i32>} : memref<8192xi32, #tpu.memory_space<vmem>>, vector<16xi32>,
          %or3A_377 = arith.ori %shift_left3A_374, %get3A_376 : vector<16xi32>
          %mul3A_378 = arith.constant 16 : i32
          %mul3A_379 = arith.muli %scan3A_332, %mul3A_378 : i32
          %mul3A_380 = arith.constant 16 : i32
          %mul3A_381 = arith.muli %mul3A_379, %mul3A_380 : i32
          %add3A_382 = arith.addi %multiple_of3A_214, %mul3A_381 : i32
          %add3A_383 = arith.constant 16 : i32
          %add3A_384 = arith.addi %add3A_382, %add3A_383 : i32
          %add3A_385 = vector.broadcast %add3A_384 : i32 to vector<16xi32>
          %add3A_386 = arith.addi %add3A_385, %iota3A : vector<16xi32>
          %ge3A_387 = vector.broadcast %max3A_218 : i32 to vector<16xi32>
          %ge3A_388 = arith.cmpi sge, %add3A_386, %ge3A_387 : vector<16xi32>
          %lt3A_389 = vector.broadcast %scan3A_51#2 : i32 to vector<16xi32>
          %lt3A_390 = arith.cmpi slt, %add3A_386, %lt3A_389 : vector<16xi32>
          %and3A_391 = arith.andi %ge3A_388, %lt3A_390 : vector<16xi1>
          tpu.vector_store_idx %arg13[%or3A_377], %broadcast_in_dim3A_1 masked %and3A_391 {add = true} : memref<32768xf32, #tpu.memory_space<vmem>>[vector<16xi32>], vector<16xf32>, vector<16xi1>
          %mul3A_392 = arith.constant 16 : i32
          %mul3A_393 = arith.muli %scan3A_332, %mul3A_392 : i32
          %mul3A_394 = arith.constant 16 : i32
          %mul3A_395 = arith.muli %mul3A_393, %mul3A_394 : i32
          %add3A_396 = arith.constant 32 : i32
          %add3A_397 = arith.addi %mul3A_395, %add3A_396 : i32
          %get3A_398 = arith.index_cast %add3A_397 : i32 to index
          %get3A_399 = tpu.vector_load %arg6[%get3A_398] {strides = array<i32>} : memref<8192xi32, #tpu.memory_space<vmem>>, vector<16xi32>,
          %and3A_400 = arith.constant 255 : i32
          %and3A_401 = vector.broadcast %and3A_400 : i32 to vector<16xi32>
          %and3A_402 = arith.andi %get3A_399, %and3A_401 : vector<16xi32>
          %shift_left3A_403 = arith.constant 7 : i32
          %shift_left3A_404 = vector.broadcast %shift_left3A_403 : i32 to vector<16xi32>
          %shift_left3A_405 = arith.shli %and3A_402, %shift_left3A_404 : vector<16xi32>
          %get3A_406 = arith.index_cast %add3A_397 : i32 to index
          %get3A_407 = tpu.vector_load %arg10[%get3A_406] {strides = array<i32>} : memref<8192xi32, #tpu.memory_space<vmem>>, vector<16xi32>,
          %or3A_408 = arith.ori %shift_left3A_405, %get3A_407 : vector<16xi32>
          %mul3A_409 = arith.constant 16 : i32
          %mul3A_410 = arith.muli %scan3A_332, %mul3A_409 : i32
          %mul3A_411 = arith.constant 16 : i32
          %mul3A_412 = arith.muli %mul3A_410, %mul3A_411 : i32
          %add3A_413 = arith.addi %multiple_of3A_214, %mul3A_412 : i32
          %add3A_414 = arith.constant 32 : i32
          %add3A_415 = arith.addi %add3A_413, %add3A_414 : i32
          %add3A_416 = vector.broadcast %add3A_415 : i32 to vector<16xi32>
          %add3A_417 = arith.addi %add3A_416, %iota3A : vector<16xi32>
          %ge3A_418 = vector.broadcast %max3A_218 : i32 to vector<16xi32>
          %ge3A_419 = arith.cmpi sge, %add3A_417, %ge3A_418 : vector<16xi32>
          %lt3A_420 = vector.broadcast %scan3A_51#2 : i32 to vector<16xi32>
          %lt3A_421 = arith.cmpi slt, %add3A_417, %lt3A_420 : vector<16xi32>
          %and3A_422 = arith.andi %ge3A_419, %lt3A_421 : vector<16xi1>
          tpu.vector_store_idx %arg13[%or3A_408], %broadcast_in_dim3A_1 masked %and3A_422 {add = true} : memref<32768xf32, #tpu.memory_space<vmem>>[vector<16xi32>], vector<16xf32>, vector<16xi1>
          %mul3A_423 = arith.constant 16 : i32
          %mul3A_424 = arith.muli %scan3A_332, %mul3A_423 : i32
          %mul3A_425 = arith.constant 16 : i32
          %mul3A_426 = arith.muli %mul3A_424, %mul3A_425 : i32
          %add3A_427 = arith.constant 48 : i32
          %add3A_428 = arith.addi %mul3A_426, %add3A_427 : i32
          %get3A_429 = arith.index_cast %add3A_428 : i32 to index
          %get3A_430 = tpu.vector_load %arg6[%get3A_429] {strides = array<i32>} : memref<8192xi32, #tpu.memory_space<vmem>>, vector<16xi32>,
          %and3A_431 = arith.constant 255 : i32
          %and3A_432 = vector.broadcast %and3A_431 : i32 to vector<16xi32>
          %and3A_433 = arith.andi %get3A_430, %and3A_432 : vector<16xi32>
          %shift_left3A_434 = arith.constant 7 : i32
          %shift_left3A_435 = vector.broadcast %shift_left3A_434 : i32 to vector<16xi32>
          %shift_left3A_436 = arith.shli %and3A_433, %shift_left3A_435 : vector<16xi32>
          %get3A_437 = arith.index_cast %add3A_428 : i32 to index
          %get3A_438 = tpu.vector_load %arg10[%get3A_437] {strides = array<i32>} : memref<8192xi32, #tpu.memory_space<vmem>>, vector<16xi32>,
          %or3A_439 = arith.ori %shift_left3A_436, %get3A_438 : vector<16xi32>
          %mul3A_440 = arith.constant 16 : i32
          %mul3A_441 = arith.muli %scan3A_332, %mul3A_440 : i32
          %mul3A_442 = arith.constant 16 : i32
          %mul3A_443 = arith.muli %mul3A_441, %mul3A_442 : i32
          %add3A_444 = arith.addi %multiple_of3A_214, %mul3A_443 : i32
          %add3A_445 = arith.constant 48 : i32
          %add3A_446 = arith.addi %add3A_444, %add3A_445 : i32
          %add3A_447 = vector.broadcast %add3A_446 : i32 to vector<16xi32>
          %add3A_448 = arith.addi %add3A_447, %iota3A : vector<16xi32>
          %ge3A_449 = vector.broadcast %max3A_218 : i32 to vector<16xi32>
          %ge3A_450 = arith.cmpi sge, %add3A_448, %ge3A_449 : vector<16xi32>
          %lt3A_451 = vector.broadcast %scan3A_51#2 : i32 to vector<16xi32>
          %lt3A_452 = arith.cmpi slt, %add3A_448, %lt3A_451 : vector<16xi32>
          %and3A_453 = arith.andi %ge3A_450, %lt3A_452 : vector<16xi1>
          tpu.vector_store_idx %arg13[%or3A_439], %broadcast_in_dim3A_1 masked %and3A_453 {add = true} : memref<32768xf32, #tpu.memory_space<vmem>>[vector<16xi32>], vector<16xf32>, vector<16xi1>
          %mul3A_454 = arith.constant 16 : i32
          %mul3A_455 = arith.muli %scan3A_332, %mul3A_454 : i32
          %mul3A_456 = arith.constant 16 : i32
          %mul3A_457 = arith.muli %mul3A_455, %mul3A_456 : i32
          %add3A_458 = arith.constant 64 : i32
          %add3A_459 = arith.addi %mul3A_457, %add3A_458 : i32
          %get3A_460 = arith.index_cast %add3A_459 : i32 to index
          %get3A_461 = tpu.vector_load %arg6[%get3A_460] {strides = array<i32>} : memref<8192xi32, #tpu.memory_space<vmem>>, vector<16xi32>,
          %and3A_462 = arith.constant 255 : i32
          %and3A_463 = vector.broadcast %and3A_462 : i32 to vector<16xi32>
          %and3A_464 = arith.andi %get3A_461, %and3A_463 : vector<16xi32>
          %shift_left3A_465 = arith.constant 7 : i32
          %shift_left3A_466 = vector.broadcast %shift_left3A_465 : i32 to vector<16xi32>
          %shift_left3A_467 = arith.shli %and3A_464, %shift_left3A_466 : vector<16xi32>
          %get3A_468 = arith.index_cast %add3A_459 : i32 to index
          %get3A_469 = tpu.vector_load %arg10[%get3A_468] {strides = array<i32>} : memref<8192xi32, #tpu.memory_space<vmem>>, vector<16xi32>,
          %or3A_470 = arith.ori %shift_left3A_467, %get3A_469 : vector<16xi32>
          %mul3A_471 = arith.constant 16 : i32
          %mul3A_472 = arith.muli %scan3A_332, %mul3A_471 : i32
          %mul3A_473 = arith.constant 16 : i32
          %mul3A_474 = arith.muli %mul3A_472, %mul3A_473 : i32
          %add3A_475 = arith.addi %multiple_of3A_214, %mul3A_474 : i32
          %add3A_476 = arith.constant 64 : i32
          %add3A_477 = arith.addi %add3A_475, %add3A_476 : i32
          %add3A_478 = vector.broadcast %add3A_477 : i32 to vector<16xi32>
          %add3A_479 = arith.addi %add3A_478, %iota3A : vector<16xi32>
          %ge3A_480 = vector.broadcast %max3A_218 : i32 to vector<16xi32>
          %ge3A_481 = arith.cmpi sge, %add3A_479, %ge3A_480 : vector<16xi32>
          %lt3A_482 = vector.broadcast %scan3A_51#2 : i32 to vector<16xi32>
          %lt3A_483 = arith.cmpi slt, %add3A_479, %lt3A_482 : vector<16xi32>
          %and3A_484 = arith.andi %ge3A_481, %lt3A_483 : vector<16xi1>
          tpu.vector_store_idx %arg13[%or3A_470], %broadcast_in_dim3A_1 masked %and3A_484 {add = true} : memref<32768xf32, #tpu.memory_space<vmem>>[vector<16xi32>], vector<16xf32>, vector<16xi1>
          %mul3A_485 = arith.constant 16 : i32
          %mul3A_486 = arith.muli %scan3A_332, %mul3A_485 : i32
          %mul3A_487 = arith.constant 16 : i32
          %mul3A_488 = arith.muli %mul3A_486, %mul3A_487 : i32
          %add3A_489 = arith.constant 80 : i32
          %add3A_490 = arith.addi %mul3A_488, %add3A_489 : i32
          %get3A_491 = arith.index_cast %add3A_490 : i32 to index
          %get3A_492 = tpu.vector_load %arg6[%get3A_491] {strides = array<i32>} : memref<8192xi32, #tpu.memory_space<vmem>>, vector<16xi32>,
          %and3A_493 = arith.constant 255 : i32
          %and3A_494 = vector.broadcast %and3A_493 : i32 to vector<16xi32>
          %and3A_495 = arith.andi %get3A_492, %and3A_494 : vector<16xi32>
          %shift_left3A_496 = arith.constant 7 : i32
          %shift_left3A_497 = vector.broadcast %shift_left3A_496 : i32 to vector<16xi32>
          %shift_left3A_498 = arith.shli %and3A_495, %shift_left3A_497 : vector<16xi32>
          %get3A_499 = arith.index_cast %add3A_490 : i32 to index
          %get3A_500 = tpu.vector_load %arg10[%get3A_499] {strides = array<i32>} : memref<8192xi32, #tpu.memory_space<vmem>>, vector<16xi32>,
          %or3A_501 = arith.ori %shift_left3A_498, %get3A_500 : vector<16xi32>
          %mul3A_502 = arith.constant 16 : i32
          %mul3A_503 = arith.muli %scan3A_332, %mul3A_502 : i32
          %mul3A_504 = arith.constant 16 : i32
          %mul3A_505 = arith.muli %mul3A_503, %mul3A_504 : i32
          %add3A_506 = arith.addi %multiple_of3A_214, %mul3A_505 : i32
          %add3A_507 = arith.constant 80 : i32
          %add3A_508 = arith.addi %add3A_506, %add3A_507 : i32
          %add3A_509 = vector.broadcast %add3A_508 : i32 to vector<16xi32>
          %add3A_510 = arith.addi %add3A_509, %iota3A : vector<16xi32>
          %ge3A_511 = vector.broadcast %max3A_218 : i32 to vector<16xi32>
          %ge3A_512 = arith.cmpi sge, %add3A_510, %ge3A_511 : vector<16xi32>
          %lt3A_513 = vector.broadcast %scan3A_51#2 : i32 to vector<16xi32>
          %lt3A_514 = arith.cmpi slt, %add3A_510, %lt3A_513 : vector<16xi32>
          %and3A_515 = arith.andi %ge3A_512, %lt3A_514 : vector<16xi1>
          tpu.vector_store_idx %arg13[%or3A_501], %broadcast_in_dim3A_1 masked %and3A_515 {add = true} : memref<32768xf32, #tpu.memory_space<vmem>>[vector<16xi32>], vector<16xf32>, vector<16xi1>
          %mul3A_516 = arith.constant 16 : i32
          %mul3A_517 = arith.muli %scan3A_332, %mul3A_516 : i32
          %mul3A_518 = arith.constant 16 : i32
          %mul3A_519 = arith.muli %mul3A_517, %mul3A_518 : i32
          %add3A_520 = arith.constant 96 : i32
          %add3A_521 = arith.addi %mul3A_519, %add3A_520 : i32
          %get3A_522 = arith.index_cast %add3A_521 : i32 to index
          %get3A_523 = tpu.vector_load %arg6[%get3A_522] {strides = array<i32>} : memref<8192xi32, #tpu.memory_space<vmem>>, vector<16xi32>,
          %and3A_524 = arith.constant 255 : i32
          %and3A_525 = vector.broadcast %and3A_524 : i32 to vector<16xi32>
          %and3A_526 = arith.andi %get3A_523, %and3A_525 : vector<16xi32>
          %shift_left3A_527 = arith.constant 7 : i32
          %shift_left3A_528 = vector.broadcast %shift_left3A_527 : i32 to vector<16xi32>
          %shift_left3A_529 = arith.shli %and3A_526, %shift_left3A_528 : vector<16xi32>
          %get3A_530 = arith.index_cast %add3A_521 : i32 to index
          %get3A_531 = tpu.vector_load %arg10[%get3A_530] {strides = array<i32>} : memref<8192xi32, #tpu.memory_space<vmem>>, vector<16xi32>,
          %or3A_532 = arith.ori %shift_left3A_529, %get3A_531 : vector<16xi32>
          %mul3A_533 = arith.constant 16 : i32
          %mul3A_534 = arith.muli %scan3A_332, %mul3A_533 : i32
          %mul3A_535 = arith.constant 16 : i32
          %mul3A_536 = arith.muli %mul3A_534, %mul3A_535 : i32
          %add3A_537 = arith.addi %multiple_of3A_214, %mul3A_536 : i32
          %add3A_538 = arith.constant 96 : i32
          %add3A_539 = arith.addi %add3A_537, %add3A_538 : i32
          %add3A_540 = vector.broadcast %add3A_539 : i32 to vector<16xi32>
          %add3A_541 = arith.addi %add3A_540, %iota3A : vector<16xi32>
          %ge3A_542 = vector.broadcast %max3A_218 : i32 to vector<16xi32>
          %ge3A_543 = arith.cmpi sge, %add3A_541, %ge3A_542 : vector<16xi32>
          %lt3A_544 = vector.broadcast %scan3A_51#2 : i32 to vector<16xi32>
          %lt3A_545 = arith.cmpi slt, %add3A_541, %lt3A_544 : vector<16xi32>
          %and3A_546 = arith.andi %ge3A_543, %lt3A_545 : vector<16xi1>
          tpu.vector_store_idx %arg13[%or3A_532], %broadcast_in_dim3A_1 masked %and3A_546 {add = true} : memref<32768xf32, #tpu.memory_space<vmem>>[vector<16xi32>], vector<16xf32>, vector<16xi1>
          %mul3A_547 = arith.constant 16 : i32
          %mul3A_548 = arith.muli %scan3A_332, %mul3A_547 : i32
          %mul3A_549 = arith.constant 16 : i32
          %mul3A_550 = arith.muli %mul3A_548, %mul3A_549 : i32
          %add3A_551 = arith.constant 112 : i32
          %add3A_552 = arith.addi %mul3A_550, %add3A_551 : i32
          %get3A_553 = arith.index_cast %add3A_552 : i32 to index
          %get3A_554 = tpu.vector_load %arg6[%get3A_553] {strides = array<i32>} : memref<8192xi32, #tpu.memory_space<vmem>>, vector<16xi32>,
          %and3A_555 = arith.constant 255 : i32
          %and3A_556 = vector.broadcast %and3A_555 : i32 to vector<16xi32>
          %and3A_557 = arith.andi %get3A_554, %and3A_556 : vector<16xi32>
          %shift_left3A_558 = arith.constant 7 : i32
          %shift_left3A_559 = vector.broadcast %shift_left3A_558 : i32 to vector<16xi32>
          %shift_left3A_560 = arith.shli %and3A_557, %shift_left3A_559 : vector<16xi32>
          %get3A_561 = arith.index_cast %add3A_552 : i32 to index
          %get3A_562 = tpu.vector_load %arg10[%get3A_561] {strides = array<i32>} : memref<8192xi32, #tpu.memory_space<vmem>>, vector<16xi32>,
          %or3A_563 = arith.ori %shift_left3A_560, %get3A_562 : vector<16xi32>
          %mul3A_564 = arith.constant 16 : i32
          %mul3A_565 = arith.muli %scan3A_332, %mul3A_564 : i32
          %mul3A_566 = arith.constant 16 : i32
          %mul3A_567 = arith.muli %mul3A_565, %mul3A_566 : i32
          %add3A_568 = arith.addi %multiple_of3A_214, %mul3A_567 : i32
          %add3A_569 = arith.constant 112 : i32
          %add3A_570 = arith.addi %add3A_568, %add3A_569 : i32
          %add3A_571 = vector.broadcast %add3A_570 : i32 to vector<16xi32>
          %add3A_572 = arith.addi %add3A_571, %iota3A : vector<16xi32>
          %ge3A_573 = vector.broadcast %max3A_218 : i32 to vector<16xi32>
          %ge3A_574 = arith.cmpi sge, %add3A_572, %ge3A_573 : vector<16xi32>
          %lt3A_575 = vector.broadcast %scan3A_51#2 : i32 to vector<16xi32>
          %lt3A_576 = arith.cmpi slt, %add3A_572, %lt3A_575 : vector<16xi32>
          %and3A_577 = arith.andi %ge3A_574, %lt3A_576 : vector<16xi1>
          tpu.vector_store_idx %arg13[%or3A_563], %broadcast_in_dim3A_1 masked %and3A_577 {add = true} : memref<32768xf32, #tpu.memory_space<vmem>>[vector<16xi32>], vector<16xf32>, vector<16xi1>
          %mul3A_578 = arith.constant 16 : i32
          %mul3A_579 = arith.muli %scan3A_332, %mul3A_578 : i32
          %mul3A_580 = arith.constant 16 : i32
          %mul3A_581 = arith.muli %mul3A_579, %mul3A_580 : i32
          %add3A_582 = arith.constant 128 : i32
          %add3A_583 = arith.addi %mul3A_581, %add3A_582 : i32
          %get3A_584 = arith.index_cast %add3A_583 : i32 to index
          %get3A_585 = tpu.vector_load %arg6[%get3A_584] {strides = array<i32>} : memref<8192xi32, #tpu.memory_space<vmem>>, vector<16xi32>,
          %and3A_586 = arith.constant 255 : i32
          %and3A_587 = vector.broadcast %and3A_586 : i32 to vector<16xi32>
          %and3A_588 = arith.andi %get3A_585, %and3A_587 : vector<16xi32>
          %shift_left3A_589 = arith.constant 7 : i32
          %shift_left3A_590 = vector.broadcast %shift_left3A_589 : i32 to vector<16xi32>
          %shift_left3A_591 = arith.shli %and3A_588, %shift_left3A_590 : vector<16xi32>
          %get3A_592 = arith.index_cast %add3A_583 : i32 to index
          %get3A_593 = tpu.vector_load %arg10[%get3A_592] {strides = array<i32>} : memref<8192xi32, #tpu.memory_space<vmem>>, vector<16xi32>,
          %or3A_594 = arith.ori %shift_left3A_591, %get3A_593 : vector<16xi32>
          %mul3A_595 = arith.constant 16 : i32
          %mul3A_596 = arith.muli %scan3A_332, %mul3A_595 : i32
          %mul3A_597 = arith.constant 16 : i32
          %mul3A_598 = arith.muli %mul3A_596, %mul3A_597 : i32
          %add3A_599 = arith.addi %multiple_of3A_214, %mul3A_598 : i32
          %add3A_600 = arith.constant 128 : i32
          %add3A_601 = arith.addi %add3A_599, %add3A_600 : i32
          %add3A_602 = vector.broadcast %add3A_601 : i32 to vector<16xi32>
          %add3A_603 = arith.addi %add3A_602, %iota3A : vector<16xi32>
          %ge3A_604 = vector.broadcast %max3A_218 : i32 to vector<16xi32>
          %ge3A_605 = arith.cmpi sge, %add3A_603, %ge3A_604 : vector<16xi32>
          %lt3A_606 = vector.broadcast %scan3A_51#2 : i32 to vector<16xi32>
          %lt3A_607 = arith.cmpi slt, %add3A_603, %lt3A_606 : vector<16xi32>
          %and3A_608 = arith.andi %ge3A_605, %lt3A_607 : vector<16xi1>
          tpu.vector_store_idx %arg13[%or3A_594], %broadcast_in_dim3A_1 masked %and3A_608 {add = true} : memref<32768xf32, #tpu.memory_space<vmem>>[vector<16xi32>], vector<16xf32>, vector<16xi1>
          %mul3A_609 = arith.constant 16 : i32
          %mul3A_610 = arith.muli %scan3A_332, %mul3A_609 : i32
          %mul3A_611 = arith.constant 16 : i32
          %mul3A_612 = arith.muli %mul3A_610, %mul3A_611 : i32
          %add3A_613 = arith.constant 144 : i32
          %add3A_614 = arith.addi %mul3A_612, %add3A_613 : i32
          %get3A_615 = arith.index_cast %add3A_614 : i32 to index
          %get3A_616 = tpu.vector_load %arg6[%get3A_615] {strides = array<i32>} : memref<8192xi32, #tpu.memory_space<vmem>>, vector<16xi32>,
          %and3A_617 = arith.constant 255 : i32
          %and3A_618 = vector.broadcast %and3A_617 : i32 to vector<16xi32>
          %and3A_619 = arith.andi %get3A_616, %and3A_618 : vector<16xi32>
          %shift_left3A_620 = arith.constant 7 : i32
          %shift_left3A_621 = vector.broadcast %shift_left3A_620 : i32 to vector<16xi32>
          %shift_left3A_622 = arith.shli %and3A_619, %shift_left3A_621 : vector<16xi32>
          %get3A_623 = arith.index_cast %add3A_614 : i32 to index
          %get3A_624 = tpu.vector_load %arg10[%get3A_623] {strides = array<i32>} : memref<8192xi32, #tpu.memory_space<vmem>>, vector<16xi32>,
          %or3A_625 = arith.ori %shift_left3A_622, %get3A_624 : vector<16xi32>
          %mul3A_626 = arith.constant 16 : i32
          %mul3A_627 = arith.muli %scan3A_332, %mul3A_626 : i32
          %mul3A_628 = arith.constant 16 : i32
          %mul3A_629 = arith.muli %mul3A_627, %mul3A_628 : i32
          %add3A_630 = arith.addi %multiple_of3A_214, %mul3A_629 : i32
          %add3A_631 = arith.constant 144 : i32
          %add3A_632 = arith.addi %add3A_630, %add3A_631 : i32
          %add3A_633 = vector.broadcast %add3A_632 : i32 to vector<16xi32>
          %add3A_634 = arith.addi %add3A_633, %iota3A : vector<16xi32>
          %ge3A_635 = vector.broadcast %max3A_218 : i32 to vector<16xi32>
          %ge3A_636 = arith.cmpi sge, %add3A_634, %ge3A_635 : vector<16xi32>
          %lt3A_637 = vector.broadcast %scan3A_51#2 : i32 to vector<16xi32>
          %lt3A_638 = arith.cmpi slt, %add3A_634, %lt3A_637 : vector<16xi32>
          %and3A_639 = arith.andi %ge3A_636, %lt3A_638 : vector<16xi1>
          tpu.vector_store_idx %arg13[%or3A_625], %broadcast_in_dim3A_1 masked %and3A_639 {add = true} : memref<32768xf32, #tpu.memory_space<vmem>>[vector<16xi32>], vector<16xf32>, vector<16xi1>
          %mul3A_640 = arith.constant 16 : i32
          %mul3A_641 = arith.muli %scan3A_332, %mul3A_640 : i32
          %mul3A_642 = arith.constant 16 : i32
          %mul3A_643 = arith.muli %mul3A_641, %mul3A_642 : i32
          %add3A_644 = arith.constant 160 : i32
          %add3A_645 = arith.addi %mul3A_643, %add3A_644 : i32
          %get3A_646 = arith.index_cast %add3A_645 : i32 to index
          %get3A_647 = tpu.vector_load %arg6[%get3A_646] {strides = array<i32>} : memref<8192xi32, #tpu.memory_space<vmem>>, vector<16xi32>,
          %and3A_648 = arith.constant 255 : i32
          %and3A_649 = vector.broadcast %and3A_648 : i32 to vector<16xi32>
          %and3A_650 = arith.andi %get3A_647, %and3A_649 : vector<16xi32>
          %shift_left3A_651 = arith.constant 7 : i32
          %shift_left3A_652 = vector.broadcast %shift_left3A_651 : i32 to vector<16xi32>
          %shift_left3A_653 = arith.shli %and3A_650, %shift_left3A_652 : vector<16xi32>
          %get3A_654 = arith.index_cast %add3A_645 : i32 to index
          %get3A_655 = tpu.vector_load %arg10[%get3A_654] {strides = array<i32>} : memref<8192xi32, #tpu.memory_space<vmem>>, vector<16xi32>,
          %or3A_656 = arith.ori %shift_left3A_653, %get3A_655 : vector<16xi32>
          %mul3A_657 = arith.constant 16 : i32
          %mul3A_658 = arith.muli %scan3A_332, %mul3A_657 : i32
          %mul3A_659 = arith.constant 16 : i32
          %mul3A_660 = arith.muli %mul3A_658, %mul3A_659 : i32
          %add3A_661 = arith.addi %multiple_of3A_214, %mul3A_660 : i32
          %add3A_662 = arith.constant 160 : i32
          %add3A_663 = arith.addi %add3A_661, %add3A_662 : i32
          %add3A_664 = vector.broadcast %add3A_663 : i32 to vector<16xi32>
          %add3A_665 = arith.addi %add3A_664, %iota3A : vector<16xi32>
          %ge3A_666 = vector.broadcast %max3A_218 : i32 to vector<16xi32>
          %ge3A_667 = arith.cmpi sge, %add3A_665, %ge3A_666 : vector<16xi32>
          %lt3A_668 = vector.broadcast %scan3A_51#2 : i32 to vector<16xi32>
          %lt3A_669 = arith.cmpi slt, %add3A_665, %lt3A_668 : vector<16xi32>
          %and3A_670 = arith.andi %ge3A_667, %lt3A_669 : vector<16xi1>
          tpu.vector_store_idx %arg13[%or3A_656], %broadcast_in_dim3A_1 masked %and3A_670 {add = true} : memref<32768xf32, #tpu.memory_space<vmem>>[vector<16xi32>], vector<16xf32>, vector<16xi1>
          %mul3A_671 = arith.constant 16 : i32
          %mul3A_672 = arith.muli %scan3A_332, %mul3A_671 : i32
          %mul3A_673 = arith.constant 16 : i32
          %mul3A_674 = arith.muli %mul3A_672, %mul3A_673 : i32
          %add3A_675 = arith.constant 176 : i32
          %add3A_676 = arith.addi %mul3A_674, %add3A_675 : i32
          %get3A_677 = arith.index_cast %add3A_676 : i32 to index
          %get3A_678 = tpu.vector_load %arg6[%get3A_677] {strides = array<i32>} : memref<8192xi32, #tpu.memory_space<vmem>>, vector<16xi32>,
          %and3A_679 = arith.constant 255 : i32
          %and3A_680 = vector.broadcast %and3A_679 : i32 to vector<16xi32>
          %and3A_681 = arith.andi %get3A_678, %and3A_680 : vector<16xi32>
          %shift_left3A_682 = arith.constant 7 : i32
          %shift_left3A_683 = vector.broadcast %shift_left3A_682 : i32 to vector<16xi32>
          %shift_left3A_684 = arith.shli %and3A_681, %shift_left3A_683 : vector<16xi32>
          %get3A_685 = arith.index_cast %add3A_676 : i32 to index
          %get3A_686 = tpu.vector_load %arg10[%get3A_685] {strides = array<i32>} : memref<8192xi32, #tpu.memory_space<vmem>>, vector<16xi32>,
          %or3A_687 = arith.ori %shift_left3A_684, %get3A_686 : vector<16xi32>
          %mul3A_688 = arith.constant 16 : i32
          %mul3A_689 = arith.muli %scan3A_332, %mul3A_688 : i32
          %mul3A_690 = arith.constant 16 : i32
          %mul3A_691 = arith.muli %mul3A_689, %mul3A_690 : i32
          %add3A_692 = arith.addi %multiple_of3A_214, %mul3A_691 : i32
          %add3A_693 = arith.constant 176 : i32
          %add3A_694 = arith.addi %add3A_692, %add3A_693 : i32
          %add3A_695 = vector.broadcast %add3A_694 : i32 to vector<16xi32>
          %add3A_696 = arith.addi %add3A_695, %iota3A : vector<16xi32>
          %ge3A_697 = vector.broadcast %max3A_218 : i32 to vector<16xi32>
          %ge3A_698 = arith.cmpi sge, %add3A_696, %ge3A_697 : vector<16xi32>
          %lt3A_699 = vector.broadcast %scan3A_51#2 : i32 to vector<16xi32>
          %lt3A_700 = arith.cmpi slt, %add3A_696, %lt3A_699 : vector<16xi32>
          %and3A_701 = arith.andi %ge3A_698, %lt3A_700 : vector<16xi1>
          tpu.vector_store_idx %arg13[%or3A_687], %broadcast_in_dim3A_1 masked %and3A_701 {add = true} : memref<32768xf32, #tpu.memory_space<vmem>>[vector<16xi32>], vector<16xf32>, vector<16xi1>
          %mul3A_702 = arith.constant 16 : i32
          %mul3A_703 = arith.muli %scan3A_332, %mul3A_702 : i32
          %mul3A_704 = arith.constant 16 : i32
          %mul3A_705 = arith.muli %mul3A_703, %mul3A_704 : i32
          %add3A_706 = arith.constant 192 : i32
          %add3A_707 = arith.addi %mul3A_705, %add3A_706 : i32
          %get3A_708 = arith.index_cast %add3A_707 : i32 to index
          %get3A_709 = tpu.vector_load %arg6[%get3A_708] {strides = array<i32>} : memref<8192xi32, #tpu.memory_space<vmem>>, vector<16xi32>,
          %and3A_710 = arith.constant 255 : i32
          %and3A_711 = vector.broadcast %and3A_710 : i32 to vector<16xi32>
          %and3A_712 = arith.andi %get3A_709, %and3A_711 : vector<16xi32>
          %shift_left3A_713 = arith.constant 7 : i32
          %shift_left3A_714 = vector.broadcast %shift_left3A_713 : i32 to vector<16xi32>
          %shift_left3A_715 = arith.shli %and3A_712, %shift_left3A_714 : vector<16xi32>
          %get3A_716 = arith.index_cast %add3A_707 : i32 to index
          %get3A_717 = tpu.vector_load %arg10[%get3A_716] {strides = array<i32>} : memref<8192xi32, #tpu.memory_space<vmem>>, vector<16xi32>,
          %or3A_718 = arith.ori %shift_left3A_715, %get3A_717 : vector<16xi32>
          %mul3A_719 = arith.constant 16 : i32
          %mul3A_720 = arith.muli %scan3A_332, %mul3A_719 : i32
          %mul3A_721 = arith.constant 16 : i32
          %mul3A_722 = arith.muli %mul3A_720, %mul3A_721 : i32
          %add3A_723 = arith.addi %multiple_of3A_214, %mul3A_722 : i32
          %add3A_724 = arith.constant 192 : i32
          %add3A_725 = arith.addi %add3A_723, %add3A_724 : i32
          %add3A_726 = vector.broadcast %add3A_725 : i32 to vector<16xi32>
          %add3A_727 = arith.addi %add3A_726, %iota3A : vector<16xi32>
          %ge3A_728 = vector.broadcast %max3A_218 : i32 to vector<16xi32>
          %ge3A_729 = arith.cmpi sge, %add3A_727, %ge3A_728 : vector<16xi32>
          %lt3A_730 = vector.broadcast %scan3A_51#2 : i32 to vector<16xi32>
          %lt3A_731 = arith.cmpi slt, %add3A_727, %lt3A_730 : vector<16xi32>
          %and3A_732 = arith.andi %ge3A_729, %lt3A_731 : vector<16xi1>
          tpu.vector_store_idx %arg13[%or3A_718], %broadcast_in_dim3A_1 masked %and3A_732 {add = true} : memref<32768xf32, #tpu.memory_space<vmem>>[vector<16xi32>], vector<16xf32>, vector<16xi1>
          %mul3A_733 = arith.constant 16 : i32
          %mul3A_734 = arith.muli %scan3A_332, %mul3A_733 : i32
          %mul3A_735 = arith.constant 16 : i32
          %mul3A_736 = arith.muli %mul3A_734, %mul3A_735 : i32
          %add3A_737 = arith.constant 208 : i32
          %add3A_738 = arith.addi %mul3A_736, %add3A_737 : i32
          %get3A_739 = arith.index_cast %add3A_738 : i32 to index
          %get3A_740 = tpu.vector_load %arg6[%get3A_739] {strides = array<i32>} : memref<8192xi32, #tpu.memory_space<vmem>>, vector<16xi32>,
          %and3A_741 = arith.constant 255 : i32
          %and3A_742 = vector.broadcast %and3A_741 : i32 to vector<16xi32>
          %and3A_743 = arith.andi %get3A_740, %and3A_742 : vector<16xi32>
          %shift_left3A_744 = arith.constant 7 : i32
          %shift_left3A_745 = vector.broadcast %shift_left3A_744 : i32 to vector<16xi32>
          %shift_left3A_746 = arith.shli %and3A_743, %shift_left3A_745 : vector<16xi32>
          %get3A_747 = arith.index_cast %add3A_738 : i32 to index
          %get3A_748 = tpu.vector_load %arg10[%get3A_747] {strides = array<i32>} : memref<8192xi32, #tpu.memory_space<vmem>>, vector<16xi32>,
          %or3A_749 = arith.ori %shift_left3A_746, %get3A_748 : vector<16xi32>
          %mul3A_750 = arith.constant 16 : i32
          %mul3A_751 = arith.muli %scan3A_332, %mul3A_750 : i32
          %mul3A_752 = arith.constant 16 : i32
          %mul3A_753 = arith.muli %mul3A_751, %mul3A_752 : i32
          %add3A_754 = arith.addi %multiple_of3A_214, %mul3A_753 : i32
          %add3A_755 = arith.constant 208 : i32
          %add3A_756 = arith.addi %add3A_754, %add3A_755 : i32
          %add3A_757 = vector.broadcast %add3A_756 : i32 to vector<16xi32>
          %add3A_758 = arith.addi %add3A_757, %iota3A : vector<16xi32>
          %ge3A_759 = vector.broadcast %max3A_218 : i32 to vector<16xi32>
          %ge3A_760 = arith.cmpi sge, %add3A_758, %ge3A_759 : vector<16xi32>
          %lt3A_761 = vector.broadcast %scan3A_51#2 : i32 to vector<16xi32>
          %lt3A_762 = arith.cmpi slt, %add3A_758, %lt3A_761 : vector<16xi32>
          %and3A_763 = arith.andi %ge3A_760, %lt3A_762 : vector<16xi1>
          tpu.vector_store_idx %arg13[%or3A_749], %broadcast_in_dim3A_1 masked %and3A_763 {add = true} : memref<32768xf32, #tpu.memory_space<vmem>>[vector<16xi32>], vector<16xf32>, vector<16xi1>
          %mul3A_764 = arith.constant 16 : i32
          %mul3A_765 = arith.muli %scan3A_332, %mul3A_764 : i32
          %mul3A_766 = arith.constant 16 : i32
          %mul3A_767 = arith.muli %mul3A_765, %mul3A_766 : i32
          %add3A_768 = arith.constant 224 : i32
          %add3A_769 = arith.addi %mul3A_767, %add3A_768 : i32
          %get3A_770 = arith.index_cast %add3A_769 : i32 to index
          %get3A_771 = tpu.vector_load %arg6[%get3A_770] {strides = array<i32>} : memref<8192xi32, #tpu.memory_space<vmem>>, vector<16xi32>,
          %and3A_772 = arith.constant 255 : i32
          %and3A_773 = vector.broadcast %and3A_772 : i32 to vector<16xi32>
          %and3A_774 = arith.andi %get3A_771, %and3A_773 : vector<16xi32>
          %shift_left3A_775 = arith.constant 7 : i32
          %shift_left3A_776 = vector.broadcast %shift_left3A_775 : i32 to vector<16xi32>
          %shift_left3A_777 = arith.shli %and3A_774, %shift_left3A_776 : vector<16xi32>
          %get3A_778 = arith.index_cast %add3A_769 : i32 to index
          %get3A_779 = tpu.vector_load %arg10[%get3A_778] {strides = array<i32>} : memref<8192xi32, #tpu.memory_space<vmem>>, vector<16xi32>,
          %or3A_780 = arith.ori %shift_left3A_777, %get3A_779 : vector<16xi32>
          %mul3A_781 = arith.constant 16 : i32
          %mul3A_782 = arith.muli %scan3A_332, %mul3A_781 : i32
          %mul3A_783 = arith.constant 16 : i32
          %mul3A_784 = arith.muli %mul3A_782, %mul3A_783 : i32
          %add3A_785 = arith.addi %multiple_of3A_214, %mul3A_784 : i32
          %add3A_786 = arith.constant 224 : i32
          %add3A_787 = arith.addi %add3A_785, %add3A_786 : i32
          %add3A_788 = vector.broadcast %add3A_787 : i32 to vector<16xi32>
          %add3A_789 = arith.addi %add3A_788, %iota3A : vector<16xi32>
          %ge3A_790 = vector.broadcast %max3A_218 : i32 to vector<16xi32>
          %ge3A_791 = arith.cmpi sge, %add3A_789, %ge3A_790 : vector<16xi32>
          %lt3A_792 = vector.broadcast %scan3A_51#2 : i32 to vector<16xi32>
          %lt3A_793 = arith.cmpi slt, %add3A_789, %lt3A_792 : vector<16xi32>
          %and3A_794 = arith.andi %ge3A_791, %lt3A_793 : vector<16xi1>
          tpu.vector_store_idx %arg13[%or3A_780], %broadcast_in_dim3A_1 masked %and3A_794 {add = true} : memref<32768xf32, #tpu.memory_space<vmem>>[vector<16xi32>], vector<16xf32>, vector<16xi1>
          %mul3A_795 = arith.constant 16 : i32
          %mul3A_796 = arith.muli %scan3A_332, %mul3A_795 : i32
          %mul3A_797 = arith.constant 16 : i32
          %mul3A_798 = arith.muli %mul3A_796, %mul3A_797 : i32
          %add3A_799 = arith.constant 240 : i32
          %add3A_800 = arith.addi %mul3A_798, %add3A_799 : i32
          %get3A_801 = arith.index_cast %add3A_800 : i32 to index
          %get3A_802 = tpu.vector_load %arg6[%get3A_801] {strides = array<i32>} : memref<8192xi32, #tpu.memory_space<vmem>>, vector<16xi32>,
          %and3A_803 = arith.constant 255 : i32
          %and3A_804 = vector.broadcast %and3A_803 : i32 to vector<16xi32>
          %and3A_805 = arith.andi %get3A_802, %and3A_804 : vector<16xi32>
          %shift_left3A_806 = arith.constant 7 : i32
          %shift_left3A_807 = vector.broadcast %shift_left3A_806 : i32 to vector<16xi32>
          %shift_left3A_808 = arith.shli %and3A_805, %shift_left3A_807 : vector<16xi32>
          %get3A_809 = arith.index_cast %add3A_800 : i32 to index
          %get3A_810 = tpu.vector_load %arg10[%get3A_809] {strides = array<i32>} : memref<8192xi32, #tpu.memory_space<vmem>>, vector<16xi32>,
          %or3A_811 = arith.ori %shift_left3A_808, %get3A_810 : vector<16xi32>
          %mul3A_812 = arith.constant 16 : i32
          %mul3A_813 = arith.muli %scan3A_332, %mul3A_812 : i32
          %mul3A_814 = arith.constant 16 : i32
          %mul3A_815 = arith.muli %mul3A_813, %mul3A_814 : i32
          %add3A_816 = arith.addi %multiple_of3A_214, %mul3A_815 : i32
          %add3A_817 = arith.constant 240 : i32
          %add3A_818 = arith.addi %add3A_816, %add3A_817 : i32
          %add3A_819 = vector.broadcast %add3A_818 : i32 to vector<16xi32>
          %add3A_820 = arith.addi %add3A_819, %iota3A : vector<16xi32>
          %ge3A_821 = vector.broadcast %max3A_218 : i32 to vector<16xi32>
          %ge3A_822 = arith.cmpi sge, %add3A_820, %ge3A_821 : vector<16xi32>
          %lt3A_823 = vector.broadcast %scan3A_51#2 : i32 to vector<16xi32>
          %lt3A_824 = arith.cmpi slt, %add3A_820, %lt3A_823 : vector<16xi32>
          %and3A_825 = arith.andi %ge3A_822, %lt3A_824 : vector<16xi1>
          tpu.vector_store_idx %arg13[%or3A_811], %broadcast_in_dim3A_1 masked %and3A_825 {add = true} : memref<32768xf32, #tpu.memory_space<vmem>>[vector<16xi32>], vector<16xf32>, vector<16xi1>
        }
        %scan3A_331 = arith.constant 32 : i32
      } else {
        %parallel_loop3A = arith.constant 0 : i32
        %parallel_loop3A_326 = arith.constant 512 : i32
        %parallel_loop3A_327 = arith.constant 1 : i32
        scf.for %parallel_loop3A_328 = %parallel_loop3A to %parallel_loop3A_326 step %parallel_loop3A_327  : i32 {
          %parallel_loop3A_329 = arith.constant 16 : i32
          %parallel_loop3A_330 = arith.muli %parallel_loop3A_328, %parallel_loop3A_329 : i32
          %parallel_loop3A_331 = arith.index_cast %parallel_loop3A_330 : i32 to index
          %parallel_loop3A_332 = tpu.vector_load %arg6[%parallel_loop3A_331] {strides = array<i32>} : memref<8192xi32, #tpu.memory_space<vmem>>, vector<16xi32>,
          %parallel_loop3A_333 = arith.constant 255 : i32
          %parallel_loop3A_334 = vector.broadcast %parallel_loop3A_333 : i32 to vector<16xi32>
          %parallel_loop3A_335 = arith.andi %parallel_loop3A_332, %parallel_loop3A_334 : vector<16xi32>
          %parallel_loop3A_336 = arith.constant 7 : i32
          %parallel_loop3A_337 = vector.broadcast %parallel_loop3A_336 : i32 to vector<16xi32>
          %parallel_loop3A_338 = arith.shli %parallel_loop3A_335, %parallel_loop3A_337 : vector<16xi32>
          %parallel_loop3A_339 = arith.index_cast %parallel_loop3A_330 : i32 to index
          %parallel_loop3A_340 = tpu.vector_load %arg10[%parallel_loop3A_339] {strides = array<i32>} : memref<8192xi32, #tpu.memory_space<vmem>>, vector<16xi32>,
          %parallel_loop3A_341 = arith.ori %parallel_loop3A_338, %parallel_loop3A_340 : vector<16xi32>
          tpu.vector_store_idx %arg13[%parallel_loop3A_341], %broadcast_in_dim3A_1 {add = true} : memref<32768xf32, #tpu.memory_space<vmem>>[vector<16xi32>], vector<16xf32>,
        } {sc.loop_unroll_factor = 16 : i64, sc.parallel_access}
      }
      %add3A_228 = arith.constant 4 : i32
      %add3A_229 = arith.addi %add3A_200, %add3A_228 : i32
      %mul3A_230 = arith.constant 8192 : i32
      %mul3A_231 = arith.muli %add3A_229, %mul3A_230 : i32
      %add3A_232 = arith.addi %and3A_54, %mul3A_231 : i32
      %min3A_233 = arith.constant 3991808 : i32
      %min3A_234 = arith.minsi %add3A_232, %min3A_233 : i32
      %multiple_of3A_235 = tpu.assume_multiple %min3A_234, 8 : i32
      %dma_start3A_236 = tpu.memref_slice %arg3[%multiple_of3A_235] : memref<4000000xi32, #tpu.memory_space<hbm>> -> memref<8192xi32, #tpu.memory_space<hbm>>
      %dma_start3A_237 = tpu.memref_slice %arg3[%multiple_of3A_235] : memref<4000000xi32, #tpu.memory_space<hbm>> -> memref<8192xi32, #tpu.memory_space<hbm>>
      tpu.enqueue_dma source(%dma_start3A_237 : memref<8192xi32, #tpu.memory_space<hbm>>) target(%arg6 : memref<8192xi32, #tpu.memory_space<vmem>>) target_semaphore(%arg17 : memref<!tpu.dma_semaphore, #tpu.memory_space<semaphore_mem>>)
      %dma_start3A_238 = tpu.memref_slice %arg2[%multiple_of3A_235] : memref<4000000xi32, #tpu.memory_space<hbm>> -> memref<8192xi32, #tpu.memory_space<hbm>>
      %dma_start3A_239 = tpu.memref_slice %arg2[%multiple_of3A_235] : memref<4000000xi32, #tpu.memory_space<hbm>> -> memref<8192xi32, #tpu.memory_space<hbm>>
      tpu.enqueue_dma source(%dma_start3A_239 : memref<8192xi32, #tpu.memory_space<hbm>>) target(%arg10 : memref<8192xi32, #tpu.memory_space<vmem>>) target_semaphore(%arg17 : memref<!tpu.dma_semaphore, #tpu.memory_space<semaphore_mem>>)
      %mul3A_240 = arith.constant 4 : i32
      %mul3A_241 = arith.muli %mul3A_240, %while3A_157 : i32
      %add3A_242 = arith.constant 2 : i32
      %add3A_243 = arith.addi %mul3A_241, %add3A_242 : i32
      %dma_wait3A_244 = arith.constant 0 : i32
      %dma_wait3A_245 = tpu.memref_slice %arg3[%dma_wait3A_244] : memref<4000000xi32, #tpu.memory_space<hbm>> -> memref<8192xi32, #tpu.memory_space<hbm>>
      %dma_wait3A_246 = arith.constant 0 : i32
      %dma_wait3A_247 = tpu.memref_slice %arg3[%dma_wait3A_246] : memref<4000000xi32, #tpu.memory_space<hbm>> -> memref<8192xi32, #tpu.memory_space<hbm>>
      tpu.wait_dma2 semaphore(%arg18 : memref<!tpu.dma_semaphore, #tpu.memory_space<semaphore_mem>>) src(%dma_wait3A_247 : memref<8192xi32, #tpu.memory_space<hbm>>) dst(%arg7 : memref<8192xi32, #tpu.memory_space<vmem>>)
      %dma_wait3A_248 = arith.constant 0 : i32
      %dma_wait3A_249 = tpu.memref_slice %arg2[%dma_wait3A_248] : memref<4000000xi32, #tpu.memory_space<hbm>> -> memref<8192xi32, #tpu.memory_space<hbm>>
      %dma_wait3A_250 = arith.constant 0 : i32
      %dma_wait3A_251 = tpu.memref_slice %arg2[%dma_wait3A_250] : memref<4000000xi32, #tpu.memory_space<hbm>> -> memref<8192xi32, #tpu.memory_space<hbm>>
      tpu.wait_dma2 semaphore(%arg18 : memref<!tpu.dma_semaphore, #tpu.memory_space<semaphore_mem>>) src(%dma_wait3A_251 : memref<8192xi32, #tpu.memory_space<hbm>>) dst(%arg11 : memref<8192xi32, #tpu.memory_space<vmem>>)
      %mul3A_252 = arith.constant 8192 : i32
      %mul3A_253 = arith.muli %add3A_243, %mul3A_252 : i32
      %add3A_254 = arith.addi %and3A_54, %mul3A_253 : i32
      %min3A_255 = arith.constant 3991808 : i32
      %min3A_256 = arith.minsi %add3A_254, %min3A_255 : i32
      %multiple_of3A_257 = tpu.assume_multiple %min3A_256, 8 : i32
      %mul3A_258 = arith.constant 8192 : i32
      %mul3A_259 = arith.muli %add3A_243, %mul3A_258 : i32
      %add3A_260 = arith.addi %and3A_54, %mul3A_259 : i32
      %max3A_261 = arith.maxsi %scan3A_51#0, %add3A_260 : i32
      %eq3A_262 = arith.constant 0 : i32
      %eq3A_263 = arith.cmpi eq, %add3A_243, %eq3A_262 : i32
      %sub3A_264 = arith.constant 1 : i32
      %sub3A_265 = arith.subi %select_n3A, %sub3A_264 : i32
      %ge3A_266 = arith.cmpi sge, %add3A_243, %sub3A_265 : i32
      %or3A_267 = arith.ori %eq3A_263, %ge3A_266 : i1
      %convert_element_type3A_268 = arith.extui %or3A_267 : i1 to i32
      %cond3A_269 = arith.constant 0 : i32
      %cond3A_270 = arith.cmpi ne, %convert_element_type3A_268, %cond3A_269 : i32
      scf.if %cond3A_270 {
        %scan3A_326 = arith.constant 0 : i32
        %scan3A_327 = arith.constant 0 : i32
        %scan3A_328 = arith.constant 32 : i32
        %scan3A_329 = arith.addi %scan3A_327, %scan3A_328 : i32
        %scan3A_330 = arith.constant 1 : i32
        scf.for %scan3A_332 = %scan3A_327 to %scan3A_329 step %scan3A_330  : i32 {
          %mul3A_333 = arith.constant 16 : i32
          %mul3A_334 = arith.muli %scan3A_332, %mul3A_333 : i32
          %mul3A_335 = arith.constant 16 : i32
          %mul3A_336 = arith.muli %mul3A_334, %mul3A_335 : i32
          %add3A_337 = arith.constant 0 : i32
          %add3A_338 = arith.addi %mul3A_336, %add3A_337 : i32
          %get3A = arith.index_cast %add3A_338 : i32 to index
          %get3A_339 = tpu.vector_load %arg7[%get3A] {strides = array<i32>} : memref<8192xi32, #tpu.memory_space<vmem>>, vector<16xi32>,
          %and3A_340 = arith.constant 255 : i32
          %and3A_341 = vector.broadcast %and3A_340 : i32 to vector<16xi32>
          %and3A_342 = arith.andi %get3A_339, %and3A_341 : vector<16xi32>
          %shift_left3A = arith.constant 7 : i32
          %shift_left3A_343 = vector.broadcast %shift_left3A : i32 to vector<16xi32>
          %shift_left3A_344 = arith.shli %and3A_342, %shift_left3A_343 : vector<16xi32>
          %get3A_345 = arith.index_cast %add3A_338 : i32 to index
          %get3A_346 = tpu.vector_load %arg11[%get3A_345] {strides = array<i32>} : memref<8192xi32, #tpu.memory_space<vmem>>, vector<16xi32>,
          %or3A_347 = arith.ori %shift_left3A_344, %get3A_346 : vector<16xi32>
          %mul3A_348 = arith.constant 16 : i32
          %mul3A_349 = arith.muli %scan3A_332, %mul3A_348 : i32
          %mul3A_350 = arith.constant 16 : i32
          %mul3A_351 = arith.muli %mul3A_349, %mul3A_350 : i32
          %add3A_352 = arith.addi %multiple_of3A_257, %mul3A_351 : i32
          %add3A_353 = arith.constant 0 : i32
          %add3A_354 = arith.addi %add3A_352, %add3A_353 : i32
          %add3A_355 = vector.broadcast %add3A_354 : i32 to vector<16xi32>
          %add3A_356 = arith.addi %add3A_355, %iota3A : vector<16xi32>
          %ge3A_357 = vector.broadcast %max3A_261 : i32 to vector<16xi32>
          %ge3A_358 = arith.cmpi sge, %add3A_356, %ge3A_357 : vector<16xi32>
          %lt3A = vector.broadcast %scan3A_51#2 : i32 to vector<16xi32>
          %lt3A_359 = arith.cmpi slt, %add3A_356, %lt3A : vector<16xi32>
          %and3A_360 = arith.andi %ge3A_358, %lt3A_359 : vector<16xi1>
          tpu.vector_store_idx %arg13[%or3A_347], %broadcast_in_dim3A_1 masked %and3A_360 {add = true} : memref<32768xf32, #tpu.memory_space<vmem>>[vector<16xi32>], vector<16xf32>, vector<16xi1>
          %mul3A_361 = arith.constant 16 : i32
          %mul3A_362 = arith.muli %scan3A_332, %mul3A_361 : i32
          %mul3A_363 = arith.constant 16 : i32
          %mul3A_364 = arith.muli %mul3A_362, %mul3A_363 : i32
          %add3A_365 = arith.constant 16 : i32
          %add3A_366 = arith.addi %mul3A_364, %add3A_365 : i32
          %get3A_367 = arith.index_cast %add3A_366 : i32 to index
          %get3A_368 = tpu.vector_load %arg7[%get3A_367] {strides = array<i32>} : memref<8192xi32, #tpu.memory_space<vmem>>, vector<16xi32>,
          %and3A_369 = arith.constant 255 : i32
          %and3A_370 = vector.broadcast %and3A_369 : i32 to vector<16xi32>
          %and3A_371 = arith.andi %get3A_368, %and3A_370 : vector<16xi32>
          %shift_left3A_372 = arith.constant 7 : i32
          %shift_left3A_373 = vector.broadcast %shift_left3A_372 : i32 to vector<16xi32>
          %shift_left3A_374 = arith.shli %and3A_371, %shift_left3A_373 : vector<16xi32>
          %get3A_375 = arith.index_cast %add3A_366 : i32 to index
          %get3A_376 = tpu.vector_load %arg11[%get3A_375] {strides = array<i32>} : memref<8192xi32, #tpu.memory_space<vmem>>, vector<16xi32>,
          %or3A_377 = arith.ori %shift_left3A_374, %get3A_376 : vector<16xi32>
          %mul3A_378 = arith.constant 16 : i32
          %mul3A_379 = arith.muli %scan3A_332, %mul3A_378 : i32
          %mul3A_380 = arith.constant 16 : i32
          %mul3A_381 = arith.muli %mul3A_379, %mul3A_380 : i32
          %add3A_382 = arith.addi %multiple_of3A_257, %mul3A_381 : i32
          %add3A_383 = arith.constant 16 : i32
          %add3A_384 = arith.addi %add3A_382, %add3A_383 : i32
          %add3A_385 = vector.broadcast %add3A_384 : i32 to vector<16xi32>
          %add3A_386 = arith.addi %add3A_385, %iota3A : vector<16xi32>
          %ge3A_387 = vector.broadcast %max3A_261 : i32 to vector<16xi32>
          %ge3A_388 = arith.cmpi sge, %add3A_386, %ge3A_387 : vector<16xi32>
          %lt3A_389 = vector.broadcast %scan3A_51#2 : i32 to vector<16xi32>
          %lt3A_390 = arith.cmpi slt, %add3A_386, %lt3A_389 : vector<16xi32>
          %and3A_391 = arith.andi %ge3A_388, %lt3A_390 : vector<16xi1>
          tpu.vector_store_idx %arg13[%or3A_377], %broadcast_in_dim3A_1 masked %and3A_391 {add = true} : memref<32768xf32, #tpu.memory_space<vmem>>[vector<16xi32>], vector<16xf32>, vector<16xi1>
          %mul3A_392 = arith.constant 16 : i32
          %mul3A_393 = arith.muli %scan3A_332, %mul3A_392 : i32
          %mul3A_394 = arith.constant 16 : i32
          %mul3A_395 = arith.muli %mul3A_393, %mul3A_394 : i32
          %add3A_396 = arith.constant 32 : i32
          %add3A_397 = arith.addi %mul3A_395, %add3A_396 : i32
          %get3A_398 = arith.index_cast %add3A_397 : i32 to index
          %get3A_399 = tpu.vector_load %arg7[%get3A_398] {strides = array<i32>} : memref<8192xi32, #tpu.memory_space<vmem>>, vector<16xi32>,
          %and3A_400 = arith.constant 255 : i32
          %and3A_401 = vector.broadcast %and3A_400 : i32 to vector<16xi32>
          %and3A_402 = arith.andi %get3A_399, %and3A_401 : vector<16xi32>
          %shift_left3A_403 = arith.constant 7 : i32
          %shift_left3A_404 = vector.broadcast %shift_left3A_403 : i32 to vector<16xi32>
          %shift_left3A_405 = arith.shli %and3A_402, %shift_left3A_404 : vector<16xi32>
          %get3A_406 = arith.index_cast %add3A_397 : i32 to index
          %get3A_407 = tpu.vector_load %arg11[%get3A_406] {strides = array<i32>} : memref<8192xi32, #tpu.memory_space<vmem>>, vector<16xi32>,
          %or3A_408 = arith.ori %shift_left3A_405, %get3A_407 : vector<16xi32>
          %mul3A_409 = arith.constant 16 : i32
          %mul3A_410 = arith.muli %scan3A_332, %mul3A_409 : i32
          %mul3A_411 = arith.constant 16 : i32
          %mul3A_412 = arith.muli %mul3A_410, %mul3A_411 : i32
          %add3A_413 = arith.addi %multiple_of3A_257, %mul3A_412 : i32
          %add3A_414 = arith.constant 32 : i32
          %add3A_415 = arith.addi %add3A_413, %add3A_414 : i32
          %add3A_416 = vector.broadcast %add3A_415 : i32 to vector<16xi32>
          %add3A_417 = arith.addi %add3A_416, %iota3A : vector<16xi32>
          %ge3A_418 = vector.broadcast %max3A_261 : i32 to vector<16xi32>
          %ge3A_419 = arith.cmpi sge, %add3A_417, %ge3A_418 : vector<16xi32>
          %lt3A_420 = vector.broadcast %scan3A_51#2 : i32 to vector<16xi32>
          %lt3A_421 = arith.cmpi slt, %add3A_417, %lt3A_420 : vector<16xi32>
          %and3A_422 = arith.andi %ge3A_419, %lt3A_421 : vector<16xi1>
          tpu.vector_store_idx %arg13[%or3A_408], %broadcast_in_dim3A_1 masked %and3A_422 {add = true} : memref<32768xf32, #tpu.memory_space<vmem>>[vector<16xi32>], vector<16xf32>, vector<16xi1>
          %mul3A_423 = arith.constant 16 : i32
          %mul3A_424 = arith.muli %scan3A_332, %mul3A_423 : i32
          %mul3A_425 = arith.constant 16 : i32
          %mul3A_426 = arith.muli %mul3A_424, %mul3A_425 : i32
          %add3A_427 = arith.constant 48 : i32
          %add3A_428 = arith.addi %mul3A_426, %add3A_427 : i32
          %get3A_429 = arith.index_cast %add3A_428 : i32 to index
          %get3A_430 = tpu.vector_load %arg7[%get3A_429] {strides = array<i32>} : memref<8192xi32, #tpu.memory_space<vmem>>, vector<16xi32>,
          %and3A_431 = arith.constant 255 : i32
          %and3A_432 = vector.broadcast %and3A_431 : i32 to vector<16xi32>
          %and3A_433 = arith.andi %get3A_430, %and3A_432 : vector<16xi32>
          %shift_left3A_434 = arith.constant 7 : i32
          %shift_left3A_435 = vector.broadcast %shift_left3A_434 : i32 to vector<16xi32>
          %shift_left3A_436 = arith.shli %and3A_433, %shift_left3A_435 : vector<16xi32>
          %get3A_437 = arith.index_cast %add3A_428 : i32 to index
          %get3A_438 = tpu.vector_load %arg11[%get3A_437] {strides = array<i32>} : memref<8192xi32, #tpu.memory_space<vmem>>, vector<16xi32>,
          %or3A_439 = arith.ori %shift_left3A_436, %get3A_438 : vector<16xi32>
          %mul3A_440 = arith.constant 16 : i32
          %mul3A_441 = arith.muli %scan3A_332, %mul3A_440 : i32
          %mul3A_442 = arith.constant 16 : i32
          %mul3A_443 = arith.muli %mul3A_441, %mul3A_442 : i32
          %add3A_444 = arith.addi %multiple_of3A_257, %mul3A_443 : i32
          %add3A_445 = arith.constant 48 : i32
          %add3A_446 = arith.addi %add3A_444, %add3A_445 : i32
          %add3A_447 = vector.broadcast %add3A_446 : i32 to vector<16xi32>
          %add3A_448 = arith.addi %add3A_447, %iota3A : vector<16xi32>
          %ge3A_449 = vector.broadcast %max3A_261 : i32 to vector<16xi32>
          %ge3A_450 = arith.cmpi sge, %add3A_448, %ge3A_449 : vector<16xi32>
          %lt3A_451 = vector.broadcast %scan3A_51#2 : i32 to vector<16xi32>
          %lt3A_452 = arith.cmpi slt, %add3A_448, %lt3A_451 : vector<16xi32>
          %and3A_453 = arith.andi %ge3A_450, %lt3A_452 : vector<16xi1>
          tpu.vector_store_idx %arg13[%or3A_439], %broadcast_in_dim3A_1 masked %and3A_453 {add = true} : memref<32768xf32, #tpu.memory_space<vmem>>[vector<16xi32>], vector<16xf32>, vector<16xi1>
          %mul3A_454 = arith.constant 16 : i32
          %mul3A_455 = arith.muli %scan3A_332, %mul3A_454 : i32
          %mul3A_456 = arith.constant 16 : i32
          %mul3A_457 = arith.muli %mul3A_455, %mul3A_456 : i32
          %add3A_458 = arith.constant 64 : i32
          %add3A_459 = arith.addi %mul3A_457, %add3A_458 : i32
          %get3A_460 = arith.index_cast %add3A_459 : i32 to index
          %get3A_461 = tpu.vector_load %arg7[%get3A_460] {strides = array<i32>} : memref<8192xi32, #tpu.memory_space<vmem>>, vector<16xi32>,
          %and3A_462 = arith.constant 255 : i32
          %and3A_463 = vector.broadcast %and3A_462 : i32 to vector<16xi32>
          %and3A_464 = arith.andi %get3A_461, %and3A_463 : vector<16xi32>
          %shift_left3A_465 = arith.constant 7 : i32
          %shift_left3A_466 = vector.broadcast %shift_left3A_465 : i32 to vector<16xi32>
          %shift_left3A_467 = arith.shli %and3A_464, %shift_left3A_466 : vector<16xi32>
          %get3A_468 = arith.index_cast %add3A_459 : i32 to index
          %get3A_469 = tpu.vector_load %arg11[%get3A_468] {strides = array<i32>} : memref<8192xi32, #tpu.memory_space<vmem>>, vector<16xi32>,
          %or3A_470 = arith.ori %shift_left3A_467, %get3A_469 : vector<16xi32>
          %mul3A_471 = arith.constant 16 : i32
          %mul3A_472 = arith.muli %scan3A_332, %mul3A_471 : i32
          %mul3A_473 = arith.constant 16 : i32
          %mul3A_474 = arith.muli %mul3A_472, %mul3A_473 : i32
          %add3A_475 = arith.addi %multiple_of3A_257, %mul3A_474 : i32
          %add3A_476 = arith.constant 64 : i32
          %add3A_477 = arith.addi %add3A_475, %add3A_476 : i32
          %add3A_478 = vector.broadcast %add3A_477 : i32 to vector<16xi32>
          %add3A_479 = arith.addi %add3A_478, %iota3A : vector<16xi32>
          %ge3A_480 = vector.broadcast %max3A_261 : i32 to vector<16xi32>
          %ge3A_481 = arith.cmpi sge, %add3A_479, %ge3A_480 : vector<16xi32>
          %lt3A_482 = vector.broadcast %scan3A_51#2 : i32 to vector<16xi32>
          %lt3A_483 = arith.cmpi slt, %add3A_479, %lt3A_482 : vector<16xi32>
          %and3A_484 = arith.andi %ge3A_481, %lt3A_483 : vector<16xi1>
          tpu.vector_store_idx %arg13[%or3A_470], %broadcast_in_dim3A_1 masked %and3A_484 {add = true} : memref<32768xf32, #tpu.memory_space<vmem>>[vector<16xi32>], vector<16xf32>, vector<16xi1>
          %mul3A_485 = arith.constant 16 : i32
          %mul3A_486 = arith.muli %scan3A_332, %mul3A_485 : i32
          %mul3A_487 = arith.constant 16 : i32
          %mul3A_488 = arith.muli %mul3A_486, %mul3A_487 : i32
          %add3A_489 = arith.constant 80 : i32
          %add3A_490 = arith.addi %mul3A_488, %add3A_489 : i32
          %get3A_491 = arith.index_cast %add3A_490 : i32 to index
          %get3A_492 = tpu.vector_load %arg7[%get3A_491] {strides = array<i32>} : memref<8192xi32, #tpu.memory_space<vmem>>, vector<16xi32>,
          %and3A_493 = arith.constant 255 : i32
          %and3A_494 = vector.broadcast %and3A_493 : i32 to vector<16xi32>
          %and3A_495 = arith.andi %get3A_492, %and3A_494 : vector<16xi32>
          %shift_left3A_496 = arith.constant 7 : i32
          %shift_left3A_497 = vector.broadcast %shift_left3A_496 : i32 to vector<16xi32>
          %shift_left3A_498 = arith.shli %and3A_495, %shift_left3A_497 : vector<16xi32>
          %get3A_499 = arith.index_cast %add3A_490 : i32 to index
          %get3A_500 = tpu.vector_load %arg11[%get3A_499] {strides = array<i32>} : memref<8192xi32, #tpu.memory_space<vmem>>, vector<16xi32>,
          %or3A_501 = arith.ori %shift_left3A_498, %get3A_500 : vector<16xi32>
          %mul3A_502 = arith.constant 16 : i32
          %mul3A_503 = arith.muli %scan3A_332, %mul3A_502 : i32
          %mul3A_504 = arith.constant 16 : i32
          %mul3A_505 = arith.muli %mul3A_503, %mul3A_504 : i32
          %add3A_506 = arith.addi %multiple_of3A_257, %mul3A_505 : i32
          %add3A_507 = arith.constant 80 : i32
          %add3A_508 = arith.addi %add3A_506, %add3A_507 : i32
          %add3A_509 = vector.broadcast %add3A_508 : i32 to vector<16xi32>
          %add3A_510 = arith.addi %add3A_509, %iota3A : vector<16xi32>
          %ge3A_511 = vector.broadcast %max3A_261 : i32 to vector<16xi32>
          %ge3A_512 = arith.cmpi sge, %add3A_510, %ge3A_511 : vector<16xi32>
          %lt3A_513 = vector.broadcast %scan3A_51#2 : i32 to vector<16xi32>
          %lt3A_514 = arith.cmpi slt, %add3A_510, %lt3A_513 : vector<16xi32>
          %and3A_515 = arith.andi %ge3A_512, %lt3A_514 : vector<16xi1>
          tpu.vector_store_idx %arg13[%or3A_501], %broadcast_in_dim3A_1 masked %and3A_515 {add = true} : memref<32768xf32, #tpu.memory_space<vmem>>[vector<16xi32>], vector<16xf32>, vector<16xi1>
          %mul3A_516 = arith.constant 16 : i32
          %mul3A_517 = arith.muli %scan3A_332, %mul3A_516 : i32
          %mul3A_518 = arith.constant 16 : i32
          %mul3A_519 = arith.muli %mul3A_517, %mul3A_518 : i32
          %add3A_520 = arith.constant 96 : i32
          %add3A_521 = arith.addi %mul3A_519, %add3A_520 : i32
          %get3A_522 = arith.index_cast %add3A_521 : i32 to index
          %get3A_523 = tpu.vector_load %arg7[%get3A_522] {strides = array<i32>} : memref<8192xi32, #tpu.memory_space<vmem>>, vector<16xi32>,
          %and3A_524 = arith.constant 255 : i32
          %and3A_525 = vector.broadcast %and3A_524 : i32 to vector<16xi32>
          %and3A_526 = arith.andi %get3A_523, %and3A_525 : vector<16xi32>
          %shift_left3A_527 = arith.constant 7 : i32
          %shift_left3A_528 = vector.broadcast %shift_left3A_527 : i32 to vector<16xi32>
          %shift_left3A_529 = arith.shli %and3A_526, %shift_left3A_528 : vector<16xi32>
          %get3A_530 = arith.index_cast %add3A_521 : i32 to index
          %get3A_531 = tpu.vector_load %arg11[%get3A_530] {strides = array<i32>} : memref<8192xi32, #tpu.memory_space<vmem>>, vector<16xi32>,
          %or3A_532 = arith.ori %shift_left3A_529, %get3A_531 : vector<16xi32>
          %mul3A_533 = arith.constant 16 : i32
          %mul3A_534 = arith.muli %scan3A_332, %mul3A_533 : i32
          %mul3A_535 = arith.constant 16 : i32
          %mul3A_536 = arith.muli %mul3A_534, %mul3A_535 : i32
          %add3A_537 = arith.addi %multiple_of3A_257, %mul3A_536 : i32
          %add3A_538 = arith.constant 96 : i32
          %add3A_539 = arith.addi %add3A_537, %add3A_538 : i32
          %add3A_540 = vector.broadcast %add3A_539 : i32 to vector<16xi32>
          %add3A_541 = arith.addi %add3A_540, %iota3A : vector<16xi32>
          %ge3A_542 = vector.broadcast %max3A_261 : i32 to vector<16xi32>
          %ge3A_543 = arith.cmpi sge, %add3A_541, %ge3A_542 : vector<16xi32>
          %lt3A_544 = vector.broadcast %scan3A_51#2 : i32 to vector<16xi32>
          %lt3A_545 = arith.cmpi slt, %add3A_541, %lt3A_544 : vector<16xi32>
          %and3A_546 = arith.andi %ge3A_543, %lt3A_545 : vector<16xi1>
          tpu.vector_store_idx %arg13[%or3A_532], %broadcast_in_dim3A_1 masked %and3A_546 {add = true} : memref<32768xf32, #tpu.memory_space<vmem>>[vector<16xi32>], vector<16xf32>, vector<16xi1>
          %mul3A_547 = arith.constant 16 : i32
          %mul3A_548 = arith.muli %scan3A_332, %mul3A_547 : i32
          %mul3A_549 = arith.constant 16 : i32
          %mul3A_550 = arith.muli %mul3A_548, %mul3A_549 : i32
          %add3A_551 = arith.constant 112 : i32
          %add3A_552 = arith.addi %mul3A_550, %add3A_551 : i32
          %get3A_553 = arith.index_cast %add3A_552 : i32 to index
          %get3A_554 = tpu.vector_load %arg7[%get3A_553] {strides = array<i32>} : memref<8192xi32, #tpu.memory_space<vmem>>, vector<16xi32>,
          %and3A_555 = arith.constant 255 : i32
          %and3A_556 = vector.broadcast %and3A_555 : i32 to vector<16xi32>
          %and3A_557 = arith.andi %get3A_554, %and3A_556 : vector<16xi32>
          %shift_left3A_558 = arith.constant 7 : i32
          %shift_left3A_559 = vector.broadcast %shift_left3A_558 : i32 to vector<16xi32>
          %shift_left3A_560 = arith.shli %and3A_557, %shift_left3A_559 : vector<16xi32>
          %get3A_561 = arith.index_cast %add3A_552 : i32 to index
          %get3A_562 = tpu.vector_load %arg11[%get3A_561] {strides = array<i32>} : memref<8192xi32, #tpu.memory_space<vmem>>, vector<16xi32>,
          %or3A_563 = arith.ori %shift_left3A_560, %get3A_562 : vector<16xi32>
          %mul3A_564 = arith.constant 16 : i32
          %mul3A_565 = arith.muli %scan3A_332, %mul3A_564 : i32
          %mul3A_566 = arith.constant 16 : i32
          %mul3A_567 = arith.muli %mul3A_565, %mul3A_566 : i32
          %add3A_568 = arith.addi %multiple_of3A_257, %mul3A_567 : i32
          %add3A_569 = arith.constant 112 : i32
          %add3A_570 = arith.addi %add3A_568, %add3A_569 : i32
          %add3A_571 = vector.broadcast %add3A_570 : i32 to vector<16xi32>
          %add3A_572 = arith.addi %add3A_571, %iota3A : vector<16xi32>
          %ge3A_573 = vector.broadcast %max3A_261 : i32 to vector<16xi32>
          %ge3A_574 = arith.cmpi sge, %add3A_572, %ge3A_573 : vector<16xi32>
          %lt3A_575 = vector.broadcast %scan3A_51#2 : i32 to vector<16xi32>
          %lt3A_576 = arith.cmpi slt, %add3A_572, %lt3A_575 : vector<16xi32>
          %and3A_577 = arith.andi %ge3A_574, %lt3A_576 : vector<16xi1>
          tpu.vector_store_idx %arg13[%or3A_563], %broadcast_in_dim3A_1 masked %and3A_577 {add = true} : memref<32768xf32, #tpu.memory_space<vmem>>[vector<16xi32>], vector<16xf32>, vector<16xi1>
          %mul3A_578 = arith.constant 16 : i32
          %mul3A_579 = arith.muli %scan3A_332, %mul3A_578 : i32
          %mul3A_580 = arith.constant 16 : i32
          %mul3A_581 = arith.muli %mul3A_579, %mul3A_580 : i32
          %add3A_582 = arith.constant 128 : i32
          %add3A_583 = arith.addi %mul3A_581, %add3A_582 : i32
          %get3A_584 = arith.index_cast %add3A_583 : i32 to index
          %get3A_585 = tpu.vector_load %arg7[%get3A_584] {strides = array<i32>} : memref<8192xi32, #tpu.memory_space<vmem>>, vector<16xi32>,
          %and3A_586 = arith.constant 255 : i32
          %and3A_587 = vector.broadcast %and3A_586 : i32 to vector<16xi32>
          %and3A_588 = arith.andi %get3A_585, %and3A_587 : vector<16xi32>
          %shift_left3A_589 = arith.constant 7 : i32
          %shift_left3A_590 = vector.broadcast %shift_left3A_589 : i32 to vector<16xi32>
          %shift_left3A_591 = arith.shli %and3A_588, %shift_left3A_590 : vector<16xi32>
          %get3A_592 = arith.index_cast %add3A_583 : i32 to index
          %get3A_593 = tpu.vector_load %arg11[%get3A_592] {strides = array<i32>} : memref<8192xi32, #tpu.memory_space<vmem>>, vector<16xi32>,
          %or3A_594 = arith.ori %shift_left3A_591, %get3A_593 : vector<16xi32>
          %mul3A_595 = arith.constant 16 : i32
          %mul3A_596 = arith.muli %scan3A_332, %mul3A_595 : i32
          %mul3A_597 = arith.constant 16 : i32
          %mul3A_598 = arith.muli %mul3A_596, %mul3A_597 : i32
          %add3A_599 = arith.addi %multiple_of3A_257, %mul3A_598 : i32
          %add3A_600 = arith.constant 128 : i32
          %add3A_601 = arith.addi %add3A_599, %add3A_600 : i32
          %add3A_602 = vector.broadcast %add3A_601 : i32 to vector<16xi32>
          %add3A_603 = arith.addi %add3A_602, %iota3A : vector<16xi32>
          %ge3A_604 = vector.broadcast %max3A_261 : i32 to vector<16xi32>
          %ge3A_605 = arith.cmpi sge, %add3A_603, %ge3A_604 : vector<16xi32>
          %lt3A_606 = vector.broadcast %scan3A_51#2 : i32 to vector<16xi32>
          %lt3A_607 = arith.cmpi slt, %add3A_603, %lt3A_606 : vector<16xi32>
          %and3A_608 = arith.andi %ge3A_605, %lt3A_607 : vector<16xi1>
          tpu.vector_store_idx %arg13[%or3A_594], %broadcast_in_dim3A_1 masked %and3A_608 {add = true} : memref<32768xf32, #tpu.memory_space<vmem>>[vector<16xi32>], vector<16xf32>, vector<16xi1>
          %mul3A_609 = arith.constant 16 : i32
          %mul3A_610 = arith.muli %scan3A_332, %mul3A_609 : i32
          %mul3A_611 = arith.constant 16 : i32
          %mul3A_612 = arith.muli %mul3A_610, %mul3A_611 : i32
          %add3A_613 = arith.constant 144 : i32
          %add3A_614 = arith.addi %mul3A_612, %add3A_613 : i32
          %get3A_615 = arith.index_cast %add3A_614 : i32 to index
          %get3A_616 = tpu.vector_load %arg7[%get3A_615] {strides = array<i32>} : memref<8192xi32, #tpu.memory_space<vmem>>, vector<16xi32>,
          %and3A_617 = arith.constant 255 : i32
          %and3A_618 = vector.broadcast %and3A_617 : i32 to vector<16xi32>
          %and3A_619 = arith.andi %get3A_616, %and3A_618 : vector<16xi32>
          %shift_left3A_620 = arith.constant 7 : i32
          %shift_left3A_621 = vector.broadcast %shift_left3A_620 : i32 to vector<16xi32>
          %shift_left3A_622 = arith.shli %and3A_619, %shift_left3A_621 : vector<16xi32>
          %get3A_623 = arith.index_cast %add3A_614 : i32 to index
          %get3A_624 = tpu.vector_load %arg11[%get3A_623] {strides = array<i32>} : memref<8192xi32, #tpu.memory_space<vmem>>, vector<16xi32>,
          %or3A_625 = arith.ori %shift_left3A_622, %get3A_624 : vector<16xi32>
          %mul3A_626 = arith.constant 16 : i32
          %mul3A_627 = arith.muli %scan3A_332, %mul3A_626 : i32
          %mul3A_628 = arith.constant 16 : i32
          %mul3A_629 = arith.muli %mul3A_627, %mul3A_628 : i32
          %add3A_630 = arith.addi %multiple_of3A_257, %mul3A_629 : i32
          %add3A_631 = arith.constant 144 : i32
          %add3A_632 = arith.addi %add3A_630, %add3A_631 : i32
          %add3A_633 = vector.broadcast %add3A_632 : i32 to vector<16xi32>
          %add3A_634 = arith.addi %add3A_633, %iota3A : vector<16xi32>
          %ge3A_635 = vector.broadcast %max3A_261 : i32 to vector<16xi32>
          %ge3A_636 = arith.cmpi sge, %add3A_634, %ge3A_635 : vector<16xi32>
          %lt3A_637 = vector.broadcast %scan3A_51#2 : i32 to vector<16xi32>
          %lt3A_638 = arith.cmpi slt, %add3A_634, %lt3A_637 : vector<16xi32>
          %and3A_639 = arith.andi %ge3A_636, %lt3A_638 : vector<16xi1>
          tpu.vector_store_idx %arg13[%or3A_625], %broadcast_in_dim3A_1 masked %and3A_639 {add = true} : memref<32768xf32, #tpu.memory_space<vmem>>[vector<16xi32>], vector<16xf32>, vector<16xi1>
          %mul3A_640 = arith.constant 16 : i32
          %mul3A_641 = arith.muli %scan3A_332, %mul3A_640 : i32
          %mul3A_642 = arith.constant 16 : i32
          %mul3A_643 = arith.muli %mul3A_641, %mul3A_642 : i32
          %add3A_644 = arith.constant 160 : i32
          %add3A_645 = arith.addi %mul3A_643, %add3A_644 : i32
          %get3A_646 = arith.index_cast %add3A_645 : i32 to index
          %get3A_647 = tpu.vector_load %arg7[%get3A_646] {strides = array<i32>} : memref<8192xi32, #tpu.memory_space<vmem>>, vector<16xi32>,
          %and3A_648 = arith.constant 255 : i32
          %and3A_649 = vector.broadcast %and3A_648 : i32 to vector<16xi32>
          %and3A_650 = arith.andi %get3A_647, %and3A_649 : vector<16xi32>
          %shift_left3A_651 = arith.constant 7 : i32
          %shift_left3A_652 = vector.broadcast %shift_left3A_651 : i32 to vector<16xi32>
          %shift_left3A_653 = arith.shli %and3A_650, %shift_left3A_652 : vector<16xi32>
          %get3A_654 = arith.index_cast %add3A_645 : i32 to index
          %get3A_655 = tpu.vector_load %arg11[%get3A_654] {strides = array<i32>} : memref<8192xi32, #tpu.memory_space<vmem>>, vector<16xi32>,
          %or3A_656 = arith.ori %shift_left3A_653, %get3A_655 : vector<16xi32>
          %mul3A_657 = arith.constant 16 : i32
          %mul3A_658 = arith.muli %scan3A_332, %mul3A_657 : i32
          %mul3A_659 = arith.constant 16 : i32
          %mul3A_660 = arith.muli %mul3A_658, %mul3A_659 : i32
          %add3A_661 = arith.addi %multiple_of3A_257, %mul3A_660 : i32
          %add3A_662 = arith.constant 160 : i32
          %add3A_663 = arith.addi %add3A_661, %add3A_662 : i32
          %add3A_664 = vector.broadcast %add3A_663 : i32 to vector<16xi32>
          %add3A_665 = arith.addi %add3A_664, %iota3A : vector<16xi32>
          %ge3A_666 = vector.broadcast %max3A_261 : i32 to vector<16xi32>
          %ge3A_667 = arith.cmpi sge, %add3A_665, %ge3A_666 : vector<16xi32>
          %lt3A_668 = vector.broadcast %scan3A_51#2 : i32 to vector<16xi32>
          %lt3A_669 = arith.cmpi slt, %add3A_665, %lt3A_668 : vector<16xi32>
          %and3A_670 = arith.andi %ge3A_667, %lt3A_669 : vector<16xi1>
          tpu.vector_store_idx %arg13[%or3A_656], %broadcast_in_dim3A_1 masked %and3A_670 {add = true} : memref<32768xf32, #tpu.memory_space<vmem>>[vector<16xi32>], vector<16xf32>, vector<16xi1>
          %mul3A_671 = arith.constant 16 : i32
          %mul3A_672 = arith.muli %scan3A_332, %mul3A_671 : i32
          %mul3A_673 = arith.constant 16 : i32
          %mul3A_674 = arith.muli %mul3A_672, %mul3A_673 : i32
          %add3A_675 = arith.constant 176 : i32
          %add3A_676 = arith.addi %mul3A_674, %add3A_675 : i32
          %get3A_677 = arith.index_cast %add3A_676 : i32 to index
          %get3A_678 = tpu.vector_load %arg7[%get3A_677] {strides = array<i32>} : memref<8192xi32, #tpu.memory_space<vmem>>, vector<16xi32>,
          %and3A_679 = arith.constant 255 : i32
          %and3A_680 = vector.broadcast %and3A_679 : i32 to vector<16xi32>
          %and3A_681 = arith.andi %get3A_678, %and3A_680 : vector<16xi32>
          %shift_left3A_682 = arith.constant 7 : i32
          %shift_left3A_683 = vector.broadcast %shift_left3A_682 : i32 to vector<16xi32>
          %shift_left3A_684 = arith.shli %and3A_681, %shift_left3A_683 : vector<16xi32>
          %get3A_685 = arith.index_cast %add3A_676 : i32 to index
          %get3A_686 = tpu.vector_load %arg11[%get3A_685] {strides = array<i32>} : memref<8192xi32, #tpu.memory_space<vmem>>, vector<16xi32>,
          %or3A_687 = arith.ori %shift_left3A_684, %get3A_686 : vector<16xi32>
          %mul3A_688 = arith.constant 16 : i32
          %mul3A_689 = arith.muli %scan3A_332, %mul3A_688 : i32
          %mul3A_690 = arith.constant 16 : i32
          %mul3A_691 = arith.muli %mul3A_689, %mul3A_690 : i32
          %add3A_692 = arith.addi %multiple_of3A_257, %mul3A_691 : i32
          %add3A_693 = arith.constant 176 : i32
          %add3A_694 = arith.addi %add3A_692, %add3A_693 : i32
          %add3A_695 = vector.broadcast %add3A_694 : i32 to vector<16xi32>
          %add3A_696 = arith.addi %add3A_695, %iota3A : vector<16xi32>
          %ge3A_697 = vector.broadcast %max3A_261 : i32 to vector<16xi32>
          %ge3A_698 = arith.cmpi sge, %add3A_696, %ge3A_697 : vector<16xi32>
          %lt3A_699 = vector.broadcast %scan3A_51#2 : i32 to vector<16xi32>
          %lt3A_700 = arith.cmpi slt, %add3A_696, %lt3A_699 : vector<16xi32>
          %and3A_701 = arith.andi %ge3A_698, %lt3A_700 : vector<16xi1>
          tpu.vector_store_idx %arg13[%or3A_687], %broadcast_in_dim3A_1 masked %and3A_701 {add = true} : memref<32768xf32, #tpu.memory_space<vmem>>[vector<16xi32>], vector<16xf32>, vector<16xi1>
          %mul3A_702 = arith.constant 16 : i32
          %mul3A_703 = arith.muli %scan3A_332, %mul3A_702 : i32
          %mul3A_704 = arith.constant 16 : i32
          %mul3A_705 = arith.muli %mul3A_703, %mul3A_704 : i32
          %add3A_706 = arith.constant 192 : i32
          %add3A_707 = arith.addi %mul3A_705, %add3A_706 : i32
          %get3A_708 = arith.index_cast %add3A_707 : i32 to index
          %get3A_709 = tpu.vector_load %arg7[%get3A_708] {strides = array<i32>} : memref<8192xi32, #tpu.memory_space<vmem>>, vector<16xi32>,
          %and3A_710 = arith.constant 255 : i32
          %and3A_711 = vector.broadcast %and3A_710 : i32 to vector<16xi32>
          %and3A_712 = arith.andi %get3A_709, %and3A_711 : vector<16xi32>
          %shift_left3A_713 = arith.constant 7 : i32
          %shift_left3A_714 = vector.broadcast %shift_left3A_713 : i32 to vector<16xi32>
          %shift_left3A_715 = arith.shli %and3A_712, %shift_left3A_714 : vector<16xi32>
          %get3A_716 = arith.index_cast %add3A_707 : i32 to index
          %get3A_717 = tpu.vector_load %arg11[%get3A_716] {strides = array<i32>} : memref<8192xi32, #tpu.memory_space<vmem>>, vector<16xi32>,
          %or3A_718 = arith.ori %shift_left3A_715, %get3A_717 : vector<16xi32>
          %mul3A_719 = arith.constant 16 : i32
          %mul3A_720 = arith.muli %scan3A_332, %mul3A_719 : i32
          %mul3A_721 = arith.constant 16 : i32
          %mul3A_722 = arith.muli %mul3A_720, %mul3A_721 : i32
          %add3A_723 = arith.addi %multiple_of3A_257, %mul3A_722 : i32
          %add3A_724 = arith.constant 192 : i32
          %add3A_725 = arith.addi %add3A_723, %add3A_724 : i32
          %add3A_726 = vector.broadcast %add3A_725 : i32 to vector<16xi32>
          %add3A_727 = arith.addi %add3A_726, %iota3A : vector<16xi32>
          %ge3A_728 = vector.broadcast %max3A_261 : i32 to vector<16xi32>
          %ge3A_729 = arith.cmpi sge, %add3A_727, %ge3A_728 : vector<16xi32>
          %lt3A_730 = vector.broadcast %scan3A_51#2 : i32 to vector<16xi32>
          %lt3A_731 = arith.cmpi slt, %add3A_727, %lt3A_730 : vector<16xi32>
          %and3A_732 = arith.andi %ge3A_729, %lt3A_731 : vector<16xi1>
          tpu.vector_store_idx %arg13[%or3A_718], %broadcast_in_dim3A_1 masked %and3A_732 {add = true} : memref<32768xf32, #tpu.memory_space<vmem>>[vector<16xi32>], vector<16xf32>, vector<16xi1>
          %mul3A_733 = arith.constant 16 : i32
          %mul3A_734 = arith.muli %scan3A_332, %mul3A_733 : i32
          %mul3A_735 = arith.constant 16 : i32
          %mul3A_736 = arith.muli %mul3A_734, %mul3A_735 : i32
          %add3A_737 = arith.constant 208 : i32
          %add3A_738 = arith.addi %mul3A_736, %add3A_737 : i32
          %get3A_739 = arith.index_cast %add3A_738 : i32 to index
          %get3A_740 = tpu.vector_load %arg7[%get3A_739] {strides = array<i32>} : memref<8192xi32, #tpu.memory_space<vmem>>, vector<16xi32>,
          %and3A_741 = arith.constant 255 : i32
          %and3A_742 = vector.broadcast %and3A_741 : i32 to vector<16xi32>
          %and3A_743 = arith.andi %get3A_740, %and3A_742 : vector<16xi32>
          %shift_left3A_744 = arith.constant 7 : i32
          %shift_left3A_745 = vector.broadcast %shift_left3A_744 : i32 to vector<16xi32>
          %shift_left3A_746 = arith.shli %and3A_743, %shift_left3A_745 : vector<16xi32>
          %get3A_747 = arith.index_cast %add3A_738 : i32 to index
          %get3A_748 = tpu.vector_load %arg11[%get3A_747] {strides = array<i32>} : memref<8192xi32, #tpu.memory_space<vmem>>, vector<16xi32>,
          %or3A_749 = arith.ori %shift_left3A_746, %get3A_748 : vector<16xi32>
          %mul3A_750 = arith.constant 16 : i32
          %mul3A_751 = arith.muli %scan3A_332, %mul3A_750 : i32
          %mul3A_752 = arith.constant 16 : i32
          %mul3A_753 = arith.muli %mul3A_751, %mul3A_752 : i32
          %add3A_754 = arith.addi %multiple_of3A_257, %mul3A_753 : i32
          %add3A_755 = arith.constant 208 : i32
          %add3A_756 = arith.addi %add3A_754, %add3A_755 : i32
          %add3A_757 = vector.broadcast %add3A_756 : i32 to vector<16xi32>
          %add3A_758 = arith.addi %add3A_757, %iota3A : vector<16xi32>
          %ge3A_759 = vector.broadcast %max3A_261 : i32 to vector<16xi32>
          %ge3A_760 = arith.cmpi sge, %add3A_758, %ge3A_759 : vector<16xi32>
          %lt3A_761 = vector.broadcast %scan3A_51#2 : i32 to vector<16xi32>
          %lt3A_762 = arith.cmpi slt, %add3A_758, %lt3A_761 : vector<16xi32>
          %and3A_763 = arith.andi %ge3A_760, %lt3A_762 : vector<16xi1>
          tpu.vector_store_idx %arg13[%or3A_749], %broadcast_in_dim3A_1 masked %and3A_763 {add = true} : memref<32768xf32, #tpu.memory_space<vmem>>[vector<16xi32>], vector<16xf32>, vector<16xi1>
          %mul3A_764 = arith.constant 16 : i32
          %mul3A_765 = arith.muli %scan3A_332, %mul3A_764 : i32
          %mul3A_766 = arith.constant 16 : i32
          %mul3A_767 = arith.muli %mul3A_765, %mul3A_766 : i32
          %add3A_768 = arith.constant 224 : i32
          %add3A_769 = arith.addi %mul3A_767, %add3A_768 : i32
          %get3A_770 = arith.index_cast %add3A_769 : i32 to index
          %get3A_771 = tpu.vector_load %arg7[%get3A_770] {strides = array<i32>} : memref<8192xi32, #tpu.memory_space<vmem>>, vector<16xi32>,
          %and3A_772 = arith.constant 255 : i32
          %and3A_773 = vector.broadcast %and3A_772 : i32 to vector<16xi32>
          %and3A_774 = arith.andi %get3A_771, %and3A_773 : vector<16xi32>
          %shift_left3A_775 = arith.constant 7 : i32
          %shift_left3A_776 = vector.broadcast %shift_left3A_775 : i32 to vector<16xi32>
          %shift_left3A_777 = arith.shli %and3A_774, %shift_left3A_776 : vector<16xi32>
          %get3A_778 = arith.index_cast %add3A_769 : i32 to index
          %get3A_779 = tpu.vector_load %arg11[%get3A_778] {strides = array<i32>} : memref<8192xi32, #tpu.memory_space<vmem>>, vector<16xi32>,
          %or3A_780 = arith.ori %shift_left3A_777, %get3A_779 : vector<16xi32>
          %mul3A_781 = arith.constant 16 : i32
          %mul3A_782 = arith.muli %scan3A_332, %mul3A_781 : i32
          %mul3A_783 = arith.constant 16 : i32
          %mul3A_784 = arith.muli %mul3A_782, %mul3A_783 : i32
          %add3A_785 = arith.addi %multiple_of3A_257, %mul3A_784 : i32
          %add3A_786 = arith.constant 224 : i32
          %add3A_787 = arith.addi %add3A_785, %add3A_786 : i32
          %add3A_788 = vector.broadcast %add3A_787 : i32 to vector<16xi32>
          %add3A_789 = arith.addi %add3A_788, %iota3A : vector<16xi32>
          %ge3A_790 = vector.broadcast %max3A_261 : i32 to vector<16xi32>
          %ge3A_791 = arith.cmpi sge, %add3A_789, %ge3A_790 : vector<16xi32>
          %lt3A_792 = vector.broadcast %scan3A_51#2 : i32 to vector<16xi32>
          %lt3A_793 = arith.cmpi slt, %add3A_789, %lt3A_792 : vector<16xi32>
          %and3A_794 = arith.andi %ge3A_791, %lt3A_793 : vector<16xi1>
          tpu.vector_store_idx %arg13[%or3A_780], %broadcast_in_dim3A_1 masked %and3A_794 {add = true} : memref<32768xf32, #tpu.memory_space<vmem>>[vector<16xi32>], vector<16xf32>, vector<16xi1>
          %mul3A_795 = arith.constant 16 : i32
          %mul3A_796 = arith.muli %scan3A_332, %mul3A_795 : i32
          %mul3A_797 = arith.constant 16 : i32
          %mul3A_798 = arith.muli %mul3A_796, %mul3A_797 : i32
          %add3A_799 = arith.constant 240 : i32
          %add3A_800 = arith.addi %mul3A_798, %add3A_799 : i32
          %get3A_801 = arith.index_cast %add3A_800 : i32 to index
          %get3A_802 = tpu.vector_load %arg7[%get3A_801] {strides = array<i32>} : memref<8192xi32, #tpu.memory_space<vmem>>, vector<16xi32>,
          %and3A_803 = arith.constant 255 : i32
          %and3A_804 = vector.broadcast %and3A_803 : i32 to vector<16xi32>
          %and3A_805 = arith.andi %get3A_802, %and3A_804 : vector<16xi32>
          %shift_left3A_806 = arith.constant 7 : i32
          %shift_left3A_807 = vector.broadcast %shift_left3A_806 : i32 to vector<16xi32>
          %shift_left3A_808 = arith.shli %and3A_805, %shift_left3A_807 : vector<16xi32>
          %get3A_809 = arith.index_cast %add3A_800 : i32 to index
          %get3A_810 = tpu.vector_load %arg11[%get3A_809] {strides = array<i32>} : memref<8192xi32, #tpu.memory_space<vmem>>, vector<16xi32>,
          %or3A_811 = arith.ori %shift_left3A_808, %get3A_810 : vector<16xi32>
          %mul3A_812 = arith.constant 16 : i32
          %mul3A_813 = arith.muli %scan3A_332, %mul3A_812 : i32
          %mul3A_814 = arith.constant 16 : i32
          %mul3A_815 = arith.muli %mul3A_813, %mul3A_814 : i32
          %add3A_816 = arith.addi %multiple_of3A_257, %mul3A_815 : i32
          %add3A_817 = arith.constant 240 : i32
          %add3A_818 = arith.addi %add3A_816, %add3A_817 : i32
          %add3A_819 = vector.broadcast %add3A_818 : i32 to vector<16xi32>
          %add3A_820 = arith.addi %add3A_819, %iota3A : vector<16xi32>
          %ge3A_821 = vector.broadcast %max3A_261 : i32 to vector<16xi32>
          %ge3A_822 = arith.cmpi sge, %add3A_820, %ge3A_821 : vector<16xi32>
          %lt3A_823 = vector.broadcast %scan3A_51#2 : i32 to vector<16xi32>
          %lt3A_824 = arith.cmpi slt, %add3A_820, %lt3A_823 : vector<16xi32>
          %and3A_825 = arith.andi %ge3A_822, %lt3A_824 : vector<16xi1>
          tpu.vector_store_idx %arg13[%or3A_811], %broadcast_in_dim3A_1 masked %and3A_825 {add = true} : memref<32768xf32, #tpu.memory_space<vmem>>[vector<16xi32>], vector<16xf32>, vector<16xi1>
        }
        %scan3A_331 = arith.constant 32 : i32
      } else {
        %parallel_loop3A = arith.constant 0 : i32
        %parallel_loop3A_326 = arith.constant 512 : i32
        %parallel_loop3A_327 = arith.constant 1 : i32
        scf.for %parallel_loop3A_328 = %parallel_loop3A to %parallel_loop3A_326 step %parallel_loop3A_327  : i32 {
          %parallel_loop3A_329 = arith.constant 16 : i32
          %parallel_loop3A_330 = arith.muli %parallel_loop3A_328, %parallel_loop3A_329 : i32
          %parallel_loop3A_331 = arith.index_cast %parallel_loop3A_330 : i32 to index
          %parallel_loop3A_332 = tpu.vector_load %arg7[%parallel_loop3A_331] {strides = array<i32>} : memref<8192xi32, #tpu.memory_space<vmem>>, vector<16xi32>,
          %parallel_loop3A_333 = arith.constant 255 : i32
          %parallel_loop3A_334 = vector.broadcast %parallel_loop3A_333 : i32 to vector<16xi32>
          %parallel_loop3A_335 = arith.andi %parallel_loop3A_332, %parallel_loop3A_334 : vector<16xi32>
          %parallel_loop3A_336 = arith.constant 7 : i32
          %parallel_loop3A_337 = vector.broadcast %parallel_loop3A_336 : i32 to vector<16xi32>
          %parallel_loop3A_338 = arith.shli %parallel_loop3A_335, %parallel_loop3A_337 : vector<16xi32>
          %parallel_loop3A_339 = arith.index_cast %parallel_loop3A_330 : i32 to index
          %parallel_loop3A_340 = tpu.vector_load %arg11[%parallel_loop3A_339] {strides = array<i32>} : memref<8192xi32, #tpu.memory_space<vmem>>, vector<16xi32>,
          %parallel_loop3A_341 = arith.ori %parallel_loop3A_338, %parallel_loop3A_340 : vector<16xi32>
          tpu.vector_store_idx %arg13[%parallel_loop3A_341], %broadcast_in_dim3A_1 {add = true} : memref<32768xf32, #tpu.memory_space<vmem>>[vector<16xi32>], vector<16xf32>,
        } {sc.loop_unroll_factor = 16 : i64, sc.parallel_access}
      }
      %add3A_271 = arith.constant 4 : i32
      %add3A_272 = arith.addi %add3A_243, %add3A_271 : i32
      %mul3A_273 = arith.constant 8192 : i32
      %mul3A_274 = arith.muli %add3A_272, %mul3A_273 : i32
      %add3A_275 = arith.addi %and3A_54, %mul3A_274 : i32
      %min3A_276 = arith.constant 3991808 : i32
      %min3A_277 = arith.minsi %add3A_275, %min3A_276 : i32
      %multiple_of3A_278 = tpu.assume_multiple %min3A_277, 8 : i32
      %dma_start3A_279 = tpu.memref_slice %arg3[%multiple_of3A_278] : memref<4000000xi32, #tpu.memory_space<hbm>> -> memref<8192xi32, #tpu.memory_space<hbm>>
      %dma_start3A_280 = tpu.memref_slice %arg3[%multiple_of3A_278] : memref<4000000xi32, #tpu.memory_space<hbm>> -> memref<8192xi32, #tpu.memory_space<hbm>>
      tpu.enqueue_dma source(%dma_start3A_280 : memref<8192xi32, #tpu.memory_space<hbm>>) target(%arg7 : memref<8192xi32, #tpu.memory_space<vmem>>) target_semaphore(%arg18 : memref<!tpu.dma_semaphore, #tpu.memory_space<semaphore_mem>>)
      %dma_start3A_281 = tpu.memref_slice %arg2[%multiple_of3A_278] : memref<4000000xi32, #tpu.memory_space<hbm>> -> memref<8192xi32, #tpu.memory_space<hbm>>
      %dma_start3A_282 = tpu.memref_slice %arg2[%multiple_of3A_278] : memref<4000000xi32, #tpu.memory_space<hbm>> -> memref<8192xi32, #tpu.memory_space<hbm>>
      tpu.enqueue_dma source(%dma_start3A_282 : memref<8192xi32, #tpu.memory_space<hbm>>) target(%arg11 : memref<8192xi32, #tpu.memory_space<vmem>>) target_semaphore(%arg18 : memref<!tpu.dma_semaphore, #tpu.memory_space<semaphore_mem>>)
      %mul3A_283 = arith.constant 4 : i32
      %mul3A_284 = arith.muli %mul3A_283, %while3A_157 : i32
      %add3A_285 = arith.constant 3 : i32
      %add3A_286 = arith.addi %mul3A_284, %add3A_285 : i32
      %dma_wait3A_287 = arith.constant 0 : i32
      %dma_wait3A_288 = tpu.memref_slice %arg3[%dma_wait3A_287] : memref<4000000xi32, #tpu.memory_space<hbm>> -> memref<8192xi32, #tpu.memory_space<hbm>>
      %dma_wait3A_289 = arith.constant 0 : i32
      %dma_wait3A_290 = tpu.memref_slice %arg3[%dma_wait3A_289] : memref<4000000xi32, #tpu.memory_space<hbm>> -> memref<8192xi32, #tpu.memory_space<hbm>>
      tpu.wait_dma2 semaphore(%arg19 : memref<!tpu.dma_semaphore, #tpu.memory_space<semaphore_mem>>) src(%dma_wait3A_290 : memref<8192xi32, #tpu.memory_space<hbm>>) dst(%arg8 : memref<8192xi32, #tpu.memory_space<vmem>>)
      %dma_wait3A_291 = arith.constant 0 : i32
      %dma_wait3A_292 = tpu.memref_slice %arg2[%dma_wait3A_291] : memref<4000000xi32, #tpu.memory_space<hbm>> -> memref<8192xi32, #tpu.memory_space<hbm>>
      %dma_wait3A_293 = arith.constant 0 : i32
      %dma_wait3A_294 = tpu.memref_slice %arg2[%dma_wait3A_293] : memref<4000000xi32, #tpu.memory_space<hbm>> -> memref<8192xi32, #tpu.memory_space<hbm>>
      tpu.wait_dma2 semaphore(%arg19 : memref<!tpu.dma_semaphore, #tpu.memory_space<semaphore_mem>>) src(%dma_wait3A_294 : memref<8192xi32, #tpu.memory_space<hbm>>) dst(%arg12 : memref<8192xi32, #tpu.memory_space<vmem>>)
      %mul3A_295 = arith.constant 8192 : i32
      %mul3A_296 = arith.muli %add3A_286, %mul3A_295 : i32
      %add3A_297 = arith.addi %and3A_54, %mul3A_296 : i32
      %min3A_298 = arith.constant 3991808 : i32
      %min3A_299 = arith.minsi %add3A_297, %min3A_298 : i32
      %multiple_of3A_300 = tpu.assume_multiple %min3A_299, 8 : i32
      %mul3A_301 = arith.constant 8192 : i32
      %mul3A_302 = arith.muli %add3A_286, %mul3A_301 : i32
      %add3A_303 = arith.addi %and3A_54, %mul3A_302 : i32
      %max3A_304 = arith.maxsi %scan3A_51#0, %add3A_303 : i32
      %eq3A_305 = arith.constant 0 : i32
      %eq3A_306 = arith.cmpi eq, %add3A_286, %eq3A_305 : i32
      %sub3A_307 = arith.constant 1 : i32
      %sub3A_308 = arith.subi %select_n3A, %sub3A_307 : i32
      %ge3A_309 = arith.cmpi sge, %add3A_286, %sub3A_308 : i32
      %or3A_310 = arith.ori %eq3A_306, %ge3A_309 : i1
      %convert_element_type3A_311 = arith.extui %or3A_310 : i1 to i32
      %cond3A_312 = arith.constant 0 : i32
      %cond3A_313 = arith.cmpi ne, %convert_element_type3A_311, %cond3A_312 : i32
      scf.if %cond3A_313 {
        %scan3A_326 = arith.constant 0 : i32
        %scan3A_327 = arith.constant 0 : i32
        %scan3A_328 = arith.constant 32 : i32
        %scan3A_329 = arith.addi %scan3A_327, %scan3A_328 : i32
        %scan3A_330 = arith.constant 1 : i32
        scf.for %scan3A_332 = %scan3A_327 to %scan3A_329 step %scan3A_330  : i32 {
          %mul3A_333 = arith.constant 16 : i32
          %mul3A_334 = arith.muli %scan3A_332, %mul3A_333 : i32
          %mul3A_335 = arith.constant 16 : i32
          %mul3A_336 = arith.muli %mul3A_334, %mul3A_335 : i32
          %add3A_337 = arith.constant 0 : i32
          %add3A_338 = arith.addi %mul3A_336, %add3A_337 : i32
          %get3A = arith.index_cast %add3A_338 : i32 to index
          %get3A_339 = tpu.vector_load %arg8[%get3A] {strides = array<i32>} : memref<8192xi32, #tpu.memory_space<vmem>>, vector<16xi32>,
          %and3A_340 = arith.constant 255 : i32
          %and3A_341 = vector.broadcast %and3A_340 : i32 to vector<16xi32>
          %and3A_342 = arith.andi %get3A_339, %and3A_341 : vector<16xi32>
          %shift_left3A = arith.constant 7 : i32
          %shift_left3A_343 = vector.broadcast %shift_left3A : i32 to vector<16xi32>
          %shift_left3A_344 = arith.shli %and3A_342, %shift_left3A_343 : vector<16xi32>
          %get3A_345 = arith.index_cast %add3A_338 : i32 to index
          %get3A_346 = tpu.vector_load %arg12[%get3A_345] {strides = array<i32>} : memref<8192xi32, #tpu.memory_space<vmem>>, vector<16xi32>,
          %or3A_347 = arith.ori %shift_left3A_344, %get3A_346 : vector<16xi32>
          %mul3A_348 = arith.constant 16 : i32
          %mul3A_349 = arith.muli %scan3A_332, %mul3A_348 : i32
          %mul3A_350 = arith.constant 16 : i32
          %mul3A_351 = arith.muli %mul3A_349, %mul3A_350 : i32
          %add3A_352 = arith.addi %multiple_of3A_300, %mul3A_351 : i32
          %add3A_353 = arith.constant 0 : i32
          %add3A_354 = arith.addi %add3A_352, %add3A_353 : i32
          %add3A_355 = vector.broadcast %add3A_354 : i32 to vector<16xi32>
          %add3A_356 = arith.addi %add3A_355, %iota3A : vector<16xi32>
          %ge3A_357 = vector.broadcast %max3A_304 : i32 to vector<16xi32>
          %ge3A_358 = arith.cmpi sge, %add3A_356, %ge3A_357 : vector<16xi32>
          %lt3A = vector.broadcast %scan3A_51#2 : i32 to vector<16xi32>
          %lt3A_359 = arith.cmpi slt, %add3A_356, %lt3A : vector<16xi32>
          %and3A_360 = arith.andi %ge3A_358, %lt3A_359 : vector<16xi1>
          tpu.vector_store_idx %arg13[%or3A_347], %broadcast_in_dim3A_1 masked %and3A_360 {add = true} : memref<32768xf32, #tpu.memory_space<vmem>>[vector<16xi32>], vector<16xf32>, vector<16xi1>
          %mul3A_361 = arith.constant 16 : i32
          %mul3A_362 = arith.muli %scan3A_332, %mul3A_361 : i32
          %mul3A_363 = arith.constant 16 : i32
          %mul3A_364 = arith.muli %mul3A_362, %mul3A_363 : i32
          %add3A_365 = arith.constant 16 : i32
          %add3A_366 = arith.addi %mul3A_364, %add3A_365 : i32
          %get3A_367 = arith.index_cast %add3A_366 : i32 to index
          %get3A_368 = tpu.vector_load %arg8[%get3A_367] {strides = array<i32>} : memref<8192xi32, #tpu.memory_space<vmem>>, vector<16xi32>,
          %and3A_369 = arith.constant 255 : i32
          %and3A_370 = vector.broadcast %and3A_369 : i32 to vector<16xi32>
          %and3A_371 = arith.andi %get3A_368, %and3A_370 : vector<16xi32>
          %shift_left3A_372 = arith.constant 7 : i32
          %shift_left3A_373 = vector.broadcast %shift_left3A_372 : i32 to vector<16xi32>
          %shift_left3A_374 = arith.shli %and3A_371, %shift_left3A_373 : vector<16xi32>
          %get3A_375 = arith.index_cast %add3A_366 : i32 to index
          %get3A_376 = tpu.vector_load %arg12[%get3A_375] {strides = array<i32>} : memref<8192xi32, #tpu.memory_space<vmem>>, vector<16xi32>,
          %or3A_377 = arith.ori %shift_left3A_374, %get3A_376 : vector<16xi32>
          %mul3A_378 = arith.constant 16 : i32
          %mul3A_379 = arith.muli %scan3A_332, %mul3A_378 : i32
          %mul3A_380 = arith.constant 16 : i32
          %mul3A_381 = arith.muli %mul3A_379, %mul3A_380 : i32
          %add3A_382 = arith.addi %multiple_of3A_300, %mul3A_381 : i32
          %add3A_383 = arith.constant 16 : i32
          %add3A_384 = arith.addi %add3A_382, %add3A_383 : i32
          %add3A_385 = vector.broadcast %add3A_384 : i32 to vector<16xi32>
          %add3A_386 = arith.addi %add3A_385, %iota3A : vector<16xi32>
          %ge3A_387 = vector.broadcast %max3A_304 : i32 to vector<16xi32>
          %ge3A_388 = arith.cmpi sge, %add3A_386, %ge3A_387 : vector<16xi32>
          %lt3A_389 = vector.broadcast %scan3A_51#2 : i32 to vector<16xi32>
          %lt3A_390 = arith.cmpi slt, %add3A_386, %lt3A_389 : vector<16xi32>
          %and3A_391 = arith.andi %ge3A_388, %lt3A_390 : vector<16xi1>
          tpu.vector_store_idx %arg13[%or3A_377], %broadcast_in_dim3A_1 masked %and3A_391 {add = true} : memref<32768xf32, #tpu.memory_space<vmem>>[vector<16xi32>], vector<16xf32>, vector<16xi1>
          %mul3A_392 = arith.constant 16 : i32
          %mul3A_393 = arith.muli %scan3A_332, %mul3A_392 : i32
          %mul3A_394 = arith.constant 16 : i32
          %mul3A_395 = arith.muli %mul3A_393, %mul3A_394 : i32
          %add3A_396 = arith.constant 32 : i32
          %add3A_397 = arith.addi %mul3A_395, %add3A_396 : i32
          %get3A_398 = arith.index_cast %add3A_397 : i32 to index
          %get3A_399 = tpu.vector_load %arg8[%get3A_398] {strides = array<i32>} : memref<8192xi32, #tpu.memory_space<vmem>>, vector<16xi32>,
          %and3A_400 = arith.constant 255 : i32
          %and3A_401 = vector.broadcast %and3A_400 : i32 to vector<16xi32>
          %and3A_402 = arith.andi %get3A_399, %and3A_401 : vector<16xi32>
          %shift_left3A_403 = arith.constant 7 : i32
          %shift_left3A_404 = vector.broadcast %shift_left3A_403 : i32 to vector<16xi32>
          %shift_left3A_405 = arith.shli %and3A_402, %shift_left3A_404 : vector<16xi32>
          %get3A_406 = arith.index_cast %add3A_397 : i32 to index
          %get3A_407 = tpu.vector_load %arg12[%get3A_406] {strides = array<i32>} : memref<8192xi32, #tpu.memory_space<vmem>>, vector<16xi32>,
          %or3A_408 = arith.ori %shift_left3A_405, %get3A_407 : vector<16xi32>
          %mul3A_409 = arith.constant 16 : i32
          %mul3A_410 = arith.muli %scan3A_332, %mul3A_409 : i32
          %mul3A_411 = arith.constant 16 : i32
          %mul3A_412 = arith.muli %mul3A_410, %mul3A_411 : i32
          %add3A_413 = arith.addi %multiple_of3A_300, %mul3A_412 : i32
          %add3A_414 = arith.constant 32 : i32
          %add3A_415 = arith.addi %add3A_413, %add3A_414 : i32
          %add3A_416 = vector.broadcast %add3A_415 : i32 to vector<16xi32>
          %add3A_417 = arith.addi %add3A_416, %iota3A : vector<16xi32>
          %ge3A_418 = vector.broadcast %max3A_304 : i32 to vector<16xi32>
          %ge3A_419 = arith.cmpi sge, %add3A_417, %ge3A_418 : vector<16xi32>
          %lt3A_420 = vector.broadcast %scan3A_51#2 : i32 to vector<16xi32>
          %lt3A_421 = arith.cmpi slt, %add3A_417, %lt3A_420 : vector<16xi32>
          %and3A_422 = arith.andi %ge3A_419, %lt3A_421 : vector<16xi1>
          tpu.vector_store_idx %arg13[%or3A_408], %broadcast_in_dim3A_1 masked %and3A_422 {add = true} : memref<32768xf32, #tpu.memory_space<vmem>>[vector<16xi32>], vector<16xf32>, vector<16xi1>
          %mul3A_423 = arith.constant 16 : i32
          %mul3A_424 = arith.muli %scan3A_332, %mul3A_423 : i32
          %mul3A_425 = arith.constant 16 : i32
          %mul3A_426 = arith.muli %mul3A_424, %mul3A_425 : i32
          %add3A_427 = arith.constant 48 : i32
          %add3A_428 = arith.addi %mul3A_426, %add3A_427 : i32
          %get3A_429 = arith.index_cast %add3A_428 : i32 to index
          %get3A_430 = tpu.vector_load %arg8[%get3A_429] {strides = array<i32>} : memref<8192xi32, #tpu.memory_space<vmem>>, vector<16xi32>,
          %and3A_431 = arith.constant 255 : i32
          %and3A_432 = vector.broadcast %and3A_431 : i32 to vector<16xi32>
          %and3A_433 = arith.andi %get3A_430, %and3A_432 : vector<16xi32>
          %shift_left3A_434 = arith.constant 7 : i32
          %shift_left3A_435 = vector.broadcast %shift_left3A_434 : i32 to vector<16xi32>
          %shift_left3A_436 = arith.shli %and3A_433, %shift_left3A_435 : vector<16xi32>
          %get3A_437 = arith.index_cast %add3A_428 : i32 to index
          %get3A_438 = tpu.vector_load %arg12[%get3A_437] {strides = array<i32>} : memref<8192xi32, #tpu.memory_space<vmem>>, vector<16xi32>,
          %or3A_439 = arith.ori %shift_left3A_436, %get3A_438 : vector<16xi32>
          %mul3A_440 = arith.constant 16 : i32
          %mul3A_441 = arith.muli %scan3A_332, %mul3A_440 : i32
          %mul3A_442 = arith.constant 16 : i32
          %mul3A_443 = arith.muli %mul3A_441, %mul3A_442 : i32
          %add3A_444 = arith.addi %multiple_of3A_300, %mul3A_443 : i32
          %add3A_445 = arith.constant 48 : i32
          %add3A_446 = arith.addi %add3A_444, %add3A_445 : i32
          %add3A_447 = vector.broadcast %add3A_446 : i32 to vector<16xi32>
          %add3A_448 = arith.addi %add3A_447, %iota3A : vector<16xi32>
          %ge3A_449 = vector.broadcast %max3A_304 : i32 to vector<16xi32>
          %ge3A_450 = arith.cmpi sge, %add3A_448, %ge3A_449 : vector<16xi32>
          %lt3A_451 = vector.broadcast %scan3A_51#2 : i32 to vector<16xi32>
          %lt3A_452 = arith.cmpi slt, %add3A_448, %lt3A_451 : vector<16xi32>
          %and3A_453 = arith.andi %ge3A_450, %lt3A_452 : vector<16xi1>
          tpu.vector_store_idx %arg13[%or3A_439], %broadcast_in_dim3A_1 masked %and3A_453 {add = true} : memref<32768xf32, #tpu.memory_space<vmem>>[vector<16xi32>], vector<16xf32>, vector<16xi1>
          %mul3A_454 = arith.constant 16 : i32
          %mul3A_455 = arith.muli %scan3A_332, %mul3A_454 : i32
          %mul3A_456 = arith.constant 16 : i32
          %mul3A_457 = arith.muli %mul3A_455, %mul3A_456 : i32
          %add3A_458 = arith.constant 64 : i32
          %add3A_459 = arith.addi %mul3A_457, %add3A_458 : i32
          %get3A_460 = arith.index_cast %add3A_459 : i32 to index
          %get3A_461 = tpu.vector_load %arg8[%get3A_460] {strides = array<i32>} : memref<8192xi32, #tpu.memory_space<vmem>>, vector<16xi32>,
          %and3A_462 = arith.constant 255 : i32
          %and3A_463 = vector.broadcast %and3A_462 : i32 to vector<16xi32>
          %and3A_464 = arith.andi %get3A_461, %and3A_463 : vector<16xi32>
          %shift_left3A_465 = arith.constant 7 : i32
          %shift_left3A_466 = vector.broadcast %shift_left3A_465 : i32 to vector<16xi32>
          %shift_left3A_467 = arith.shli %and3A_464, %shift_left3A_466 : vector<16xi32>
          %get3A_468 = arith.index_cast %add3A_459 : i32 to index
          %get3A_469 = tpu.vector_load %arg12[%get3A_468] {strides = array<i32>} : memref<8192xi32, #tpu.memory_space<vmem>>, vector<16xi32>,
          %or3A_470 = arith.ori %shift_left3A_467, %get3A_469 : vector<16xi32>
          %mul3A_471 = arith.constant 16 : i32
          %mul3A_472 = arith.muli %scan3A_332, %mul3A_471 : i32
          %mul3A_473 = arith.constant 16 : i32
          %mul3A_474 = arith.muli %mul3A_472, %mul3A_473 : i32
          %add3A_475 = arith.addi %multiple_of3A_300, %mul3A_474 : i32
          %add3A_476 = arith.constant 64 : i32
          %add3A_477 = arith.addi %add3A_475, %add3A_476 : i32
          %add3A_478 = vector.broadcast %add3A_477 : i32 to vector<16xi32>
          %add3A_479 = arith.addi %add3A_478, %iota3A : vector<16xi32>
          %ge3A_480 = vector.broadcast %max3A_304 : i32 to vector<16xi32>
          %ge3A_481 = arith.cmpi sge, %add3A_479, %ge3A_480 : vector<16xi32>
          %lt3A_482 = vector.broadcast %scan3A_51#2 : i32 to vector<16xi32>
          %lt3A_483 = arith.cmpi slt, %add3A_479, %lt3A_482 : vector<16xi32>
          %and3A_484 = arith.andi %ge3A_481, %lt3A_483 : vector<16xi1>
          tpu.vector_store_idx %arg13[%or3A_470], %broadcast_in_dim3A_1 masked %and3A_484 {add = true} : memref<32768xf32, #tpu.memory_space<vmem>>[vector<16xi32>], vector<16xf32>, vector<16xi1>
          %mul3A_485 = arith.constant 16 : i32
          %mul3A_486 = arith.muli %scan3A_332, %mul3A_485 : i32
          %mul3A_487 = arith.constant 16 : i32
          %mul3A_488 = arith.muli %mul3A_486, %mul3A_487 : i32
          %add3A_489 = arith.constant 80 : i32
          %add3A_490 = arith.addi %mul3A_488, %add3A_489 : i32
          %get3A_491 = arith.index_cast %add3A_490 : i32 to index
          %get3A_492 = tpu.vector_load %arg8[%get3A_491] {strides = array<i32>} : memref<8192xi32, #tpu.memory_space<vmem>>, vector<16xi32>,
          %and3A_493 = arith.constant 255 : i32
          %and3A_494 = vector.broadcast %and3A_493 : i32 to vector<16xi32>
          %and3A_495 = arith.andi %get3A_492, %and3A_494 : vector<16xi32>
          %shift_left3A_496 = arith.constant 7 : i32
          %shift_left3A_497 = vector.broadcast %shift_left3A_496 : i32 to vector<16xi32>
          %shift_left3A_498 = arith.shli %and3A_495, %shift_left3A_497 : vector<16xi32>
          %get3A_499 = arith.index_cast %add3A_490 : i32 to index
          %get3A_500 = tpu.vector_load %arg12[%get3A_499] {strides = array<i32>} : memref<8192xi32, #tpu.memory_space<vmem>>, vector<16xi32>,
          %or3A_501 = arith.ori %shift_left3A_498, %get3A_500 : vector<16xi32>
          %mul3A_502 = arith.constant 16 : i32
          %mul3A_503 = arith.muli %scan3A_332, %mul3A_502 : i32
          %mul3A_504 = arith.constant 16 : i32
          %mul3A_505 = arith.muli %mul3A_503, %mul3A_504 : i32
          %add3A_506 = arith.addi %multiple_of3A_300, %mul3A_505 : i32
          %add3A_507 = arith.constant 80 : i32
          %add3A_508 = arith.addi %add3A_506, %add3A_507 : i32
          %add3A_509 = vector.broadcast %add3A_508 : i32 to vector<16xi32>
          %add3A_510 = arith.addi %add3A_509, %iota3A : vector<16xi32>
          %ge3A_511 = vector.broadcast %max3A_304 : i32 to vector<16xi32>
          %ge3A_512 = arith.cmpi sge, %add3A_510, %ge3A_511 : vector<16xi32>
          %lt3A_513 = vector.broadcast %scan3A_51#2 : i32 to vector<16xi32>
          %lt3A_514 = arith.cmpi slt, %add3A_510, %lt3A_513 : vector<16xi32>
          %and3A_515 = arith.andi %ge3A_512, %lt3A_514 : vector<16xi1>
          tpu.vector_store_idx %arg13[%or3A_501], %broadcast_in_dim3A_1 masked %and3A_515 {add = true} : memref<32768xf32, #tpu.memory_space<vmem>>[vector<16xi32>], vector<16xf32>, vector<16xi1>
          %mul3A_516 = arith.constant 16 : i32
          %mul3A_517 = arith.muli %scan3A_332, %mul3A_516 : i32
          %mul3A_518 = arith.constant 16 : i32
          %mul3A_519 = arith.muli %mul3A_517, %mul3A_518 : i32
          %add3A_520 = arith.constant 96 : i32
          %add3A_521 = arith.addi %mul3A_519, %add3A_520 : i32
          %get3A_522 = arith.index_cast %add3A_521 : i32 to index
          %get3A_523 = tpu.vector_load %arg8[%get3A_522] {strides = array<i32>} : memref<8192xi32, #tpu.memory_space<vmem>>, vector<16xi32>,
          %and3A_524 = arith.constant 255 : i32
          %and3A_525 = vector.broadcast %and3A_524 : i32 to vector<16xi32>
          %and3A_526 = arith.andi %get3A_523, %and3A_525 : vector<16xi32>
          %shift_left3A_527 = arith.constant 7 : i32
          %shift_left3A_528 = vector.broadcast %shift_left3A_527 : i32 to vector<16xi32>
          %shift_left3A_529 = arith.shli %and3A_526, %shift_left3A_528 : vector<16xi32>
          %get3A_530 = arith.index_cast %add3A_521 : i32 to index
          %get3A_531 = tpu.vector_load %arg12[%get3A_530] {strides = array<i32>} : memref<8192xi32, #tpu.memory_space<vmem>>, vector<16xi32>,
          %or3A_532 = arith.ori %shift_left3A_529, %get3A_531 : vector<16xi32>
          %mul3A_533 = arith.constant 16 : i32
          %mul3A_534 = arith.muli %scan3A_332, %mul3A_533 : i32
          %mul3A_535 = arith.constant 16 : i32
          %mul3A_536 = arith.muli %mul3A_534, %mul3A_535 : i32
          %add3A_537 = arith.addi %multiple_of3A_300, %mul3A_536 : i32
          %add3A_538 = arith.constant 96 : i32
          %add3A_539 = arith.addi %add3A_537, %add3A_538 : i32
          %add3A_540 = vector.broadcast %add3A_539 : i32 to vector<16xi32>
          %add3A_541 = arith.addi %add3A_540, %iota3A : vector<16xi32>
          %ge3A_542 = vector.broadcast %max3A_304 : i32 to vector<16xi32>
          %ge3A_543 = arith.cmpi sge, %add3A_541, %ge3A_542 : vector<16xi32>
          %lt3A_544 = vector.broadcast %scan3A_51#2 : i32 to vector<16xi32>
          %lt3A_545 = arith.cmpi slt, %add3A_541, %lt3A_544 : vector<16xi32>
          %and3A_546 = arith.andi %ge3A_543, %lt3A_545 : vector<16xi1>
          tpu.vector_store_idx %arg13[%or3A_532], %broadcast_in_dim3A_1 masked %and3A_546 {add = true} : memref<32768xf32, #tpu.memory_space<vmem>>[vector<16xi32>], vector<16xf32>, vector<16xi1>
          %mul3A_547 = arith.constant 16 : i32
          %mul3A_548 = arith.muli %scan3A_332, %mul3A_547 : i32
          %mul3A_549 = arith.constant 16 : i32
          %mul3A_550 = arith.muli %mul3A_548, %mul3A_549 : i32
          %add3A_551 = arith.constant 112 : i32
          %add3A_552 = arith.addi %mul3A_550, %add3A_551 : i32
          %get3A_553 = arith.index_cast %add3A_552 : i32 to index
          %get3A_554 = tpu.vector_load %arg8[%get3A_553] {strides = array<i32>} : memref<8192xi32, #tpu.memory_space<vmem>>, vector<16xi32>,
          %and3A_555 = arith.constant 255 : i32
          %and3A_556 = vector.broadcast %and3A_555 : i32 to vector<16xi32>
          %and3A_557 = arith.andi %get3A_554, %and3A_556 : vector<16xi32>
          %shift_left3A_558 = arith.constant 7 : i32
          %shift_left3A_559 = vector.broadcast %shift_left3A_558 : i32 to vector<16xi32>
          %shift_left3A_560 = arith.shli %and3A_557, %shift_left3A_559 : vector<16xi32>
          %get3A_561 = arith.index_cast %add3A_552 : i32 to index
          %get3A_562 = tpu.vector_load %arg12[%get3A_561] {strides = array<i32>} : memref<8192xi32, #tpu.memory_space<vmem>>, vector<16xi32>,
          %or3A_563 = arith.ori %shift_left3A_560, %get3A_562 : vector<16xi32>
          %mul3A_564 = arith.constant 16 : i32
          %mul3A_565 = arith.muli %scan3A_332, %mul3A_564 : i32
          %mul3A_566 = arith.constant 16 : i32
          %mul3A_567 = arith.muli %mul3A_565, %mul3A_566 : i32
          %add3A_568 = arith.addi %multiple_of3A_300, %mul3A_567 : i32
          %add3A_569 = arith.constant 112 : i32
          %add3A_570 = arith.addi %add3A_568, %add3A_569 : i32
          %add3A_571 = vector.broadcast %add3A_570 : i32 to vector<16xi32>
          %add3A_572 = arith.addi %add3A_571, %iota3A : vector<16xi32>
          %ge3A_573 = vector.broadcast %max3A_304 : i32 to vector<16xi32>
          %ge3A_574 = arith.cmpi sge, %add3A_572, %ge3A_573 : vector<16xi32>
          %lt3A_575 = vector.broadcast %scan3A_51#2 : i32 to vector<16xi32>
          %lt3A_576 = arith.cmpi slt, %add3A_572, %lt3A_575 : vector<16xi32>
          %and3A_577 = arith.andi %ge3A_574, %lt3A_576 : vector<16xi1>
          tpu.vector_store_idx %arg13[%or3A_563], %broadcast_in_dim3A_1 masked %and3A_577 {add = true} : memref<32768xf32, #tpu.memory_space<vmem>>[vector<16xi32>], vector<16xf32>, vector<16xi1>
          %mul3A_578 = arith.constant 16 : i32
          %mul3A_579 = arith.muli %scan3A_332, %mul3A_578 : i32
          %mul3A_580 = arith.constant 16 : i32
          %mul3A_581 = arith.muli %mul3A_579, %mul3A_580 : i32
          %add3A_582 = arith.constant 128 : i32
          %add3A_583 = arith.addi %mul3A_581, %add3A_582 : i32
          %get3A_584 = arith.index_cast %add3A_583 : i32 to index
          %get3A_585 = tpu.vector_load %arg8[%get3A_584] {strides = array<i32>} : memref<8192xi32, #tpu.memory_space<vmem>>, vector<16xi32>,
          %and3A_586 = arith.constant 255 : i32
          %and3A_587 = vector.broadcast %and3A_586 : i32 to vector<16xi32>
          %and3A_588 = arith.andi %get3A_585, %and3A_587 : vector<16xi32>
          %shift_left3A_589 = arith.constant 7 : i32
          %shift_left3A_590 = vector.broadcast %shift_left3A_589 : i32 to vector<16xi32>
          %shift_left3A_591 = arith.shli %and3A_588, %shift_left3A_590 : vector<16xi32>
          %get3A_592 = arith.index_cast %add3A_583 : i32 to index
          %get3A_593 = tpu.vector_load %arg12[%get3A_592] {strides = array<i32>} : memref<8192xi32, #tpu.memory_space<vmem>>, vector<16xi32>,
          %or3A_594 = arith.ori %shift_left3A_591, %get3A_593 : vector<16xi32>
          %mul3A_595 = arith.constant 16 : i32
          %mul3A_596 = arith.muli %scan3A_332, %mul3A_595 : i32
          %mul3A_597 = arith.constant 16 : i32
          %mul3A_598 = arith.muli %mul3A_596, %mul3A_597 : i32
          %add3A_599 = arith.addi %multiple_of3A_300, %mul3A_598 : i32
          %add3A_600 = arith.constant 128 : i32
          %add3A_601 = arith.addi %add3A_599, %add3A_600 : i32
          %add3A_602 = vector.broadcast %add3A_601 : i32 to vector<16xi32>
          %add3A_603 = arith.addi %add3A_602, %iota3A : vector<16xi32>
          %ge3A_604 = vector.broadcast %max3A_304 : i32 to vector<16xi32>
          %ge3A_605 = arith.cmpi sge, %add3A_603, %ge3A_604 : vector<16xi32>
          %lt3A_606 = vector.broadcast %scan3A_51#2 : i32 to vector<16xi32>
          %lt3A_607 = arith.cmpi slt, %add3A_603, %lt3A_606 : vector<16xi32>
          %and3A_608 = arith.andi %ge3A_605, %lt3A_607 : vector<16xi1>
          tpu.vector_store_idx %arg13[%or3A_594], %broadcast_in_dim3A_1 masked %and3A_608 {add = true} : memref<32768xf32, #tpu.memory_space<vmem>>[vector<16xi32>], vector<16xf32>, vector<16xi1>
          %mul3A_609 = arith.constant 16 : i32
          %mul3A_610 = arith.muli %scan3A_332, %mul3A_609 : i32
          %mul3A_611 = arith.constant 16 : i32
          %mul3A_612 = arith.muli %mul3A_610, %mul3A_611 : i32
          %add3A_613 = arith.constant 144 : i32
          %add3A_614 = arith.addi %mul3A_612, %add3A_613 : i32
          %get3A_615 = arith.index_cast %add3A_614 : i32 to index
          %get3A_616 = tpu.vector_load %arg8[%get3A_615] {strides = array<i32>} : memref<8192xi32, #tpu.memory_space<vmem>>, vector<16xi32>,
          %and3A_617 = arith.constant 255 : i32
          %and3A_618 = vector.broadcast %and3A_617 : i32 to vector<16xi32>
          %and3A_619 = arith.andi %get3A_616, %and3A_618 : vector<16xi32>
          %shift_left3A_620 = arith.constant 7 : i32
          %shift_left3A_621 = vector.broadcast %shift_left3A_620 : i32 to vector<16xi32>
          %shift_left3A_622 = arith.shli %and3A_619, %shift_left3A_621 : vector<16xi32>
          %get3A_623 = arith.index_cast %add3A_614 : i32 to index
          %get3A_624 = tpu.vector_load %arg12[%get3A_623] {strides = array<i32>} : memref<8192xi32, #tpu.memory_space<vmem>>, vector<16xi32>,
          %or3A_625 = arith.ori %shift_left3A_622, %get3A_624 : vector<16xi32>
          %mul3A_626 = arith.constant 16 : i32
          %mul3A_627 = arith.muli %scan3A_332, %mul3A_626 : i32
          %mul3A_628 = arith.constant 16 : i32
          %mul3A_629 = arith.muli %mul3A_627, %mul3A_628 : i32
          %add3A_630 = arith.addi %multiple_of3A_300, %mul3A_629 : i32
          %add3A_631 = arith.constant 144 : i32
          %add3A_632 = arith.addi %add3A_630, %add3A_631 : i32
          %add3A_633 = vector.broadcast %add3A_632 : i32 to vector<16xi32>
          %add3A_634 = arith.addi %add3A_633, %iota3A : vector<16xi32>
          %ge3A_635 = vector.broadcast %max3A_304 : i32 to vector<16xi32>
          %ge3A_636 = arith.cmpi sge, %add3A_634, %ge3A_635 : vector<16xi32>
          %lt3A_637 = vector.broadcast %scan3A_51#2 : i32 to vector<16xi32>
          %lt3A_638 = arith.cmpi slt, %add3A_634, %lt3A_637 : vector<16xi32>
          %and3A_639 = arith.andi %ge3A_636, %lt3A_638 : vector<16xi1>
          tpu.vector_store_idx %arg13[%or3A_625], %broadcast_in_dim3A_1 masked %and3A_639 {add = true} : memref<32768xf32, #tpu.memory_space<vmem>>[vector<16xi32>], vector<16xf32>, vector<16xi1>
          %mul3A_640 = arith.constant 16 : i32
          %mul3A_641 = arith.muli %scan3A_332, %mul3A_640 : i32
          %mul3A_642 = arith.constant 16 : i32
          %mul3A_643 = arith.muli %mul3A_641, %mul3A_642 : i32
          %add3A_644 = arith.constant 160 : i32
          %add3A_645 = arith.addi %mul3A_643, %add3A_644 : i32
          %get3A_646 = arith.index_cast %add3A_645 : i32 to index
          %get3A_647 = tpu.vector_load %arg8[%get3A_646] {strides = array<i32>} : memref<8192xi32, #tpu.memory_space<vmem>>, vector<16xi32>,
          %and3A_648 = arith.constant 255 : i32
          %and3A_649 = vector.broadcast %and3A_648 : i32 to vector<16xi32>
          %and3A_650 = arith.andi %get3A_647, %and3A_649 : vector<16xi32>
          %shift_left3A_651 = arith.constant 7 : i32
          %shift_left3A_652 = vector.broadcast %shift_left3A_651 : i32 to vector<16xi32>
          %shift_left3A_653 = arith.shli %and3A_650, %shift_left3A_652 : vector<16xi32>
          %get3A_654 = arith.index_cast %add3A_645 : i32 to index
          %get3A_655 = tpu.vector_load %arg12[%get3A_654] {strides = array<i32>} : memref<8192xi32, #tpu.memory_space<vmem>>, vector<16xi32>,
          %or3A_656 = arith.ori %shift_left3A_653, %get3A_655 : vector<16xi32>
          %mul3A_657 = arith.constant 16 : i32
          %mul3A_658 = arith.muli %scan3A_332, %mul3A_657 : i32
          %mul3A_659 = arith.constant 16 : i32
          %mul3A_660 = arith.muli %mul3A_658, %mul3A_659 : i32
          %add3A_661 = arith.addi %multiple_of3A_300, %mul3A_660 : i32
          %add3A_662 = arith.constant 160 : i32
          %add3A_663 = arith.addi %add3A_661, %add3A_662 : i32
          %add3A_664 = vector.broadcast %add3A_663 : i32 to vector<16xi32>
          %add3A_665 = arith.addi %add3A_664, %iota3A : vector<16xi32>
          %ge3A_666 = vector.broadcast %max3A_304 : i32 to vector<16xi32>
          %ge3A_667 = arith.cmpi sge, %add3A_665, %ge3A_666 : vector<16xi32>
          %lt3A_668 = vector.broadcast %scan3A_51#2 : i32 to vector<16xi32>
          %lt3A_669 = arith.cmpi slt, %add3A_665, %lt3A_668 : vector<16xi32>
          %and3A_670 = arith.andi %ge3A_667, %lt3A_669 : vector<16xi1>
          tpu.vector_store_idx %arg13[%or3A_656], %broadcast_in_dim3A_1 masked %and3A_670 {add = true} : memref<32768xf32, #tpu.memory_space<vmem>>[vector<16xi32>], vector<16xf32>, vector<16xi1>
          %mul3A_671 = arith.constant 16 : i32
          %mul3A_672 = arith.muli %scan3A_332, %mul3A_671 : i32
          %mul3A_673 = arith.constant 16 : i32
          %mul3A_674 = arith.muli %mul3A_672, %mul3A_673 : i32
          %add3A_675 = arith.constant 176 : i32
          %add3A_676 = arith.addi %mul3A_674, %add3A_675 : i32
          %get3A_677 = arith.index_cast %add3A_676 : i32 to index
          %get3A_678 = tpu.vector_load %arg8[%get3A_677] {strides = array<i32>} : memref<8192xi32, #tpu.memory_space<vmem>>, vector<16xi32>,
          %and3A_679 = arith.constant 255 : i32
          %and3A_680 = vector.broadcast %and3A_679 : i32 to vector<16xi32>
          %and3A_681 = arith.andi %get3A_678, %and3A_680 : vector<16xi32>
          %shift_left3A_682 = arith.constant 7 : i32
          %shift_left3A_683 = vector.broadcast %shift_left3A_682 : i32 to vector<16xi32>
          %shift_left3A_684 = arith.shli %and3A_681, %shift_left3A_683 : vector<16xi32>
          %get3A_685 = arith.index_cast %add3A_676 : i32 to index
          %get3A_686 = tpu.vector_load %arg12[%get3A_685] {strides = array<i32>} : memref<8192xi32, #tpu.memory_space<vmem>>, vector<16xi32>,
          %or3A_687 = arith.ori %shift_left3A_684, %get3A_686 : vector<16xi32>
          %mul3A_688 = arith.constant 16 : i32
          %mul3A_689 = arith.muli %scan3A_332, %mul3A_688 : i32
          %mul3A_690 = arith.constant 16 : i32
          %mul3A_691 = arith.muli %mul3A_689, %mul3A_690 : i32
          %add3A_692 = arith.addi %multiple_of3A_300, %mul3A_691 : i32
          %add3A_693 = arith.constant 176 : i32
          %add3A_694 = arith.addi %add3A_692, %add3A_693 : i32
          %add3A_695 = vector.broadcast %add3A_694 : i32 to vector<16xi32>
          %add3A_696 = arith.addi %add3A_695, %iota3A : vector<16xi32>
          %ge3A_697 = vector.broadcast %max3A_304 : i32 to vector<16xi32>
          %ge3A_698 = arith.cmpi sge, %add3A_696, %ge3A_697 : vector<16xi32>
          %lt3A_699 = vector.broadcast %scan3A_51#2 : i32 to vector<16xi32>
          %lt3A_700 = arith.cmpi slt, %add3A_696, %lt3A_699 : vector<16xi32>
          %and3A_701 = arith.andi %ge3A_698, %lt3A_700 : vector<16xi1>
          tpu.vector_store_idx %arg13[%or3A_687], %broadcast_in_dim3A_1 masked %and3A_701 {add = true} : memref<32768xf32, #tpu.memory_space<vmem>>[vector<16xi32>], vector<16xf32>, vector<16xi1>
          %mul3A_702 = arith.constant 16 : i32
          %mul3A_703 = arith.muli %scan3A_332, %mul3A_702 : i32
          %mul3A_704 = arith.constant 16 : i32
          %mul3A_705 = arith.muli %mul3A_703, %mul3A_704 : i32
          %add3A_706 = arith.constant 192 : i32
          %add3A_707 = arith.addi %mul3A_705, %add3A_706 : i32
          %get3A_708 = arith.index_cast %add3A_707 : i32 to index
          %get3A_709 = tpu.vector_load %arg8[%get3A_708] {strides = array<i32>} : memref<8192xi32, #tpu.memory_space<vmem>>, vector<16xi32>,
          %and3A_710 = arith.constant 255 : i32
          %and3A_711 = vector.broadcast %and3A_710 : i32 to vector<16xi32>
          %and3A_712 = arith.andi %get3A_709, %and3A_711 : vector<16xi32>
          %shift_left3A_713 = arith.constant 7 : i32
          %shift_left3A_714 = vector.broadcast %shift_left3A_713 : i32 to vector<16xi32>
          %shift_left3A_715 = arith.shli %and3A_712, %shift_left3A_714 : vector<16xi32>
          %get3A_716 = arith.index_cast %add3A_707 : i32 to index
          %get3A_717 = tpu.vector_load %arg12[%get3A_716] {strides = array<i32>} : memref<8192xi32, #tpu.memory_space<vmem>>, vector<16xi32>,
          %or3A_718 = arith.ori %shift_left3A_715, %get3A_717 : vector<16xi32>
          %mul3A_719 = arith.constant 16 : i32
          %mul3A_720 = arith.muli %scan3A_332, %mul3A_719 : i32
          %mul3A_721 = arith.constant 16 : i32
          %mul3A_722 = arith.muli %mul3A_720, %mul3A_721 : i32
          %add3A_723 = arith.addi %multiple_of3A_300, %mul3A_722 : i32
          %add3A_724 = arith.constant 192 : i32
          %add3A_725 = arith.addi %add3A_723, %add3A_724 : i32
          %add3A_726 = vector.broadcast %add3A_725 : i32 to vector<16xi32>
          %add3A_727 = arith.addi %add3A_726, %iota3A : vector<16xi32>
          %ge3A_728 = vector.broadcast %max3A_304 : i32 to vector<16xi32>
          %ge3A_729 = arith.cmpi sge, %add3A_727, %ge3A_728 : vector<16xi32>
          %lt3A_730 = vector.broadcast %scan3A_51#2 : i32 to vector<16xi32>
          %lt3A_731 = arith.cmpi slt, %add3A_727, %lt3A_730 : vector<16xi32>
          %and3A_732 = arith.andi %ge3A_729, %lt3A_731 : vector<16xi1>
          tpu.vector_store_idx %arg13[%or3A_718], %broadcast_in_dim3A_1 masked %and3A_732 {add = true} : memref<32768xf32, #tpu.memory_space<vmem>>[vector<16xi32>], vector<16xf32>, vector<16xi1>
          %mul3A_733 = arith.constant 16 : i32
          %mul3A_734 = arith.muli %scan3A_332, %mul3A_733 : i32
          %mul3A_735 = arith.constant 16 : i32
          %mul3A_736 = arith.muli %mul3A_734, %mul3A_735 : i32
          %add3A_737 = arith.constant 208 : i32
          %add3A_738 = arith.addi %mul3A_736, %add3A_737 : i32
          %get3A_739 = arith.index_cast %add3A_738 : i32 to index
          %get3A_740 = tpu.vector_load %arg8[%get3A_739] {strides = array<i32>} : memref<8192xi32, #tpu.memory_space<vmem>>, vector<16xi32>,
          %and3A_741 = arith.constant 255 : i32
          %and3A_742 = vector.broadcast %and3A_741 : i32 to vector<16xi32>
          %and3A_743 = arith.andi %get3A_740, %and3A_742 : vector<16xi32>
          %shift_left3A_744 = arith.constant 7 : i32
          %shift_left3A_745 = vector.broadcast %shift_left3A_744 : i32 to vector<16xi32>
          %shift_left3A_746 = arith.shli %and3A_743, %shift_left3A_745 : vector<16xi32>
          %get3A_747 = arith.index_cast %add3A_738 : i32 to index
          %get3A_748 = tpu.vector_load %arg12[%get3A_747] {strides = array<i32>} : memref<8192xi32, #tpu.memory_space<vmem>>, vector<16xi32>,
          %or3A_749 = arith.ori %shift_left3A_746, %get3A_748 : vector<16xi32>
          %mul3A_750 = arith.constant 16 : i32
          %mul3A_751 = arith.muli %scan3A_332, %mul3A_750 : i32
          %mul3A_752 = arith.constant 16 : i32
          %mul3A_753 = arith.muli %mul3A_751, %mul3A_752 : i32
          %add3A_754 = arith.addi %multiple_of3A_300, %mul3A_753 : i32
          %add3A_755 = arith.constant 208 : i32
          %add3A_756 = arith.addi %add3A_754, %add3A_755 : i32
          %add3A_757 = vector.broadcast %add3A_756 : i32 to vector<16xi32>
          %add3A_758 = arith.addi %add3A_757, %iota3A : vector<16xi32>
          %ge3A_759 = vector.broadcast %max3A_304 : i32 to vector<16xi32>
          %ge3A_760 = arith.cmpi sge, %add3A_758, %ge3A_759 : vector<16xi32>
          %lt3A_761 = vector.broadcast %scan3A_51#2 : i32 to vector<16xi32>
          %lt3A_762 = arith.cmpi slt, %add3A_758, %lt3A_761 : vector<16xi32>
          %and3A_763 = arith.andi %ge3A_760, %lt3A_762 : vector<16xi1>
          tpu.vector_store_idx %arg13[%or3A_749], %broadcast_in_dim3A_1 masked %and3A_763 {add = true} : memref<32768xf32, #tpu.memory_space<vmem>>[vector<16xi32>], vector<16xf32>, vector<16xi1>
          %mul3A_764 = arith.constant 16 : i32
          %mul3A_765 = arith.muli %scan3A_332, %mul3A_764 : i32
          %mul3A_766 = arith.constant 16 : i32
          %mul3A_767 = arith.muli %mul3A_765, %mul3A_766 : i32
          %add3A_768 = arith.constant 224 : i32
          %add3A_769 = arith.addi %mul3A_767, %add3A_768 : i32
          %get3A_770 = arith.index_cast %add3A_769 : i32 to index
          %get3A_771 = tpu.vector_load %arg8[%get3A_770] {strides = array<i32>} : memref<8192xi32, #tpu.memory_space<vmem>>, vector<16xi32>,
          %and3A_772 = arith.constant 255 : i32
          %and3A_773 = vector.broadcast %and3A_772 : i32 to vector<16xi32>
          %and3A_774 = arith.andi %get3A_771, %and3A_773 : vector<16xi32>
          %shift_left3A_775 = arith.constant 7 : i32
          %shift_left3A_776 = vector.broadcast %shift_left3A_775 : i32 to vector<16xi32>
          %shift_left3A_777 = arith.shli %and3A_774, %shift_left3A_776 : vector<16xi32>
          %get3A_778 = arith.index_cast %add3A_769 : i32 to index
          %get3A_779 = tpu.vector_load %arg12[%get3A_778] {strides = array<i32>} : memref<8192xi32, #tpu.memory_space<vmem>>, vector<16xi32>,
          %or3A_780 = arith.ori %shift_left3A_777, %get3A_779 : vector<16xi32>
          %mul3A_781 = arith.constant 16 : i32
          %mul3A_782 = arith.muli %scan3A_332, %mul3A_781 : i32
          %mul3A_783 = arith.constant 16 : i32
          %mul3A_784 = arith.muli %mul3A_782, %mul3A_783 : i32
          %add3A_785 = arith.addi %multiple_of3A_300, %mul3A_784 : i32
          %add3A_786 = arith.constant 224 : i32
          %add3A_787 = arith.addi %add3A_785, %add3A_786 : i32
          %add3A_788 = vector.broadcast %add3A_787 : i32 to vector<16xi32>
          %add3A_789 = arith.addi %add3A_788, %iota3A : vector<16xi32>
          %ge3A_790 = vector.broadcast %max3A_304 : i32 to vector<16xi32>
          %ge3A_791 = arith.cmpi sge, %add3A_789, %ge3A_790 : vector<16xi32>
          %lt3A_792 = vector.broadcast %scan3A_51#2 : i32 to vector<16xi32>
          %lt3A_793 = arith.cmpi slt, %add3A_789, %lt3A_792 : vector<16xi32>
          %and3A_794 = arith.andi %ge3A_791, %lt3A_793 : vector<16xi1>
          tpu.vector_store_idx %arg13[%or3A_780], %broadcast_in_dim3A_1 masked %and3A_794 {add = true} : memref<32768xf32, #tpu.memory_space<vmem>>[vector<16xi32>], vector<16xf32>, vector<16xi1>
          %mul3A_795 = arith.constant 16 : i32
          %mul3A_796 = arith.muli %scan3A_332, %mul3A_795 : i32
          %mul3A_797 = arith.constant 16 : i32
          %mul3A_798 = arith.muli %mul3A_796, %mul3A_797 : i32
          %add3A_799 = arith.constant 240 : i32
          %add3A_800 = arith.addi %mul3A_798, %add3A_799 : i32
          %get3A_801 = arith.index_cast %add3A_800 : i32 to index
          %get3A_802 = tpu.vector_load %arg8[%get3A_801] {strides = array<i32>} : memref<8192xi32, #tpu.memory_space<vmem>>, vector<16xi32>,
          %and3A_803 = arith.constant 255 : i32
          %and3A_804 = vector.broadcast %and3A_803 : i32 to vector<16xi32>
          %and3A_805 = arith.andi %get3A_802, %and3A_804 : vector<16xi32>
          %shift_left3A_806 = arith.constant 7 : i32
          %shift_left3A_807 = vector.broadcast %shift_left3A_806 : i32 to vector<16xi32>
          %shift_left3A_808 = arith.shli %and3A_805, %shift_left3A_807 : vector<16xi32>
          %get3A_809 = arith.index_cast %add3A_800 : i32 to index
          %get3A_810 = tpu.vector_load %arg12[%get3A_809] {strides = array<i32>} : memref<8192xi32, #tpu.memory_space<vmem>>, vector<16xi32>,
          %or3A_811 = arith.ori %shift_left3A_808, %get3A_810 : vector<16xi32>
          %mul3A_812 = arith.constant 16 : i32
          %mul3A_813 = arith.muli %scan3A_332, %mul3A_812 : i32
          %mul3A_814 = arith.constant 16 : i32
          %mul3A_815 = arith.muli %mul3A_813, %mul3A_814 : i32
          %add3A_816 = arith.addi %multiple_of3A_300, %mul3A_815 : i32
          %add3A_817 = arith.constant 240 : i32
          %add3A_818 = arith.addi %add3A_816, %add3A_817 : i32
          %add3A_819 = vector.broadcast %add3A_818 : i32 to vector<16xi32>
          %add3A_820 = arith.addi %add3A_819, %iota3A : vector<16xi32>
          %ge3A_821 = vector.broadcast %max3A_304 : i32 to vector<16xi32>
          %ge3A_822 = arith.cmpi sge, %add3A_820, %ge3A_821 : vector<16xi32>
          %lt3A_823 = vector.broadcast %scan3A_51#2 : i32 to vector<16xi32>
          %lt3A_824 = arith.cmpi slt, %add3A_820, %lt3A_823 : vector<16xi32>
          %and3A_825 = arith.andi %ge3A_822, %lt3A_824 : vector<16xi1>
          tpu.vector_store_idx %arg13[%or3A_811], %broadcast_in_dim3A_1 masked %and3A_825 {add = true} : memref<32768xf32, #tpu.memory_space<vmem>>[vector<16xi32>], vector<16xf32>, vector<16xi1>
        }
        %scan3A_331 = arith.constant 32 : i32
      } else {
        %parallel_loop3A = arith.constant 0 : i32
        %parallel_loop3A_326 = arith.constant 512 : i32
        %parallel_loop3A_327 = arith.constant 1 : i32
        scf.for %parallel_loop3A_328 = %parallel_loop3A to %parallel_loop3A_326 step %parallel_loop3A_327  : i32 {
          %parallel_loop3A_329 = arith.constant 16 : i32
          %parallel_loop3A_330 = arith.muli %parallel_loop3A_328, %parallel_loop3A_329 : i32
          %parallel_loop3A_331 = arith.index_cast %parallel_loop3A_330 : i32 to index
          %parallel_loop3A_332 = tpu.vector_load %arg8[%parallel_loop3A_331] {strides = array<i32>} : memref<8192xi32, #tpu.memory_space<vmem>>, vector<16xi32>,
          %parallel_loop3A_333 = arith.constant 255 : i32
          %parallel_loop3A_334 = vector.broadcast %parallel_loop3A_333 : i32 to vector<16xi32>
          %parallel_loop3A_335 = arith.andi %parallel_loop3A_332, %parallel_loop3A_334 : vector<16xi32>
          %parallel_loop3A_336 = arith.constant 7 : i32
          %parallel_loop3A_337 = vector.broadcast %parallel_loop3A_336 : i32 to vector<16xi32>
          %parallel_loop3A_338 = arith.shli %parallel_loop3A_335, %parallel_loop3A_337 : vector<16xi32>
          %parallel_loop3A_339 = arith.index_cast %parallel_loop3A_330 : i32 to index
          %parallel_loop3A_340 = tpu.vector_load %arg12[%parallel_loop3A_339] {strides = array<i32>} : memref<8192xi32, #tpu.memory_space<vmem>>, vector<16xi32>,
          %parallel_loop3A_341 = arith.ori %parallel_loop3A_338, %parallel_loop3A_340 : vector<16xi32>
          tpu.vector_store_idx %arg13[%parallel_loop3A_341], %broadcast_in_dim3A_1 {add = true} : memref<32768xf32, #tpu.memory_space<vmem>>[vector<16xi32>], vector<16xf32>,
        } {sc.loop_unroll_factor = 16 : i64, sc.parallel_access}
      }
      %add3A_314 = arith.constant 4 : i32
      %add3A_315 = arith.addi %add3A_286, %add3A_314 : i32
      %mul3A_316 = arith.constant 8192 : i32
      %mul3A_317 = arith.muli %add3A_315, %mul3A_316 : i32
      %add3A_318 = arith.addi %and3A_54, %mul3A_317 : i32
      %min3A_319 = arith.constant 3991808 : i32
      %min3A_320 = arith.minsi %add3A_318, %min3A_319 : i32
      %multiple_of3A_321 = tpu.assume_multiple %min3A_320, 8 : i32
      %dma_start3A_322 = tpu.memref_slice %arg3[%multiple_of3A_321] : memref<4000000xi32, #tpu.memory_space<hbm>> -> memref<8192xi32, #tpu.memory_space<hbm>>
      %dma_start3A_323 = tpu.memref_slice %arg3[%multiple_of3A_321] : memref<4000000xi32, #tpu.memory_space<hbm>> -> memref<8192xi32, #tpu.memory_space<hbm>>
      tpu.enqueue_dma source(%dma_start3A_323 : memref<8192xi32, #tpu.memory_space<hbm>>) target(%arg8 : memref<8192xi32, #tpu.memory_space<vmem>>) target_semaphore(%arg19 : memref<!tpu.dma_semaphore, #tpu.memory_space<semaphore_mem>>)
      %dma_start3A_324 = tpu.memref_slice %arg2[%multiple_of3A_321] : memref<4000000xi32, #tpu.memory_space<hbm>> -> memref<8192xi32, #tpu.memory_space<hbm>>
      %dma_start3A_325 = tpu.memref_slice %arg2[%multiple_of3A_321] : memref<4000000xi32, #tpu.memory_space<hbm>> -> memref<8192xi32, #tpu.memory_space<hbm>>
      tpu.enqueue_dma source(%dma_start3A_325 : memref<8192xi32, #tpu.memory_space<hbm>>) target(%arg12 : memref<8192xi32, #tpu.memory_space<vmem>>) target_semaphore(%arg19 : memref<!tpu.dma_semaphore, #tpu.memory_space<semaphore_mem>>)
    }
    %dma_wait3A = arith.constant 0 : i32
    %dma_wait3A_122 = tpu.memref_slice %arg3[%dma_wait3A] : memref<4000000xi32, #tpu.memory_space<hbm>> -> memref<8192xi32, #tpu.memory_space<hbm>>
    %dma_wait3A_123 = arith.constant 0 : i32
    %dma_wait3A_124 = tpu.memref_slice %arg3[%dma_wait3A_123] : memref<4000000xi32, #tpu.memory_space<hbm>> -> memref<8192xi32, #tpu.memory_space<hbm>>
    tpu.wait_dma2 semaphore(%arg16 : memref<!tpu.dma_semaphore, #tpu.memory_space<semaphore_mem>>) src(%dma_wait3A_124 : memref<8192xi32, #tpu.memory_space<hbm>>) dst(%arg5 : memref<8192xi32, #tpu.memory_space<vmem>>)
    %dma_wait3A_125 = arith.constant 0 : i32
    %dma_wait3A_126 = tpu.memref_slice %arg2[%dma_wait3A_125] : memref<4000000xi32, #tpu.memory_space<hbm>> -> memref<8192xi32, #tpu.memory_space<hbm>>
    %dma_wait3A_127 = arith.constant 0 : i32
    %dma_wait3A_128 = tpu.memref_slice %arg2[%dma_wait3A_127] : memref<4000000xi32, #tpu.memory_space<hbm>> -> memref<8192xi32, #tpu.memory_space<hbm>>
    tpu.wait_dma2 semaphore(%arg16 : memref<!tpu.dma_semaphore, #tpu.memory_space<semaphore_mem>>) src(%dma_wait3A_128 : memref<8192xi32, #tpu.memory_space<hbm>>) dst(%arg9 : memref<8192xi32, #tpu.memory_space<vmem>>)
    %dma_wait3A_129 = arith.constant 0 : i32
    %dma_wait3A_130 = tpu.memref_slice %arg3[%dma_wait3A_129] : memref<4000000xi32, #tpu.memory_space<hbm>> -> memref<8192xi32, #tpu.memory_space<hbm>>
    %dma_wait3A_131 = arith.constant 0 : i32
    %dma_wait3A_132 = tpu.memref_slice %arg3[%dma_wait3A_131] : memref<4000000xi32, #tpu.memory_space<hbm>> -> memref<8192xi32, #tpu.memory_space<hbm>>
    tpu.wait_dma2 semaphore(%arg17 : memref<!tpu.dma_semaphore, #tpu.memory_space<semaphore_mem>>) src(%dma_wait3A_132 : memref<8192xi32, #tpu.memory_space<hbm>>) dst(%arg6 : memref<8192xi32, #tpu.memory_space<vmem>>)
    %dma_wait3A_133 = arith.constant 0 : i32
    %dma_wait3A_134 = tpu.memref_slice %arg2[%dma_wait3A_133] : memref<4000000xi32, #tpu.memory_space<hbm>> -> memref<8192xi32, #tpu.memory_space<hbm>>
    %dma_wait3A_135 = arith.constant 0 : i32
    %dma_wait3A_136 = tpu.memref_slice %arg2[%dma_wait3A_135] : memref<4000000xi32, #tpu.memory_space<hbm>> -> memref<8192xi32, #tpu.memory_space<hbm>>
    tpu.wait_dma2 semaphore(%arg17 : memref<!tpu.dma_semaphore, #tpu.memory_space<semaphore_mem>>) src(%dma_wait3A_136 : memref<8192xi32, #tpu.memory_space<hbm>>) dst(%arg10 : memref<8192xi32, #tpu.memory_space<vmem>>)
    %dma_wait3A_137 = arith.constant 0 : i32
    %dma_wait3A_138 = tpu.memref_slice %arg3[%dma_wait3A_137] : memref<4000000xi32, #tpu.memory_space<hbm>> -> memref<8192xi32, #tpu.memory_space<hbm>>
    %dma_wait3A_139 = arith.constant 0 : i32
    %dma_wait3A_140 = tpu.memref_slice %arg3[%dma_wait3A_139] : memref<4000000xi32, #tpu.memory_space<hbm>> -> memref<8192xi32, #tpu.memory_space<hbm>>
    tpu.wait_dma2 semaphore(%arg18 : memref<!tpu.dma_semaphore, #tpu.memory_space<semaphore_mem>>) src(%dma_wait3A_140 : memref<8192xi32, #tpu.memory_space<hbm>>) dst(%arg7 : memref<8192xi32, #tpu.memory_space<vmem>>)
    %dma_wait3A_141 = arith.constant 0 : i32
    %dma_wait3A_142 = tpu.memref_slice %arg2[%dma_wait3A_141] : memref<4000000xi32, #tpu.memory_space<hbm>> -> memref<8192xi32, #tpu.memory_space<hbm>>
    %dma_wait3A_143 = arith.constant 0 : i32
    %dma_wait3A_144 = tpu.memref_slice %arg2[%dma_wait3A_143] : memref<4000000xi32, #tpu.memory_space<hbm>> -> memref<8192xi32, #tpu.memory_space<hbm>>
    tpu.wait_dma2 semaphore(%arg18 : memref<!tpu.dma_semaphore, #tpu.memory_space<semaphore_mem>>) src(%dma_wait3A_144 : memref<8192xi32, #tpu.memory_space<hbm>>) dst(%arg11 : memref<8192xi32, #tpu.memory_space<vmem>>)
    %dma_wait3A_145 = arith.constant 0 : i32
    %dma_wait3A_146 = tpu.memref_slice %arg3[%dma_wait3A_145] : memref<4000000xi32, #tpu.memory_space<hbm>> -> memref<8192xi32, #tpu.memory_space<hbm>>
    %dma_wait3A_147 = arith.constant 0 : i32
    %dma_wait3A_148 = tpu.memref_slice %arg3[%dma_wait3A_147] : memref<4000000xi32, #tpu.memory_space<hbm>> -> memref<8192xi32, #tpu.memory_space<hbm>>
    tpu.wait_dma2 semaphore(%arg19 : memref<!tpu.dma_semaphore, #tpu.memory_space<semaphore_mem>>) src(%dma_wait3A_148 : memref<8192xi32, #tpu.memory_space<hbm>>) dst(%arg8 : memref<8192xi32, #tpu.memory_space<vmem>>)
    %dma_wait3A_149 = arith.constant 0 : i32
    %dma_wait3A_150 = tpu.memref_slice %arg2[%dma_wait3A_149] : memref<4000000xi32, #tpu.memory_space<hbm>> -> memref<8192xi32, #tpu.memory_space<hbm>>
    %dma_wait3A_151 = arith.constant 0 : i32
    %dma_wait3A_152 = tpu.memref_slice %arg2[%dma_wait3A_151] : memref<4000000xi32, #tpu.memory_space<hbm>> -> memref<8192xi32, #tpu.memory_space<hbm>>
    tpu.wait_dma2 semaphore(%arg19 : memref<!tpu.dma_semaphore, #tpu.memory_space<semaphore_mem>>) src(%dma_wait3A_152 : memref<8192xi32, #tpu.memory_space<hbm>>) dst(%arg12 : memref<8192xi32, #tpu.memory_space<vmem>>)
    %mul3A_153 = arith.constant 256 : i32
    %mul3A_154 = arith.muli %add3A, %mul3A_153 : i32
    %mul3A_155 = arith.constant 128 : i32
    %mul3A_156 = arith.muli %mul3A_154, %mul3A_155 : i32
    "tpu.region"() ({
      %run_scoped3A = tpu.sem_alloc : memref<!tpu.dma_semaphore, #tpu.memory_space<semaphore_mem>>
      %dma_start3A_157 = tpu.memref_slice %arg4[%mul3A_156] : memref<1048576xf32, #tpu.memory_space<hbm>> -> memref<32768xf32, #tpu.memory_space<hbm>>
      %dma_start3A_158 = tpu.memref_slice %arg4[%mul3A_156] : memref<1048576xf32, #tpu.memory_space<hbm>> -> memref<32768xf32, #tpu.memory_space<hbm>>
      tpu.enqueue_dma source(%arg13 : memref<32768xf32, #tpu.memory_space<vmem>>) target(%dma_start3A_158 : memref<32768xf32, #tpu.memory_space<hbm>>) target_semaphore(%run_scoped3A : memref<!tpu.dma_semaphore, #tpu.memory_space<semaphore_mem>>)
      %dma_wait3A_159 = tpu.memref_slice %arg4[%mul3A_156] : memref<1048576xf32, #tpu.memory_space<hbm>> -> memref<32768xf32, #tpu.memory_space<hbm>>
      %dma_wait3A_160 = tpu.memref_slice %arg4[%mul3A_156] : memref<1048576xf32, #tpu.memory_space<hbm>> -> memref<32768xf32, #tpu.memory_space<hbm>>
      tpu.wait_dma2 semaphore(%run_scoped3A : memref<!tpu.dma_semaphore, #tpu.memory_space<semaphore_mem>>) src(%arg13 : memref<32768xf32, #tpu.memory_space<vmem>>) dst(%dma_wait3A_160 : memref<32768xf32, #tpu.memory_space<hbm>>)
      tpu.yield
    }) : () -> ()
    return
  }
}

module attributes {stable_mosaic.version = 14 : i64} {
  func.func @_mm_body(%arg0: i32, %arg1: memref<8192x128xf32, #tpu.memory_space<vmem>>, %arg2: memref<119x32xf32, #tpu.memory_space<vmem>>, %arg3: memref<8192x32xf32, #tpu.memory_space<vmem>>) attributes {dimension_semantics = [#tpu.dimension_semantics<arbitrary>], iteration_bounds = array<i64: 1>, scalar_prefetch = 0 : i64, scratch_operands = 0 : i64, tpu.core_type = #tpu.core_type<tc>, window_params = [{transform_indices = @transform_0, window_bounds = array<i64: 8192, 128>}, {pipeline_mode = #tpu.pipeline_mode<synchronous>, transform_indices = @transform_1, window_bounds = array<i64: 119, 32>}, {transform_indices = @transform_2, window_bounds = array<i64: 8192, 32>}]} {
    %get3A = arith.constant 0 : index
    %get3A_0 = arith.constant 0 : index
    %get3A_1 = vector.load %arg1[%get3A, %get3A_0] : memref<8192x128xf32, #tpu.memory_space<vmem>>, vector<8192x128xf32>
    %slice3A = vector.extract_strided_slice %get3A_1 {offsets = [0, 0], sizes = [8192, 119], strides = [1, 1]} : vector<8192x128xf32> to vector<8192x119xf32>
    %get3A_2 = arith.constant 0 : index
    %get3A_3 = arith.constant 0 : index
    %get3A_4 = vector.load %arg2[%get3A_2, %get3A_3] : memref<119x32xf32, #tpu.memory_space<vmem>>, vector<119x32xf32>
    %dot_general3A = arith.constant dense<0.000000e+00> : vector<8192x32xf32>
    %dot_general3A_5 = tpu.matmul %slice3A, %get3A_4, %dot_general3A {dimension_numbers = #tpu.dot_dimension_numbers<[1], [0], [0], [1], [0, 0, 1, 1], [], []>, precision = #tpu.contract_precision<fp32>, transpose_lhs_hint = false} : vector<8192x119xf32>, vector<119x32xf32>, vector<8192x32xf32> -> vector<8192x32xf32>
    %swap3A = arith.constant 0 : index
    %swap3A_6 = arith.constant 0 : index
    %swap3A_7 = vector.load %arg3[%swap3A, %swap3A_6] : memref<8192x32xf32, #tpu.memory_space<vmem>>, vector<8192x32xf32>
    tpu.vector_store %arg3[%swap3A, %swap3A_6], %dot_general3A_5 {strides = array<i32>} : memref<8192x32xf32, #tpu.memory_space<vmem>>, vector<8192x32xf32>,
    return
  }
  func.func @transform_0(%arg0: i32) -> (i32, i32) {
    %c0_i32 = arith.constant 0 : i32
    %c0_i32_0 = arith.constant 0 : i32
    return %arg0, %c0_i32 : i32, i32
  }
  func.func @transform_1(%arg0: i32) -> (i32, i32) {
    %c0_i32 = arith.constant 0 : i32
    %c0_i32_0 = arith.constant 0 : i32
    %c0_i32_1 = arith.constant 0 : i32
    return %c0_i32, %c0_i32_0 : i32, i32
  }
  func.func @transform_2(%arg0: i32) -> (i32, i32) {
    %c0_i32 = arith.constant 0 : i32
    %c0_i32_0 = arith.constant 0 : i32
    return %arg0, %c0_i32 : i32, i32
  }
}

</mosaic_0001>

<sc_bundles>
// kernel: kernel.4.cloned.1.call-start
scs
__scs_entry_jumppad:
0x0: {  	(pc) =	sbr.rel $0x88, $3  }
0x1: {  	(tag) =	ssettag $0x0;
	lr =	simm.s32 $0x1  }
0x2: {  	[smem:$0x3F9E] =	sst lr;
	_ =	strace $0xD0000000  }
0x3: {  	_ = 	snop  }
0x4: {  	_ = 	snop  }
0x5: {  	_ = 	snop  }
0x6: {  	_ = 	snop  }
0x7: {  	_ = 	snop  }
__scs_overlays_trampoline_lowered:
0x8: {  	[smem:$0x3FAD] =	sst s0  }
0x9: {  	[smem:$0x3FAE] =	sst s1  }
0xa: {  	[smem:$0x3FAF] =	sst s2  }
0xb: {  	[smem:$0x3FB0] =	sst s3  }
0xc: {  	[smem:$0x3FB1] =	sst s4  }
0xd: {  	[smem:$0x3FB2] =	sst s5  }
0xe: {  	[smem:$0x3FB3] =	sst s6  }
0xf: {  	[smem:$0x3FB4] =	sst s7  }
0x10: {  	[smem:$0x3FB5] =	sst s8  }
0x11: {  	[smem:$0x3FB6] =	sst s9;
	s0 =	simm.s32 @!p0 $0x0  }
0x12: {  	s1 =	sld [smem:$0x3F9C];
	s0 =	simm.s32 @p0 $0x1  }
0x13: {  	[smem:$0x3FB7] =	sst s0;
	s0 =	simm.s32 @!p1 $0x0  }
0x14: {  	s2 =	sld [smem:$0x3F9B];
	s0 =	simm.s32 @p1 $0x1  }
0x15: {  	[smem:$0x3FB8] =	sst s0;
	s0 =	simm.s32 @!p2 $0x0  }
0x16: {  	s3 =	sld [smem:$0x3FDB];
	s0 =	simm.s32 @p2 $0x1  }
0x17: {  	s4 =	simm.s32 $0x1BF5;
	[smem:$0x3FBA] =	sst s0  }
0x18: {  	s0 =	sld [smem:$0x3F9D];
	_ =	swait.ge [sflag:s4], $0x0  }
0x19: {  	s7 =	sld [smem:$0x3F9E]  }
0x1a: {  	s8 =	sadd.s32 $0xFFFFE003, lr  }
0x1b: {  	s9 =	sadd.s32 $0xFFFFFEF7, lr;
	s5 =	simm.s32 $0xFFFFFFFF;
	p2 =	slt.u32 s8, $0xFFFFF086  }
0x1c: {  	p1 =	slt.u32 s9, $0xF7A;
	s5 =	simm.s32 @!p2 $0x0  }
0x1d: {  	s5 =	simm.s32 @p1 $0x1;
	p0 =	seq.s32 s7, s2  }
0x1e: {  	s7 =	smul.u32 @!p0 $0xF7A, s2;
	p2 =	seq.s32 @!p0 s5, $0x0  }
0x1f: {  	s9 =	smul.u32 $0xF7A, s1;
	s8 =	simm.s32 @!p0 $0x1BF5;
	p2 =	por !p2, p0  }
0x20: {  	[sflag:s8] =	ssyncset.s32 @!p0 $0xFFFFF086;
	s6 =	sadd.s32 @!p0 s3, s7;
	s7 =	simm.s32 @!p0 $0x108  }
0x21: {  	s3 =	sadd.s32 s3, s9;
	s6 =	sadd.s32 @!p0 $0x88, s6;
	s7 =	simm.s32 @p2 $0x1082  }
0x22: {  	[simem:s7], [sflag:s8] =	dma.local @!p0 [hbm:s6], $0xF7A  }
0x23: {  	s9 =	sor.u32 $0xD0000000, s2;
	s6 =	simm.s32 $0x108;
	_ =	swait.ge @!p0 [sflag:s8], $0x0  }
0x24: {  	s3 =	sadd.s32 $0x88, s3;
	s6 =	simm.s32 @!p1 $0x1082;
	[sflag:s4] =	ssyncset.s32 $0xFFFFF086  }
0x25: {  	[simem:s6], [sflag:s4] =	dma.local [hbm:s3], $0xF7A  }
0x26: {  	[smem:$0x3F9E] =	sst s1;
	(tag) =	ssettag s2;
	_ =	strace s9  }
0x27: {  	s1 =	sld [smem:$0x3FAE]  }
0x28: {  	s2 =	sld [smem:$0x3FAF]  }
0x29: {  	s4 =	sld [smem:$0x3FB1]  }
0x2a: {  	p0 =	seq.s32 s5, $0x0;
	s5 =	sld [smem:$0x3FB2]  }
0x2b: {  	s6 =	sld [smem:$0x3FB3]  }
0x2c: {  	s7 =	sld [smem:$0x3FB4]  }
0x2d: {  	s3 =	simm.s32 $0x108;
	s8 =	sld [smem:$0x3FB5]  }
0x2e: {  	s3 =	simm.s32 @!p0 $0x1082;
	s9 =	sld [smem:$0x3FB6]  }
0x2f: {  	lr =	sadd.s32 s0, s3;
	s0 =	sld [smem:$0x3FAD]  }
0x30: {  	s3 =	sld [smem:$0x3FB0]  }
0x31: {  	[smem:$0x3FB9] =	sst s10  }
0x32: {  	s10 =	sld [smem:$0x3FB7];
	_ =	sdelay $0x3  }
0x33: {  	p0 =	seq.s32 s10, $0x1;
	s10 =	sld [smem:$0x3FB9];
	_ =	sdelay $0x3  }
0x34: {  	[smem:$0x3FB9] =	sst s10  }
0x35: {  	s10 =	sld [smem:$0x3FB8];
	_ =	sdelay $0x3  }
0x36: {  	p1 =	seq.s32 s10, $0x1;
	s10 =	sld [smem:$0x3FB9];
	_ =	sdelay $0x3  }
0x37: {  	[smem:$0x3FB9] =	sst s10  }
0x38: {  	s10 =	sld [smem:$0x3FBA]  }
0x39: {  	_ = 	snop;
	(pc) =	sbr.ind lr, $3  }
0x3a: {  	_ = 	snop  }
0x3b: {  	_ = 	snop  }
0x3c: {  	p2 =	seq.s32 s10, $0x1;
	s10 =	sld [smem:$0x3FB9]  }
0x3d: {  	_ =	shalt  }
0x3e: {  	_ =	shalt  }
0x3f: {  	_ =	shalt  }
0x40: {  	_ =	shalt  }
0x41: {  	_ =	shalt  }
0x42: {  	_ =	shalt  }
0x43: {  	_ =	shalt  }
0x44: {  	_ =	shalt  }
0x45: {  	_ =	shalt  }
0x46: {  	_ =	shalt  }
0x47: {  	_ =	shalt  }
0x48: {  	_ =	shalt  }
0x49: {  	_ =	shalt  }
0x4a: {  	_ =	shalt  }
0x4b: {  	_ =	shalt  }
0x4c: {  	_ =	shalt  }
0x4d: {  	_ =	shalt  }
0x4e: {  	_ =	shalt  }
0x4f: {  	_ =	shalt  }
0x50: {  	_ =	shalt  }
0x51: {  	_ =	shalt  }
0x52: {  	_ =	shalt  }
0x53: {  	_ =	shalt  }
0x54: {  	_ =	shalt  }
0x55: {  	_ =	shalt  }
0x56: {  	_ =	shalt  }
0x57: {  	_ =	shalt  }
0x58: {  	_ =	shalt  }
0x59: {  	_ =	shalt  }
0x5a: {  	_ =	shalt  }
0x5b: {  	_ =	shalt  }
0x5c: {  	_ =	shalt  }
0x5d: {  	_ =	shalt  }
0x5e: {  	_ =	shalt  }
0x5f: {  	_ =	shalt  }
0x60: {  	_ =	shalt  }
0x61: {  	_ =	shalt  }
0x62: {  	_ =	shalt  }
0x63: {  	_ =	shalt  }
0x64: {  	_ =	shalt  }
0x65: {  	_ =	shalt  }
0x66: {  	_ =	shalt  }
0x67: {  	_ =	shalt  }
0x68: {  	_ =	shalt  }
0x69: {  	_ =	shalt  }
0x6a: {  	_ =	shalt  }
0x6b: {  	_ =	shalt  }
0x6c: {  	_ =	shalt  }
0x6d: {  	_ =	shalt  }
0x6e: {  	_ =	shalt  }
0x6f: {  	_ =	shalt  }
0x70: {  	_ =	shalt  }
0x71: {  	_ =	shalt  }
0x72: {  	_ =	shalt  }
0x73: {  	_ =	shalt  }
0x74: {  	_ =	shalt  }
0x75: {  	_ =	shalt  }
0x76: {  	_ =	shalt  }
0x77: {  	_ =	shalt  }
0x78: {  	_ =	shalt  }
0x79: {  	_ =	shalt  }
0x7a: {  	_ =	shalt  }
0x7b: {  	_ =	shalt  }
0x7c: {  	_ =	shalt  }
0x7d: {  	_ =	shalt  }
0x7e: {  	_ =	shalt  }
0x7f: {  	_ =	shalt  }
0x80: {  	_ =	shalt  }
0x81: {  	_ =	shalt  }
0x82: {  	_ =	shalt  }
0x83: {  	_ =	shalt  }
0x84: {  	_ =	shalt  }
0x85: {  	_ =	shalt  }
0x86: {  	_ =	shalt  }
0x87: {  	_ =	shalt  }
.Lfunc_end0:
.L_simem_size_0:
called_computation_lowered:
.L_overlay_start_0:
0x88: {  	s2 =	sld [smem:$0x3FD9]  }
0x89: {  	s3 =	sld [smem:$0x3FFE];
	_ =	sdelay $0x1  }
0x8a: {  	s1 =	srdreg.scid  }
0x8b: {  	s0 =	sand.u32 $0x1, s1  }
0x8c: {  	s17 =	sshll.u32 s0, $0xA;
	s2 =	sadd.s32 s3, s2  }
0x8d: {  	s2 =	sadd.s32 s2, s17  }
0x8e: {  	[smem:$0x3FC5] =	sst s2  }
0x8f: {  	_ = 	snop  }
0x90: {  	s2 =	sld [smem:$0x3FC9]  }
0x91: {  	s18 =	sld [smem:$0x3FC8];
	(tm) =	ssettm $0x1  }
0x92: {  	s4 =	sld [smem:$0x3FFB];
	_ =	sdelay $0x3  }
0x93: {  	_ =	strace s4  }
0x94: {  	s4 =	sld [smem:$0x3FFC];
	_ =	sdelay $0x3  }
0x95: {  	_ =	strace s4  }
0x96: {  	s4 =	sld [smem:$0x3FFD];
	_ =	sdelay $0x3  }
0x97: {  	_ =	strace s4  }
0x98: {  	_ =	strace $0x8FFFFFFF  }
0x99: {  	s19 =	sld [smem:$0x3FDB];
	_ =	sdelay $0x1  }
0x9a: {  	s5 =	simm.s32 $_scs_section_size  }
0x9b: {  	s6 =	simm.s32 $_size__tile_overlayer_lowered;
	s7 =	simm.s32 $_tile_overlayer_lowered  }
0x9c: {  	s22 =	simm.s32 $0x1BFF;
	s21 =	sshll.u32 s7, $0x1;
	s4 =	sadd.s32 s5, s19  }
0x9d: {  	s8 =	simm.s32 $0x0;
	s20 =	sshll.u32 s6, $0x1;
	s6 =	sadd.s32 s21, s4  }
0x9e: {  	[timem:s8], [sflag:s22] =	dma.local [hbm:s6], s20  }
0x9f: {  	_ =	swait.ge [sflag:s22], s20  }
0xa0: {  	s5 =	ssub.s32 $0x0, s20;
	[sflag:s22] =	ssyncset.done $0x0  }
0xa1: {  	[sflag:s22] =	ssyncadd.s32 s5;
	_ =	sdelay $0x1  }
0xa2: {  	s23 =	simm.s32 $0x1B8B  }
0xa3: {  	_ =	swait.ge [sflag:s23], $0x1  }
0xa4: {  	[sflag:s23] =	ssyncset.done $0x0  }
0xa5: {  	s25 =	simm.s32 $0x1B8E;
	s24 =	sld [smem:$0x3FFE];
	[sflag:s23] =	ssyncadd.s32 $0xFFFFFFFF  }
0xa6: {  	s26 =	simm.s32 $execute0_lowered;
	[smem:$0x3FD2] =	sst s25  }
0xa7: {  	s6 =	sshll.u32 s26, $0x1;
	_ =	strace $0x80000046;
	[dreg:$0x1] =	wrdreg $0xFFFFFFFF  }
0xa8: {  	s28 =	simm.s32 $_size_execute0_lowered;
	s4 =	sadd.s32 s4, s6;
	[dreg:$0x0] =	wrdreg $0x0  }
0xa9: {  	s6 =	sshll.u32 s28, $0x1;
	[dreg:$0x2] =	wrdreg s4  }
0xaa: {  	[dreg:$0x3] =	wrdreg s6  }
0xab: {  	[dreg:$0x4] =	wrdreg $0xC0  }
0xac: {  	_ =	task [dreg:s8], $0x5FFFF  }
0xad: {  	[dreg:$0x1] =	wrdreg $0xFFFFFFFF  }
0xae: {  	[dreg:$0x0] =	wrdreg $0x60  }
0xaf: {  	[dreg:$0x2] =	wrdreg s2  }
0xb0: {  	[dreg:$0x3] =	wrdreg s18  }
0xb1: {  	[dreg:$0x4] =	wrdreg s24  }
0xb2: {  	[dreg:$0x5] =	wrdreg $0x9  }
0xb3: {  	_ =	task.clear_ibuf [dreg:s8], $0x6FFFF;
	_ =	strace $0x90000046  }
0xb4: {  	s29 =	simm.s32 $0x9;
	_ =	strace $0x80000048  }
0xb5: {  	_ =	swait.ge [sflag:s29], $0x1  }
0xb6: {  	[sflag:s29] =	ssyncadd.s32 $0xFFFFFFFF  }
0xb7: {  	_ =	strace $0x90000048  }
0xb8: {  	_ =	sfence  }
0xb9: {  	s30 =	sld [smem:$0x0];
	_ =	sdelay $0x2  }
0xba: {  	s31 =	sshll.u32 s1, $0xD;
	s1 =	sshrl.u32 s1, $0x2  }
0xbb: {  	s3 =	sand.u32 $0x4000, s31;
	s1 =	sadd.s32 s1, s30  }
0xbc: {  	s0 =	sor.u32 s3, s0;
	s1 =	sshll.u32 s1, $0x11  }
0xbd: {  	s0 =	sor.u32 s1, s0  }
0xbe: {  	s0 =	sadd.s32 $0x8F2B, s0  }
0xbf: {  	[sflag:s0] =	ssyncadd.remote.s32 $0x1  }
0xc0: {  	_ =	sfence.sel $0xFFFF  }
0xc1: {  	[dreg:$0x0] =	wrdreg $0xFFFFFFFF;
	(pc) =	sbr.abs _section_cstart, $3  }
0xc2: {  	[dreg:$0x1] =	wrdreg $0xFFFFFFFF  }
0xc3: {  	_ =	task.clear_ibuf [dreg:s8], $0x2FFFF;
	_ =	strace $0x9FFFFFFF  }
0xc4: {  	(tm) =	ssettm $0x7FFFFFFF  }
0xc5: {  	_ =	shalt  }
tec
execute0_lowered:
.L_overlay_start_1:
0x0: {  	(tag) =	ssettag $0x1  }
0x1: {  	s6 =	rddreg [dreg:$0x0]  }
0x2: {  	s7 =	rddreg [dreg:$0x1]  }
0x3: {  	s0 =	rddreg [dreg:$0x2]  }
0x4: {  	s23 =	simm.s32 $0x0;
	s1 =	srdreg.scid;
	s2 =	stileid.u32  }
0x5: {  	s28 =	simm.s32 $0xA000;
	s29 =	simm.s32 $0x4000;
	s26 =	simm.s32 $0x18000  }
0x6: {  	s30 =	simm.s32 $0xC000;
	s31 =	simm.s32 $0x18080;
	[smem:$0x7FF] =	sst s23  }
0x7: {  	s1 =	sand.u32 $0x1, s1;
	s2 =	sshll.u32 s2, $0x1;
	_ =	strace $0x80000047  }
0x8: {  	s2 =	sor.u32 s1, s2;
	s1 =	ssub.s32 $0x2, s1;
	[dreg:$0x4] =	wrdreg s26  }
0x9: {  	[dreg:$0x5] =	wrdreg s31;
	s3 =	sshll.u32 s2, $0xC;
	s4 =	smul.u32 $0x1E848, s2  }
0xa: {  	s26 =	simm.s32 $0x10000;
	s16 =	sshrl.u32 s1, $0x1;
	s0 =	sadd.s32 s3, s0  }
0xb: {  	s1 =	ssub.s32 s1, s16;
	[dreg:$0x6] =	wrdreg s4;
	s0 =	sadd.s32 $0x800, s0  }
0xc: {  	s4 =	sshrl.u32 s4, $0x3;
	s25 =	smax.u32 s1, $0x1;
	[dreg:$0xf] =	wrdreg s0  }
0xd: {  	v2 =	vimm.s32 $0xECA86420;
	v1 =	vlaneseq.u32;
	s2 =	sshll.u32 s2, $0x8;
	s5 =	sadd.s32 s7, s4;
	[dreg:$0x10] =	wrdreg s25  }
0xe: {  	vm0 =	vcmask $0xB08;
	vm1 =	vcmask $0x1310;
	vm2 =	vcmask $0x1B18;
	s18 =	sadd.s32 s6, s4;
	s19 =	sadd.s32 $0x400, s4;
	[dreg:$0x7] =	wrdreg s5  }
0xf: {  	vm3 =	vcmask $0x300;
	vm4 =	vcmask $0x2320;
	vm5 =	vcmask $0x2B28;
	s20 =	sadd.s32 $0x800, s4;
	[dreg:$0x8] =	wrdreg s18;
	s8 =	sadd.s32 s7, s19  }
0x10: {  	vm6 =	vcmask $0x3330;
	vm7 =	vcmask $0x3B38;
	vm8 =	vmmov $0xff;
	s4 =	sadd.s32 $0xC00, s4;
	s5 =	sadd.s32 s6, s19;
	[dreg:$0x9] =	wrdreg s8  }
.Ltmp0:
0x11: {  	vm10 =	vcmask $0x704;
	vm11 =	vcmask $0xF0C;
	vm15 =	vcmask $0x1F1C;
	s21 =	sadd.s32 s7, s20;
	[dreg:$0xa] =	wrdreg s5;
	(pc) =	sbr.rel .LBB2_1-.Ltmp0, $4  }
0x12: {  	vm9 =	vcmask $0x2F2C;
	vm12 =	vcmask $0x3734;
	v6 =	vimm.s32 $0x0;
	s17 =	sadd.s32 $0x100, s2;
	s22 =	sadd.s32 s7, s4;
	[dreg:$0xb] =	wrdreg s21  }
0x13: {  	v7 =	vimm.f32 $0.0e+00;
	v8 =	vimm.f32 $1.000000000e+00;
	v4 =	vunpack.c.l.s4.s8 v2;
	s3 =	simm.s32 $0x6000;
	s24 =	sadd.s32 s6, s4;
	[dreg:$0xd] =	wrdreg s22  }
0x14: {  	vm13 =	vmmov $0xffff;
	v3 =	vadd.s32 $0x1, v1;
	v0 =	vmov s2;
	s2 =	simm.s32 $0x0;
	s5 =	sadd.s32 s6, s20;
	[dreg:$0xe] =	wrdreg s24  }
0x15: {  	v5 =	vmul.u32 $0x2, v1;
	v4 =	vunpack.c.0.s8.s32 v4;
	v2 =	vmov s17;
	s25 =	simm.s32 $0x2000;
	s24 =	simm.s32 $0x8000;
	[dreg:$0xc] =	wrdreg s5  }
.LBB2_30:
0x16: {  	s0 =	simm.s32 $0x1  }
0x17: {  	_ =	swait.ge [sflag:s0], $0x2000  }
0x18: {  	[sflag:s0] =	ssyncset.done $0x0  }
0x19: {  	[sflag:s0] =	ssyncadd.s32 $0xFFFFE000  }
0x1a: {  	_ =	swait.ge [sflag:s0], $0x2000  }
0x1b: {  	[sflag:s0] =	ssyncset.done $0x0  }
0x1c: {  	s19 =	simm.s32 $0x2;
	[sflag:s0] =	ssyncadd.s32 $0xFFFFE000  }
0x1d: {  	_ =	swait.ge [sflag:s19], $0x2000  }
0x1e: {  	[sflag:s19] =	ssyncset.done $0x0  }
0x1f: {  	[sflag:s19] =	ssyncadd.s32 $0xFFFFE000  }
0x20: {  	_ =	swait.ge [sflag:s19], $0x2000  }
0x21: {  	[sflag:s19] =	ssyncset.done $0x0  }
0x22: {  	s20 =	simm.s32 $0x3;
	[sflag:s19] =	ssyncadd.s32 $0xFFFFE000  }
0x23: {  	_ =	swait.ge [sflag:s20], $0x2000  }
0x24: {  	[sflag:s20] =	ssyncset.done $0x0  }
0x25: {  	[sflag:s20] =	ssyncadd.s32 $0xFFFFE000  }
0x26: {  	_ =	swait.ge [sflag:s20], $0x2000  }
0x27: {  	[sflag:s20] =	ssyncset.done $0x0  }
0x28: {  	s21 =	simm.s32 $0x4;
	[sflag:s20] =	ssyncadd.s32 $0xFFFFE000  }
0x29: {  	_ =	swait.ge [sflag:s21], $0x2000  }
0x2a: {  	[sflag:s21] =	ssyncset.done $0x0  }
0x2b: {  	[sflag:s21] =	ssyncadd.s32 $0xFFFFE000  }
0x2c: {  	_ =	swait.ge [sflag:s21], $0x2000  }
0x2d: {  	[sflag:s21] =	ssyncset.done $0x0  }
0x2e: {  	s1 =	simm.s32 $0x7;
	s22 =	rddreg [dreg:$0xf];
	[sflag:s21] =	ssyncadd.s32 $0xFFFFE000  }
0x2f: {  	[hbm4b:s22+s23] =	stream.linear.scatter [tilespmem:s26], [sflag:$0x7], $0x8000, $0x38;
	[tilespmem:$0x18100] =	vst v63  }
0x30: {  	_ =	swait.ge [sflag:s1], $0x8000  }
0x31: {  	s2 =	rddreg [dreg:$0x11]  }
0x32: {  	s31 =	rddreg [dreg:$0x10];
	s2 =	sadd.s32 $0x1, s2  }
0x33: {  	p0 =	sne.s32 s2, s31  }
.Ltmp1:
0x34: {  	_ = 	snop;
	(pc) =	sbr.rel @!p0 .LBB2_31-.Ltmp1, $3  }
0x35: {  	_ =	sdelay $0x1  }
0x36: {  	[sflag:s1] =	ssyncset.done $0x0  }
0x37: {  	vm15 =	vcmask $0x1F1C;
	[sflag:s1] =	ssyncadd.s32 $0xFFFF8000  }
.LBB2_1:
0x38: {  	[dreg:$0x11] =	wrdreg s2  }
0x39: {  	s0 =	rddreg [dreg:$0x7]  }
0x3a: {  	s22 =	rddreg [dreg:$0x8]  }
0x3b: {  	[tilespmem:s23], [sflag:$0x1] =	stream.linear.gather [hbm4b:s0+s23], $0x2000, $0x38;
	[tilespmem:$0x18100] =	vst v63  }
0x3c: {  	s31 =	rddreg [dreg:$0xe]  }
0x3d: {  	[tilespmem:s24], [sflag:$0x1] =	stream.linear.gather [hbm4b:s22+s23], $0x2000, $0x38;
	[tilespmem:$0x18100] =	vst v63  }
0x3e: {  	s24 =	rddreg [dreg:$0x9]  }
0x3f: {  	[tilespmem:s25], [sflag:$0x2] =	stream.linear.gather [hbm4b:s24+s23], $0x2000, $0x38;
	[tilespmem:$0x18100] =	vst v63  }
0x40: {  	s25 =	rddreg [dreg:$0xa]  }
0x41: {  	[tilespmem:s28], [sflag:$0x2] =	stream.linear.gather [hbm4b:s25+s23], $0x2000, $0x38;
	[tilespmem:$0x18100] =	vst v63  }
0x42: {  	s28 =	rddreg [dreg:$0xb]  }
0x43: {  	[tilespmem:s29], [sflag:$0x3] =	stream.linear.gather [hbm4b:s28+s23], $0x2000, $0x38;
	[tilespmem:$0x18100] =	vst v63  }
0x44: {  	s29 =	rddreg [dreg:$0xc]  }
0x45: {  	[tilespmem:s30], [sflag:$0x3] =	stream.linear.gather [hbm4b:s29+s23], $0x2000, $0x38;
	[tilespmem:$0x18100] =	vst v63  }
0x46: {  	s30 =	rddreg [dreg:$0xd]  }
0x47: {  	[tilespmem:s3], [sflag:$0x4] =	stream.linear.gather [hbm4b:s30+s23], $0x2000, $0x38;
	[tilespmem:$0x18100] =	vst v63  }
0x48: {  	s1 =	simm.s32 $0xE000;
	s4 =	simm.s32 $0x6;
	s5 =	simm.s32 $0x0  }
0x49: {  	[tilespmem:s1], [sflag:$0x4] =	stream.linear.gather [hbm4b:s31+s23], $0x2000, $0x38;
	[tilespmem:$0x18100] =	vst v63  }
0x4a: {  	s6 =	simm.s32 $0x3D0900;
	s0 =	simm.s32 $0x0;
	s1 =	simm.s32 $0x3D0900  }
.LBB2_2:
0x4b: {  	[dreg:$0x12] =	wrdreg s0  }
0x4c: {  	s0 =	rddreg [dreg:$0x12]  }
0x4d: {  	s0 =	ssub.s32 s6, s0  }
0x4e: {  	v9 =	vmul.u32 s0, v3;
	_ =	sdelay $0x1  }
0x4f: {  	(v2sf) =	vpush v9, $0xD;
	_ =	sdelay $0x1  }
0x50: {  	(v2sf) =	vpush v9, $0xC  }
0x51: {  	(v2sf) =	vpush v9, $0xE;
	_ =	sdelay $0x1  }
0x52: {  	(v2sf) =	vpush v9, $0xF;
	_ =	sdelay $0x1  }
0x53: {  	(v2sf) =	vpush v9, $0x9;
	_ =	sdelay $0x2  }
0x54: {  	(v2sf) =	vpush v9, $0x8;
	_ =	sdelay $0x1  }
0x55: {  	(v2sf) =	vpush v9, $0xA  }
0x56: {  	(v2sf) =	vpush v9, $0xB;
	_ =	sdelay $0x1  }
0x57: {  	s16 =	spop (v2sf)  }
0x58: {  	(v2sf) =	vpush v9, $0x0;
	s7 =	smulhi.u32 $0x78787879, s16;
	s0 =	sshra.s32 s16, $0x1F  }
0x59: {  	s17 =	spop (v2sf);
	(v2sf) =	vpush v9, $0x1;
	s9 =	smul.u32 $0x78787879, s0  }
0x5a: {  	s8 =	smulhi.u32 $0x78787879, s17;
	s0 =	sshra.s32 s17, $0x1F;
	s18 =	spop (v2sf);
	(v2sf) =	vpush v9, $0x2  }
0x5b: {  	s24 =	smul.u32 $0x78787879, s0  }
0x5c: {  	s10 =	smulhi.u32 $0x78787879, s18;
	s0 =	sshra.s32 s18, $0x1F;
	s19 =	spop (v2sf);
	(v2sf) =	vpush v9, $0x3  }
0x5d: {  	[dreg:$0x16] =	wrdreg s6;
	s28 =	smul.u32 $0x78787879, s0  }
0x5e: {  	s11 =	smulhi.u32 $0x78787879, s19;
	s0 =	sshra.s32 s19, $0x1F;
	s20 =	spop (v2sf);
	(v2sf) =	vpush v9, $0x4  }
0x5f: {  	[dreg:$0x15] =	wrdreg s4;
	s30 =	smul.u32 $0x78787879, s0  }
0x60: {  	[dreg:$0x14] =	wrdreg s1;
	s12 =	smulhi.u32 $0x78787879, s20;
	s0 =	sshra.s32 s20, $0x1F  }
0x61: {  	s21 =	spop (v2sf);
	(v2sf) =	vpush v9, $0x5;
	s4 =	smul.u32 $0x78787879, s0  }
0x62: {  	[dreg:$0x13] =	wrdreg s5;
	s13 =	smulhi.u32 $0x78787879, s21;
	s0 =	sshra.s32 s21, $0x1F  }
0x63: {  	s22 =	spop (v2sf);
	(v2sf) =	vpush v9, $0x6;
	s2 =	smul.u32 $0x78787879, s0  }
0x64: {  	s14 =	smulhi.u32 $0x78787879, s22;
	s0 =	sshra.s32 s22, $0x1F;
	s23 =	spop (v2sf);
	(v2sf) =	vpush v9, $0x7  }
0x65: {  	s1 =	rddreg [dreg:$0x14];
	s3 =	smul.u32 $0x78787879, s0  }
0x66: {  	s1 =	ssub.s32 s1, s5;
	s15 =	smulhi.u32 $0x78787879, s23;
	s0 =	sshra.s32 s23, $0x1F  }
0x67: {  	v10 =	vmul.u32 s1, v3;
	s6 =	smul.u32 $0x78787879, s0;
	s25 =	spop (v2sf)  }
0x68: {  	s28 =	sadd.s32 s28, s10;
	s29 =	smulhi.u32 $0x78787879, s25;
	s31 =	spop (v2sf)  }
0x69: {  	(v2sf) =	vpush v10, $0xD;
	s0 =	sshra.s32 s25, $0x1F;
	s5 =	smulhi.u32 $0x78787879, s31;
	s16 =	spop (v2sf)  }
0x6a: {  	s10 =	sadd.s32 s4, s12;
	[smem:$0x7F1] =	sst s29;
	s29 =	smul.u32 $0x78787879, s0  }
0x6b: {  	(v2sf) =	vpush v10, $0xC;
	s0 =	sshra.s32 s31, $0x1F;
	s17 =	smulhi.u32 $0x78787879, s16;
	s18 =	spop (v2sf)  }
0x6c: {  	s12 =	sadd.s32 s6, s15;
	[smem:$0x7F2] =	sst s5;
	s25 =	smul.u32 $0x78787879, s0  }
0x6d: {  	(v2sf) =	vpush v10, $0xE;
	s5 =	sshra.s32 s16, $0x1F;
	s19 =	smulhi.u32 $0x78787879, s18;
	s22 =	spop (v2sf)  }
0x6e: {  	(v2sf) =	vpush v10, $0xF;
	s15 =	sld [smem:$0x7F1];
	s23 =	smul.u32 $0x78787879, s5;
	s5 =	sshra.s32 s18, $0x1F  }
0x6f: {  	[smem:$0x7F3] =	sst s17;
	s1 =	smul.u32 $0x78787879, s5  }
0x70: {  	s20 =	spop (v2sf);
	s5 =	smulhi.u32 $0x78787879, s22  }
0x71: {  	(v2sf) =	vpush v10, $0x9;
	[smem:$0x7F4] =	sst s19;
	s22 =	sshra.s32 s22, $0x1F;
	s21 =	smulhi.u32 $0x78787879, s20  }
0x72: {  	s30 =	sadd.s32 s30, s11;
	(v2sf) =	vpush v10, $0x8;
	s16 =	spop (v2sf);
	s31 =	smul.u32 $0x78787879, s22  }
0x73: {  	s22 =	sshra.s32 s20, $0x1F;
	s17 =	smulhi.u32 $0x78787879, s16;
	s19 =	spop (v2sf)  }
0x74: {  	s11 =	sadd.s32 s3, s14;
	(v2sf) =	vpush v10, $0xA;
	[smem:$0x7F5] =	sst s21;
	s21 =	smul.u32 $0x78787879, s22  }
0x75: {  	s3 =	sld [smem:$0x7F2];
	(v2sf) =	vpush v10, $0xB;
	s22 =	sshra.s32 s16, $0x1F;
	s20 =	smulhi.u32 $0x78787879, s19  }
0x76: {  	[smem:$0x7F6] =	sst s17;
	s18 =	smul.u32 $0x78787879, s22;
	s22 =	sshra.s32 s19, $0x1F  }
0x77: {  	[smem:$0x7F8] =	sst s20;
	s22 =	smul.u32 $0x78787879, s22  }
0x78: {  	s24 =	sadd.s32 s24, s8;
	[smem:$0x7F7] =	sst s18;
	s16 =	spop (v2sf)  }
0x79: {  	[smem:$0x7F9] =	sst s22;
	s17 =	smulhi.u32 $0x78787879, s16;
	s22 =	sshra.s32 s16, $0x1F  }
0x7a: {  	s13 =	sadd.s32 s2, s13;
	s18 =	spop (v2sf);
	s20 =	smul.u32 $0x78787879, s22  }
0x7b: {  	s6 =	sld [smem:$0x7F3];
	s29 =	sadd.s32 s29, s15;
	s19 =	smulhi.u32 $0x78787879, s18  }
0x7c: {  	s22 =	sadd.s32 s9, s7;
	s9 =	spop (v2sf);
	[smem:$0x7FA] =	sst s17  }
0x7d: {  	s0 =	sshra.s32 s18, $0x1F;
	s16 =	smulhi.u32 $0x78787879, s9;
	s17 =	spop (v2sf)  }
0x7e: {  	s25 =	sadd.s32 s25, s3;
	[smem:$0x7FB] =	sst s19;
	s19 =	smul.u32 $0x78787879, s0  }
0x7f: {  	s2 =	sld [smem:$0x7F6];
	s0 =	sshra.s32 s9, $0x1F;
	s7 =	smulhi.u32 $0x78787879, s17  }
0x80: {  	s8 =	spop (v2sf);
	s18 =	smul.u32 $0x78787879, s0;
	s0 =	sshra.s32 s17, $0x1F  }
0x81: {  	s23 =	sadd.s32 s23, s6;
	(v2sf) =	vpush v10, $0x0;
	s9 =	spop (v2sf);
	s17 =	smul.u32 $0x78787879, s0  }
0x82: {  	[smem:$0x7FD] =	sst s7;
	s0 =	sshra.s32 s8, $0x1F;
	s15 =	smulhi.u32 $0x78787879, s9  }
0x83: {  	s4 =	spop (v2sf);
	s14 =	smul.u32 $0x78787879, s0;
	s0 =	sshra.s32 s9, $0x1F  }
0x84: {  	s31 =	sadd.s32 s31, s5;
	s3 =	spop (v2sf);
	s9 =	smul.u32 $0x78787879, s0  }
0x85: {  	(v2sf) =	vpush v10, $0x1;
	s7 =	sld [smem:$0x7F4];
	s0 =	sshra.s32 s4, $0x1F;
	s5 =	smulhi.u32 $0x78787879, s3  }
0x86: {  	s6 =	smul.u32 $0x78787879, s0;
	s0 =	sshra.s32 s3, $0x1F;
	s3 =	sld [smem:$0x7F7]  }
0x87: {  	_ = 	snop  }
0x88: {  	[smem:$0x7FC] =	sst s16  }
0x89: {  	(v2sf) =	vpush v10, $0x2;
	s7 =	sadd.s32 s1, s7;
	s1 =	sadd.s32 s3, s2;
	s2 =	sld [smem:$0x7F9]  }
0x8a: {  	s16 =	smulhi.u32 $0x78787879, s8;
	[dreg:$0x1f] =	wrdreg s1  }
0x8b: {  	s8 =	smulhi.u32 $0x78787879, s4;
	s1 =	sld [smem:$0x7F8]  }
0x8c: {  	s4 =	sld [smem:$0x7F5];
	s14 =	sadd.s32 s14, s16  }
0x8d: {  	[dreg:$0x1e] =	wrdreg s14;
	s6 =	sadd.s32 s6, s8  }
0x8e: {  	[dreg:$0x1d] =	wrdreg s6;
	s1 =	sadd.s32 s2, s1  }
0x8f: {  	s21 =	sadd.s32 s21, s4;
	s4 =	smul.u32 $0x78787879, s0;
	[dreg:$0x17] =	wrdreg s1  }
0x90: {  	s8 =	sshra.s32 s29, $0x3;
	s0 =	spop (v2sf);
	s1 =	sld [smem:$0x7FA]  }
0x91: {  	s4 =	sadd.s32 s4, s5;
	s3 =	smulhi.u32 $0x78787879, s0;
	s0 =	sshra.s32 s0, $0x1F  }
0x92: {  	s6 =	sshra.s32 s28, $0x3;
	[dreg:$0x19] =	wrdreg s4;
	s2 =	smul.u32 $0x78787879, s0  }
0x93: {  	s4 =	sshra.s32 s22, $0x3;
	(v2sf) =	vpush v10, $0x3;
	s1 =	sadd.s32 s20, s1;
	s20 =	sld [smem:$0x7FB]  }
0x94: {  	s0 =	spop (v2sf);
	(v2sf) =	vpush v10, $0x4;
	s16 =	sadd.s32 s2, s3;
	s3 =	sshrl.u32 s24, $0x1F  }
0x95: {  	[dreg:$0x18] =	wrdreg s1;
	s1 =	smulhi.u32 $0x78787879, s0;
	s0 =	sshra.s32 s0, $0x1F  }
0x96: {  	s0 =	smul.u32 $0x78787879, s0;
	s20 =	sadd.s32 s19, s20;
	s19 =	sld [smem:$0x7FC]  }
0x97: {  	s2 =	sshrl.u32 s12, $0x1F;
	v12 =	vmov s3;
	s3 =	sshrl.u32 s23, $0x1F;
	[dreg:$0x1c] =	wrdreg s20  }
0x98: {  	s20 =	spop (v2sf);
	s5 =	sadd.s32 s0, s1;
	s1 =	sshrl.u32 s22, $0x1F  }
0x99: {  	(v2sf) =	vpush v10, $0x5;
	s22 =	sshrl.u32 s13, $0x1F;
	s18 =	sadd.s32 s18, s19;
	s19 =	sld [smem:$0x7FD]  }
0x9a: {  	s13 =	sshra.s32 s13, $0x3;
	s0 =	sshrl.u32 s25, $0x1F;
	(v2sf) =	vpush v10, $0x6;
	v12 =	vsel vm0, s1, v12;
	s1 =	sshra.s32 s25, $0x3  }
0x9b: {  	(v2sf) =	vpush v10, $0x7;
	[dreg:$0x1b] =	wrdreg s18;
	s18 =	smulhi.u32 $0x78787879, s20;
	s20 =	sshra.s32 s20, $0x1F  }
0x9c: {  	s25 =	sshra.s32 s25, $0x1F;
	s17 =	sadd.s32 s17, s19;
	s19 =	smul.u32 $0x78787879, s20  }
0x9d: {  	s20 =	sadd.s32 s9, s15;
	s9 =	sshra.s32 s24, $0x3;
	s15 =	sshrl.u32 s28, $0x1F  }
0x9e: {  	s28 =	sshrl.u32 s29, $0x1F;
	s29 =	sshra.s32 s29, $0x1F;
	[dreg:$0x1a] =	wrdreg s17  }
0x9f: {  	s17 =	sshrl.u32 s30, $0x1F;
	s30 =	sshra.s32 s30, $0x3;
	v11 =	vmov s28;
	s28 =	sshrl.u32 s11, $0x1F  }
0xa0: {  	s11 =	sshra.s32 s11, $0x3;
	v12 =	vsel vm1, s15, v12;
	s15 =	sshra.s32 s23, $0x3;
	s23 =	sshra.s32 s23, $0x1F;
	v11 =	vnsel vm3, $0x0, v11  }
0xa1: {  	v13 =	vmov s22;
	v16 =	vmov s13;
	s14 =	sadd.s32 s19, s18;
	s18 =	sshrl.u32 s10, $0x1F;
	s10 =	sshra.s32 s10, $0x3;
	v11 =	vsel vm0, s0, v11  }
0xa2: {  	s19 =	sshra.s32 s12, $0x3;
	s12 =	sshrl.u32 s7, $0x1F;
	v12 =	vsel vm2, s17, v12;
	s17 =	spop (v2sf);
	v16 =	vsel vm0, s10, v16;
	v11 =	vsel vm1, s3, v11  }
0xa3: {  	v15 =	vmov s9;
	s0 =	sshrl.u32 s31, $0x1F;
	s24 =	spop (v2sf);
	v16 =	vsel vm1, s11, v16;
	s11 =	rddreg [dreg:$0x1a];
	v11 =	vsel vm2, s12, v11  }
0xa4: {  	s9 =	sshra.s32 s31, $0x3;
	v15 =	vsel vm0, s4, v15;
	v13 =	vsel vm0, s18, v13;
	s18 =	smulhi.u32 $0x78787879, s17;
	v11 =	vsel vm4, s0, v11;
	s0 =	rddreg [dreg:$0x17]  }
0xa5: {  	v15 =	vsel vm1, s6, v15;
	s3 =	sshrl.u32 s21, $0x1F;
	v16 =	vsel vm2, s19, v16;
	s19 =	rddreg [dreg:$0x1e];
	s12 =	sshra.s32 s0, $0x1F  }
0xa6: {  	v13 =	vsel vm1, s28, v13;
	s28 =	sshra.s32 s17, $0x1F;
	v15 =	vsel vm2, s30, v15;
	s30 =	sshrl.u32 s19, $0x1F;
	v14 =	vmov s12;
	s12 =	rddreg [dreg:$0x1f]  }
0xa7: {  	s10 =	sshra.s32 s19, $0x3;
	v11 =	vsel vm5, s3, v11;
	s3 =	sshra.s32 s7, $0x3;
	s22 =	sshrl.u32 s12, $0x1F  }
0xa8: {  	v14 =	vsel vm3, s8, v14;
	s8 =	sshra.s32 s7, $0x1F;
	v11 =	vsel vm6, s22, v11;
	s22 =	sshrl.u32 s0, $0x1F;
	s7 =	spop (v2sf)  }
0xa9: {  	s19 =	sshrl.u32 s16, $0x1F;
	v14 =	vsel vm10, s29, v14;
	s0 =	sshra.s32 s21, $0x1F;
	v11 =	vsel vm7, s22, v11;
	s22 =	spop (v2sf)  }
0xaa: {  	v14 =	vsel vm0, s1, v14;
	s1 =	smul.u32 $0x78787879, s28;
	s28 =	sshra.s32 s21, $0x3;
	s29 =	spop (v2sf)  }
0xab: {  	v13 =	vsel vm2, s2, v13;
	s4 =	smulhi.u32 $0x78787879, s29;
	s2 =	sshra.s32 s29, $0x1F;
	s29 =	rddreg [dreg:$0x1c]  }
0xac: {  	vm14 =	vcmask $0x1714;
	v12 =	vcombine.low v13, v12;
	v14 =	vsel vm11, s25, v14;
	s25 =	sshra.s32 s31, $0x1F;
	s31 =	sshra.s32 s12, $0x3;
	s13 =	sshrl.u32 s29, $0x1F  }
0xad: {  	v55 =	vmov s19;
	s19 =	smulhi.u32 $0x78787879, s22;
	v14 =	vsel vm1, s15, v14;
	s15 =	sshrl.u32 s20, $0x1F;
	v17 =	vmov s13;
	s13 =	rddreg [dreg:$0x18]  }
0xae: {  	v51 =	vcombine.low v16, v15;
	v12 =	vperm.xlane v12, v4;
	s6 =	smul.u32 $0x78787879, s2;
	v18 =	vmov s15;
	s15 =	rddreg [dreg:$0x1b];
	s17 =	sshrl.u32 s13, $0x1F  }
0xaf: {  	v11 =	vperm.xlane v11, v5;
	s1 =	sadd.s32 s1, s18;
	v14 =	vsel vm14, s23, v14;
	s21 =	sshrl.u32 s15, $0x1F;
	v17 =	vsel vm0, s17, v17;
	s17 =	rddreg [dreg:$0x1d]  }
0xb0: {  	s2 =	sshrl.u32 s11, $0x1F;
	v14 =	vsel vm2, s3, v14;
	v18 =	vsel vm0, s30, v18;
	s3 =	sshrl.u32 s17, $0x1F;
	v17 =	vsel vm1, s21, v17;
	s21 =	sadd.s32 s6, s4  }
0xb1: {  	v13 =	vperm.xlane v51, v4;
	s30 =	sshra.s32 s29, $0x3;
	v14 =	vsel vm15, s8, v14;
	v18 =	vsel vm1, s3, v18;
	s3 =	rddreg [dreg:$0x19];
	s8 =	sshra.s32 s21, $0x1F  }
0xb2: {  	v11 =	vsel vm8, v11, v12;
	v19 =	vmov s30;
	s4 =	sshra.s32 s13, $0x3;
	s13 =	sshra.s32 s16, $0x3;
	s18 =	sshrl.u32 s3, $0x1F;
	v21 =	vmov s8  }
0xb3: {  	s29 =	sshra.s32 s5, $0x3;
	v14 =	vsel vm4, s9, v14;
	s6 =	sshra.s32 s20, $0x3;
	v18 =	vsel vm2, s18, v18;
	v21 =	vsel vm3, s13, v21;
	s18 =	sshra.s32 s16, $0x1F  }
0xb4: {  	s9 =	sshra.s32 s15, $0x3;
	s15 =	sshra.s32 s11, $0x3;
	s11 =	sshra.s32 s24, $0x1F;
	v17 =	vsel vm2, s2, v17;
	v20 =	vmov s6;
	v21 =	vsel vm10, s18, v21  }
0xb5: {  	s17 =	sshra.s32 s17, $0x3;
	s20 =	sshrl.u32 s5, $0x1F;
	s5 =	sshra.s32 s5, $0x1F;
	v19 =	vsel vm0, s4, v19;
	v20 =	vsel vm0, s10, v20;
	v52 =	vsel vm0, s29, v21  }
0xb6: {  	v19 =	vsel vm1, s9, v19;
	s9 =	sshra.s32 s3, $0x3;
	s10 =	smulhi.u32 $0x78787879, s24;
	v20 =	vsel vm1, s17, v20;
	s13 =	sshra.s32 s14, $0x3;
	v15 =	vsel vm11, s5, v52  }
0xb7: {  	v19 =	vsel vm2, s15, v19;
	s15 =	sshrl.u32 s1, $0x1F;
	s16 =	sshra.s32 s14, $0x1F;
	v54 =	vsel vm2, s9, v20;
	s9 =	smul.u32 $0x78787879, s11;
	v15 =	vsel vm1, s13, v15  }
0xb8: {  	s17 =	smulhi.u32 $0x78787879, s7;
	s7 =	sshra.s32 s7, $0x1F;
	v53 =	vcombine.low v18, v17;
	s18 =	sshra.s32 s1, $0x3;
	v18 =	vnsel vm3, $0x0, v55;
	v15 =	vsel vm14, s16, v15  }
0xb9: {  	s7 =	smul.u32 $0x78787879, s7;
	s1 =	sshra.s32 s1, $0x1F;
	vm10 =	vcmask $0x2724;
	v17 =	vcombine.low v54, v19;
	s8 =	sadd.s32 s9, s10;
	v15 =	vsel vm2, s18, v15  }
0xba: {  	s30 =	sshrl.u32 s14, $0x1F;
	v14 =	vsel vm10, s25, v14;
	v18 =	vsel vm0, s20, v18;
	s20 =	sshra.s32 s22, $0x1F;
	s24 =	sshra.s32 s8, $0x3;
	v15 =	vsel vm15, s1, v15  }
0xbb: {  	v14 =	vsel vm5, s28, v14;
	v18 =	vsel vm1, s30, v18;
	s2 =	sadd.s32 s7, s17;
	s4 =	smul.u32 $0x78787879, s20;
	s25 =	sshra.s32 s8, $0x1F;
	v15 =	vsel vm4, s24, v15  }
0xbc: {  	s28 =	sshra.s32 s12, $0x1F;
	s7 =	rddreg [dreg:$0x17];
	v16 =	vperm.xlane v53, v4;
	v14 =	vsel vm9, s0, v14;
	s30 =	sshra.s32 s2, $0x3;
	v15 =	vsel vm10, s25, v15  }
0xbd: {  	v18 =	vsel vm2, s15, v18;
	s29 =	sshrl.u32 s8, $0x1F;
	v14 =	vsel vm6, s31, v14;
	s3 =	sadd.s32 s4, s19;
	s4 =	sshra.s32 s2, $0x1F;
	v15 =	vsel vm5, s30, v15  }
0xbe: {  	s0 =	sshra.s32 s7, $0x3;
	v18 =	vsel vm4, s29, v18;
	s31 =	sshrl.u32 s2, $0x1F;
	v14 =	vsel vm12, s28, v14;
	s11 =	sshra.s32 s3, $0x3;
	v15 =	vsel vm9, s4, v15  }
0xbf: {  	v18 =	vsel vm5, s31, v18;
	s10 =	sshrl.u32 s3, $0x1F;
	s13 =	sshra.s32 s3, $0x1F;
	v14 =	vsel vm7, s0, v14;
	v15 =	vsel vm6, s11, v15  }
0xc0: {  	s14 =	sshra.s32 s21, $0x3;
	s12 =	sshrl.u32 s21, $0x1F;
	v18 =	vsel vm6, s10, v18;
	v14 =	vperm.xlane v14, v5;
	v15 =	vsel vm12, s13, v15  }
0xc1: {  	v17 =	vperm.xlane v17, v4;
	v18 =	vsel vm7, s12, v18;
	v15 =	vsel vm7, s14, v15  }
0xc2: {  	v18 =	vperm.xlane v18, v5;
	v56 =	vsel vm8, v14, v13;
	v15 =	vperm.xlane v15, v5  }
0xc3: {  	v11 =	vadd.s32 v11, v56  }
0xc4: {  	v57 =	vsel vm8, v18, v16;
	v59 =	vmul.u32 $0xFFFFFFEF, v11;
	v58 =	vsel vm8, v15, v17  }
0xc5: {  	v60 =	vsub.s32 $0x0, v9;
	vm14 =	vmmov vm11;
	v12 =	vadd.s32 v57, v58  }
0xc6: {  	s15 =	rddreg [dreg:$0x12];
	vm11 =	vlt.s32 v9, $0x1;
	vm10 =	vne.s32 v59, v60;
	v61 =	vmul.u32 $0xFFFFFFEF, v12  }
0xc7: {  	v9 =	vsub.s32 $0x0, v10;
	v11 =	vadd.s32 s15, v11;
	vm10 =	vmand vm11, vm10  }
0xc8: {  	vm11 =	vne.s32 v61, v9;
	v9 =	vsel vm10, $0xFFFFFFFF, v6;
	vm10 =	vlt.s32 v10, $0x1  }
0xc9: {  	s16 =	rddreg [dreg:$0x13];
	vm10 =	vmand vm10, vm11;
	v9 =	vadd.s32 v9, v11  }
0xca: {  	v11 =	vadd.s32 s16, v12;
	v10 =	vsel vm10, $0xFFFFFFFF, v6;
	vm10 =	vlt.s32 v9, $0x3D08FF  }
0xcb: {  	v9 =	vnsel vm10, $0x3D08FF, v9;
	v10 =	vadd.s32 v10, v11  }
0xcc: {  	vm10 =	vlt.s32 v10, $0x3D08FF  }
0xcd: {  	v10 =	vnsel vm10, $0x3D08FF, v10  }
0xce: {  	s22 =	rddreg [dreg:$0x1]  }
0xcf: {  	s23 =	simm.s32 $0x0;
	s17 =	rddreg [dreg:$0x4]  }
0xd0: {  	[tilespmem:s17], [sflag:$0x5] =	stream.indirect_vreg.gather [hbm4b:s22+s23], $0x1, v9, vm13, $0xb8;
	[tilespmem:$0x18100] =	vst v63  }
0xd1: {  	s9 =	simm.s32 $0x5;
	s18 =	rddreg [dreg:$0x5]  }
0xd2: {  	[tilespmem:s18], [sflag:$0x6] =	stream.indirect_vreg.gather [hbm4b:s22+s23], $0x1, v10, vm13, $0xb8;
	[tilespmem:$0x18100] =	vst v63  }
0xd3: {  	s6 =	rddreg [dreg:$0x16];
	_ =	swait.ge [sflag:s9], $0x10  }
0xd4: {  	[sflag:s9] =	ssyncset.done $0x0  }
0xd5: {  	s8 =	simm.s32 $0x6;
	[sflag:s9] =	ssyncadd.s32 $0xFFFFFFF0  }
0xd6: {  	_ =	swait.ge [sflag:s8], $0x10  }
0xd7: {  	[sflag:s8] =	ssyncset.done $0x0  }
0xd8: {  	[sflag:s8] =	ssyncadd.s32 $0xFFFFFFF0  }
0xd9: {  	v11 =	vld [tilespmem:$0x18000];
	_ =	sdelay $0x2  }
0xda: {  	v62 =	vld [tilespmem:$0x18080];
	_ =	sdelay $0x1  }
0xdb: {  	s19 =	rddreg [dreg:$0x12];
	vm10 =	vlt.s32 v11, v0;
	v11 =	vadd.s32 $0x1, v9  }
0xdc: {  	v11 =	vnsel vm10, s19, v11  }
0xdd: {  	v9 =	vsel vm10, s6, v9;
	v11 =	vxor.u32 $0x80000000, v11  }
0xde: {  	v63 =	vadd.s32 $0x1, v10;
	s5 =	rddreg [dreg:$0x13];
	vm10 =	vlt.s32 v62, v2;
	v9 =	vxor.u32 $0x80000000, v9;
	(xrf0) =	vmax.scan.msk.u32 $0xffff, v11  }
0xdf: {  	s20 =	rddreg [dreg:$0x14];
	v11 =	vnsel vm10, s5, v63;
	(xrf0) =	vmin.scan.msk.u32 $0xffff, v9  }
0xe0: {  	v10 =	vsel vm10, s20, v10;
	v9 =	vxor.u32 $0x80000000, v11  }
0xe1: {  	(xrf0) =	vmax.scan.msk.u32 $0xffff, v9;
	v9 =	vxor.u32 $0x80000000, v10;
	_ =	sdelay $0x2  }
0xe2: {  	(xrf0) =	vmin.scan.msk.u32 $0xffff, v9;
	v9, _, _ =	vpop (xrf0)  }
0xe3: {  	v10, _, _ =	vpop (xrf0);
	(v2sf) =	vpush v9, $0xF  }
0xe4: {  	(v2sf) =	vpush v10, $0xF;
	_ =	sdelay $0x2  }
0xe5: {  	v9, _, _ =	vpop (xrf0)  }
0xe6: {  	(v2sf) =	vpush v9, $0xF;
	v9, _, _ =	vpop (xrf0)  }
0xe7: {  	(v2sf) =	vpush v9, $0xF;
	_ =	sdelay $0x7  }
0xe8: {  	s28 =	rddreg [dreg:$0x12]  }
0xe9: {  	s4 =	rddreg [dreg:$0x12];
	s21 =	spop (v2sf)  }
0xea: {  	s31 =	rddreg [dreg:$0x15];
	s24 =	spop (v2sf)  }
0xeb: {  	p0 =	sgt.s32 s6, s28;
	s0 =	sxor.u32 $0x80000000, s21;
	s1 =	sxor.u32 $0x80000000, s24  }
0xec: {  	s4 =	smov.u32 @p0 s0;
	s6 =	smov.u32 @p0 s1;
	p0 =	sne.s32 s31, $0x1  }
.Ltmp2:
0xed: {  	s29 =	rddreg [dreg:$0x14];
	(pc) =	sbr.rel @p0 .LBB2_2-.Ltmp2, $4  }
0xee: {  	p1 =	sgt.s32 s29, s5;
	s25 =	spop (v2sf)  }
0xef: {  	s30 =	spop (v2sf);
	s2 =	sxor.u32 $0x80000000, s25;
	[dreg:$0x12] =	wrdreg s4  }
0xf0: {  	s1 =	rddreg [dreg:$0x14];
	s4 =	sadd.s32 $0xFFFFFFFF, s31;
	s3 =	sxor.u32 $0x80000000, s30  }
0xf1: {  	vm11 =	vmmov vm14;
	vm10 =	vcmask $0x704;
	s0 =	rddreg [dreg:$0x12];
	s5 =	smov.u32 @p1 s2;
	s1 =	smov.u32 @p1 s3  }
0xf2: {  	s31 =	sand.u32 $0xFFFFFFF8, s0;
	s25 =	rddreg [dreg:$0x6]  }
0xf3: {  	p0 =	seq.s32 s31, s25  }
.Ltmp3:
0xf4: {  	_ = 	snop;
	(pc) =	sbr.rel @p0 .LBB2_5-.Ltmp3, $3  }
0xf5: {  	_ =	sdelay $0x1  }
0xf6: {  	s4 =	rddreg [dreg:$0x0];
	s24 =	simm.s32 $0x8000;
	s28 =	simm.s32 $0xA000  }
0xf7: {  	s29 =	simm.s32 $0x4000;
	s30 =	simm.s32 $0xC000;
	s25 =	simm.s32 $0x2000  }
0xf8: {  	s1 =	simm.s32 $0x1  }
0xf9: {  	_ =	swait.ge [sflag:s1], $0x2000  }
0xfa: {  	[sflag:s1] =	ssyncset.done $0x0  }
0xfb: {  	p0 =	slt.s32 s31, $0x3CE900;
	s0 =	smov.u32 s31;
	[sflag:s1] =	ssyncadd.s32 $0xFFFFE000  }
0xfc: {  	s0 =	simm.s32 @!p0 $0x3CE900;
	_ =	swait.ge [sflag:s1], $0x2000  }
0xfd: {  	s0 =	sshrl.u32 s0, $0x3;
	[sflag:s1] =	ssyncset.done $0x0  }
0xfe: {  	s14 =	sadd.s32 s22, s0;
	[sflag:s1] =	ssyncadd.s32 $0xFFFFE000  }
0xff: {  	[tilespmem:s23], [sflag:$0x1] =	stream.linear.gather [hbm4b:s14+s23], $0x2000, $0x38;
	[tilespmem:$0x18100] =	vst v63  }
0x100: {  	s15 =	simm.s32 $0x2;
	s0 =	sadd.s32 s4, s0  }
0x101: {  	[tilespmem:s24], [sflag:$0x1] =	stream.linear.gather [hbm4b:s0+s23], $0x2000, $0x38;
	[tilespmem:$0x18100] =	vst v63  }
0x102: {  	_ =	swait.ge [sflag:s15], $0x2000  }
0x103: {  	s0 =	sadd.s32 $0x2000, s31;
	[sflag:s15] =	ssyncset.done $0x0  }
0x104: {  	p0 =	slt.s32 s0, $0x3CE900;
	[sflag:s15] =	ssyncadd.s32 $0xFFFFE000  }
0x105: {  	s0 =	simm.s32 @!p0 $0x3CE900;
	_ =	swait.ge [sflag:s15], $0x2000  }
0x106: {  	s0 =	sshrl.u32 s0, $0x3;
	[sflag:s15] =	ssyncset.done $0x0  }
0x107: {  	s16 =	sadd.s32 s22, s0;
	[sflag:s15] =	ssyncadd.s32 $0xFFFFE000  }
0x108: {  	[tilespmem:s25], [sflag:$0x2] =	stream.linear.gather [hbm4b:s16+s23], $0x2000, $0x38;
	[tilespmem:$0x18100] =	vst v63  }
0x109: {  	s17 =	simm.s32 $0x3;
	s0 =	sadd.s32 s4, s0  }
0x10a: {  	[tilespmem:s28], [sflag:$0x2] =	stream.linear.gather [hbm4b:s0+s23], $0x2000, $0x38;
	[tilespmem:$0x18100] =	vst v63  }
0x10b: {  	_ =	swait.ge [sflag:s17], $0x2000  }
0x10c: {  	s0 =	sadd.s32 $0x4000, s31;
	[sflag:s17] =	ssyncset.done $0x0  }
0x10d: {  	p0 =	slt.s32 s0, $0x3CE900;
	[sflag:s17] =	ssyncadd.s32 $0xFFFFE000  }
0x10e: {  	s0 =	simm.s32 @!p0 $0x3CE900;
	_ =	swait.ge [sflag:s17], $0x2000  }
0x10f: {  	s0 =	sshrl.u32 s0, $0x3;
	[sflag:s17] =	ssyncset.done $0x0  }
0x110: {  	s18 =	sadd.s32 s22, s0;
	[sflag:s17] =	ssyncadd.s32 $0xFFFFE000  }
0x111: {  	[tilespmem:s29], [sflag:$0x3] =	stream.linear.gather [hbm4b:s18+s23], $0x2000, $0x38;
	[tilespmem:$0x18100] =	vst v63  }
0x112: {  	s19 =	simm.s32 $0x4;
	s0 =	sadd.s32 s4, s0  }
0x113: {  	[tilespmem:s30], [sflag:$0x3] =	stream.linear.gather [hbm4b:s0+s23], $0x2000, $0x38;
	[tilespmem:$0x18100] =	vst v63  }
0x114: {  	_ =	swait.ge [sflag:s19], $0x2000  }
0x115: {  	s0 =	sadd.s32 $0x6000, s31;
	[sflag:s19] =	ssyncset.done $0x0  }
0x116: {  	p0 =	slt.s32 s0, $0x3CE900;
	[sflag:s19] =	ssyncadd.s32 $0xFFFFE000  }
0x117: {  	s0 =	simm.s32 @!p0 $0x3CE900;
	_ =	swait.ge [sflag:s19], $0x2000  }
0x118: {  	s0 =	sshrl.u32 s0, $0x3;
	[sflag:s19] =	ssyncset.done $0x0  }
0x119: {  	s2 =	simm.s32 $0x6000;
	s20 =	sadd.s32 s22, s0;
	[sflag:s19] =	ssyncadd.s32 $0xFFFFE000  }
0x11a: {  	[tilespmem:s2], [sflag:$0x4] =	stream.linear.gather [hbm4b:s20+s23], $0x2000, $0x38;
	[tilespmem:$0x18100] =	vst v63  }
0x11b: {  	s21 =	simm.s32 $0xE000;
	s0 =	sadd.s32 s4, s0  }
0x11c: {  	[tilespmem:s21], [sflag:$0x4] =	stream.linear.gather [hbm4b:s0+s23], $0x2000, $0x38;
	[tilespmem:$0x18100] =	vst v63  }
.LBB2_5:
0x11d: {  	s0 =	ssub.s32 s5, s31  }
0x11e: {  	s0 =	sadd.s32 $0x1FFF, s0  }
0x11f: {  	s1 =	sand.u32 $0x1FFF, s0  }
0x120: {  	s2 =	sshra.s32 s0, $0x1F;
	p0 =	slt.s32 s0, $0x1;
	p1 =	sne.s32 s1, $0x0  }
0x121: {  	s21 =	sshrl.u32 s2, $0x13;
	p0 =	por !p0, !p1  }
0x122: {  	s1 =	simm.s32 $0x1;
	s0 =	sadd.s32 s21, s0;
	p0 =	por !p0, !p0  }
0x123: {  	s0 =	sshra.s32 s0, $0xD;
	s1 =	simm.s32 @!p0 $0x0  }
0x124: {  	s2 =	simm.s32 $0x200;
	s0 =	ssub.s32 s0, s1;
	s1 =	simm.s32 $0x0  }
.LBB2_6:
0x125: {  	p0 =	sne.s32 s2, $0x1FE00;
	[tilespmem:s1+$0x10070] =	vst v7  }
0x126: {  	[tilespmem:s1+$0x10000] =	vst v7  }
0x127: {  	[tilespmem:s1+$0x10010] =	vst v7  }
.Ltmp4:
0x128: {  	[tilespmem:s1+$0x10020] =	vst v7;
	(pc) =	sbr.rel @p0 .LBB2_6-.Ltmp4, $4  }
0x129: {  	[tilespmem:s1+$0x10030] =	vst v7  }
0x12a: {  	[tilespmem:s1+$0x10040] =	vst v7  }
0x12b: {  	[tilespmem:s1+$0x10050] =	vst v7  }
0x12c: {  	[tilespmem:s1+$0x10060] =	vst v7;
	s1 =	sshra.s32 s2, $0x2;
	s2 =	sadd.s32 $0x200, s2  }
0x12d: {  	s2 =	sadd.s32 $0x3, s0  }
0x12e: {  	s3 =	sand.u32 $0x3, s2  }
0x12f: {  	p0 =	slt.s32 s0, $0xFFFFFFFE;
	p1 =	sne.s32 s3, $0x0  }
0x130: {  	s21 =	sshrl.u32 s2, $0x1E;
	p0 =	por !p0, !p1  }
0x131: {  	s2 =	sadd.s32 s21, s2;
	s3 =	simm.s32 $0x1;
	p0 =	por !p0, !p0  }
0x132: {  	[tilespmem:s1+$0x10070] =	vst v7;
	s2 =	sshra.s32 s2, $0x2;
	s3 =	simm.s32 @!p0 $0x0  }
0x133: {  	[tilespmem:s1+$0x10000] =	vst v7;
	s7 =	ssub.s32 s2, s3  }
0x134: {  	[tilespmem:s1+$0x10010] =	vst v7;
	p0 =	slt.s32 s7, $0x1  }
.Ltmp5:
0x135: {  	[tilespmem:s1+$0x10020] =	vst v7;
	(pc) =	sbr.rel @p0 .LBB2_30-.Ltmp5, $4  }
0x136: {  	[tilespmem:s1+$0x10030] =	vst v7  }
0x137: {  	[tilespmem:s1+$0x10040] =	vst v7  }
0x138: {  	[tilespmem:s1+$0x10050] =	vst v7  }
0x139: {  	[tilespmem:s1+$0x10060] =	vst v7;
	vm3 =	vcmask $0x300;
	s3 =	simm.s32 $0x6000  }
.Ltmp6:
0x13a: {  	(pc) =	sbr.rel .LBB2_9-.Ltmp6, $4  }
0x13b: {  	s8 =	sadd.s32 $0xFFFFFFFF, s0  }
0x13c: {  	s9 =	sadd.s32 $0x8000, s31;
	s10 =	sadd.s32 $0xA000, s31;
	s11 =	sadd.s32 $0xC000, s31  }
0x13d: {  	s12 =	sadd.s32 $0xE000, s31;
	s13 =	sadd.s32 $0x2000, s31;
	s14 =	sadd.s32 $0x4000, s31  }
0x13e: {  	v9 =	vmov s5;
	s15 =	sadd.s32 $0x6000, s31;
	s5 =	simm.s32 $0x0;
	s6 =	smov.u32 s31  }
.LBB2_29:
0x13f: {  	s0 =	sadd.s32 s0, s12  }
0x140: {  	s5 =	sadd.s32 $0x1, s5;
	p0 =	slt.s32 s0, $0x3CE900  }
0x141: {  	s0 =	simm.s32 @!p0 $0x3CE900;
	p0 =	sne.s32 s5, s7  }
.Ltmp7:
0x142: {  	s21 =	simm.s32 $0xE000;
	s0 =	sshrl.u32 s0, $0x3;
	(pc) =	sbr.rel @!p0 .LBB2_30-.Ltmp7, $4  }
0x143: {  	s6 =	sadd.s32 $0x8000, s6;
	s13 =	sadd.s32 $0x8000, s13;
	s1 =	sadd.s32 s22, s0  }
0x144: {  	[tilespmem:s3], [sflag:$0x4] =	stream.linear.gather [hbm4b:s1+s23], $0x2000, $0x38;
	[tilespmem:$0x18100] =	vst v63  }
0x145: {  	s14 =	sadd.s32 $0x8000, s14;
	s15 =	sadd.s32 $0x8000, s15;
	s0 =	sadd.s32 s4, s0  }
0x146: {  	vm10 =	vcmask $0x704;
	vm11 =	vmmov vm14;
	[tilespmem:s21], [sflag:$0x4] =	stream.linear.gather [hbm4b:s0+s23], $0x2000, $0x38;
	[tilespmem:$0x18100] =	vst v63  }
.LBB2_9:
0x147: {  	s16 =	sshll.u32 s5, $0x2  }
0x148: {  	p0 =	seq.s32 s16, $0x0  }
0x149: {  	s0 =	simm.s32 $0x1;
	p1 =	slt.s32 @!p0 s16, s8  }
0x14a: {  	_ =	swait.ge [sflag:s0], $0x2000;
	p0 =	por p0, !p1  }
.Ltmp8:
0x14b: {  	[sflag:s0] =	ssyncset.done $0x0;
	(pc) =	sbr.rel @p0 .LBB2_12-.Ltmp8, $4  }
0x14c: {  	[sflag:s0] =	ssyncadd.s32 $0xFFFFE000  }
0x14d: {  	_ =	swait.ge [sflag:s0], $0x2000  }
0x14e: {  	[sflag:s0] =	ssyncset.done $0x0  }
0x14f: {  	[sflag:s0] =	ssyncadd.s32 $0xFFFFE000;
	s0 =	sshll.u32 s5, $0xF  }
0x150: {  	s1 =	simm.s32 $0x80  }
0x151: {  	v10 =	vld [tilespmem:s1+$0x70]  }
0x152: {  	s17 =	simm.s32 $0x8080;
	v11 =	vld [tilespmem:s1+$0xFFFFFF90]  }
0x153: {  	v12 =	vld [tilespmem:s17+$0x70]  }
0x154: {  	v13 =	vld [tilespmem:s1+$0xFFFFFFA0]  }
0x155: {  	v14 =	vld [tilespmem:s1+$0xFFFFFFB0]  }
0x156: {  	v15 =	vld [tilespmem:s1+$0xFFFFFFC0]  }
0x157: {  	v16 =	vld [tilespmem:s1+$0xFFFFFFD0]  }
0x158: {  	v17 =	vld [tilespmem:s1+$0xFFFFFFE0]  }
0x159: {  	v47 =	vld [tilespmem:s1+$0xFFFFFFF0]  }
0x15a: {  	v18 =	vld [tilespmem:s1+$0x0]  }
0x15b: {  	v19 =	vld [tilespmem:s1+$0x10]  }
0x15c: {  	v20 =	vld [tilespmem:s1+$0x20]  }
0x15d: {  	v21 =	vld [tilespmem:s1+$0xFFFFFF80]  }
0x15e: {  	v22 =	vld [tilespmem:s1+$0x40]  }
0x15f: {  	v23 =	vld [tilespmem:s17+$0xFFFFFF80]  }
0x160: {  	v24 =	vld [tilespmem:s1+$0x50]  }
0x161: {  	v25 =	vld [tilespmem:s17+$0xFFFFFF90]  }
0x162: {  	v26 =	vld [tilespmem:s1+$0x60]  }
0x163: {  	v27 =	vld [tilespmem:s17+$0xFFFFFFA0]  }
0x164: {  	v28 =	vld [tilespmem:s17+$0xFFFFFFB0]  }
0x165: {  	v48 =	vld [tilespmem:s17+$0xFFFFFFC0]  }
0x166: {  	v29 =	vld [tilespmem:s17+$0xFFFFFFD0]  }
0x167: {  	v49 =	vld [tilespmem:s17+$0xFFFFFFE0]  }
0x168: {  	v30 =	vld [tilespmem:s17+$0xFFFFFFF0]  }
0x169: {  	v50 =	vld [tilespmem:s17+$0x0];
	v10 =	vshll.u32 v10, $0x7  }
0x16a: {  	v52 =	vld [tilespmem:s17+$0x10];
	v10 =	vand.u32 $0x7F80, v10  }
0x16b: {  	v53 =	vld [tilespmem:s17+$0x20];
	v11 =	vshll.u32 v11, $0x7;
	v10 =	vor.u32 v12, v10  }
0x16c: {  	v54 =	vld [tilespmem:s17+$0x30];
	v21 =	vshll.u32 v21, $0x7;
	v11 =	vand.u32 $0x7F80, v11  }
0x16d: {  	v55 =	vld [tilespmem:s17+$0x40];
	v15 =	vshll.u32 v15, $0x7;
	v21 =	vand.u32 $0x7F80, v21;
	v11 =	vor.u32 v25, v11  }
0x16e: {  	v56 =	vld [tilespmem:s17+$0x50];
	v16 =	vshll.u32 v16, $0x7;
	v15 =	vand.u32 $0x7F80, v15;
	v21 =	vor.u32 v23, v21  }
0x16f: {  	v57 =	vld [tilespmem:s17+$0x60];
	v17 =	vshll.u32 v17, $0x7;
	v16 =	vand.u32 $0x7F80, v16;
	v15 =	vor.u32 v48, v15  }
0x170: {  	v17 =	vand.u32 $0x7F80, v17;
	v12 =	vshll.u32 v47, $0x7;
	v16 =	vor.u32 v29, v16;
	[tilespmem:v10+s26+$0x0] =	vst.idx.add.f32.msk $0xffff, v8  }
0x171: {  	v13 =	vshll.u32 v13, $0x7;
	v17 =	vor.u32 v49, v17;
	v12 =	vand.u32 $0x7F80, v12;
	v10 =	vld [tilespmem:s1+$0x30]  }
0x172: {  	v51 =	vshll.u32 v14, $0x7;
	v12 =	vor.u32 v30, v12;
	[tilespmem:v11+s26+$0x0] =	vst.idx.add.f32.msk $0xffff, v8;
	v11 =	vand.u32 $0x7F80, v13  }
0x173: {  	v18 =	vshll.u32 v18, $0x7;
	[tilespmem:v21+s26+$0x0] =	vst.idx.add.f32.msk $0xffff, v8;
	v13 =	vand.u32 $0x7F80, v51;
	v11 =	vor.u32 v27, v11  }
0x174: {  	v60 =	vshll.u32 v22, $0x7;
	v18 =	vand.u32 $0x7F80, v18;
	[tilespmem:v15+s26+$0x0] =	vst.idx.add.f32.msk $0xffff, v8;
	v13 =	vor.u32 v28, v13  }
0x175: {  	v61 =	vshll.u32 v24, $0x7;
	v14 =	vand.u32 $0x7F80, v60;
	v18 =	vor.u32 v50, v18;
	[tilespmem:v16+s26+$0x0] =	vst.idx.add.f32.msk $0xffff, v8  }
0x176: {  	v62 =	vshll.u32 v26, $0x7;
	v14 =	vor.u32 v55, v14;
	[tilespmem:v17+s26+$0x0] =	vst.idx.add.f32.msk $0xffff, v8;
	v15 =	vand.u32 $0x7F80, v61  }
0x177: {  	v58 =	vshll.u32 v20, $0x7;
	v63 =	vand.u32 $0x7F80, v62;
	v15 =	vor.u32 v56, v15;
	[tilespmem:v12+s26+$0x0] =	vst.idx.add.f32.msk $0xffff, v8  }
0x178: {  	v19 =	vshll.u32 v19, $0x7;
	v59 =	vand.u32 $0x7F80, v58;
	v12 =	vor.u32 v57, v63;
	[tilespmem:v11+s26+$0x0] =	vst.idx.add.f32.msk $0xffff, v8  }
0x179: {  	v10 =	vshll.u32 v10, $0x7;
	v11 =	vand.u32 $0x7F80, v19;
	[tilespmem:v13+s26+$0x0] =	vst.idx.add.f32.msk $0xffff, v8;
	v13 =	vor.u32 v53, v59  }
0x17a: {  	[tilespmem:v18+s26+$0x0] =	vst.idx.add.f32.msk $0xffff, v8;
	v10 =	vand.u32 $0x7F80, v10;
	v11 =	vor.u32 v52, v11  }
0x17b: {  	[tilespmem:v14+s26+$0x0] =	vst.idx.add.f32.msk $0xffff, v8;
	v10 =	vor.u32 v54, v10  }
0x17c: {  	[tilespmem:v15+s26+$0x0] =	vst.idx.add.f32.msk $0xffff, v8  }
0x17d: {  	[tilespmem:v12+s26+$0x0] =	vst.idx.add.f32.msk $0xffff, v8  }
0x17e: {  	[tilespmem:v13+s26+$0x0] =	vst.idx.add.f32.msk $0xffff, v8  }
0x17f: {  	[tilespmem:v11+s26+$0x0] =	vst.idx.add.f32.msk $0xffff, v8  }
0x180: {  	s18 =	simm.s32 $0x0;
	s19 =	simm.s32 $0x180;
	[tilespmem:v10+s26+$0x0] =	vst.idx.add.f32.msk $0xffff, v8  }
.LBB2_11:
0x181: {  	v10 =	vld [tilespmem:s19+$0x70];
	s18 =	sadd.s32 $0x10, s18  }
0x182: {  	s17 =	sadd.s32 $0x100, s17;
	v11 =	vld [tilespmem:s19+$0xFFFFFF90];
	p0 =	slt.u32 s18, $0x1F0  }
0x183: {  	v12 =	vld [tilespmem:s17+$0x70]  }
0x184: {  	v13 =	vld [tilespmem:s19+$0xFFFFFFA0]  }
0x185: {  	v14 =	vld [tilespmem:s19+$0xFFFFFFB0]  }
0x186: {  	v15 =	vld [tilespmem:s19+$0xFFFFFFC0];
	v10 =	vshll.u32 v10, $0x7  }
0x187: {  	v11 =	vshll.u32 v11, $0x7;
	v16 =	vld [tilespmem:s19+$0xFFFFFFD0];
	v10 =	vand.u32 $0x7F80, v10  }
0x188: {  	v11 =	vand.u32 $0x7F80, v11;
	v17 =	vld [tilespmem:s19+$0xFFFFFFE0];
	v10 =	vor.u32 v12, v10  }
0x189: {  	v12 =	vshll.u32 v13, $0x7;
	v13 =	vld [tilespmem:s19+$0xFFFFFFF0]  }
0x18a: {  	v12 =	vand.u32 $0x7F80, v12;
	v14 =	vshll.u32 v14, $0x7;
	v18 =	vld [tilespmem:s19+$0x0]  }
0x18b: {  	v14 =	vand.u32 $0x7F80, v14;
	v15 =	vshll.u32 v15, $0x7;
	v19 =	vld [tilespmem:s19+$0x10]  }
0x18c: {  	v15 =	vand.u32 $0x7F80, v15;
	v16 =	vshll.u32 v16, $0x7;
	v20 =	vld [tilespmem:s19+$0x20]  }
0x18d: {  	v16 =	vand.u32 $0x7F80, v16;
	v17 =	vshll.u32 v17, $0x7;
	[tilespmem:v10+s26+$0x0] =	vst.idx.add.f32.msk $0xffff, v8  }
0x18e: {  	v10 =	vand.u32 $0x7F80, v17;
	v13 =	vshll.u32 v13, $0x7;
	v17 =	vld [tilespmem:s19+$0x30]  }
0x18f: {  	v13 =	vand.u32 $0x7F80, v13;
	v18 =	vshll.u32 v18, $0x7;
	v21 =	vld [tilespmem:s19+$0x40]  }
0x190: {  	v18 =	vand.u32 $0x7F80, v18;
	v19 =	vshll.u32 v19, $0x7;
	v22 =	vld [tilespmem:s19+$0x50]  }
0x191: {  	v19 =	vand.u32 $0x7F80, v19;
	v20 =	vshll.u32 v20, $0x7;
	v23 =	vld [tilespmem:s19+$0x60]  }
0x192: {  	v24 =	vld [tilespmem:s19+$0xFFFFFF80];
	v20 =	vand.u32 $0x7F80, v20  }
0x193: {  	v25 =	vld [tilespmem:s17+$0xFFFFFF80];
	v17 =	vshll.u32 v17, $0x7  }
0x194: {  	v26 =	vld [tilespmem:s17+$0xFFFFFF90];
	v17 =	vand.u32 $0x7F80, v17;
	v21 =	vshll.u32 v21, $0x7  }
0x195: {  	v27 =	vld [tilespmem:s17+$0xFFFFFFA0];
	v21 =	vand.u32 $0x7F80, v21;
	v22 =	vshll.u32 v22, $0x7  }
0x196: {  	v28 =	vld [tilespmem:s17+$0xFFFFFFB0];
	v22 =	vand.u32 $0x7F80, v22;
	v23 =	vshll.u32 v23, $0x7  }
0x197: {  	v24 =	vshll.u32 v24, $0x7;
	v29 =	vld [tilespmem:s17+$0xFFFFFFC0];
	v23 =	vand.u32 $0x7F80, v23  }
0x198: {  	v24 =	vand.u32 $0x7F80, v24;
	v30 =	vld [tilespmem:s17+$0xFFFFFFD0]  }
0x199: {  	v24 =	vor.u32 v25, v24;
	v11 =	vor.u32 v26, v11;
	v25 =	vld [tilespmem:s17+$0xFFFFFFE0]  }
0x19a: {  	v12 =	vor.u32 v27, v12;
	v26 =	vld [tilespmem:s17+$0xFFFFFFF0]  }
0x19b: {  	v14 =	vor.u32 v28, v14;
	v27 =	vld [tilespmem:s17+$0x0]  }
0x19c: {  	v15 =	vor.u32 v29, v15;
	v28 =	vld [tilespmem:s17+$0x10]  }
0x19d: {  	v16 =	vor.u32 v30, v16;
	v29 =	vld [tilespmem:s17+$0x20]  }
0x19e: {  	v10 =	vor.u32 v25, v10;
	v25 =	vld [tilespmem:s17+$0x30]  }
0x19f: {  	v13 =	vor.u32 v26, v13;
	v26 =	vld [tilespmem:s17+$0x40]  }
0x1a0: {  	v18 =	vor.u32 v27, v18;
	v27 =	vld [tilespmem:s17+$0x50]  }
0x1a1: {  	v19 =	vor.u32 v28, v19;
	v28 =	vld [tilespmem:s17+$0x60]  }
0x1a2: {  	[tilespmem:v24+s26+$0x0] =	vst.idx.add.f32.msk $0xffff, v8;
	v20 =	vor.u32 v29, v20  }
0x1a3: {  	[tilespmem:v11+s26+$0x0] =	vst.idx.add.f32.msk $0xffff, v8;
	v11 =	vor.u32 v25, v17  }
0x1a4: {  	[tilespmem:v12+s26+$0x0] =	vst.idx.add.f32.msk $0xffff, v8;
	v12 =	vor.u32 v26, v21  }
0x1a5: {  	[tilespmem:v14+s26+$0x0] =	vst.idx.add.f32.msk $0xffff, v8;
	v14 =	vor.u32 v27, v22  }
0x1a6: {  	[tilespmem:v15+s26+$0x0] =	vst.idx.add.f32.msk $0xffff, v8;
	v15 =	vor.u32 v28, v23  }
0x1a7: {  	[tilespmem:v16+s26+$0x0] =	vst.idx.add.f32.msk $0xffff, v8  }
0x1a8: {  	[tilespmem:v10+s26+$0x0] =	vst.idx.add.f32.msk $0xffff, v8  }
0x1a9: {  	[tilespmem:v13+s26+$0x0] =	vst.idx.add.f32.msk $0xffff, v8  }
0x1aa: {  	[tilespmem:v18+s26+$0x0] =	vst.idx.add.f32.msk $0xffff, v8  }
0x1ab: {  	[tilespmem:v19+s26+$0x0] =	vst.idx.add.f32.msk $0xffff, v8  }
.Ltmp9:
0x1ac: {  	[tilespmem:v20+s26+$0x0] =	vst.idx.add.f32.msk $0xffff, v8;
	(pc) =	sbr.rel @p0 .LBB2_11-.Ltmp9, $4  }
0x1ad: {  	[tilespmem:v11+s26+$0x0] =	vst.idx.add.f32.msk $0xffff, v8  }
0x1ae: {  	[tilespmem:v12+s26+$0x0] =	vst.idx.add.f32.msk $0xffff, v8  }
0x1af: {  	[tilespmem:v14+s26+$0x0] =	vst.idx.add.f32.msk $0xffff, v8  }
0x1b0: {  	s19 =	sadd.s32 $0x100, s19;
	[tilespmem:v15+s26+$0x0] =	vst.idx.add.f32.msk $0xffff, v8  }
.Ltmp10:
0x1b1: {  	_ = 	snop;
	(pc) =	sbr.rel .LBB2_14-.Ltmp10, $1  }
0x1b2: {  	_ =	sdelay $0x3  }
.LBB2_12:
0x1b3: {  	s1 =	sadd.s32 s31, s0;
	s2 =	rddreg [dreg:$0x12]  }
0x1b4: {  	p0 =	slt.s32 s6, $0x3CE900;
	p1 =	sgt.s32 s2, s1  }
0x1b5: {  	s17 =	smov.u32 s6;
	s18 =	simm.s32 $0x0;
	s1 =	smov.u32 @p1 s2  }
0x1b6: {  	s19 =	simm.s32 $0x8080;
	s20 =	simm.s32 $0x80;
	s17 =	simm.s32 @!p0 $0x3CE900;
	v10 =	vmov s1  }
.LBB2_13:
0x1b7: {  	v11 =	vld [tilespmem:s20+$0xFFFFFF80];
	_ =	sdelay $0x1  }
0x1b8: {  	v12 =	vld [tilespmem:s19+$0xFFFFFF80]  }
0x1b9: {  	s21 =	sadd.s32 s18, s17  }
0x1ba: {  	v13 =	vadd.s32 s21, v1  }
0x1bb: {  	vm10 =	vge.s32 v13, v10;
	vm11 =	vlt.s32 v13, v9;
	v11 =	vshll.u32 v11, $0x7  }
0x1bc: {  	vm10 =	vmand vm10, vm11;
	v11 =	vand.u32 $0x7F80, v11  }
0x1bd: {  	v11 =	vor.u32 v12, v11;
	_ =	sdelay $0x4  }
0x1be: {  	[tilespmem:v11+s26+$0x0] =	vst.idx.add.f32.msk vm10, v8  }
0x1bf: {  	v11 =	vld [tilespmem:s20+$0xFFFFFF90];
	_ =	sdelay $0x1  }
0x1c0: {  	v34 =	vld [tilespmem:s19+$0xFFFFFF90]  }
0x1c1: {  	s1 =	sadd.s32 $0x10, s21  }
0x1c2: {  	v35 =	vadd.s32 s1, v1  }
0x1c3: {  	vm11 =	vlt.s32 v35, v9;
	vm10 =	vge.s32 v35, v10;
	v11 =	vshll.u32 v11, $0x7  }
0x1c4: {  	vm10 =	vmand vm10, vm11;
	v11 =	vand.u32 $0x7F80, v11  }
0x1c5: {  	v11 =	vor.u32 v34, v11;
	_ =	sdelay $0x4  }
0x1c6: {  	[tilespmem:v11+s26+$0x0] =	vst.idx.add.f32.msk vm10, v8  }
0x1c7: {  	v11 =	vld [tilespmem:s20+$0xFFFFFFA0];
	_ =	sdelay $0x1  }
0x1c8: {  	v36 =	vld [tilespmem:s19+$0xFFFFFFA0]  }
0x1c9: {  	s2 =	sadd.s32 $0x20, s21  }
0x1ca: {  	v37 =	vadd.s32 s2, v1  }
0x1cb: {  	vm11 =	vlt.s32 v37, v9;
	vm10 =	vge.s32 v37, v10;
	v11 =	vshll.u32 v11, $0x7  }
0x1cc: {  	vm10 =	vmand vm10, vm11;
	v11 =	vand.u32 $0x7F80, v11  }
0x1cd: {  	v11 =	vor.u32 v36, v11;
	_ =	sdelay $0x4  }
0x1ce: {  	[tilespmem:v11+s26+$0x0] =	vst.idx.add.f32.msk vm10, v8  }
0x1cf: {  	v11 =	vld [tilespmem:s20+$0xFFFFFFB0];
	_ =	sdelay $0x1  }
0x1d0: {  	v38 =	vld [tilespmem:s19+$0xFFFFFFB0]  }
0x1d1: {  	s2 =	sadd.s32 $0x30, s21  }
0x1d2: {  	v39 =	vadd.s32 s2, v1  }
0x1d3: {  	vm11 =	vlt.s32 v39, v9;
	vm10 =	vge.s32 v39, v10;
	v11 =	vshll.u32 v11, $0x7  }
0x1d4: {  	vm10 =	vmand vm10, vm11;
	v11 =	vand.u32 $0x7F80, v11  }
0x1d5: {  	v11 =	vor.u32 v38, v11;
	_ =	sdelay $0x4  }
0x1d6: {  	[tilespmem:v11+s26+$0x0] =	vst.idx.add.f32.msk vm10, v8  }
0x1d7: {  	v11 =	vld [tilespmem:s20+$0xFFFFFFC0];
	_ =	sdelay $0x1  }
0x1d8: {  	v40 =	vld [tilespmem:s19+$0xFFFFFFC0]  }
0x1d9: {  	s2 =	sadd.s32 $0x40, s21  }
0x1da: {  	v41 =	vadd.s32 s2, v1  }
0x1db: {  	vm11 =	vlt.s32 v41, v9;
	vm10 =	vge.s32 v41, v10;
	v11 =	vshll.u32 v11, $0x7  }
0x1dc: {  	vm10 =	vmand vm10, vm11;
	v11 =	vand.u32 $0x7F80, v11  }
0x1dd: {  	v11 =	vor.u32 v40, v11;
	_ =	sdelay $0x4  }
0x1de: {  	[tilespmem:v11+s26+$0x0] =	vst.idx.add.f32.msk vm10, v8  }
0x1df: {  	v11 =	vld [tilespmem:s20+$0xFFFFFFD0];
	_ =	sdelay $0x1  }
0x1e0: {  	v42 =	vld [tilespmem:s19+$0xFFFFFFD0]  }
0x1e1: {  	s2 =	sadd.s32 $0x50, s21  }
0x1e2: {  	v43 =	vadd.s32 s2, v1  }
0x1e3: {  	vm11 =	vlt.s32 v43, v9;
	vm10 =	vge.s32 v43, v10;
	v11 =	vshll.u32 v11, $0x7  }
0x1e4: {  	vm10 =	vmand vm10, vm11;
	v11 =	vand.u32 $0x7F80, v11  }
0x1e5: {  	v11 =	vor.u32 v42, v11;
	_ =	sdelay $0x4  }
0x1e6: {  	[tilespmem:v11+s26+$0x0] =	vst.idx.add.f32.msk vm10, v8  }
0x1e7: {  	v11 =	vld [tilespmem:s20+$0xFFFFFFE0];
	_ =	sdelay $0x1  }
0x1e8: {  	v44 =	vld [tilespmem:s19+$0xFFFFFFE0]  }
0x1e9: {  	s2 =	sadd.s32 $0x60, s21  }
0x1ea: {  	v45 =	vadd.s32 s2, v1  }
0x1eb: {  	vm11 =	vlt.s32 v45, v9;
	vm10 =	vge.s32 v45, v10;
	v11 =	vshll.u32 v11, $0x7  }
0x1ec: {  	vm10 =	vmand vm10, vm11;
	v11 =	vand.u32 $0x7F80, v11  }
0x1ed: {  	v11 =	vor.u32 v44, v11;
	_ =	sdelay $0x4  }
0x1ee: {  	[tilespmem:v11+s26+$0x0] =	vst.idx.add.f32.msk vm10, v8  }
0x1ef: {  	v11 =	vld [tilespmem:s20+$0xFFFFFFF0];
	_ =	sdelay $0x1  }
0x1f0: {  	v46 =	vld [tilespmem:s19+$0xFFFFFFF0]  }
0x1f1: {  	s2 =	sadd.s32 $0x70, s21  }
0x1f2: {  	v47 =	vadd.s32 s2, v1  }
0x1f3: {  	vm11 =	vlt.s32 v47, v9;
	vm10 =	vge.s32 v47, v10;
	v11 =	vshll.u32 v11, $0x7  }
0x1f4: {  	vm10 =	vmand vm10, vm11;
	v11 =	vand.u32 $0x7F80, v11  }
0x1f5: {  	v11 =	vor.u32 v46, v11;
	_ =	sdelay $0x4  }
0x1f6: {  	[tilespmem:v11+s26+$0x0] =	vst.idx.add.f32.msk vm10, v8  }
0x1f7: {  	v11 =	vld [tilespmem:s20+$0x0];
	_ =	sdelay $0x1  }
0x1f8: {  	v48 =	vld [tilespmem:s19+$0x0]  }
0x1f9: {  	s2 =	sadd.s32 $0x80, s21  }
0x1fa: {  	v49 =	vadd.s32 s2, v1  }
0x1fb: {  	vm11 =	vlt.s32 v49, v9;
	vm10 =	vge.s32 v49, v10;
	v11 =	vshll.u32 v11, $0x7  }
0x1fc: {  	vm10 =	vmand vm10, vm11;
	v11 =	vand.u32 $0x7F80, v11  }
0x1fd: {  	v11 =	vor.u32 v48, v11;
	_ =	sdelay $0x4  }
0x1fe: {  	[tilespmem:v11+s26+$0x0] =	vst.idx.add.f32.msk vm10, v8  }
0x1ff: {  	v11 =	vld [tilespmem:s20+$0x10];
	_ =	sdelay $0x1  }
0x200: {  	v50 =	vld [tilespmem:s19+$0x10]  }
0x201: {  	s2 =	sadd.s32 $0x90, s21  }
0x202: {  	v51 =	vadd.s32 s2, v1  }
0x203: {  	vm11 =	vlt.s32 v51, v9;
	vm10 =	vge.s32 v51, v10;
	v11 =	vshll.u32 v11, $0x7  }
0x204: {  	vm10 =	vmand vm10, vm11;
	v11 =	vand.u32 $0x7F80, v11  }
0x205: {  	v11 =	vor.u32 v50, v11;
	_ =	sdelay $0x4  }
0x206: {  	[tilespmem:v11+s26+$0x0] =	vst.idx.add.f32.msk vm10, v8  }
0x207: {  	v11 =	vld [tilespmem:s20+$0x20];
	_ =	sdelay $0x1  }
0x208: {  	v52 =	vld [tilespmem:s19+$0x20]  }
0x209: {  	s2 =	sadd.s32 $0xA0, s21  }
0x20a: {  	v53 =	vadd.s32 s2, v1  }
0x20b: {  	vm11 =	vlt.s32 v53, v9;
	vm10 =	vge.s32 v53, v10;
	v11 =	vshll.u32 v11, $0x7  }
0x20c: {  	vm10 =	vmand vm10, vm11;
	v11 =	vand.u32 $0x7F80, v11  }
0x20d: {  	v11 =	vor.u32 v52, v11;
	_ =	sdelay $0x4  }
0x20e: {  	[tilespmem:v11+s26+$0x0] =	vst.idx.add.f32.msk vm10, v8  }
0x20f: {  	v11 =	vld [tilespmem:s20+$0x30];
	_ =	sdelay $0x1  }
0x210: {  	v54 =	vld [tilespmem:s19+$0x30]  }
0x211: {  	s2 =	sadd.s32 $0xB0, s21  }
0x212: {  	v55 =	vadd.s32 s2, v1  }
0x213: {  	vm11 =	vlt.s32 v55, v9;
	vm10 =	vge.s32 v55, v10;
	v11 =	vshll.u32 v11, $0x7  }
0x214: {  	vm10 =	vmand vm10, vm11;
	v11 =	vand.u32 $0x7F80, v11  }
0x215: {  	v11 =	vor.u32 v54, v11;
	_ =	sdelay $0x4  }
0x216: {  	[tilespmem:v11+s26+$0x0] =	vst.idx.add.f32.msk vm10, v8  }
0x217: {  	v11 =	vld [tilespmem:s20+$0x40];
	_ =	sdelay $0x1  }
0x218: {  	v56 =	vld [tilespmem:s19+$0x40]  }
0x219: {  	s2 =	sadd.s32 $0xC0, s21  }
0x21a: {  	v57 =	vadd.s32 s2, v1  }
0x21b: {  	vm11 =	vlt.s32 v57, v9;
	vm10 =	vge.s32 v57, v10;
	v11 =	vshll.u32 v11, $0x7  }
0x21c: {  	vm10 =	vmand vm10, vm11;
	v11 =	vand.u32 $0x7F80, v11  }
0x21d: {  	v11 =	vor.u32 v56, v11;
	_ =	sdelay $0x4  }
0x21e: {  	[tilespmem:v11+s26+$0x0] =	vst.idx.add.f32.msk vm10, v8  }
0x21f: {  	v11 =	vld [tilespmem:s20+$0x50];
	_ =	sdelay $0x1  }
0x220: {  	v58 =	vld [tilespmem:s19+$0x50]  }
0x221: {  	s2 =	sadd.s32 $0xD0, s21  }
0x222: {  	v59 =	vadd.s32 s2, v1  }
0x223: {  	vm11 =	vlt.s32 v59, v9;
	vm10 =	vge.s32 v59, v10;
	v11 =	vshll.u32 v11, $0x7  }
0x224: {  	vm10 =	vmand vm10, vm11;
	v11 =	vand.u32 $0x7F80, v11  }
0x225: {  	v11 =	vor.u32 v58, v11;
	_ =	sdelay $0x4  }
0x226: {  	[tilespmem:v11+s26+$0x0] =	vst.idx.add.f32.msk vm10, v8  }
0x227: {  	v11 =	vld [tilespmem:s20+$0x60];
	_ =	sdelay $0x1  }
0x228: {  	v60 =	vld [tilespmem:s19+$0x60]  }
0x229: {  	s2 =	sadd.s32 $0xE0, s21  }
0x22a: {  	v61 =	vadd.s32 s2, v1  }
0x22b: {  	vm11 =	vlt.s32 v61, v9;
	vm10 =	vge.s32 v61, v10;
	v11 =	vshll.u32 v11, $0x7  }
0x22c: {  	vm10 =	vmand vm10, vm11;
	v11 =	vand.u32 $0x7F80, v11  }
0x22d: {  	v11 =	vor.u32 v60, v11;
	_ =	sdelay $0x4  }
0x22e: {  	[tilespmem:v11+s26+$0x0] =	vst.idx.add.f32.msk vm10, v8  }
0x22f: {  	v11 =	vld [tilespmem:s20+$0x70];
	_ =	sdelay $0x1  }
0x230: {  	v62 =	vld [tilespmem:s19+$0x70]  }
0x231: {  	s21 =	sadd.s32 $0xF0, s21  }
0x232: {  	v63 =	vadd.s32 s21, v1  }
0x233: {  	vm11 =	vlt.s32 v63, v9;
	vm10 =	vge.s32 v63, v10;
	v11 =	vshll.u32 v11, $0x7  }
0x234: {  	vm10 =	vmand vm10, vm11;
	v11 =	vand.u32 $0x7F80, v11  }
0x235: {  	p0 =	seq.s32 s18, $0x1F00;
	v11 =	vor.u32 v62, v11  }
.Ltmp11:
0x236: {  	_ = 	snop;
	(pc) =	sbr.rel @!p0 .LBB2_13-.Ltmp11, $2  }
0x237: {  	_ =	sdelay $0x2  }
0x238: {  	s18 =	sadd.s32 $0x100, s18;
	s19 =	sadd.s32 $0x100, s19;
	s20 =	sadd.s32 $0x100, s20;
	[tilespmem:v11+s26+$0x0] =	vst.idx.add.f32.msk vm10, v8  }
.LBB2_14:
0x239: {  	s1 =	sadd.s32 s0, s9  }
0x23a: {  	p0 =	slt.s32 s1, $0x3CE900  }
0x23b: {  	s1 =	simm.s32 @!p0 $0x3CE900  }
0x23c: {  	s1 =	sshrl.u32 s1, $0x3  }
0x23d: {  	s2 =	sadd.s32 s22, s1  }
0x23e: {  	[tilespmem:s23], [sflag:$0x1] =	stream.linear.gather [hbm4b:s2+s23], $0x2000, $0x38;
	[tilespmem:$0x18100] =	vst v63  }
0x23f: {  	s1 =	sadd.s32 s4, s1  }
0x240: {  	[tilespmem:s24], [sflag:$0x1] =	stream.linear.gather [hbm4b:s1+s23], $0x2000, $0x38;
	[tilespmem:$0x18100] =	vst v63  }
0x241: {  	s21 =	simm.s32 $0x2;
	s1 =	sor.u32 $0x1, s16  }
0x242: {  	_ =	swait.ge [sflag:s21], $0x2000;
	p0 =	slt.s32 s1, s8  }
.Ltmp12:
0x243: {  	[sflag:s21] =	ssyncset.done $0x0;
	(pc) =	sbr.rel @!p0 .LBB2_17-.Ltmp12, $4  }
0x244: {  	[sflag:s21] =	ssyncadd.s32 $0xFFFFE000  }
0x245: {  	_ =	swait.ge [sflag:s21], $0x2000  }
0x246: {  	[sflag:s21] =	ssyncset.done $0x0  }
0x247: {  	[sflag:s21] =	ssyncadd.s32 $0xFFFFE000  }
0x248: {  	s1 =	simm.s32 $0x2080  }
0x249: {  	v10 =	vld [tilespmem:s1+$0x70]  }
0x24a: {  	s17 =	simm.s32 $0xA080;
	v11 =	vld [tilespmem:s1+$0xFFFFFF90]  }
0x24b: {  	v12 =	vld [tilespmem:s17+$0x70]  }
0x24c: {  	v13 =	vld [tilespmem:s1+$0xFFFFFFA0]  }
0x24d: {  	v14 =	vld [tilespmem:s1+$0xFFFFFFB0]  }
0x24e: {  	v15 =	vld [tilespmem:s1+$0xFFFFFFC0]  }
0x24f: {  	v16 =	vld [tilespmem:s1+$0xFFFFFFD0]  }
0x250: {  	v17 =	vld [tilespmem:s1+$0xFFFFFFE0]  }
0x251: {  	v47 =	vld [tilespmem:s1+$0xFFFFFFF0]  }
0x252: {  	v18 =	vld [tilespmem:s1+$0x0]  }
0x253: {  	v19 =	vld [tilespmem:s1+$0x10]  }
0x254: {  	v20 =	vld [tilespmem:s1+$0x20]  }
0x255: {  	v21 =	vld [tilespmem:s1+$0xFFFFFF80]  }
0x256: {  	v22 =	vld [tilespmem:s1+$0x40]  }
0x257: {  	v23 =	vld [tilespmem:s17+$0xFFFFFF80]  }
0x258: {  	v24 =	vld [tilespmem:s1+$0x50]  }
0x259: {  	v25 =	vld [tilespmem:s17+$0xFFFFFF90]  }
0x25a: {  	v26 =	vld [tilespmem:s1+$0x60]  }
0x25b: {  	v27 =	vld [tilespmem:s17+$0xFFFFFFA0]  }
0x25c: {  	v28 =	vld [tilespmem:s17+$0xFFFFFFB0]  }
0x25d: {  	v48 =	vld [tilespmem:s17+$0xFFFFFFC0]  }
0x25e: {  	v29 =	vld [tilespmem:s17+$0xFFFFFFD0]  }
0x25f: {  	v49 =	vld [tilespmem:s17+$0xFFFFFFE0]  }
0x260: {  	v30 =	vld [tilespmem:s17+$0xFFFFFFF0]  }
0x261: {  	v50 =	vld [tilespmem:s17+$0x0];
	v10 =	vshll.u32 v10, $0x7  }
0x262: {  	v52 =	vld [tilespmem:s17+$0x10];
	v10 =	vand.u32 $0x7F80, v10  }
0x263: {  	v53 =	vld [tilespmem:s17+$0x20];
	v11 =	vshll.u32 v11, $0x7;
	v10 =	vor.u32 v12, v10  }
0x264: {  	v54 =	vld [tilespmem:s17+$0x30];
	v21 =	vshll.u32 v21, $0x7;
	v11 =	vand.u32 $0x7F80, v11  }
0x265: {  	v55 =	vld [tilespmem:s17+$0x40];
	v15 =	vshll.u32 v15, $0x7;
	v21 =	vand.u32 $0x7F80, v21;
	v11 =	vor.u32 v25, v11  }
0x266: {  	v56 =	vld [tilespmem:s17+$0x50];
	v16 =	vshll.u32 v16, $0x7;
	v15 =	vand.u32 $0x7F80, v15;
	v21 =	vor.u32 v23, v21  }
0x267: {  	v57 =	vld [tilespmem:s17+$0x60];
	v17 =	vshll.u32 v17, $0x7;
	v16 =	vand.u32 $0x7F80, v16;
	v15 =	vor.u32 v48, v15  }
0x268: {  	v17 =	vand.u32 $0x7F80, v17;
	v12 =	vshll.u32 v47, $0x7;
	v16 =	vor.u32 v29, v16;
	[tilespmem:v10+s26+$0x0] =	vst.idx.add.f32.msk $0xffff, v8  }
0x269: {  	v13 =	vshll.u32 v13, $0x7;
	v17 =	vor.u32 v49, v17;
	v12 =	vand.u32 $0x7F80, v12;
	v10 =	vld [tilespmem:s1+$0x30]  }
0x26a: {  	v51 =	vshll.u32 v14, $0x7;
	v12 =	vor.u32 v30, v12;
	[tilespmem:v11+s26+$0x0] =	vst.idx.add.f32.msk $0xffff, v8;
	v11 =	vand.u32 $0x7F80, v13  }
0x26b: {  	v18 =	vshll.u32 v18, $0x7;
	[tilespmem:v21+s26+$0x0] =	vst.idx.add.f32.msk $0xffff, v8;
	v13 =	vand.u32 $0x7F80, v51;
	v11 =	vor.u32 v27, v11  }
0x26c: {  	v60 =	vshll.u32 v22, $0x7;
	v18 =	vand.u32 $0x7F80, v18;
	[tilespmem:v15+s26+$0x0] =	vst.idx.add.f32.msk $0xffff, v8;
	v13 =	vor.u32 v28, v13  }
0x26d: {  	v61 =	vshll.u32 v24, $0x7;
	v14 =	vand.u32 $0x7F80, v60;
	v18 =	vor.u32 v50, v18;
	[tilespmem:v16+s26+$0x0] =	vst.idx.add.f32.msk $0xffff, v8  }
0x26e: {  	v62 =	vshll.u32 v26, $0x7;
	v14 =	vor.u32 v55, v14;
	[tilespmem:v17+s26+$0x0] =	vst.idx.add.f32.msk $0xffff, v8;
	v15 =	vand.u32 $0x7F80, v61  }
0x26f: {  	v58 =	vshll.u32 v20, $0x7;
	v63 =	vand.u32 $0x7F80, v62;
	v15 =	vor.u32 v56, v15;
	[tilespmem:v12+s26+$0x0] =	vst.idx.add.f32.msk $0xffff, v8  }
0x270: {  	v19 =	vshll.u32 v19, $0x7;
	v59 =	vand.u32 $0x7F80, v58;
	v12 =	vor.u32 v57, v63;
	[tilespmem:v11+s26+$0x0] =	vst.idx.add.f32.msk $0xffff, v8  }
0x271: {  	v10 =	vshll.u32 v10, $0x7;
	v11 =	vand.u32 $0x7F80, v19;
	[tilespmem:v13+s26+$0x0] =	vst.idx.add.f32.msk $0xffff, v8;
	v13 =	vor.u32 v53, v59  }
0x272: {  	[tilespmem:v18+s26+$0x0] =	vst.idx.add.f32.msk $0xffff, v8;
	v10 =	vand.u32 $0x7F80, v10;
	v11 =	vor.u32 v52, v11  }
0x273: {  	[tilespmem:v14+s26+$0x0] =	vst.idx.add.f32.msk $0xffff, v8;
	v10 =	vor.u32 v54, v10  }
0x274: {  	[tilespmem:v15+s26+$0x0] =	vst.idx.add.f32.msk $0xffff, v8  }
0x275: {  	[tilespmem:v12+s26+$0x0] =	vst.idx.add.f32.msk $0xffff, v8  }
0x276: {  	[tilespmem:v13+s26+$0x0] =	vst.idx.add.f32.msk $0xffff, v8  }
0x277: {  	[tilespmem:v11+s26+$0x0] =	vst.idx.add.f32.msk $0xffff, v8  }
0x278: {  	s18 =	simm.s32 $0x0;
	s19 =	simm.s32 $0x2180;
	[tilespmem:v10+s26+$0x0] =	vst.idx.add.f32.msk $0xffff, v8  }
.LBB2_16:
0x279: {  	v10 =	vld [tilespmem:s19+$0x70];
	s18 =	sadd.s32 $0x10, s18  }
0x27a: {  	s17 =	sadd.s32 $0x100, s17;
	v11 =	vld [tilespmem:s19+$0xFFFFFF90];
	p0 =	slt.u32 s18, $0x1F0  }
0x27b: {  	v12 =	vld [tilespmem:s17+$0x70]  }
0x27c: {  	v13 =	vld [tilespmem:s19+$0xFFFFFFA0]  }
0x27d: {  	v14 =	vld [tilespmem:s19+$0xFFFFFFB0]  }
0x27e: {  	v15 =	vld [tilespmem:s19+$0xFFFFFFC0];
	v10 =	vshll.u32 v10, $0x7  }
0x27f: {  	v11 =	vshll.u32 v11, $0x7;
	v16 =	vld [tilespmem:s19+$0xFFFFFFD0];
	v10 =	vand.u32 $0x7F80, v10  }
0x280: {  	v11 =	vand.u32 $0x7F80, v11;
	v17 =	vld [tilespmem:s19+$0xFFFFFFE0];
	v10 =	vor.u32 v12, v10  }
0x281: {  	v12 =	vshll.u32 v13, $0x7;
	v13 =	vld [tilespmem:s19+$0xFFFFFFF0]  }
0x282: {  	v12 =	vand.u32 $0x7F80, v12;
	v14 =	vshll.u32 v14, $0x7;
	v18 =	vld [tilespmem:s19+$0x0]  }
0x283: {  	v14 =	vand.u32 $0x7F80, v14;
	v15 =	vshll.u32 v15, $0x7;
	v19 =	vld [tilespmem:s19+$0x10]  }
0x284: {  	v15 =	vand.u32 $0x7F80, v15;
	v16 =	vshll.u32 v16, $0x7;
	v20 =	vld [tilespmem:s19+$0x20]  }
0x285: {  	v16 =	vand.u32 $0x7F80, v16;
	v17 =	vshll.u32 v17, $0x7;
	[tilespmem:v10+s26+$0x0] =	vst.idx.add.f32.msk $0xffff, v8  }
0x286: {  	v10 =	vand.u32 $0x7F80, v17;
	v13 =	vshll.u32 v13, $0x7;
	v17 =	vld [tilespmem:s19+$0x30]  }
0x287: {  	v13 =	vand.u32 $0x7F80, v13;
	v18 =	vshll.u32 v18, $0x7;
	v21 =	vld [tilespmem:s19+$0x40]  }
0x288: {  	v18 =	vand.u32 $0x7F80, v18;
	v19 =	vshll.u32 v19, $0x7;
	v22 =	vld [tilespmem:s19+$0x50]  }
0x289: {  	v19 =	vand.u32 $0x7F80, v19;
	v20 =	vshll.u32 v20, $0x7;
	v23 =	vld [tilespmem:s19+$0x60]  }
0x28a: {  	v24 =	vld [tilespmem:s19+$0xFFFFFF80];
	v20 =	vand.u32 $0x7F80, v20  }
0x28b: {  	v25 =	vld [tilespmem:s17+$0xFFFFFF80];
	v17 =	vshll.u32 v17, $0x7  }
0x28c: {  	v26 =	vld [tilespmem:s17+$0xFFFFFF90];
	v17 =	vand.u32 $0x7F80, v17;
	v21 =	vshll.u32 v21, $0x7  }
0x28d: {  	v27 =	vld [tilespmem:s17+$0xFFFFFFA0];
	v21 =	vand.u32 $0x7F80, v21;
	v22 =	vshll.u32 v22, $0x7  }
0x28e: {  	v28 =	vld [tilespmem:s17+$0xFFFFFFB0];
	v22 =	vand.u32 $0x7F80, v22;
	v23 =	vshll.u32 v23, $0x7  }
0x28f: {  	v24 =	vshll.u32 v24, $0x7;
	v29 =	vld [tilespmem:s17+$0xFFFFFFC0];
	v23 =	vand.u32 $0x7F80, v23  }
0x290: {  	v24 =	vand.u32 $0x7F80, v24;
	v30 =	vld [tilespmem:s17+$0xFFFFFFD0]  }
0x291: {  	v24 =	vor.u32 v25, v24;
	v11 =	vor.u32 v26, v11;
	v25 =	vld [tilespmem:s17+$0xFFFFFFE0]  }
0x292: {  	v12 =	vor.u32 v27, v12;
	v26 =	vld [tilespmem:s17+$0xFFFFFFF0]  }
0x293: {  	v14 =	vor.u32 v28, v14;
	v27 =	vld [tilespmem:s17+$0x0]  }
0x294: {  	v15 =	vor.u32 v29, v15;
	v28 =	vld [tilespmem:s17+$0x10]  }
0x295: {  	v16 =	vor.u32 v30, v16;
	v29 =	vld [tilespmem:s17+$0x20]  }
0x296: {  	v10 =	vor.u32 v25, v10;
	v25 =	vld [tilespmem:s17+$0x30]  }
0x297: {  	v13 =	vor.u32 v26, v13;
	v26 =	vld [tilespmem:s17+$0x40]  }
0x298: {  	v18 =	vor.u32 v27, v18;
	v27 =	vld [tilespmem:s17+$0x50]  }
0x299: {  	v19 =	vor.u32 v28, v19;
	v28 =	vld [tilespmem:s17+$0x60]  }
0x29a: {  	[tilespmem:v24+s26+$0x0] =	vst.idx.add.f32.msk $0xffff, v8;
	v20 =	vor.u32 v29, v20  }
0x29b: {  	[tilespmem:v11+s26+$0x0] =	vst.idx.add.f32.msk $0xffff, v8;
	v11 =	vor.u32 v25, v17  }
0x29c: {  	[tilespmem:v12+s26+$0x0] =	vst.idx.add.f32.msk $0xffff, v8;
	v12 =	vor.u32 v26, v21  }
0x29d: {  	[tilespmem:v14+s26+$0x0] =	vst.idx.add.f32.msk $0xffff, v8;
	v14 =	vor.u32 v27, v22  }
0x29e: {  	[tilespmem:v15+s26+$0x0] =	vst.idx.add.f32.msk $0xffff, v8;
	v15 =	vor.u32 v28, v23  }
0x29f: {  	[tilespmem:v16+s26+$0x0] =	vst.idx.add.f32.msk $0xffff, v8  }
0x2a0: {  	[tilespmem:v10+s26+$0x0] =	vst.idx.add.f32.msk $0xffff, v8  }
0x2a1: {  	[tilespmem:v13+s26+$0x0] =	vst.idx.add.f32.msk $0xffff, v8  }
0x2a2: {  	[tilespmem:v18+s26+$0x0] =	vst.idx.add.f32.msk $0xffff, v8  }
0x2a3: {  	[tilespmem:v19+s26+$0x0] =	vst.idx.add.f32.msk $0xffff, v8  }
.Ltmp13:
0x2a4: {  	[tilespmem:v20+s26+$0x0] =	vst.idx.add.f32.msk $0xffff, v8;
	(pc) =	sbr.rel @p0 .LBB2_16-.Ltmp13, $4  }
0x2a5: {  	[tilespmem:v11+s26+$0x0] =	vst.idx.add.f32.msk $0xffff, v8  }
0x2a6: {  	[tilespmem:v12+s26+$0x0] =	vst.idx.add.f32.msk $0xffff, v8  }
0x2a7: {  	[tilespmem:v14+s26+$0x0] =	vst.idx.add.f32.msk $0xffff, v8  }
0x2a8: {  	s19 =	sadd.s32 $0x100, s19;
	[tilespmem:v15+s26+$0x0] =	vst.idx.add.f32.msk $0xffff, v8  }
.Ltmp14:
0x2a9: {  	_ = 	snop;
	(pc) =	sbr.rel .LBB2_19-.Ltmp14, $1  }
0x2aa: {  	_ =	sdelay $0x3  }
.LBB2_17:
0x2ab: {  	s1 =	sshll.u32 s1, $0xD  }
0x2ac: {  	s2 =	rddreg [dreg:$0x12];
	s1 =	sadd.s32 s31, s1  }
0x2ad: {  	p0 =	slt.s32 s13, $0x3CE900;
	p1 =	sgt.s32 s2, s1  }
0x2ae: {  	s17 =	smov.u32 s13;
	s18 =	simm.s32 $0x0;
	s1 =	smov.u32 @p1 s2  }
0x2af: {  	s19 =	simm.s32 $0xA080;
	s20 =	simm.s32 $0x2080;
	s17 =	simm.s32 @!p0 $0x3CE900;
	v10 =	vmov s1  }
.LBB2_18:
0x2b0: {  	v11 =	vld [tilespmem:s20+$0xFFFFFF80];
	_ =	sdelay $0x1  }
0x2b1: {  	v12 =	vld [tilespmem:s19+$0xFFFFFF80]  }
0x2b2: {  	s21 =	sadd.s32 s18, s17  }
0x2b3: {  	v13 =	vadd.s32 s21, v1  }
0x2b4: {  	vm10 =	vge.s32 v13, v10;
	vm11 =	vlt.s32 v13, v9;
	v11 =	vshll.u32 v11, $0x7  }
0x2b5: {  	vm10 =	vmand vm10, vm11;
	v11 =	vand.u32 $0x7F80, v11  }
0x2b6: {  	v11 =	vor.u32 v12, v11;
	_ =	sdelay $0x4  }
0x2b7: {  	[tilespmem:v11+s26+$0x0] =	vst.idx.add.f32.msk vm10, v8  }
0x2b8: {  	v11 =	vld [tilespmem:s20+$0xFFFFFF90];
	_ =	sdelay $0x1  }
0x2b9: {  	v34 =	vld [tilespmem:s19+$0xFFFFFF90]  }
0x2ba: {  	s1 =	sadd.s32 $0x10, s21  }
0x2bb: {  	v35 =	vadd.s32 s1, v1  }
0x2bc: {  	vm11 =	vlt.s32 v35, v9;
	vm10 =	vge.s32 v35, v10;
	v11 =	vshll.u32 v11, $0x7  }
0x2bd: {  	vm10 =	vmand vm10, vm11;
	v11 =	vand.u32 $0x7F80, v11  }
0x2be: {  	v11 =	vor.u32 v34, v11;
	_ =	sdelay $0x4  }
0x2bf: {  	[tilespmem:v11+s26+$0x0] =	vst.idx.add.f32.msk vm10, v8  }
0x2c0: {  	v11 =	vld [tilespmem:s20+$0xFFFFFFA0];
	_ =	sdelay $0x1  }
0x2c1: {  	v36 =	vld [tilespmem:s19+$0xFFFFFFA0]  }
0x2c2: {  	s2 =	sadd.s32 $0x20, s21  }
0x2c3: {  	v37 =	vadd.s32 s2, v1  }
0x2c4: {  	vm11 =	vlt.s32 v37, v9;
	vm10 =	vge.s32 v37, v10;
	v11 =	vshll.u32 v11, $0x7  }
0x2c5: {  	vm10 =	vmand vm10, vm11;
	v11 =	vand.u32 $0x7F80, v11  }
0x2c6: {  	v11 =	vor.u32 v36, v11;
	_ =	sdelay $0x4  }
0x2c7: {  	[tilespmem:v11+s26+$0x0] =	vst.idx.add.f32.msk vm10, v8  }
0x2c8: {  	v11 =	vld [tilespmem:s20+$0xFFFFFFB0];
	_ =	sdelay $0x1  }
0x2c9: {  	v38 =	vld [tilespmem:s19+$0xFFFFFFB0]  }
0x2ca: {  	s2 =	sadd.s32 $0x30, s21  }
0x2cb: {  	v39 =	vadd.s32 s2, v1  }
0x2cc: {  	vm11 =	vlt.s32 v39, v9;
	vm10 =	vge.s32 v39, v10;
	v11 =	vshll.u32 v11, $0x7  }
0x2cd: {  	vm10 =	vmand vm10, vm11;
	v11 =	vand.u32 $0x7F80, v11  }
0x2ce: {  	v11 =	vor.u32 v38, v11;
	_ =	sdelay $0x4  }
0x2cf: {  	[tilespmem:v11+s26+$0x0] =	vst.idx.add.f32.msk vm10, v8  }
0x2d0: {  	v11 =	vld [tilespmem:s20+$0xFFFFFFC0];
	_ =	sdelay $0x1  }
0x2d1: {  	v40 =	vld [tilespmem:s19+$0xFFFFFFC0]  }
0x2d2: {  	s2 =	sadd.s32 $0x40, s21  }
0x2d3: {  	v41 =	vadd.s32 s2, v1  }
0x2d4: {  	vm11 =	vlt.s32 v41, v9;
	vm10 =	vge.s32 v41, v10;
	v11 =	vshll.u32 v11, $0x7  }
0x2d5: {  	vm10 =	vmand vm10, vm11;
	v11 =	vand.u32 $0x7F80, v11  }
0x2d6: {  	v11 =	vor.u32 v40, v11;
	_ =	sdelay $0x4  }
0x2d7: {  	[tilespmem:v11+s26+$0x0] =	vst.idx.add.f32.msk vm10, v8  }
0x2d8: {  	v11 =	vld [tilespmem:s20+$0xFFFFFFD0];
	_ =	sdelay $0x1  }
0x2d9: {  	v42 =	vld [tilespmem:s19+$0xFFFFFFD0]  }
0x2da: {  	s2 =	sadd.s32 $0x50, s21  }
0x2db: {  	v43 =	vadd.s32 s2, v1  }
0x2dc: {  	vm11 =	vlt.s32 v43, v9;
	vm10 =	vge.s32 v43, v10;
	v11 =	vshll.u32 v11, $0x7  }
0x2dd: {  	vm10 =	vmand vm10, vm11;
	v11 =	vand.u32 $0x7F80, v11  }
0x2de: {  	v11 =	vor.u32 v42, v11;
	_ =	sdelay $0x4  }
0x2df: {  	[tilespmem:v11+s26+$0x0] =	vst.idx.add.f32.msk vm10, v8  }
0x2e0: {  	v11 =	vld [tilespmem:s20+$0xFFFFFFE0];
	_ =	sdelay $0x1  }
0x2e1: {  	v44 =	vld [tilespmem:s19+$0xFFFFFFE0]  }
0x2e2: {  	s2 =	sadd.s32 $0x60, s21  }
0x2e3: {  	v45 =	vadd.s32 s2, v1  }
0x2e4: {  	vm11 =	vlt.s32 v45, v9;
	vm10 =	vge.s32 v45, v10;
	v11 =	vshll.u32 v11, $0x7  }
0x2e5: {  	vm10 =	vmand vm10, vm11;
	v11 =	vand.u32 $0x7F80, v11  }
0x2e6: {  	v11 =	vor.u32 v44, v11;
	_ =	sdelay $0x4  }
0x2e7: {  	[tilespmem:v11+s26+$0x0] =	vst.idx.add.f32.msk vm10, v8  }
0x2e8: {  	v11 =	vld [tilespmem:s20+$0xFFFFFFF0];
	_ =	sdelay $0x1  }
0x2e9: {  	v46 =	vld [tilespmem:s19+$0xFFFFFFF0]  }
0x2ea: {  	s2 =	sadd.s32 $0x70, s21  }
0x2eb: {  	v47 =	vadd.s32 s2, v1  }
0x2ec: {  	vm11 =	vlt.s32 v47, v9;
	vm10 =	vge.s32 v47, v10;
	v11 =	vshll.u32 v11, $0x7  }
0x2ed: {  	vm10 =	vmand vm10, vm11;
	v11 =	vand.u32 $0x7F80, v11  }
0x2ee: {  	v11 =	vor.u32 v46, v11;
	_ =	sdelay $0x4  }
0x2ef: {  	[tilespmem:v11+s26+$0x0] =	vst.idx.add.f32.msk vm10, v8  }
0x2f0: {  	v11 =	vld [tilespmem:s20+$0x0];
	_ =	sdelay $0x1  }
0x2f1: {  	v48 =	vld [tilespmem:s19+$0x0]  }
0x2f2: {  	s2 =	sadd.s32 $0x80, s21  }
0x2f3: {  	v49 =	vadd.s32 s2, v1  }
0x2f4: {  	vm11 =	vlt.s32 v49, v9;
	vm10 =	vge.s32 v49, v10;
	v11 =	vshll.u32 v11, $0x7  }
0x2f5: {  	vm10 =	vmand vm10, vm11;
	v11 =	vand.u32 $0x7F80, v11  }
0x2f6: {  	v11 =	vor.u32 v48, v11;
	_ =	sdelay $0x4  }
0x2f7: {  	[tilespmem:v11+s26+$0x0] =	vst.idx.add.f32.msk vm10, v8  }
0x2f8: {  	v11 =	vld [tilespmem:s20+$0x10];
	_ =	sdelay $0x1  }
0x2f9: {  	v50 =	vld [tilespmem:s19+$0x10]  }
0x2fa: {  	s2 =	sadd.s32 $0x90, s21  }
0x2fb: {  	v51 =	vadd.s32 s2, v1  }
0x2fc: {  	vm11 =	vlt.s32 v51, v9;
	vm10 =	vge.s32 v51, v10;
	v11 =	vshll.u32 v11, $0x7  }
0x2fd: {  	vm10 =	vmand vm10, vm11;
	v11 =	vand.u32 $0x7F80, v11  }
0x2fe: {  	v11 =	vor.u32 v50, v11;
	_ =	sdelay $0x4  }
0x2ff: {  	[tilespmem:v11+s26+$0x0] =	vst.idx.add.f32.msk vm10, v8  }
0x300: {  	v11 =	vld [tilespmem:s20+$0x20];
	_ =	sdelay $0x1  }
0x301: {  	v52 =	vld [tilespmem:s19+$0x20]  }
0x302: {  	s2 =	sadd.s32 $0xA0, s21  }
0x303: {  	v53 =	vadd.s32 s2, v1  }
0x304: {  	vm11 =	vlt.s32 v53, v9;
	vm10 =	vge.s32 v53, v10;
	v11 =	vshll.u32 v11, $0x7  }
0x305: {  	vm10 =	vmand vm10, vm11;
	v11 =	vand.u32 $0x7F80, v11  }
0x306: {  	v11 =	vor.u32 v52, v11;
	_ =	sdelay $0x4  }
0x307: {  	[tilespmem:v11+s26+$0x0] =	vst.idx.add.f32.msk vm10, v8  }
0x308: {  	v11 =	vld [tilespmem:s20+$0x30];
	_ =	sdelay $0x1  }
0x309: {  	v54 =	vld [tilespmem:s19+$0x30]  }
0x30a: {  	s2 =	sadd.s32 $0xB0, s21  }
0x30b: {  	v55 =	vadd.s32 s2, v1  }
0x30c: {  	vm11 =	vlt.s32 v55, v9;
	vm10 =	vge.s32 v55, v10;
	v11 =	vshll.u32 v11, $0x7  }
0x30d: {  	vm10 =	vmand vm10, vm11;
	v11 =	vand.u32 $0x7F80, v11  }
0x30e: {  	v11 =	vor.u32 v54, v11;
	_ =	sdelay $0x4  }
0x30f: {  	[tilespmem:v11+s26+$0x0] =	vst.idx.add.f32.msk vm10, v8  }
0x310: {  	v11 =	vld [tilespmem:s20+$0x40];
	_ =	sdelay $0x1  }
0x311: {  	v56 =	vld [tilespmem:s19+$0x40]  }
0x312: {  	s2 =	sadd.s32 $0xC0, s21  }
0x313: {  	v57 =	vadd.s32 s2, v1  }
0x314: {  	vm11 =	vlt.s32 v57, v9;
	vm10 =	vge.s32 v57, v10;
	v11 =	vshll.u32 v11, $0x7  }
0x315: {  	vm10 =	vmand vm10, vm11;
	v11 =	vand.u32 $0x7F80, v11  }
0x316: {  	v11 =	vor.u32 v56, v11;
	_ =	sdelay $0x4  }
0x317: {  	[tilespmem:v11+s26+$0x0] =	vst.idx.add.f32.msk vm10, v8  }
0x318: {  	v11 =	vld [tilespmem:s20+$0x50];
	_ =	sdelay $0x1  }
0x319: {  	v58 =	vld [tilespmem:s19+$0x50]  }
0x31a: {  	s2 =	sadd.s32 $0xD0, s21  }
0x31b: {  	v59 =	vadd.s32 s2, v1  }
0x31c: {  	vm11 =	vlt.s32 v59, v9;
	vm10 =	vge.s32 v59, v10;
	v11 =	vshll.u32 v11, $0x7  }
0x31d: {  	vm10 =	vmand vm10, vm11;
	v11 =	vand.u32 $0x7F80, v11  }
0x31e: {  	v11 =	vor.u32 v58, v11;
	_ =	sdelay $0x4  }
0x31f: {  	[tilespmem:v11+s26+$0x0] =	vst.idx.add.f32.msk vm10, v8  }
0x320: {  	v11 =	vld [tilespmem:s20+$0x60];
	_ =	sdelay $0x1  }
0x321: {  	v60 =	vld [tilespmem:s19+$0x60]  }
0x322: {  	s2 =	sadd.s32 $0xE0, s21  }
0x323: {  	v61 =	vadd.s32 s2, v1  }
0x324: {  	vm11 =	vlt.s32 v61, v9;
	vm10 =	vge.s32 v61, v10;
	v11 =	vshll.u32 v11, $0x7  }
0x325: {  	vm10 =	vmand vm10, vm11;
	v11 =	vand.u32 $0x7F80, v11  }
0x326: {  	v11 =	vor.u32 v60, v11;
	_ =	sdelay $0x4  }
0x327: {  	[tilespmem:v11+s26+$0x0] =	vst.idx.add.f32.msk vm10, v8  }
0x328: {  	v11 =	vld [tilespmem:s20+$0x70];
	_ =	sdelay $0x1  }
0x329: {  	v62 =	vld [tilespmem:s19+$0x70]  }
0x32a: {  	s21 =	sadd.s32 $0xF0, s21  }
0x32b: {  	v63 =	vadd.s32 s21, v1  }
0x32c: {  	vm11 =	vlt.s32 v63, v9;
	vm10 =	vge.s32 v63, v10;
	v11 =	vshll.u32 v11, $0x7  }
0x32d: {  	vm10 =	vmand vm10, vm11;
	v11 =	vand.u32 $0x7F80, v11  }
0x32e: {  	p0 =	seq.s32 s18, $0x1F00;
	v11 =	vor.u32 v62, v11  }
.Ltmp15:
0x32f: {  	_ = 	snop;
	(pc) =	sbr.rel @!p0 .LBB2_18-.Ltmp15, $2  }
0x330: {  	_ =	sdelay $0x2  }
0x331: {  	s18 =	sadd.s32 $0x100, s18;
	s19 =	sadd.s32 $0x100, s19;
	s20 =	sadd.s32 $0x100, s20;
	[tilespmem:v11+s26+$0x0] =	vst.idx.add.f32.msk vm10, v8  }
.LBB2_19:
0x332: {  	s1 =	sadd.s32 s0, s10  }
0x333: {  	p0 =	slt.s32 s1, $0x3CE900  }
0x334: {  	s1 =	simm.s32 @!p0 $0x3CE900  }
0x335: {  	s1 =	sshrl.u32 s1, $0x3  }
0x336: {  	s2 =	sadd.s32 s22, s1  }
0x337: {  	[tilespmem:s25], [sflag:$0x2] =	stream.linear.gather [hbm4b:s2+s23], $0x2000, $0x38;
	[tilespmem:$0x18100] =	vst v63  }
0x338: {  	s1 =	sadd.s32 s4, s1  }
0x339: {  	[tilespmem:s28], [sflag:$0x2] =	stream.linear.gather [hbm4b:s1+s23], $0x2000, $0x38;
	[tilespmem:$0x18100] =	vst v63  }
0x33a: {  	s21 =	simm.s32 $0x3;
	s1 =	sor.u32 $0x2, s16  }
0x33b: {  	_ =	swait.ge [sflag:s21], $0x2000;
	p0 =	slt.s32 s1, s8  }
.Ltmp16:
0x33c: {  	[sflag:s21] =	ssyncset.done $0x0;
	(pc) =	sbr.rel @!p0 .LBB2_22-.Ltmp16, $4  }
0x33d: {  	[sflag:s21] =	ssyncadd.s32 $0xFFFFE000  }
0x33e: {  	_ =	swait.ge [sflag:s21], $0x2000  }
0x33f: {  	[sflag:s21] =	ssyncset.done $0x0  }
0x340: {  	[sflag:s21] =	ssyncadd.s32 $0xFFFFE000  }
0x341: {  	s1 =	simm.s32 $0x4080  }
0x342: {  	v10 =	vld [tilespmem:s1+$0x70]  }
0x343: {  	s17 =	simm.s32 $0xC080;
	v11 =	vld [tilespmem:s1+$0xFFFFFF90]  }
0x344: {  	v12 =	vld [tilespmem:s17+$0x70]  }
0x345: {  	v13 =	vld [tilespmem:s1+$0xFFFFFFA0]  }
0x346: {  	v14 =	vld [tilespmem:s1+$0xFFFFFFB0]  }
0x347: {  	v15 =	vld [tilespmem:s1+$0xFFFFFFC0]  }
0x348: {  	v16 =	vld [tilespmem:s1+$0xFFFFFFD0]  }
0x349: {  	v17 =	vld [tilespmem:s1+$0xFFFFFFE0]  }
0x34a: {  	v47 =	vld [tilespmem:s1+$0xFFFFFFF0]  }
0x34b: {  	v18 =	vld [tilespmem:s1+$0x0]  }
0x34c: {  	v19 =	vld [tilespmem:s1+$0x10]  }
0x34d: {  	v20 =	vld [tilespmem:s1+$0x20]  }
0x34e: {  	v21 =	vld [tilespmem:s1+$0xFFFFFF80]  }
0x34f: {  	v22 =	vld [tilespmem:s1+$0x40]  }
0x350: {  	v23 =	vld [tilespmem:s17+$0xFFFFFF80]  }
0x351: {  	v24 =	vld [tilespmem:s1+$0x50]  }
0x352: {  	v25 =	vld [tilespmem:s17+$0xFFFFFF90]  }
0x353: {  	v26 =	vld [tilespmem:s1+$0x60]  }
0x354: {  	v27 =	vld [tilespmem:s17+$0xFFFFFFA0]  }
0x355: {  	v28 =	vld [tilespmem:s17+$0xFFFFFFB0]  }
0x356: {  	v48 =	vld [tilespmem:s17+$0xFFFFFFC0]  }
0x357: {  	v29 =	vld [tilespmem:s17+$0xFFFFFFD0]  }
0x358: {  	v49 =	vld [tilespmem:s17+$0xFFFFFFE0]  }
0x359: {  	v30 =	vld [tilespmem:s17+$0xFFFFFFF0]  }
0x35a: {  	v50 =	vld [tilespmem:s17+$0x0];
	v10 =	vshll.u32 v10, $0x7  }
0x35b: {  	v52 =	vld [tilespmem:s17+$0x10];
	v10 =	vand.u32 $0x7F80, v10  }
0x35c: {  	v53 =	vld [tilespmem:s17+$0x20];
	v11 =	vshll.u32 v11, $0x7;
	v10 =	vor.u32 v12, v10  }
0x35d: {  	v54 =	vld [tilespmem:s17+$0x30];
	v21 =	vshll.u32 v21, $0x7;
	v11 =	vand.u32 $0x7F80, v11  }
0x35e: {  	v55 =	vld [tilespmem:s17+$0x40];
	v15 =	vshll.u32 v15, $0x7;
	v21 =	vand.u32 $0x7F80, v21;
	v11 =	vor.u32 v25, v11  }
0x35f: {  	v56 =	vld [tilespmem:s17+$0x50];
	v16 =	vshll.u32 v16, $0x7;
	v15 =	vand.u32 $0x7F80, v15;
	v21 =	vor.u32 v23, v21  }
0x360: {  	v57 =	vld [tilespmem:s17+$0x60];
	v17 =	vshll.u32 v17, $0x7;
	v16 =	vand.u32 $0x7F80, v16;
	v15 =	vor.u32 v48, v15  }
0x361: {  	v17 =	vand.u32 $0x7F80, v17;
	v12 =	vshll.u32 v47, $0x7;
	v16 =	vor.u32 v29, v16;
	[tilespmem:v10+s26+$0x0] =	vst.idx.add.f32.msk $0xffff, v8  }
0x362: {  	v13 =	vshll.u32 v13, $0x7;
	v17 =	vor.u32 v49, v17;
	v12 =	vand.u32 $0x7F80, v12;
	v10 =	vld [tilespmem:s1+$0x30]  }
0x363: {  	v51 =	vshll.u32 v14, $0x7;
	v12 =	vor.u32 v30, v12;
	[tilespmem:v11+s26+$0x0] =	vst.idx.add.f32.msk $0xffff, v8;
	v11 =	vand.u32 $0x7F80, v13  }
0x364: {  	v18 =	vshll.u32 v18, $0x7;
	[tilespmem:v21+s26+$0x0] =	vst.idx.add.f32.msk $0xffff, v8;
	v13 =	vand.u32 $0x7F80, v51;
	v11 =	vor.u32 v27, v11  }
0x365: {  	v60 =	vshll.u32 v22, $0x7;
	v18 =	vand.u32 $0x7F80, v18;
	[tilespmem:v15+s26+$0x0] =	vst.idx.add.f32.msk $0xffff, v8;
	v13 =	vor.u32 v28, v13  }
0x366: {  	v61 =	vshll.u32 v24, $0x7;
	v14 =	vand.u32 $0x7F80, v60;
	v18 =	vor.u32 v50, v18;
	[tilespmem:v16+s26+$0x0] =	vst.idx.add.f32.msk $0xffff, v8  }
0x367: {  	v62 =	vshll.u32 v26, $0x7;
	v14 =	vor.u32 v55, v14;
	[tilespmem:v17+s26+$0x0] =	vst.idx.add.f32.msk $0xffff, v8;
	v15 =	vand.u32 $0x7F80, v61  }
0x368: {  	v58 =	vshll.u32 v20, $0x7;
	v63 =	vand.u32 $0x7F80, v62;
	v15 =	vor.u32 v56, v15;
	[tilespmem:v12+s26+$0x0] =	vst.idx.add.f32.msk $0xffff, v8  }
0x369: {  	v19 =	vshll.u32 v19, $0x7;
	v59 =	vand.u32 $0x7F80, v58;
	v12 =	vor.u32 v57, v63;
	[tilespmem:v11+s26+$0x0] =	vst.idx.add.f32.msk $0xffff, v8  }
0x36a: {  	v10 =	vshll.u32 v10, $0x7;
	v11 =	vand.u32 $0x7F80, v19;
	[tilespmem:v13+s26+$0x0] =	vst.idx.add.f32.msk $0xffff, v8;
	v13 =	vor.u32 v53, v59  }
0x36b: {  	[tilespmem:v18+s26+$0x0] =	vst.idx.add.f32.msk $0xffff, v8;
	v10 =	vand.u32 $0x7F80, v10;
	v11 =	vor.u32 v52, v11  }
0x36c: {  	[tilespmem:v14+s26+$0x0] =	vst.idx.add.f32.msk $0xffff, v8;
	v10 =	vor.u32 v54, v10  }
0x36d: {  	[tilespmem:v15+s26+$0x0] =	vst.idx.add.f32.msk $0xffff, v8  }
0x36e: {  	[tilespmem:v12+s26+$0x0] =	vst.idx.add.f32.msk $0xffff, v8  }
0x36f: {  	[tilespmem:v13+s26+$0x0] =	vst.idx.add.f32.msk $0xffff, v8  }
0x370: {  	[tilespmem:v11+s26+$0x0] =	vst.idx.add.f32.msk $0xffff, v8  }
0x371: {  	s18 =	simm.s32 $0x0;
	s19 =	simm.s32 $0x4180;
	[tilespmem:v10+s26+$0x0] =	vst.idx.add.f32.msk $0xffff, v8  }
.LBB2_21:
0x372: {  	v10 =	vld [tilespmem:s19+$0x70];
	s18 =	sadd.s32 $0x10, s18  }
0x373: {  	s17 =	sadd.s32 $0x100, s17;
	v11 =	vld [tilespmem:s19+$0xFFFFFF90];
	p0 =	slt.u32 s18, $0x1F0  }
0x374: {  	v12 =	vld [tilespmem:s17+$0x70]  }
0x375: {  	v13 =	vld [tilespmem:s19+$0xFFFFFFA0]  }
0x376: {  	v14 =	vld [tilespmem:s19+$0xFFFFFFB0]  }
0x377: {  	v15 =	vld [tilespmem:s19+$0xFFFFFFC0];
	v10 =	vshll.u32 v10, $0x7  }
0x378: {  	v11 =	vshll.u32 v11, $0x7;
	v16 =	vld [tilespmem:s19+$0xFFFFFFD0];
	v10 =	vand.u32 $0x7F80, v10  }
0x379: {  	v11 =	vand.u32 $0x7F80, v11;
	v17 =	vld [tilespmem:s19+$0xFFFFFFE0];
	v10 =	vor.u32 v12, v10  }
0x37a: {  	v12 =	vshll.u32 v13, $0x7;
	v13 =	vld [tilespmem:s19+$0xFFFFFFF0]  }
0x37b: {  	v12 =	vand.u32 $0x7F80, v12;
	v14 =	vshll.u32 v14, $0x7;
	v18 =	vld [tilespmem:s19+$0x0]  }
0x37c: {  	v14 =	vand.u32 $0x7F80, v14;
	v15 =	vshll.u32 v15, $0x7;
	v19 =	vld [tilespmem:s19+$0x10]  }
0x37d: {  	v15 =	vand.u32 $0x7F80, v15;
	v16 =	vshll.u32 v16, $0x7;
	v20 =	vld [tilespmem:s19+$0x20]  }
0x37e: {  	v16 =	vand.u32 $0x7F80, v16;
	v17 =	vshll.u32 v17, $0x7;
	[tilespmem:v10+s26+$0x0] =	vst.idx.add.f32.msk $0xffff, v8  }
0x37f: {  	v10 =	vand.u32 $0x7F80, v17;
	v13 =	vshll.u32 v13, $0x7;
	v17 =	vld [tilespmem:s19+$0x30]  }
0x380: {  	v13 =	vand.u32 $0x7F80, v13;
	v18 =	vshll.u32 v18, $0x7;
	v21 =	vld [tilespmem:s19+$0x40]  }
0x381: {  	v18 =	vand.u32 $0x7F80, v18;
	v19 =	vshll.u32 v19, $0x7;
	v22 =	vld [tilespmem:s19+$0x50]  }
0x382: {  	v19 =	vand.u32 $0x7F80, v19;
	v20 =	vshll.u32 v20, $0x7;
	v23 =	vld [tilespmem:s19+$0x60]  }
0x383: {  	v24 =	vld [tilespmem:s19+$0xFFFFFF80];
	v20 =	vand.u32 $0x7F80, v20  }
0x384: {  	v25 =	vld [tilespmem:s17+$0xFFFFFF80];
	v17 =	vshll.u32 v17, $0x7  }
0x385: {  	v26 =	vld [tilespmem:s17+$0xFFFFFF90];
	v17 =	vand.u32 $0x7F80, v17;
	v21 =	vshll.u32 v21, $0x7  }
0x386: {  	v27 =	vld [tilespmem:s17+$0xFFFFFFA0];
	v21 =	vand.u32 $0x7F80, v21;
	v22 =	vshll.u32 v22, $0x7  }
0x387: {  	v28 =	vld [tilespmem:s17+$0xFFFFFFB0];
	v22 =	vand.u32 $0x7F80, v22;
	v23 =	vshll.u32 v23, $0x7  }
0x388: {  	v24 =	vshll.u32 v24, $0x7;
	v29 =	vld [tilespmem:s17+$0xFFFFFFC0];
	v23 =	vand.u32 $0x7F80, v23  }
0x389: {  	v24 =	vand.u32 $0x7F80, v24;
	v30 =	vld [tilespmem:s17+$0xFFFFFFD0]  }
0x38a: {  	v24 =	vor.u32 v25, v24;
	v11 =	vor.u32 v26, v11;
	v25 =	vld [tilespmem:s17+$0xFFFFFFE0]  }
0x38b: {  	v12 =	vor.u32 v27, v12;
	v26 =	vld [tilespmem:s17+$0xFFFFFFF0]  }
0x38c: {  	v14 =	vor.u32 v28, v14;
	v27 =	vld [tilespmem:s17+$0x0]  }
0x38d: {  	v15 =	vor.u32 v29, v15;
	v28 =	vld [tilespmem:s17+$0x10]  }
0x38e: {  	v16 =	vor.u32 v30, v16;
	v29 =	vld [tilespmem:s17+$0x20]  }
0x38f: {  	v10 =	vor.u32 v25, v10;
	v25 =	vld [tilespmem:s17+$0x30]  }
0x390: {  	v13 =	vor.u32 v26, v13;
	v26 =	vld [tilespmem:s17+$0x40]  }
0x391: {  	v18 =	vor.u32 v27, v18;
	v27 =	vld [tilespmem:s17+$0x50]  }
0x392: {  	v19 =	vor.u32 v28, v19;
	v28 =	vld [tilespmem:s17+$0x60]  }
0x393: {  	[tilespmem:v24+s26+$0x0] =	vst.idx.add.f32.msk $0xffff, v8;
	v20 =	vor.u32 v29, v20  }
0x394: {  	[tilespmem:v11+s26+$0x0] =	vst.idx.add.f32.msk $0xffff, v8;
	v11 =	vor.u32 v25, v17  }
0x395: {  	[tilespmem:v12+s26+$0x0] =	vst.idx.add.f32.msk $0xffff, v8;
	v12 =	vor.u32 v26, v21  }
0x396: {  	[tilespmem:v14+s26+$0x0] =	vst.idx.add.f32.msk $0xffff, v8;
	v14 =	vor.u32 v27, v22  }
0x397: {  	[tilespmem:v15+s26+$0x0] =	vst.idx.add.f32.msk $0xffff, v8;
	v15 =	vor.u32 v28, v23  }
0x398: {  	[tilespmem:v16+s26+$0x0] =	vst.idx.add.f32.msk $0xffff, v8  }
0x399: {  	[tilespmem:v10+s26+$0x0] =	vst.idx.add.f32.msk $0xffff, v8  }
0x39a: {  	[tilespmem:v13+s26+$0x0] =	vst.idx.add.f32.msk $0xffff, v8  }
0x39b: {  	[tilespmem:v18+s26+$0x0] =	vst.idx.add.f32.msk $0xffff, v8  }
0x39c: {  	[tilespmem:v19+s26+$0x0] =	vst.idx.add.f32.msk $0xffff, v8  }
.Ltmp17:
0x39d: {  	[tilespmem:v20+s26+$0x0] =	vst.idx.add.f32.msk $0xffff, v8;
	(pc) =	sbr.rel @p0 .LBB2_21-.Ltmp17, $4  }
0x39e: {  	[tilespmem:v11+s26+$0x0] =	vst.idx.add.f32.msk $0xffff, v8  }
0x39f: {  	[tilespmem:v12+s26+$0x0] =	vst.idx.add.f32.msk $0xffff, v8  }
0x3a0: {  	[tilespmem:v14+s26+$0x0] =	vst.idx.add.f32.msk $0xffff, v8  }
0x3a1: {  	s19 =	sadd.s32 $0x100, s19;
	[tilespmem:v15+s26+$0x0] =	vst.idx.add.f32.msk $0xffff, v8  }
.Ltmp18:
0x3a2: {  	_ = 	snop;
	(pc) =	sbr.rel .LBB2_24-.Ltmp18, $1  }
0x3a3: {  	_ =	sdelay $0x3  }
.LBB2_22:
0x3a4: {  	s1 =	sshll.u32 s1, $0xD  }
0x3a5: {  	s2 =	rddreg [dreg:$0x12];
	s1 =	sadd.s32 s31, s1  }
0x3a6: {  	p0 =	slt.s32 s14, $0x3CE900;
	p1 =	sgt.s32 s2, s1  }
0x3a7: {  	s17 =	smov.u32 s14;
	s18 =	simm.s32 $0x0;
	s1 =	smov.u32 @p1 s2  }
0x3a8: {  	s19 =	simm.s32 $0xC080;
	s20 =	simm.s32 $0x4080;
	s17 =	simm.s32 @!p0 $0x3CE900;
	v10 =	vmov s1  }
.LBB2_23:
0x3a9: {  	v11 =	vld [tilespmem:s20+$0xFFFFFF80];
	_ =	sdelay $0x1  }
0x3aa: {  	v12 =	vld [tilespmem:s19+$0xFFFFFF80]  }
0x3ab: {  	s21 =	sadd.s32 s18, s17  }
0x3ac: {  	v13 =	vadd.s32 s21, v1  }
0x3ad: {  	vm10 =	vge.s32 v13, v10;
	vm11 =	vlt.s32 v13, v9;
	v11 =	vshll.u32 v11, $0x7  }
0x3ae: {  	vm10 =	vmand vm10, vm11;
	v11 =	vand.u32 $0x7F80, v11  }
0x3af: {  	v11 =	vor.u32 v12, v11;
	_ =	sdelay $0x4  }
0x3b0: {  	[tilespmem:v11+s26+$0x0] =	vst.idx.add.f32.msk vm10, v8  }
0x3b1: {  	v11 =	vld [tilespmem:s20+$0xFFFFFF90];
	_ =	sdelay $0x1  }
0x3b2: {  	v34 =	vld [tilespmem:s19+$0xFFFFFF90]  }
0x3b3: {  	s1 =	sadd.s32 $0x10, s21  }
0x3b4: {  	v35 =	vadd.s32 s1, v1  }
0x3b5: {  	vm11 =	vlt.s32 v35, v9;
	vm10 =	vge.s32 v35, v10;
	v11 =	vshll.u32 v11, $0x7  }
0x3b6: {  	vm10 =	vmand vm10, vm11;
	v11 =	vand.u32 $0x7F80, v11  }
0x3b7: {  	v11 =	vor.u32 v34, v11;
	_ =	sdelay $0x4  }
0x3b8: {  	[tilespmem:v11+s26+$0x0] =	vst.idx.add.f32.msk vm10, v8  }
0x3b9: {  	v11 =	vld [tilespmem:s20+$0xFFFFFFA0];
	_ =	sdelay $0x1  }
0x3ba: {  	v36 =	vld [tilespmem:s19+$0xFFFFFFA0]  }
0x3bb: {  	s2 =	sadd.s32 $0x20, s21  }
0x3bc: {  	v37 =	vadd.s32 s2, v1  }
0x3bd: {  	vm11 =	vlt.s32 v37, v9;
	vm10 =	vge.s32 v37, v10;
	v11 =	vshll.u32 v11, $0x7  }
0x3be: {  	vm10 =	vmand vm10, vm11;
	v11 =	vand.u32 $0x7F80, v11  }
0x3bf: {  	v11 =	vor.u32 v36, v11;
	_ =	sdelay $0x4  }
0x3c0: {  	[tilespmem:v11+s26+$0x0] =	vst.idx.add.f32.msk vm10, v8  }
0x3c1: {  	v11 =	vld [tilespmem:s20+$0xFFFFFFB0];
	_ =	sdelay $0x1  }
0x3c2: {  	v38 =	vld [tilespmem:s19+$0xFFFFFFB0]  }
0x3c3: {  	s2 =	sadd.s32 $0x30, s21  }
0x3c4: {  	v39 =	vadd.s32 s2, v1  }
0x3c5: {  	vm11 =	vlt.s32 v39, v9;
	vm10 =	vge.s32 v39, v10;
	v11 =	vshll.u32 v11, $0x7  }
0x3c6: {  	vm10 =	vmand vm10, vm11;
	v11 =	vand.u32 $0x7F80, v11  }
0x3c7: {  	v11 =	vor.u32 v38, v11;
	_ =	sdelay $0x4  }
0x3c8: {  	[tilespmem:v11+s26+$0x0] =	vst.idx.add.f32.msk vm10, v8  }
0x3c9: {  	v11 =	vld [tilespmem:s20+$0xFFFFFFC0];
	_ =	sdelay $0x1  }
0x3ca: {  	v40 =	vld [tilespmem:s19+$0xFFFFFFC0]  }
0x3cb: {  	s2 =	sadd.s32 $0x40, s21  }
0x3cc: {  	v41 =	vadd.s32 s2, v1  }
0x3cd: {  	vm11 =	vlt.s32 v41, v9;
	vm10 =	vge.s32 v41, v10;
	v11 =	vshll.u32 v11, $0x7  }
0x3ce: {  	vm10 =	vmand vm10, vm11;
	v11 =	vand.u32 $0x7F80, v11  }
0x3cf: {  	v11 =	vor.u32 v40, v11;
	_ =	sdelay $0x4  }
0x3d0: {  	[tilespmem:v11+s26+$0x0] =	vst.idx.add.f32.msk vm10, v8  }
0x3d1: {  	v11 =	vld [tilespmem:s20+$0xFFFFFFD0];
	_ =	sdelay $0x1  }
0x3d2: {  	v42 =	vld [tilespmem:s19+$0xFFFFFFD0]  }
0x3d3: {  	s2 =	sadd.s32 $0x50, s21  }
0x3d4: {  	v43 =	vadd.s32 s2, v1  }
0x3d5: {  	vm11 =	vlt.s32 v43, v9;
	vm10 =	vge.s32 v43, v10;
	v11 =	vshll.u32 v11, $0x7  }
0x3d6: {  	vm10 =	vmand vm10, vm11;
	v11 =	vand.u32 $0x7F80, v11  }
0x3d7: {  	v11 =	vor.u32 v42, v11;
	_ =	sdelay $0x4  }
0x3d8: {  	[tilespmem:v11+s26+$0x0] =	vst.idx.add.f32.msk vm10, v8  }
0x3d9: {  	v11 =	vld [tilespmem:s20+$0xFFFFFFE0];
	_ =	sdelay $0x1  }
0x3da: {  	v44 =	vld [tilespmem:s19+$0xFFFFFFE0]  }
0x3db: {  	s2 =	sadd.s32 $0x60, s21  }
0x3dc: {  	v45 =	vadd.s32 s2, v1  }
0x3dd: {  	vm11 =	vlt.s32 v45, v9;
	vm10 =	vge.s32 v45, v10;
	v11 =	vshll.u32 v11, $0x7  }
0x3de: {  	vm10 =	vmand vm10, vm11;
	v11 =	vand.u32 $0x7F80, v11  }
0x3df: {  	v11 =	vor.u32 v44, v11;
	_ =	sdelay $0x4  }
0x3e0: {  	[tilespmem:v11+s26+$0x0] =	vst.idx.add.f32.msk vm10, v8  }
0x3e1: {  	v11 =	vld [tilespmem:s20+$0xFFFFFFF0];
	_ =	sdelay $0x1  }
0x3e2: {  	v46 =	vld [tilespmem:s19+$0xFFFFFFF0]  }
0x3e3: {  	s2 =	sadd.s32 $0x70, s21  }
0x3e4: {  	v47 =	vadd.s32 s2, v1  }
0x3e5: {  	vm11 =	vlt.s32 v47, v9;
	vm10 =	vge.s32 v47, v10;
	v11 =	vshll.u32 v11, $0x7  }
0x3e6: {  	vm10 =	vmand vm10, vm11;
	v11 =	vand.u32 $0x7F80, v11  }
0x3e7: {  	v11 =	vor.u32 v46, v11;
	_ =	sdelay $0x4  }
0x3e8: {  	[tilespmem:v11+s26+$0x0] =	vst.idx.add.f32.msk vm10, v8  }
0x3e9: {  	v11 =	vld [tilespmem:s20+$0x0];
	_ =	sdelay $0x1  }
0x3ea: {  	v48 =	vld [tilespmem:s19+$0x0]  }
0x3eb: {  	s2 =	sadd.s32 $0x80, s21  }
0x3ec: {  	v49 =	vadd.s32 s2, v1  }
0x3ed: {  	vm11 =	vlt.s32 v49, v9;
	vm10 =	vge.s32 v49, v10;
	v11 =	vshll.u32 v11, $0x7  }
0x3ee: {  	vm10 =	vmand vm10, vm11;
	v11 =	vand.u32 $0x7F80, v11  }
0x3ef: {  	v11 =	vor.u32 v48, v11;
	_ =	sdelay $0x4  }
0x3f0: {  	[tilespmem:v11+s26+$0x0] =	vst.idx.add.f32.msk vm10, v8  }
0x3f1: {  	v11 =	vld [tilespmem:s20+$0x10];
	_ =	sdelay $0x1  }
0x3f2: {  	v50 =	vld [tilespmem:s19+$0x10]  }
0x3f3: {  	s2 =	sadd.s32 $0x90, s21  }
0x3f4: {  	v51 =	vadd.s32 s2, v1  }
0x3f5: {  	vm11 =	vlt.s32 v51, v9;
	vm10 =	vge.s32 v51, v10;
	v11 =	vshll.u32 v11, $0x7  }
0x3f6: {  	vm10 =	vmand vm10, vm11;
	v11 =	vand.u32 $0x7F80, v11  }
0x3f7: {  	v11 =	vor.u32 v50, v11;
	_ =	sdelay $0x4  }
0x3f8: {  	[tilespmem:v11+s26+$0x0] =	vst.idx.add.f32.msk vm10, v8  }
0x3f9: {  	v11 =	vld [tilespmem:s20+$0x20];
	_ =	sdelay $0x1  }
0x3fa: {  	v52 =	vld [tilespmem:s19+$0x20]  }
0x3fb: {  	s2 =	sadd.s32 $0xA0, s21  }
0x3fc: {  	v53 =	vadd.s32 s2, v1  }
0x3fd: {  	vm11 =	vlt.s32 v53, v9;
	vm10 =	vge.s32 v53, v10;
	v11 =	vshll.u32 v11, $0x7  }
0x3fe: {  	vm10 =	vmand vm10, vm11;
	v11 =	vand.u32 $0x7F80, v11  }
0x3ff: {  	v11 =	vor.u32 v52, v11;
	_ =	sdelay $0x4  }
0x400: {  	[tilespmem:v11+s26+$0x0] =	vst.idx.add.f32.msk vm10, v8  }
0x401: {  	v11 =	vld [tilespmem:s20+$0x30];
	_ =	sdelay $0x1  }
0x402: {  	v54 =	vld [tilespmem:s19+$0x30]  }
0x403: {  	s2 =	sadd.s32 $0xB0, s21  }
0x404: {  	v55 =	vadd.s32 s2, v1  }
0x405: {  	vm11 =	vlt.s32 v55, v9;
	vm10 =	vge.s32 v55, v10;
	v11 =	vshll.u32 v11, $0x7  }
0x406: {  	vm10 =	vmand vm10, vm11;
	v11 =	vand.u32 $0x7F80, v11  }
0x407: {  	v11 =	vor.u32 v54, v11;
	_ =	sdelay $0x4  }
0x408: {  	[tilespmem:v11+s26+$0x0] =	vst.idx.add.f32.msk vm10, v8  }
0x409: {  	v11 =	vld [tilespmem:s20+$0x40];
	_ =	sdelay $0x1  }
0x40a: {  	v56 =	vld [tilespmem:s19+$0x40]  }
0x40b: {  	s2 =	sadd.s32 $0xC0, s21  }
0x40c: {  	v57 =	vadd.s32 s2, v1  }
0x40d: {  	vm11 =	vlt.s32 v57, v9;
	vm10 =	vge.s32 v57, v10;
	v11 =	vshll.u32 v11, $0x7  }
0x40e: {  	vm10 =	vmand vm10, vm11;
	v11 =	vand.u32 $0x7F80, v11  }
0x40f: {  	v11 =	vor.u32 v56, v11;
	_ =	sdelay $0x4  }
0x410: {  	[tilespmem:v11+s26+$0x0] =	vst.idx.add.f32.msk vm10, v8  }
0x411: {  	v11 =	vld [tilespmem:s20+$0x50];
	_ =	sdelay $0x1  }
0x412: {  	v58 =	vld [tilespmem:s19+$0x50]  }
0x413: {  	s2 =	sadd.s32 $0xD0, s21  }
0x414: {  	v59 =	vadd.s32 s2, v1  }
0x415: {  	vm11 =	vlt.s32 v59, v9;
	vm10 =	vge.s32 v59, v10;
	v11 =	vshll.u32 v11, $0x7  }
0x416: {  	vm10 =	vmand vm10, vm11;
	v11 =	vand.u32 $0x7F80, v11  }
0x417: {  	v11 =	vor.u32 v58, v11;
	_ =	sdelay $0x4  }
0x418: {  	[tilespmem:v11+s26+$0x0] =	vst.idx.add.f32.msk vm10, v8  }
0x419: {  	v11 =	vld [tilespmem:s20+$0x60];
	_ =	sdelay $0x1  }
0x41a: {  	v60 =	vld [tilespmem:s19+$0x60]  }
0x41b: {  	s2 =	sadd.s32 $0xE0, s21  }
0x41c: {  	v61 =	vadd.s32 s2, v1  }
0x41d: {  	vm11 =	vlt.s32 v61, v9;
	vm10 =	vge.s32 v61, v10;
	v11 =	vshll.u32 v11, $0x7  }
0x41e: {  	vm10 =	vmand vm10, vm11;
	v11 =	vand.u32 $0x7F80, v11  }
0x41f: {  	v11 =	vor.u32 v60, v11;
	_ =	sdelay $0x4  }
0x420: {  	[tilespmem:v11+s26+$0x0] =	vst.idx.add.f32.msk vm10, v8  }
0x421: {  	v11 =	vld [tilespmem:s20+$0x70];
	_ =	sdelay $0x1  }
0x422: {  	v62 =	vld [tilespmem:s19+$0x70]  }
0x423: {  	s21 =	sadd.s32 $0xF0, s21  }
0x424: {  	v63 =	vadd.s32 s21, v1  }
0x425: {  	vm11 =	vlt.s32 v63, v9;
	vm10 =	vge.s32 v63, v10;
	v11 =	vshll.u32 v11, $0x7  }
0x426: {  	vm10 =	vmand vm10, vm11;
	v11 =	vand.u32 $0x7F80, v11  }
0x427: {  	p0 =	seq.s32 s18, $0x1F00;
	v11 =	vor.u32 v62, v11  }
.Ltmp19:
0x428: {  	_ = 	snop;
	(pc) =	sbr.rel @!p0 .LBB2_23-.Ltmp19, $2  }
0x429: {  	_ =	sdelay $0x2  }
0x42a: {  	s18 =	sadd.s32 $0x100, s18;
	s19 =	sadd.s32 $0x100, s19;
	s20 =	sadd.s32 $0x100, s20;
	[tilespmem:v11+s26+$0x0] =	vst.idx.add.f32.msk vm10, v8  }
.LBB2_24:
0x42b: {  	s1 =	sadd.s32 s0, s11  }
0x42c: {  	p0 =	slt.s32 s1, $0x3CE900  }
0x42d: {  	s1 =	simm.s32 @!p0 $0x3CE900  }
0x42e: {  	s1 =	sshrl.u32 s1, $0x3  }
0x42f: {  	s2 =	sadd.s32 s22, s1  }
0x430: {  	[tilespmem:s29], [sflag:$0x3] =	stream.linear.gather [hbm4b:s2+s23], $0x2000, $0x38;
	[tilespmem:$0x18100] =	vst v63  }
0x431: {  	s1 =	sadd.s32 s4, s1  }
0x432: {  	[tilespmem:s30], [sflag:$0x3] =	stream.linear.gather [hbm4b:s1+s23], $0x2000, $0x38;
	[tilespmem:$0x18100] =	vst v63  }
0x433: {  	s21 =	simm.s32 $0x4;
	s1 =	sor.u32 $0x3, s16  }
0x434: {  	_ =	swait.ge [sflag:s21], $0x2000;
	p0 =	slt.s32 s1, s8  }
.Ltmp20:
0x435: {  	[sflag:s21] =	ssyncset.done $0x0;
	(pc) =	sbr.rel @!p0 .LBB2_27-.Ltmp20, $4  }
0x436: {  	[sflag:s21] =	ssyncadd.s32 $0xFFFFE000  }
0x437: {  	_ =	swait.ge [sflag:s21], $0x2000  }
0x438: {  	[sflag:s21] =	ssyncset.done $0x0  }
0x439: {  	[sflag:s21] =	ssyncadd.s32 $0xFFFFE000  }
0x43a: {  	s1 =	simm.s32 $0x6080  }
0x43b: {  	v10 =	vld [tilespmem:s1+$0x70]  }
0x43c: {  	s16 =	simm.s32 $0xE080;
	v11 =	vld [tilespmem:s1+$0xFFFFFF90]  }
0x43d: {  	v12 =	vld [tilespmem:s16+$0x70]  }
0x43e: {  	v13 =	vld [tilespmem:s1+$0xFFFFFFA0]  }
0x43f: {  	v14 =	vld [tilespmem:s1+$0xFFFFFFB0]  }
0x440: {  	v15 =	vld [tilespmem:s1+$0xFFFFFFC0]  }
0x441: {  	v16 =	vld [tilespmem:s1+$0xFFFFFFD0]  }
0x442: {  	v17 =	vld [tilespmem:s1+$0xFFFFFFE0]  }
0x443: {  	v47 =	vld [tilespmem:s1+$0xFFFFFFF0]  }
0x444: {  	v18 =	vld [tilespmem:s1+$0x0]  }
0x445: {  	v19 =	vld [tilespmem:s1+$0x10]  }
0x446: {  	v20 =	vld [tilespmem:s1+$0x20]  }
0x447: {  	v21 =	vld [tilespmem:s1+$0xFFFFFF80]  }
0x448: {  	v22 =	vld [tilespmem:s1+$0x40]  }
0x449: {  	v23 =	vld [tilespmem:s16+$0xFFFFFF80]  }
0x44a: {  	v24 =	vld [tilespmem:s1+$0x50]  }
0x44b: {  	v25 =	vld [tilespmem:s16+$0xFFFFFF90]  }
0x44c: {  	v26 =	vld [tilespmem:s1+$0x60]  }
0x44d: {  	v27 =	vld [tilespmem:s16+$0xFFFFFFA0]  }
0x44e: {  	v28 =	vld [tilespmem:s16+$0xFFFFFFB0]  }
0x44f: {  	v48 =	vld [tilespmem:s16+$0xFFFFFFC0]  }
0x450: {  	v29 =	vld [tilespmem:s16+$0xFFFFFFD0]  }
0x451: {  	v49 =	vld [tilespmem:s16+$0xFFFFFFE0]  }
0x452: {  	v30 =	vld [tilespmem:s16+$0xFFFFFFF0]  }
0x453: {  	v50 =	vld [tilespmem:s16+$0x0];
	v10 =	vshll.u32 v10, $0x7  }
0x454: {  	v52 =	vld [tilespmem:s16+$0x10];
	v10 =	vand.u32 $0x7F80, v10  }
0x455: {  	v53 =	vld [tilespmem:s16+$0x20];
	v11 =	vshll.u32 v11, $0x7;
	v10 =	vor.u32 v12, v10  }
0x456: {  	v54 =	vld [tilespmem:s16+$0x30];
	v21 =	vshll.u32 v21, $0x7;
	v11 =	vand.u32 $0x7F80, v11  }
0x457: {  	v55 =	vld [tilespmem:s16+$0x40];
	v15 =	vshll.u32 v15, $0x7;
	v21 =	vand.u32 $0x7F80, v21;
	v11 =	vor.u32 v25, v11  }
0x458: {  	v56 =	vld [tilespmem:s16+$0x50];
	v16 =	vshll.u32 v16, $0x7;
	v15 =	vand.u32 $0x7F80, v15;
	v21 =	vor.u32 v23, v21  }
0x459: {  	v57 =	vld [tilespmem:s16+$0x60];
	v17 =	vshll.u32 v17, $0x7;
	v16 =	vand.u32 $0x7F80, v16;
	v15 =	vor.u32 v48, v15  }
0x45a: {  	v17 =	vand.u32 $0x7F80, v17;
	v12 =	vshll.u32 v47, $0x7;
	v16 =	vor.u32 v29, v16;
	[tilespmem:v10+s26+$0x0] =	vst.idx.add.f32.msk $0xffff, v8  }
0x45b: {  	v13 =	vshll.u32 v13, $0x7;
	v17 =	vor.u32 v49, v17;
	v12 =	vand.u32 $0x7F80, v12;
	v10 =	vld [tilespmem:s1+$0x30]  }
0x45c: {  	v51 =	vshll.u32 v14, $0x7;
	v12 =	vor.u32 v30, v12;
	[tilespmem:v11+s26+$0x0] =	vst.idx.add.f32.msk $0xffff, v8;
	v11 =	vand.u32 $0x7F80, v13  }
0x45d: {  	v18 =	vshll.u32 v18, $0x7;
	[tilespmem:v21+s26+$0x0] =	vst.idx.add.f32.msk $0xffff, v8;
	v13 =	vand.u32 $0x7F80, v51;
	v11 =	vor.u32 v27, v11  }
0x45e: {  	v60 =	vshll.u32 v22, $0x7;
	v18 =	vand.u32 $0x7F80, v18;
	[tilespmem:v15+s26+$0x0] =	vst.idx.add.f32.msk $0xffff, v8;
	v13 =	vor.u32 v28, v13  }
0x45f: {  	v61 =	vshll.u32 v24, $0x7;
	v14 =	vand.u32 $0x7F80, v60;
	v18 =	vor.u32 v50, v18;
	[tilespmem:v16+s26+$0x0] =	vst.idx.add.f32.msk $0xffff, v8  }
0x460: {  	v62 =	vshll.u32 v26, $0x7;
	v14 =	vor.u32 v55, v14;
	[tilespmem:v17+s26+$0x0] =	vst.idx.add.f32.msk $0xffff, v8;
	v15 =	vand.u32 $0x7F80, v61  }
0x461: {  	v58 =	vshll.u32 v20, $0x7;
	v63 =	vand.u32 $0x7F80, v62;
	v15 =	vor.u32 v56, v15;
	[tilespmem:v12+s26+$0x0] =	vst.idx.add.f32.msk $0xffff, v8  }
0x462: {  	v19 =	vshll.u32 v19, $0x7;
	v59 =	vand.u32 $0x7F80, v58;
	v12 =	vor.u32 v57, v63;
	[tilespmem:v11+s26+$0x0] =	vst.idx.add.f32.msk $0xffff, v8  }
0x463: {  	v10 =	vshll.u32 v10, $0x7;
	v11 =	vand.u32 $0x7F80, v19;
	[tilespmem:v13+s26+$0x0] =	vst.idx.add.f32.msk $0xffff, v8;
	v13 =	vor.u32 v53, v59  }
0x464: {  	[tilespmem:v18+s26+$0x0] =	vst.idx.add.f32.msk $0xffff, v8;
	v10 =	vand.u32 $0x7F80, v10;
	v11 =	vor.u32 v52, v11  }
0x465: {  	[tilespmem:v14+s26+$0x0] =	vst.idx.add.f32.msk $0xffff, v8;
	v10 =	vor.u32 v54, v10  }
0x466: {  	[tilespmem:v15+s26+$0x0] =	vst.idx.add.f32.msk $0xffff, v8  }
0x467: {  	[tilespmem:v12+s26+$0x0] =	vst.idx.add.f32.msk $0xffff, v8  }
0x468: {  	[tilespmem:v13+s26+$0x0] =	vst.idx.add.f32.msk $0xffff, v8  }
0x469: {  	[tilespmem:v11+s26+$0x0] =	vst.idx.add.f32.msk $0xffff, v8  }
0x46a: {  	s17 =	simm.s32 $0x0;
	s18 =	simm.s32 $0x6180;
	[tilespmem:v10+s26+$0x0] =	vst.idx.add.f32.msk $0xffff, v8  }
.LBB2_26:
0x46b: {  	v10 =	vld [tilespmem:s18+$0x70];
	s17 =	sadd.s32 $0x10, s17  }
0x46c: {  	s16 =	sadd.s32 $0x100, s16;
	v11 =	vld [tilespmem:s18+$0xFFFFFF90];
	p0 =	slt.u32 s17, $0x1F0  }
0x46d: {  	v12 =	vld [tilespmem:s16+$0x70]  }
0x46e: {  	v13 =	vld [tilespmem:s18+$0xFFFFFFA0]  }
0x46f: {  	v14 =	vld [tilespmem:s18+$0xFFFFFFB0]  }
0x470: {  	v15 =	vld [tilespmem:s18+$0xFFFFFFC0];
	v10 =	vshll.u32 v10, $0x7  }
0x471: {  	v11 =	vshll.u32 v11, $0x7;
	v16 =	vld [tilespmem:s18+$0xFFFFFFD0];
	v10 =	vand.u32 $0x7F80, v10  }
0x472: {  	v11 =	vand.u32 $0x7F80, v11;
	v17 =	vld [tilespmem:s18+$0xFFFFFFE0];
	v10 =	vor.u32 v12, v10  }
0x473: {  	v12 =	vshll.u32 v13, $0x7;
	v13 =	vld [tilespmem:s18+$0xFFFFFFF0]  }
0x474: {  	v12 =	vand.u32 $0x7F80, v12;
	v14 =	vshll.u32 v14, $0x7;
	v18 =	vld [tilespmem:s18+$0x0]  }
0x475: {  	v14 =	vand.u32 $0x7F80, v14;
	v15 =	vshll.u32 v15, $0x7;
	v19 =	vld [tilespmem:s18+$0x10]  }
0x476: {  	v15 =	vand.u32 $0x7F80, v15;
	v16 =	vshll.u32 v16, $0x7;
	v20 =	vld [tilespmem:s18+$0x20]  }
0x477: {  	v16 =	vand.u32 $0x7F80, v16;
	v17 =	vshll.u32 v17, $0x7;
	[tilespmem:v10+s26+$0x0] =	vst.idx.add.f32.msk $0xffff, v8  }
0x478: {  	v10 =	vand.u32 $0x7F80, v17;
	v13 =	vshll.u32 v13, $0x7;
	v17 =	vld [tilespmem:s18+$0x30]  }
0x479: {  	v13 =	vand.u32 $0x7F80, v13;
	v18 =	vshll.u32 v18, $0x7;
	v21 =	vld [tilespmem:s18+$0x40]  }
0x47a: {  	v18 =	vand.u32 $0x7F80, v18;
	v19 =	vshll.u32 v19, $0x7;
	v22 =	vld [tilespmem:s18+$0x50]  }
0x47b: {  	v19 =	vand.u32 $0x7F80, v19;
	v20 =	vshll.u32 v20, $0x7;
	v23 =	vld [tilespmem:s18+$0x60]  }
0x47c: {  	v24 =	vld [tilespmem:s18+$0xFFFFFF80];
	v20 =	vand.u32 $0x7F80, v20  }
0x47d: {  	v25 =	vld [tilespmem:s16+$0xFFFFFF80];
	v17 =	vshll.u32 v17, $0x7  }
0x47e: {  	v26 =	vld [tilespmem:s16+$0xFFFFFF90];
	v17 =	vand.u32 $0x7F80, v17;
	v21 =	vshll.u32 v21, $0x7  }
0x47f: {  	v27 =	vld [tilespmem:s16+$0xFFFFFFA0];
	v21 =	vand.u32 $0x7F80, v21;
	v22 =	vshll.u32 v22, $0x7  }
0x480: {  	v28 =	vld [tilespmem:s16+$0xFFFFFFB0];
	v22 =	vand.u32 $0x7F80, v22;
	v23 =	vshll.u32 v23, $0x7  }
0x481: {  	v24 =	vshll.u32 v24, $0x7;
	v29 =	vld [tilespmem:s16+$0xFFFFFFC0];
	v23 =	vand.u32 $0x7F80, v23  }
0x482: {  	v24 =	vand.u32 $0x7F80, v24;
	v30 =	vld [tilespmem:s16+$0xFFFFFFD0]  }
0x483: {  	v24 =	vor.u32 v25, v24;
	v11 =	vor.u32 v26, v11;
	v25 =	vld [tilespmem:s16+$0xFFFFFFE0]  }
0x484: {  	v12 =	vor.u32 v27, v12;
	v26 =	vld [tilespmem:s16+$0xFFFFFFF0]  }
0x485: {  	v14 =	vor.u32 v28, v14;
	v27 =	vld [tilespmem:s16+$0x0]  }
0x486: {  	v15 =	vor.u32 v29, v15;
	v28 =	vld [tilespmem:s16+$0x10]  }
0x487: {  	v16 =	vor.u32 v30, v16;
	v29 =	vld [tilespmem:s16+$0x20]  }
0x488: {  	v10 =	vor.u32 v25, v10;
	v25 =	vld [tilespmem:s16+$0x30]  }
0x489: {  	v13 =	vor.u32 v26, v13;
	v26 =	vld [tilespmem:s16+$0x40]  }
0x48a: {  	v18 =	vor.u32 v27, v18;
	v27 =	vld [tilespmem:s16+$0x50]  }
0x48b: {  	v19 =	vor.u32 v28, v19;
	v28 =	vld [tilespmem:s16+$0x60]  }
0x48c: {  	[tilespmem:v24+s26+$0x0] =	vst.idx.add.f32.msk $0xffff, v8;
	v20 =	vor.u32 v29, v20  }
0x48d: {  	[tilespmem:v11+s26+$0x0] =	vst.idx.add.f32.msk $0xffff, v8;
	v11 =	vor.u32 v25, v17  }
0x48e: {  	[tilespmem:v12+s26+$0x0] =	vst.idx.add.f32.msk $0xffff, v8;
	v12 =	vor.u32 v26, v21  }
0x48f: {  	[tilespmem:v14+s26+$0x0] =	vst.idx.add.f32.msk $0xffff, v8;
	v14 =	vor.u32 v27, v22  }
0x490: {  	[tilespmem:v15+s26+$0x0] =	vst.idx.add.f32.msk $0xffff, v8;
	v15 =	vor.u32 v28, v23  }
0x491: {  	[tilespmem:v16+s26+$0x0] =	vst.idx.add.f32.msk $0xffff, v8  }
0x492: {  	[tilespmem:v10+s26+$0x0] =	vst.idx.add.f32.msk $0xffff, v8  }
0x493: {  	[tilespmem:v13+s26+$0x0] =	vst.idx.add.f32.msk $0xffff, v8  }
0x494: {  	[tilespmem:v18+s26+$0x0] =	vst.idx.add.f32.msk $0xffff, v8  }
0x495: {  	[tilespmem:v19+s26+$0x0] =	vst.idx.add.f32.msk $0xffff, v8  }
.Ltmp21:
0x496: {  	[tilespmem:v20+s26+$0x0] =	vst.idx.add.f32.msk $0xffff, v8;
	(pc) =	sbr.rel @p0 .LBB2_26-.Ltmp21, $4  }
0x497: {  	[tilespmem:v11+s26+$0x0] =	vst.idx.add.f32.msk $0xffff, v8  }
0x498: {  	[tilespmem:v12+s26+$0x0] =	vst.idx.add.f32.msk $0xffff, v8  }
0x499: {  	[tilespmem:v14+s26+$0x0] =	vst.idx.add.f32.msk $0xffff, v8  }
0x49a: {  	s18 =	sadd.s32 $0x100, s18;
	[tilespmem:v15+s26+$0x0] =	vst.idx.add.f32.msk $0xffff, v8  }
.Ltmp22:
0x49b: {  	_ = 	snop;
	(pc) =	sbr.rel .LBB2_29-.Ltmp22, $1  }
0x49c: {  	_ =	sdelay $0x3  }
.LBB2_27:
0x49d: {  	s1 =	sshll.u32 s1, $0xD  }
0x49e: {  	s2 =	rddreg [dreg:$0x12];
	s1 =	sadd.s32 s31, s1  }
0x49f: {  	p0 =	slt.s32 s15, $0x3CE900;
	p1 =	sgt.s32 s2, s1  }
0x4a0: {  	s16 =	smov.u32 s15;
	s17 =	simm.s32 $0x0;
	s1 =	smov.u32 @p1 s2  }
0x4a1: {  	s18 =	simm.s32 $0xE080;
	s19 =	simm.s32 $0x6080;
	s16 =	simm.s32 @!p0 $0x3CE900;
	v10 =	vmov s1  }
.LBB2_28:
0x4a2: {  	v11 =	vld [tilespmem:s19+$0xFFFFFF80];
	_ =	sdelay $0x1  }
0x4a3: {  	v12 =	vld [tilespmem:s18+$0xFFFFFF80]  }
0x4a4: {  	s20 =	sadd.s32 s17, s16  }
0x4a5: {  	v13 =	vadd.s32 s20, v1  }
0x4a6: {  	vm10 =	vge.s32 v13, v10;
	vm11 =	vlt.s32 v13, v9;
	v11 =	vshll.u32 v11, $0x7  }
0x4a7: {  	vm10 =	vmand vm10, vm11;
	v11 =	vand.u32 $0x7F80, v11  }
0x4a8: {  	v11 =	vor.u32 v12, v11;
	_ =	sdelay $0x4  }
0x4a9: {  	[tilespmem:v11+s26+$0x0] =	vst.idx.add.f32.msk vm10, v8  }
0x4aa: {  	v11 =	vld [tilespmem:s19+$0xFFFFFF90];
	_ =	sdelay $0x1  }
0x4ab: {  	v34 =	vld [tilespmem:s18+$0xFFFFFF90]  }
0x4ac: {  	s1 =	sadd.s32 $0x10, s20  }
0x4ad: {  	v35 =	vadd.s32 s1, v1  }
0x4ae: {  	vm11 =	vlt.s32 v35, v9;
	vm10 =	vge.s32 v35, v10;
	v11 =	vshll.u32 v11, $0x7  }
0x4af: {  	vm10 =	vmand vm10, vm11;
	v11 =	vand.u32 $0x7F80, v11  }
0x4b0: {  	v11 =	vor.u32 v34, v11;
	_ =	sdelay $0x4  }
0x4b1: {  	[tilespmem:v11+s26+$0x0] =	vst.idx.add.f32.msk vm10, v8  }
0x4b2: {  	v11 =	vld [tilespmem:s19+$0xFFFFFFA0];
	_ =	sdelay $0x1  }
0x4b3: {  	v36 =	vld [tilespmem:s18+$0xFFFFFFA0]  }
0x4b4: {  	s2 =	sadd.s32 $0x20, s20  }
0x4b5: {  	v37 =	vadd.s32 s2, v1  }
0x4b6: {  	vm11 =	vlt.s32 v37, v9;
	vm10 =	vge.s32 v37, v10;
	v11 =	vshll.u32 v11, $0x7  }
0x4b7: {  	vm10 =	vmand vm10, vm11;
	v11 =	vand.u32 $0x7F80, v11  }
0x4b8: {  	v11 =	vor.u32 v36, v11;
	_ =	sdelay $0x4  }
0x4b9: {  	[tilespmem:v11+s26+$0x0] =	vst.idx.add.f32.msk vm10, v8  }
0x4ba: {  	v11 =	vld [tilespmem:s19+$0xFFFFFFB0];
	_ =	sdelay $0x1  }
0x4bb: {  	v38 =	vld [tilespmem:s18+$0xFFFFFFB0]  }
0x4bc: {  	s21 =	sadd.s32 $0x30, s20  }
0x4bd: {  	v39 =	vadd.s32 s21, v1  }
0x4be: {  	vm11 =	vlt.s32 v39, v9;
	vm10 =	vge.s32 v39, v10;
	v11 =	vshll.u32 v11, $0x7  }
0x4bf: {  	vm10 =	vmand vm10, vm11;
	v11 =	vand.u32 $0x7F80, v11  }
0x4c0: {  	v11 =	vor.u32 v38, v11;
	_ =	sdelay $0x4  }
0x4c1: {  	[tilespmem:v11+s26+$0x0] =	vst.idx.add.f32.msk vm10, v8  }
0x4c2: {  	v11 =	vld [tilespmem:s19+$0xFFFFFFC0];
	_ =	sdelay $0x1  }
0x4c3: {  	v40 =	vld [tilespmem:s18+$0xFFFFFFC0]  }
0x4c4: {  	s2 =	sadd.s32 $0x40, s20  }
0x4c5: {  	v41 =	vadd.s32 s2, v1  }
0x4c6: {  	vm11 =	vlt.s32 v41, v9;
	vm10 =	vge.s32 v41, v10;
	v11 =	vshll.u32 v11, $0x7  }
0x4c7: {  	vm10 =	vmand vm10, vm11;
	v11 =	vand.u32 $0x7F80, v11  }
0x4c8: {  	v11 =	vor.u32 v40, v11;
	_ =	sdelay $0x4  }
0x4c9: {  	[tilespmem:v11+s26+$0x0] =	vst.idx.add.f32.msk vm10, v8  }
0x4ca: {  	v11 =	vld [tilespmem:s19+$0xFFFFFFD0];
	_ =	sdelay $0x1  }
0x4cb: {  	v42 =	vld [tilespmem:s18+$0xFFFFFFD0]  }
0x4cc: {  	s21 =	sadd.s32 $0x50, s20  }
0x4cd: {  	v43 =	vadd.s32 s21, v1  }
0x4ce: {  	vm11 =	vlt.s32 v43, v9;
	vm10 =	vge.s32 v43, v10;
	v11 =	vshll.u32 v11, $0x7  }
0x4cf: {  	vm10 =	vmand vm10, vm11;
	v11 =	vand.u32 $0x7F80, v11  }
0x4d0: {  	v11 =	vor.u32 v42, v11;
	_ =	sdelay $0x4  }
0x4d1: {  	[tilespmem:v11+s26+$0x0] =	vst.idx.add.f32.msk vm10, v8  }
0x4d2: {  	v11 =	vld [tilespmem:s19+$0xFFFFFFE0];
	_ =	sdelay $0x1  }
0x4d3: {  	v44 =	vld [tilespmem:s18+$0xFFFFFFE0]  }
0x4d4: {  	s2 =	sadd.s32 $0x60, s20  }
0x4d5: {  	v45 =	vadd.s32 s2, v1  }
0x4d6: {  	vm11 =	vlt.s32 v45, v9;
	vm10 =	vge.s32 v45, v10;
	v11 =	vshll.u32 v11, $0x7  }
0x4d7: {  	vm10 =	vmand vm10, vm11;
	v11 =	vand.u32 $0x7F80, v11  }
0x4d8: {  	v11 =	vor.u32 v44, v11;
	_ =	sdelay $0x4  }
0x4d9: {  	[tilespmem:v11+s26+$0x0] =	vst.idx.add.f32.msk vm10, v8  }
0x4da: {  	v11 =	vld [tilespmem:s19+$0xFFFFFFF0];
	_ =	sdelay $0x1  }
0x4db: {  	v46 =	vld [tilespmem:s18+$0xFFFFFFF0]  }
0x4dc: {  	s21 =	sadd.s32 $0x70, s20  }
0x4dd: {  	v47 =	vadd.s32 s21, v1  }
0x4de: {  	vm11 =	vlt.s32 v47, v9;
	vm10 =	vge.s32 v47, v10;
	v11 =	vshll.u32 v11, $0x7  }
0x4df: {  	vm10 =	vmand vm10, vm11;
	v11 =	vand.u32 $0x7F80, v11  }
0x4e0: {  	v11 =	vor.u32 v46, v11;
	_ =	sdelay $0x4  }
0x4e1: {  	[tilespmem:v11+s26+$0x0] =	vst.idx.add.f32.msk vm10, v8  }
0x4e2: {  	v11 =	vld [tilespmem:s19+$0x0];
	_ =	sdelay $0x1  }
0x4e3: {  	v48 =	vld [tilespmem:s18+$0x0]  }
0x4e4: {  	s2 =	sadd.s32 $0x80, s20  }
0x4e5: {  	v49 =	vadd.s32 s2, v1  }
0x4e6: {  	vm11 =	vlt.s32 v49, v9;
	vm10 =	vge.s32 v49, v10;
	v11 =	vshll.u32 v11, $0x7  }
0x4e7: {  	vm10 =	vmand vm10, vm11;
	v11 =	vand.u32 $0x7F80, v11  }
0x4e8: {  	v11 =	vor.u32 v48, v11;
	_ =	sdelay $0x4  }
0x4e9: {  	[tilespmem:v11+s26+$0x0] =	vst.idx.add.f32.msk vm10, v8  }
0x4ea: {  	v11 =	vld [tilespmem:s19+$0x10];
	_ =	sdelay $0x1  }
0x4eb: {  	v50 =	vld [tilespmem:s18+$0x10]  }
0x4ec: {  	s21 =	sadd.s32 $0x90, s20  }
0x4ed: {  	v51 =	vadd.s32 s21, v1  }
0x4ee: {  	vm11 =	vlt.s32 v51, v9;
	vm10 =	vge.s32 v51, v10;
	v11 =	vshll.u32 v11, $0x7  }
0x4ef: {  	vm10 =	vmand vm10, vm11;
	v11 =	vand.u32 $0x7F80, v11  }
0x4f0: {  	v11 =	vor.u32 v50, v11;
	_ =	sdelay $0x4  }
0x4f1: {  	[tilespmem:v11+s26+$0x0] =	vst.idx.add.f32.msk vm10, v8  }
0x4f2: {  	v11 =	vld [tilespmem:s19+$0x20];
	_ =	sdelay $0x1  }
0x4f3: {  	v52 =	vld [tilespmem:s18+$0x20]  }
0x4f4: {  	s2 =	sadd.s32 $0xA0, s20  }
0x4f5: {  	v53 =	vadd.s32 s2, v1  }
0x4f6: {  	vm11 =	vlt.s32 v53, v9;
	vm10 =	vge.s32 v53, v10;
	v11 =	vshll.u32 v11, $0x7  }
0x4f7: {  	vm10 =	vmand vm10, vm11;
	v11 =	vand.u32 $0x7F80, v11  }
0x4f8: {  	v11 =	vor.u32 v52, v11;
	_ =	sdelay $0x4  }
0x4f9: {  	[tilespmem:v11+s26+$0x0] =	vst.idx.add.f32.msk vm10, v8  }
0x4fa: {  	v11 =	vld [tilespmem:s19+$0x30];
	_ =	sdelay $0x1  }
0x4fb: {  	v54 =	vld [tilespmem:s18+$0x30]  }
0x4fc: {  	s21 =	sadd.s32 $0xB0, s20  }
0x4fd: {  	v55 =	vadd.s32 s21, v1  }
0x4fe: {  	vm11 =	vlt.s32 v55, v9;
	vm10 =	vge.s32 v55, v10;
	v11 =	vshll.u32 v11, $0x7  }
0x4ff: {  	vm10 =	vmand vm10, vm11;
	v11 =	vand.u32 $0x7F80, v11  }
0x500: {  	v11 =	vor.u32 v54, v11;
	_ =	sdelay $0x4  }
0x501: {  	[tilespmem:v11+s26+$0x0] =	vst.idx.add.f32.msk vm10, v8  }
0x502: {  	v11 =	vld [tilespmem:s19+$0x40];
	_ =	sdelay $0x1  }
0x503: {  	v56 =	vld [tilespmem:s18+$0x40]  }
0x504: {  	s2 =	sadd.s32 $0xC0, s20  }
0x505: {  	v57 =	vadd.s32 s2, v1  }
0x506: {  	vm11 =	vlt.s32 v57, v9;
	vm10 =	vge.s32 v57, v10;
	v11 =	vshll.u32 v11, $0x7  }
0x507: {  	vm10 =	vmand vm10, vm11;
	v11 =	vand.u32 $0x7F80, v11  }
0x508: {  	v11 =	vor.u32 v56, v11;
	_ =	sdelay $0x4  }
0x509: {  	[tilespmem:v11+s26+$0x0] =	vst.idx.add.f32.msk vm10, v8  }
0x50a: {  	v11 =	vld [tilespmem:s19+$0x50];
	_ =	sdelay $0x1  }
0x50b: {  	v58 =	vld [tilespmem:s18+$0x50]  }
0x50c: {  	s21 =	sadd.s32 $0xD0, s20  }
0x50d: {  	v59 =	vadd.s32 s21, v1  }
0x50e: {  	vm11 =	vlt.s32 v59, v9;
	vm10 =	vge.s32 v59, v10;
	v11 =	vshll.u32 v11, $0x7  }
0x50f: {  	vm10 =	vmand vm10, vm11;
	v11 =	vand.u32 $0x7F80, v11  }
0x510: {  	v11 =	vor.u32 v58, v11;
	_ =	sdelay $0x4  }
0x511: {  	[tilespmem:v11+s26+$0x0] =	vst.idx.add.f32.msk vm10, v8  }
0x512: {  	v11 =	vld [tilespmem:s19+$0x60];
	_ =	sdelay $0x1  }
0x513: {  	v60 =	vld [tilespmem:s18+$0x60]  }
0x514: {  	s2 =	sadd.s32 $0xE0, s20  }
0x515: {  	v61 =	vadd.s32 s2, v1  }
0x516: {  	vm11 =	vlt.s32 v61, v9;
	vm10 =	vge.s32 v61, v10;
	v11 =	vshll.u32 v11, $0x7  }
0x517: {  	vm10 =	vmand vm10, vm11;
	v11 =	vand.u32 $0x7F80, v11  }
0x518: {  	v11 =	vor.u32 v60, v11;
	_ =	sdelay $0x4  }
0x519: {  	[tilespmem:v11+s26+$0x0] =	vst.idx.add.f32.msk vm10, v8  }
0x51a: {  	v11 =	vld [tilespmem:s19+$0x70];
	_ =	sdelay $0x1  }
0x51b: {  	v62 =	vld [tilespmem:s18+$0x70]  }
0x51c: {  	s21 =	sadd.s32 $0xF0, s20  }
0x51d: {  	v63 =	vadd.s32 s21, v1  }
0x51e: {  	vm11 =	vlt.s32 v63, v9;
	vm10 =	vge.s32 v63, v10;
	v11 =	vshll.u32 v11, $0x7  }
0x51f: {  	vm10 =	vmand vm10, vm11;
	v11 =	vand.u32 $0x7F80, v11  }
0x520: {  	p0 =	seq.s32 s17, $0x1F00;
	v11 =	vor.u32 v62, v11  }
.Ltmp23:
0x521: {  	_ = 	snop;
	(pc) =	sbr.rel @!p0 .LBB2_28-.Ltmp23, $2  }
0x522: {  	_ =	sdelay $0x2  }
0x523: {  	s17 =	sadd.s32 $0x100, s17;
	s18 =	sadd.s32 $0x100, s18;
	s19 =	sadd.s32 $0x100, s19;
	[tilespmem:v11+s26+$0x0] =	vst.idx.add.f32.msk vm10, v8  }
.Ltmp24:
0x524: {  	_ = 	snop;
	(pc) =	sbr.rel .LBB2_29-.Ltmp24, $1  }
0x525: {  	_ =	sdelay $0x3  }
.LBB2_31:
0x526: {  	_ =	sfence.sel $0x180000  }
0x527: {  	[bflag:$0x0] =	sbarrier.arrive $0xFFFF  }
0x528: {  	_ =	strace $0x90000047  }
0x529: {  	s0 =	stileid.u32;
	[bflag:$0x2] =	sbarrier.arrive $0xFFFF  }
0x52a: {  	p0 =	sne.s32 s0, $0x0;
	s0 =	rddreg [dreg:$0x3]  }
0x52b: {  	s0 =	sadd.s32 @!p0 $0x100000, s0  }
0x52c: {  	[sflag:s0] =	ssyncadd.tile.s32 @!p0 $0x1;
	_ =	shalt  }
.Lfunc_end2:
_tile_overlayer_lowered:
.L_overlay_start_2:
0x52d: {  	(tag) =	ssettag $0x2  }
0x52e: {  	s0 =	rddreg [dreg:$0x0];
	s2 =	stileid.u32  }
0x52f: {  	s1 =	rddreg [dreg:$0x1];
	p0 =	sne.s32 s2, $0x0  }
0x530: {  	s3 =	rddreg [dreg:$0x2];
	[bflag:$0x3] =	sbarrier.arrive $0xFFFF;
	s2 =	simm.s32 @!p0 $0x1C07  }
0x531: {  	[timem:s3], [sflag:s2] =	dma.local @!p0 [hbm:s0], s1  }
0x532: {  	s0 =	simm.s32 @!p0 $0x7  }
0x533: {  	_ =	swait.ge @!p0 [sflag:s0], s1  }
0x534: {  	s1 =	ssub.s32 @!p0 $0x0, s1;
	[sflag:s0] =	ssyncset.done @!p0 $0x0  }
0x535: {  	[sflag:s0] =	ssyncadd.s32 @!p0 s1  }
0x536: {  	[bflag:$0x3] =	sbarrier.arrive $0xFFFF  }
0x537: {  	_ =	shalt  }

</sc_bundles>
